<compile_context>
chip_gen: v7x
topology: tpu7x:2x2x1
jax: 0.10.2.dev20260603
libtpu: 0.0.44.dev20260713+nightly
codegen_flags: <defaults>
</compile_context>

<pallas_src>
import functools

import jax
import jax.numpy as jnp
from jax import lax
from jax.experimental import pallas as pl
from jax.experimental.pallas import tpu as pltpu
from jax.experimental.pallas import tpu_sc as plsc

N = 10000
E = 320000
G = 64
H = 128

NC = 2
NS = 16
NW = NC * NS
EPAD = 327680
CHUNKS_W = 80
CH_BIG = 144
CH_SMALL = 16
NWAVE = 3
NPAD = 10112
ROWS_T = NPAD // NS
BN = 1000
GRID = N // BN

_mesh = plsc.VectorSubcoreMesh(core_axis_name="c", subcore_axis_name="s")



@functools.partial(
    pl.kernel,
    out_type=jax.ShapeDtypeStruct((NC, NPAD, H), jnp.float32),
    mesh=_mesh,
    scratch_types=[
        pltpu.VMEM((CH_BIG // NWAVE, 128), jnp.int32),
        pltpu.VMEM((CH_BIG // NWAVE, 128), jnp.int32),
        pltpu.VMEM((128, H), jnp.float32),
        pltpu.VMEM((128, H), jnp.float32),
        pltpu.VMEM_SHARED((NPAD, H), jnp.float32),
        pltpu.SemaphoreType.DMA,
        pltpu.SemaphoreType.DMA,
    ],
)
def _msg(y_hbm, row_hbm, col_hbm, zeros_hbm, out_hbm, ridx, cidx,
         rows0, rows1, acc, sem0, sem1):
    c = lax.axis_index("c")
    s = lax.axis_index("s")
    pltpu.sync_copy(zeros_hbm, acc.at[pl.ds(s * ROWS_T, ROWS_T)])

    def ring(nchunks):
        pltpu.async_copy(y_hbm.at[ridx.at[0]], rows0, sem0)

        def body2(j, carry):
            k0 = 2 * j
            k1 = k0 + 1
            pltpu.async_copy(y_hbm.at[ridx.at[k1]], rows1, sem1)
            pltpu.make_async_copy(y_hbm.at[ridx.at[k0]], rows0, sem0).wait()
            pltpu.sync_copy(rows0, acc.at[cidx.at[k0]], add=True)

            @pl.when(k1 + 1 < nchunks)
            def _pref():
                pltpu.async_copy(y_hbm.at[ridx.at[k1 + 1]], rows0, sem0)

            pltpu.make_async_copy(y_hbm.at[ridx.at[k1]], rows1, sem1).wait()
            pltpu.sync_copy(rows1, acc.at[cidx.at[k1]], add=True)
            return carry

        lax.fori_loop(0, nchunks // 2, body2, 0)

    HB = CH_BIG // NWAVE

    if CH_SMALL:
        @pl.when(c == 1)
        def _stage1():
            base = NS * CH_BIG + s * CH_SMALL
            pltpu.sync_copy(row_hbm.at[pl.ds(base, CH_SMALL)],
                            ridx.at[pl.ds(0, CH_SMALL)])
            pltpu.sync_copy(col_hbm.at[pl.ds(base, CH_SMALL)],
                            cidx.at[pl.ds(0, CH_SMALL)])
    plsc.subcore_barrier()

    @pl.when(c == 0)
    def _run0():
        for w in range(NWAVE):
            pltpu.sync_copy(row_hbm.at[pl.ds(s * CH_BIG + w * HB, HB)], ridx)
            pltpu.sync_copy(col_hbm.at[pl.ds(s * CH_BIG + w * HB, HB)], cidx)
            ring(HB)

    if CH_SMALL:
        @pl.when(c == 1)
        def _run1():
            ring(CH_SMALL)

    plsc.subcore_barrier()
    pltpu.sync_copy(acc.at[pl.ds(s * ROWS_T, ROWS_T)],
                    out_hbm.at[c, pl.ds(s * ROWS_T, ROWS_T)])


@functools.partial(
    pl.kernel,
    out_type=jax.ShapeDtypeStruct((NC, NPAD, H), jnp.float32),
    mesh=_mesh,
    scratch_types=[
        pltpu.VMEM((CHUNKS_W, 128), jnp.int32),
        pltpu.VMEM((128, H), jnp.float32),
        pltpu.VMEM_SHARED((NPAD, H), jnp.float32),
    ],
)
def _deg(col_hbm, zeros_hbm, ones_hbm, out_hbm, cidx, ones, acc):
    c = lax.axis_index("c")
    s = lax.axis_index("s")
    wid = c * NS + s

    pltpu.sync_copy(zeros_hbm, acc.at[pl.ds(s * ROWS_T, ROWS_T)])
    pltpu.sync_copy(ones_hbm, ones)
    pltpu.sync_copy(col_hbm.at[pl.ds(wid * CHUNKS_W, CHUNKS_W)], cidx)
    plsc.subcore_barrier()

    def body(j, carry):
        pltpu.sync_copy(ones, acc.at[cidx.at[j]], add=True)
        return carry

    lax.fori_loop(0, CHUNKS_W, body, 0)
    plsc.subcore_barrier()
    pltpu.sync_copy(acc.at[pl.ds(s * ROWS_T, ROWS_T)],
                    out_hbm.at[c, pl.ds(s * ROWS_T, ROWS_T)])



def _init_body(degp_ref, x_ref, winv_ref, bin_ref, wc0_ref,
               dis_ref, y0_ref):
    deg = degp_ref[0, :, 0:1] + degp_ref[1, :, 0:1] + 1.0
    dis = lax.rsqrt(deg)
    h0 = jnp.maximum(x_ref[...] * winv_ref[...] + bin_ref[...], 0.0)
    y0 = lax.dot_general(h0, wc0_ref[...], (((1,), (1,)), ((), ())),
                         preferred_element_type=jnp.float32) * dis
    dis_ref[...] = dis
    y0_ref[...] = y0


_init_call = pl.pallas_call(
    _init_body,
    grid=(GRID,),
    in_specs=[
        pl.BlockSpec((NC, BN, H), lambda i: (0, i, 0)),
        pl.BlockSpec((BN, 1), lambda i: (i, 0)),
        pl.BlockSpec((1, H), lambda i: (0, 0)),
        pl.BlockSpec((1, H), lambda i: (0, 0)),
        pl.BlockSpec((H, H), lambda i: (0, 0)),
    ],
    out_specs=[
        pl.BlockSpec((BN, 1), lambda i: (i, 0)),
        pl.BlockSpec((BN, H), lambda i: (i, 0)),
    ],
    out_shape=[
        jax.ShapeDtypeStruct((N, 1), jnp.float32),
        jax.ShapeDtypeStruct((NPAD, H), jnp.float32),
    ],
)


def _layer_body(accp_ref, y_ref, dis_ref, b_ref, w_ref, yout_ref):
    a = accp_ref[0] + accp_ref[1] + y_ref[...]
    dis = dis_ref[...]
    h = jnp.maximum(a * dis + b_ref[...], 0.0)
    yout_ref[...] = lax.dot_general(h, w_ref[...], (((1,), (1,)), ((), ())),
                                    preferred_element_type=jnp.float32) * dis


_layer_call = pl.pallas_call(
    _layer_body,
    grid=(GRID,),
    in_specs=[
        pl.BlockSpec((NC, BN, H), lambda i: (0, i, 0)),
        pl.BlockSpec((BN, H), lambda i: (i, 0)),
        pl.BlockSpec((BN, 1), lambda i: (i, 0)),
        pl.BlockSpec((1, H), lambda i: (0, 0)),
        pl.BlockSpec((H, H), lambda i: (0, 0)),
    ],
    out_specs=pl.BlockSpec((BN, H), lambda i: (i, 0)),
    out_shape=jax.ShapeDtypeStruct((NPAD, H), jnp.float32),
)


def _final_body(accp_ref, y_ref, dis_ref, b_ref, batch_ref, wout_ref, bout_ref,
                g_ref, gsum, cnt):
    i = pl.program_id(0)

    @pl.when(i == 0)
    def _zero():
        gsum[...] = jnp.zeros_like(gsum)
        cnt[...] = jnp.zeros_like(cnt)

    a = accp_ref[0] + accp_ref[1] + y_ref[...]
    h = jnp.maximum(a * dis_ref[...] + b_ref[...], 0.0)
    bb = batch_ref[0]
    onehot = (lax.broadcasted_iota(jnp.int32, (G, BN), 0) == bb
              ).astype(jnp.float32)
    gsum[...] += lax.dot_general(onehot, h, (((1,), (0,)), ((), ())),
                                 preferred_element_type=jnp.float32)
    cnt[...] += jnp.sum(onehot, axis=1, keepdims=True)

    @pl.when(i == GRID - 1)
    def _emit():
        gm = gsum[...] / jnp.maximum(cnt[...], 1.0)
        g_ref[...] = jnp.maximum(
            lax.dot_general(gm, wout_ref[...], (((1,), (1,)), ((), ())),
                            preferred_element_type=jnp.float32) + bout_ref[...],
            0.0)


_final_call = pl.pallas_call(
    _final_body,
    grid=(GRID,),
    in_specs=[
        pl.BlockSpec((NC, BN, H), lambda i: (0, i, 0)),
        pl.BlockSpec((BN, H), lambda i: (i, 0)),
        pl.BlockSpec((BN, 1), lambda i: (i, 0)),
        pl.BlockSpec((1, H), lambda i: (0, 0)),
        pl.BlockSpec((1, 1, BN), lambda i: (i, 0, 0)),
        pl.BlockSpec((H, H), lambda i: (0, 0)),
        pl.BlockSpec((1, H), lambda i: (0, 0)),
    ],
    out_specs=pl.BlockSpec((G, H), lambda i: (0, 0)),
    out_shape=jax.ShapeDtypeStruct((G, H), jnp.float32),
    scratch_shapes=[
        pltpu.VMEM((G, H), jnp.float32),
        pltpu.VMEM((G, 1), jnp.float32),
    ],
)



def kernel(x, edge_index, batch, w_in, b_in, wc0, bc0, wc1, bc1, wc2, bc2,
           w_out, b_out):
    f32 = jnp.float32
    pad = EPAD - E
    row2d = jnp.concatenate(
        [edge_index[0], jnp.zeros((pad,), edge_index.dtype)]).reshape(-1, 128)
    col2d = jnp.concatenate(
        [edge_index[1], jnp.full((pad,), N, edge_index.dtype)]).reshape(-1, 128)
    zerosH = jnp.zeros((ROWS_T, H), f32)
    ones128 = jnp.ones((128, H), f32)

    degp = _deg(col2d, zerosH, ones128)
    dis, y = _init_call(degp, x, w_in.reshape(1, H), b_in.reshape(1, H),
                        wc0)

    accp = _msg(y, row2d, col2d, zerosH)
    y = _layer_call(accp, y, dis, bc0.reshape(1, H), wc1)
    accp = _msg(y, row2d, col2d, zerosH)
    y = _layer_call(accp, y, dis, bc1.reshape(1, H), wc2)
    accp = _msg(y, row2d, col2d, zerosH)

    g = _final_call(accp, y, dis, bc2.reshape(1, H),
                    batch.reshape(GRID, 1, BN), w_out, b_out.reshape(1, H))
    return g

# --- scband reference (transcript-rebuilt; emitter-appended) ---
"""Pipeline reference for scband-drug-gnn-2310692405721 (READ-ONLY COPY).

The authoritative reference and input builder live on the scoring server;
editing this copy changes nothing except your own understanding.
"""

import jax, jax.numpy as jnp
import numpy as np

N = 10000
E = 320000
G = 64
H = 128


def _gcn_conv(x, row, col, w, b, n):
    # x: [n, H], row/col include self-loops
    xw = x @ w.T
    deg = jnp.zeros((n,), x.dtype).at[col].add(1.0)
    dis = jnp.where(deg > 0, jax.lax.rsqrt(deg), 0.0)
    norm = dis[row] * dis[col]
    msg = norm[:, None] * xw[row]
    out = jnp.zeros((n, xw.shape[1]), x.dtype).at[col].add(msg)
    return out + b


def setup_inputs(seed: int = 0) -> dict:
    key = jax.random.key(seed)
    ks = jax.random.split(key, 16)
    x = jax.random.normal(ks[0], (N, 1), dtype=jnp.float32)
    edge_index = jax.random.randint(ks[1], (2, E), 0, N, dtype=jnp.int32)
    batch = jnp.sort(jax.random.randint(ks[2], (N,), 0, G, dtype=jnp.int32))
    s_in = 1.0  # fan_in=1
    w_in = jax.random.uniform(ks[3], (H, 1), jnp.float32, -s_in, s_in)
    b_in = jax.random.uniform(ks[4], (H,), jnp.float32, -s_in, s_in)
    s_h = 1.0 / np.sqrt(H)
    wc0 = jax.random.uniform(ks[5], (H, H), jnp.float32, -s_h, s_h)
    bc0 = jnp.zeros((H,), jnp.float32)
    wc1 = jax.random.uniform(ks[6], (H, H), jnp.float32, -s_h, s_h)
    bc1 = jnp.zeros((H,), jnp.float32)
    wc2 = jax.random.uniform(ks[7], (H, H), jnp.float32, -s_h, s_h)
    bc2 = jnp.zeros((H,), jnp.float32)
    w_out = jax.random.uniform(ks[8], (H, H), jnp.float32, -s_h, s_h)
    b_out = jax.random.uniform(ks[9], (H,), jnp.float32, -s_h, s_h)
    return {"x": x, "edge_index": edge_index, "batch": batch,
            "w_in": w_in, "b_in": b_in,
            "wc0": wc0, "bc0": bc0, "wc1": wc1, "bc1": bc1, "wc2": wc2, "bc2": bc2,
            "w_out": w_out, "b_out": b_out}


def reference(x, edge_index, batch, w_in, b_in, wc0, bc0, wc1, bc1, wc2, bc2, w_out, b_out):
    n = x.shape[0]
    sl = jnp.arange(n, dtype=edge_index.dtype)
    row = jnp.concatenate([edge_index[0], sl])
    col = jnp.concatenate([edge_index[1], sl])
    h = jax.nn.relu(x @ w_in.T + b_in)
    for (w, b) in ((wc0, bc0), (wc1, bc1), (wc2, bc2)):
        h = _gcn_conv(h, row, col, w, b, n)
        h = jax.nn.relu(h)
        # dropout is identity in eval mode
    sums = jax.ops.segment_sum(h, batch, num_segments=G)
    cnt = jax.ops.segment_sum(jnp.ones((n, 1), h.dtype), batch, num_segments=G)
    g = sums / jnp.maximum(cnt, 1.0)
    g = jax.nn.relu(g @ w_out.T + b_out)
    return g

if __name__ == "__main__":
    import jax
    _d = setup_inputs()
    print(jax.jit(kernel)(*tuple(_d.values())))

</pallas_src>

<mosaic_0001>
#map = affine_map<(d0, d1) -> (0, 0)>
#map1 = affine_map<(d0, d1) -> (0, 0, 0)>
module attributes {stable_mosaic.version = 14 : i64} {
  func.func @_msg(%arg0: i32, %arg1: i32, %arg2: memref<10112x128xf32, #tpu.memory_space<hbm>>, %arg3: memref<2560x128xi32, #tpu.memory_space<hbm>>, %arg4: memref<2560x128xi32, #tpu.memory_space<hbm>>, %arg5: memref<632x128xf32, #tpu.memory_space<hbm>>, %arg6: memref<2x10112x128xf32, #tpu.memory_space<hbm>>, %arg7: memref<48x128xi32, #tpu.memory_space<vmem>>, %arg8: memref<48x128xi32, #tpu.memory_space<vmem>>, %arg9: memref<128x128xf32, #tpu.memory_space<vmem>>, %arg10: memref<128x128xf32, #tpu.memory_space<vmem>>, %arg11: memref<10112x128xf32, #tpu.memory_space<vmem_shared>>, %arg12: memref<!tpu.dma_semaphore, #tpu.memory_space<semaphore_mem>>, %arg13: memref<!tpu.dma_semaphore, #tpu.memory_space<semaphore_mem>>) attributes {dimension_semantics = [#tpu.dimension_semantics<core_parallel>, #tpu.dimension_semantics<subcore_parallel>], iteration_bounds = array<i64: 2, 16>, scalar_prefetch = 0 : i64, scratch_operands = 7 : i64, tpu.core_type = #tpu.core_type<sc_vector_subcore>, window_params = [{transform_indices = #map}, {transform_indices = #map}, {transform_indices = #map}, {transform_indices = #map}, {transform_indices = #map1}]} {
    %mul3A = arith.constant 632 : i32
    %mul3A_0 = arith.muli %arg1, %mul3A : i32
    "tpu.region"() ({
      %run_scoped3A = tpu.sem_alloc : memref<!tpu.dma_semaphore, #tpu.memory_space<semaphore_mem>>
      %dma_start3A = arith.constant 0 : i32
      %dma_start3A_18 = tpu.memref_slice %arg11[%mul3A_0, %dma_start3A] : memref<10112x128xf32, #tpu.memory_space<vmem_shared>> -> memref<632x128xf32, #tpu.memory_space<vmem_shared>>
      tpu.enqueue_dma source(%arg5 : memref<632x128xf32, #tpu.memory_space<hbm>>) target(%dma_start3A_18 : memref<632x128xf32, #tpu.memory_space<vmem_shared>>) target_semaphore(%run_scoped3A : memref<!tpu.dma_semaphore, #tpu.memory_space<semaphore_mem>>)
      %dma_wait3A = arith.constant 0 : i32
      %dma_wait3A_19 = tpu.memref_slice %arg11[%mul3A_0, %dma_wait3A] : memref<10112x128xf32, #tpu.memory_space<vmem_shared>> -> memref<632x128xf32, #tpu.memory_space<vmem_shared>>
      tpu.wait_dma2 semaphore(%run_scoped3A : memref<!tpu.dma_semaphore, #tpu.memory_space<semaphore_mem>>) src(%arg5 : memref<632x128xf32, #tpu.memory_space<hbm>>) dst(%dma_wait3A_19 : memref<632x128xf32, #tpu.memory_space<vmem_shared>>)
      tpu.yield
    }) : () -> ()
    %eq3A = arith.constant 1 : i32
    %eq3A_1 = arith.cmpi eq, %arg0, %eq3A : i32
    %convert_element_type3A = arith.extui %eq3A_1 : i1 to i32
    %cond3A = arith.constant 0 : i32
    %cond3A_2 = arith.cmpi ne, %convert_element_type3A, %cond3A : i32
    scf.if %cond3A_2 {
      %mul3A_18 = arith.constant 16 : i32
      %mul3A_19 = arith.muli %arg1, %mul3A_18 : i32
      %add3A = arith.constant 2304 : i32
      %add3A_20 = arith.addi %add3A, %mul3A_19 : i32
      "tpu.region"() ({
        %run_scoped3A = tpu.sem_alloc : memref<!tpu.dma_semaphore, #tpu.memory_space<semaphore_mem>>
        %dma_start3A = arith.constant 0 : i32
        %dma_start3A_21 = arith.constant 0 : i32
        %dma_start3A_22 = tpu.memref_slice %arg7[%dma_start3A, %dma_start3A_21] : memref<48x128xi32, #tpu.memory_space<vmem>> -> memref<16x128xi32, #tpu.memory_space<vmem>>
        %dma_start3A_23 = arith.constant 0 : i32
        %dma_start3A_24 = tpu.memref_slice %arg3[%add3A_20, %dma_start3A_23] : memref<2560x128xi32, #tpu.memory_space<hbm>> -> memref<16x128xi32, #tpu.memory_space<hbm>>
        %dma_start3A_25 = arith.constant 0 : i32
        %dma_start3A_26 = arith.constant 0 : i32
        %dma_start3A_27 = tpu.memref_slice %arg7[%dma_start3A_25, %dma_start3A_26] : memref<48x128xi32, #tpu.memory_space<vmem>> -> memref<16x128xi32, #tpu.memory_space<vmem>>
        %dma_start3A_28 = arith.constant 0 : i32
        %dma_start3A_29 = tpu.memref_slice %arg3[%add3A_20, %dma_start3A_28] : memref<2560x128xi32, #tpu.memory_space<hbm>> -> memref<16x128xi32, #tpu.memory_space<hbm>>
        tpu.enqueue_dma source(%dma_start3A_29 : memref<16x128xi32, #tpu.memory_space<hbm>>) target(%dma_start3A_27 : memref<16x128xi32, #tpu.memory_space<vmem>>) target_semaphore(%run_scoped3A : memref<!tpu.dma_semaphore, #tpu.memory_space<semaphore_mem>>)
        %dma_wait3A = arith.constant 0 : i32
        %dma_wait3A_30 = arith.constant 0 : i32
        %dma_wait3A_31 = tpu.memref_slice %arg7[%dma_wait3A, %dma_wait3A_30] : memref<48x128xi32, #tpu.memory_space<vmem>> -> memref<16x128xi32, #tpu.memory_space<vmem>>
        %dma_wait3A_32 = arith.constant 0 : i32
        %dma_wait3A_33 = tpu.memref_slice %arg3[%add3A_20, %dma_wait3A_32] : memref<2560x128xi32, #tpu.memory_space<hbm>> -> memref<16x128xi32, #tpu.memory_space<hbm>>
        %dma_wait3A_34 = arith.constant 0 : i32
        %dma_wait3A_35 = arith.constant 0 : i32
        %dma_wait3A_36 = tpu.memref_slice %arg7[%dma_wait3A_34, %dma_wait3A_35] : memref<48x128xi32, #tpu.memory_space<vmem>> -> memref<16x128xi32, #tpu.memory_space<vmem>>
        %dma_wait3A_37 = arith.constant 0 : i32
        %dma_wait3A_38 = tpu.memref_slice %arg3[%add3A_20, %dma_wait3A_37] : memref<2560x128xi32, #tpu.memory_space<hbm>> -> memref<16x128xi32, #tpu.memory_space<hbm>>
        tpu.wait_dma2 semaphore(%run_scoped3A : memref<!tpu.dma_semaphore, #tpu.memory_space<semaphore_mem>>) src(%dma_wait3A_38 : memref<16x128xi32, #tpu.memory_space<hbm>>) dst(%dma_wait3A_36 : memref<16x128xi32, #tpu.memory_space<vmem>>)
        tpu.yield
      }) : () -> ()
      "tpu.region"() ({
        %run_scoped3A = tpu.sem_alloc : memref<!tpu.dma_semaphore, #tpu.memory_space<semaphore_mem>>
        %dma_start3A = arith.constant 0 : i32
        %dma_start3A_21 = arith.constant 0 : i32
        %dma_start3A_22 = tpu.memref_slice %arg8[%dma_start3A, %dma_start3A_21] : memref<48x128xi32, #tpu.memory_space<vmem>> -> memref<16x128xi32, #tpu.memory_space<vmem>>
        %dma_start3A_23 = arith.constant 0 : i32
        %dma_start3A_24 = tpu.memref_slice %arg4[%add3A_20, %dma_start3A_23] : memref<2560x128xi32, #tpu.memory_space<hbm>> -> memref<16x128xi32, #tpu.memory_space<hbm>>
        %dma_start3A_25 = arith.constant 0 : i32
        %dma_start3A_26 = arith.constant 0 : i32
        %dma_start3A_27 = tpu.memref_slice %arg8[%dma_start3A_25, %dma_start3A_26] : memref<48x128xi32, #tpu.memory_space<vmem>> -> memref<16x128xi32, #tpu.memory_space<vmem>>
        %dma_start3A_28 = arith.constant 0 : i32
        %dma_start3A_29 = tpu.memref_slice %arg4[%add3A_20, %dma_start3A_28] : memref<2560x128xi32, #tpu.memory_space<hbm>> -> memref<16x128xi32, #tpu.memory_space<hbm>>
        tpu.enqueue_dma source(%dma_start3A_29 : memref<16x128xi32, #tpu.memory_space<hbm>>) target(%dma_start3A_27 : memref<16x128xi32, #tpu.memory_space<vmem>>) target_semaphore(%run_scoped3A : memref<!tpu.dma_semaphore, #tpu.memory_space<semaphore_mem>>)
        %dma_wait3A = arith.constant 0 : i32
        %dma_wait3A_30 = arith.constant 0 : i32
        %dma_wait3A_31 = tpu.memref_slice %arg8[%dma_wait3A, %dma_wait3A_30] : memref<48x128xi32, #tpu.memory_space<vmem>> -> memref<16x128xi32, #tpu.memory_space<vmem>>
        %dma_wait3A_32 = arith.constant 0 : i32
        %dma_wait3A_33 = tpu.memref_slice %arg4[%add3A_20, %dma_wait3A_32] : memref<2560x128xi32, #tpu.memory_space<hbm>> -> memref<16x128xi32, #tpu.memory_space<hbm>>
        %dma_wait3A_34 = arith.constant 0 : i32
        %dma_wait3A_35 = arith.constant 0 : i32
        %dma_wait3A_36 = tpu.memref_slice %arg8[%dma_wait3A_34, %dma_wait3A_35] : memref<48x128xi32, #tpu.memory_space<vmem>> -> memref<16x128xi32, #tpu.memory_space<vmem>>
        %dma_wait3A_37 = arith.constant 0 : i32
        %dma_wait3A_38 = tpu.memref_slice %arg4[%add3A_20, %dma_wait3A_37] : memref<2560x128xi32, #tpu.memory_space<hbm>> -> memref<16x128xi32, #tpu.memory_space<hbm>>
        tpu.wait_dma2 semaphore(%run_scoped3A : memref<!tpu.dma_semaphore, #tpu.memory_space<semaphore_mem>>) src(%dma_wait3A_38 : memref<16x128xi32, #tpu.memory_space<hbm>>) dst(%dma_wait3A_36 : memref<16x128xi32, #tpu.memory_space<vmem>>)
        tpu.yield
      }) : () -> ()
    } else {
    }
    %barrier3A = arith.constant 0 : index
    tpu.barrier barrier_id(%barrier3A)
    %eq3A_3 = arith.constant 0 : i32
    %eq3A_4 = arith.cmpi eq, %arg0, %eq3A_3 : i32
    %convert_element_type3A_5 = arith.extui %eq3A_4 : i1 to i32
    %cond3A_6 = arith.constant 0 : i32
    %cond3A_7 = arith.cmpi ne, %convert_element_type3A_5, %cond3A_6 : i32
    scf.if %cond3A_7 {
      %mul3A_18 = arith.constant 144 : i32
      %mul3A_19 = arith.muli %arg1, %mul3A_18 : i32
      %add3A = arith.constant 0 : i32
      %add3A_20 = arith.addi %mul3A_19, %add3A : i32
      "tpu.region"() ({
        %run_scoped3A = tpu.sem_alloc : memref<!tpu.dma_semaphore, #tpu.memory_space<semaphore_mem>>
        %dma_start3A_78 = arith.constant 0 : i32
        %dma_start3A_79 = tpu.memref_slice %arg3[%add3A_20, %dma_start3A_78] : memref<2560x128xi32, #tpu.memory_space<hbm>> -> memref<48x128xi32, #tpu.memory_space<hbm>>
        %dma_start3A_80 = arith.constant 0 : i32
        %dma_start3A_81 = tpu.memref_slice %arg3[%add3A_20, %dma_start3A_80] : memref<2560x128xi32, #tpu.memory_space<hbm>> -> memref<48x128xi32, #tpu.memory_space<hbm>>
        tpu.enqueue_dma source(%dma_start3A_81 : memref<48x128xi32, #tpu.memory_space<hbm>>) target(%arg7 : memref<48x128xi32, #tpu.memory_space<vmem>>) target_semaphore(%run_scoped3A : memref<!tpu.dma_semaphore, #tpu.memory_space<semaphore_mem>>)
        %dma_wait3A = arith.constant 0 : i32
        %dma_wait3A_82 = tpu.memref_slice %arg3[%add3A_20, %dma_wait3A] : memref<2560x128xi32, #tpu.memory_space<hbm>> -> memref<48x128xi32, #tpu.memory_space<hbm>>
        %dma_wait3A_83 = arith.constant 0 : i32
        %dma_wait3A_84 = tpu.memref_slice %arg3[%add3A_20, %dma_wait3A_83] : memref<2560x128xi32, #tpu.memory_space<hbm>> -> memref<48x128xi32, #tpu.memory_space<hbm>>
        tpu.wait_dma2 semaphore(%run_scoped3A : memref<!tpu.dma_semaphore, #tpu.memory_space<semaphore_mem>>) src(%dma_wait3A_84 : memref<48x128xi32, #tpu.memory_space<hbm>>) dst(%arg7 : memref<48x128xi32, #tpu.memory_space<vmem>>)
        tpu.yield
      }) : () -> ()
      %mul3A_21 = arith.constant 144 : i32
      %mul3A_22 = arith.muli %arg1, %mul3A_21 : i32
      %add3A_23 = arith.constant 0 : i32
      %add3A_24 = arith.addi %mul3A_22, %add3A_23 : i32
      "tpu.region"() ({
        %run_scoped3A = tpu.sem_alloc : memref<!tpu.dma_semaphore, #tpu.memory_space<semaphore_mem>>
        %dma_start3A_78 = arith.constant 0 : i32
        %dma_start3A_79 = tpu.memref_slice %arg4[%add3A_24, %dma_start3A_78] : memref<2560x128xi32, #tpu.memory_space<hbm>> -> memref<48x128xi32, #tpu.memory_space<hbm>>
        %dma_start3A_80 = arith.constant 0 : i32
        %dma_start3A_81 = tpu.memref_slice %arg4[%add3A_24, %dma_start3A_80] : memref<2560x128xi32, #tpu.memory_space<hbm>> -> memref<48x128xi32, #tpu.memory_space<hbm>>
        tpu.enqueue_dma source(%dma_start3A_81 : memref<48x128xi32, #tpu.memory_space<hbm>>) target(%arg8 : memref<48x128xi32, #tpu.memory_space<vmem>>) target_semaphore(%run_scoped3A : memref<!tpu.dma_semaphore, #tpu.memory_space<semaphore_mem>>)
        %dma_wait3A = arith.constant 0 : i32
        %dma_wait3A_82 = tpu.memref_slice %arg4[%add3A_24, %dma_wait3A] : memref<2560x128xi32, #tpu.memory_space<hbm>> -> memref<48x128xi32, #tpu.memory_space<hbm>>
        %dma_wait3A_83 = arith.constant 0 : i32
        %dma_wait3A_84 = tpu.memref_slice %arg4[%add3A_24, %dma_wait3A_83] : memref<2560x128xi32, #tpu.memory_space<hbm>> -> memref<48x128xi32, #tpu.memory_space<hbm>>
        tpu.wait_dma2 semaphore(%run_scoped3A : memref<!tpu.dma_semaphore, #tpu.memory_space<semaphore_mem>>) src(%dma_wait3A_84 : memref<48x128xi32, #tpu.memory_space<hbm>>) dst(%arg8 : memref<48x128xi32, #tpu.memory_space<vmem>>)
        tpu.yield
      }) : () -> ()
      %dma_start3A = arith.constant 0 : i32
      %dma_start3A_25 = arith.constant 0 : i32
      %dma_start3A_26 = tpu.memref_slice %arg7[%dma_start3A, %dma_start3A_25] : memref<48x128xi32, #tpu.memory_space<vmem>> -> memref<1x128xi32, #tpu.memory_space<vmem>>
      %dma_start3A_27 = tpu.memref_squeeze %dma_start3A_26 : memref<1x128xi32, #tpu.memory_space<vmem>> -> memref<128xi32, #tpu.memory_space<vmem>>
      %dma_start3A_28 = arith.constant 0 : i32
      %dma_start3A_29 = arith.constant 0 : i32
      %dma_start3A_30 = tpu.memref_slice %arg2[%dma_start3A_28, %dma_start3A_29] : memref<10112x128xf32, #tpu.memory_space<hbm>> -> memref<10112x128xf32, #tpu.memory_space<hbm>>
      tpu.enqueue_indirect_dma source(%dma_start3A_30 : memref<10112x128xf32, #tpu.memory_space<hbm>>) target(%arg9 : memref<128x128xf32, #tpu.memory_space<vmem>>) offsets(%dma_start3A_27 : memref<128xi32, #tpu.memory_space<vmem>>) semaphore(%arg12 : memref<!tpu.dma_semaphore, #tpu.memory_space<semaphore_mem>>)
      %scan3A = arith.constant 0 : i32
      %scan3A_31 = arith.constant 0 : i32
      %scan3A_32 = arith.constant 24 : i32
      %scan3A_33 = arith.addi %scan3A_31, %scan3A_32 : i32
      %scan3A_34 = arith.constant 1 : i32
      scf.for %scan3A_78 = %scan3A_31 to %scan3A_33 step %scan3A_34  : i32 {
        %mul3A_79 = arith.constant 2 : i32
        %mul3A_80 = arith.muli %mul3A_79, %scan3A_78 : i32
        %add3A_81 = arith.constant 1 : i32
        %add3A_82 = arith.addi %mul3A_80, %add3A_81 : i32
        %dma_start3A_83 = arith.constant 0 : i32
        %dma_start3A_84 = tpu.memref_slice %arg7[%add3A_82, %dma_start3A_83] : memref<48x128xi32, #tpu.memory_space<vmem>> -> memref<1x128xi32, #tpu.memory_space<vmem>>
        %dma_start3A_85 = tpu.memref_squeeze %dma_start3A_84 : memref<1x128xi32, #tpu.memory_space<vmem>> -> memref<128xi32, #tpu.memory_space<vmem>>
        %dma_start3A_86 = arith.constant 0 : i32
        %dma_start3A_87 = arith.constant 0 : i32
        %dma_start3A_88 = tpu.memref_slice %arg2[%dma_start3A_86, %dma_start3A_87] : memref<10112x128xf32, #tpu.memory_space<hbm>> -> memref<10112x128xf32, #tpu.memory_space<hbm>>
        tpu.enqueue_indirect_dma source(%dma_start3A_88 : memref<10112x128xf32, #tpu.memory_space<hbm>>) target(%arg10 : memref<128x128xf32, #tpu.memory_space<vmem>>) offsets(%dma_start3A_85 : memref<128xi32, #tpu.memory_space<vmem>>) semaphore(%arg13 : memref<!tpu.dma_semaphore, #tpu.memory_space<semaphore_mem>>)
        %dma_wait3A = arith.constant 0 : i32
        %dma_wait3A_89 = tpu.memref_slice %arg7[%mul3A_80, %dma_wait3A] : memref<48x128xi32, #tpu.memory_space<vmem>> -> memref<1x128xi32, #tpu.memory_space<vmem>>
        %dma_wait3A_90 = tpu.memref_squeeze %dma_wait3A_89 : memref<1x128xi32, #tpu.memory_space<vmem>> -> memref<128xi32, #tpu.memory_space<vmem>>
        %dma_wait3A_91 = arith.constant 0 : i32
        %dma_wait3A_92 = arith.constant 0 : i32
        %dma_wait3A_93 = tpu.memref_slice %arg2[%dma_wait3A_91, %dma_wait3A_92] : memref<10112x128xf32, #tpu.memory_space<hbm>> -> memref<10112x128xf32, #tpu.memory_space<hbm>>
        tpu.wait_indirect_dma semaphore(%arg12 : memref<!tpu.dma_semaphore, #tpu.memory_space<semaphore_mem>>) src(%dma_wait3A_93 : memref<10112x128xf32, #tpu.memory_space<hbm>>) dst(%arg9 : memref<128x128xf32, #tpu.memory_space<vmem>>)
        "tpu.region"() ({
          %run_scoped3A = tpu.sem_alloc : memref<!tpu.dma_semaphore, #tpu.memory_space<semaphore_mem>>
          %dma_start3A_106 = arith.constant 0 : i32
          %dma_start3A_107 = tpu.memref_slice %arg8[%mul3A_80, %dma_start3A_106] : memref<48x128xi32, #tpu.memory_space<vmem>> -> memref<1x128xi32, #tpu.memory_space<vmem>>
          %dma_start3A_108 = tpu.memref_squeeze %dma_start3A_107 : memref<1x128xi32, #tpu.memory_space<vmem>> -> memref<128xi32, #tpu.memory_space<vmem>>
          %dma_start3A_109 = arith.constant 0 : i32
          %dma_start3A_110 = arith.constant 0 : i32
          %dma_start3A_111 = tpu.memref_slice %arg11[%dma_start3A_109, %dma_start3A_110] : memref<10112x128xf32, #tpu.memory_space<vmem_shared>> -> memref<10112x128xf32, #tpu.memory_space<vmem_shared>>
          tpu.enqueue_indirect_dma source(%arg9 : memref<128x128xf32, #tpu.memory_space<vmem>>) target(%dma_start3A_111 : memref<10112x128xf32, #tpu.memory_space<vmem_shared>>) offsets(%dma_start3A_108 : memref<128xi32, #tpu.memory_space<vmem>>) semaphore(%run_scoped3A : memref<!tpu.dma_semaphore, #tpu.memory_space<semaphore_mem>>) {add = true}
          %dma_wait3A_112 = arith.constant 0 : i32
          %dma_wait3A_113 = tpu.memref_slice %arg8[%mul3A_80, %dma_wait3A_112] : memref<48x128xi32, #tpu.memory_space<vmem>> -> memref<1x128xi32, #tpu.memory_space<vmem>>
          %dma_wait3A_114 = tpu.memref_squeeze %dma_wait3A_113 : memref<1x128xi32, #tpu.memory_space<vmem>> -> memref<128xi32, #tpu.memory_space<vmem>>
          %dma_wait3A_115 = arith.constant 0 : i32
          %dma_wait3A_116 = arith.constant 0 : i32
          %dma_wait3A_117 = tpu.memref_slice %arg11[%dma_wait3A_115, %dma_wait3A_116] : memref<10112x128xf32, #tpu.memory_space<vmem_shared>> -> memref<10112x128xf32, #tpu.memory_space<vmem_shared>>
          tpu.wait_indirect_dma semaphore(%run_scoped3A : memref<!tpu.dma_semaphore, #tpu.memory_space<semaphore_mem>>) src(%arg9 : memref<128x128xf32, #tpu.memory_space<vmem>>) dst(%dma_wait3A_117 : memref<10112x128xf32, #tpu.memory_space<vmem_shared>>)
          tpu.yield
        }) : () -> ()
        %add3A_94 = arith.constant 1 : i32
        %add3A_95 = arith.addi %add3A_82, %add3A_94 : i32
        %lt3A = arith.constant 48 : i32
        %lt3A_96 = arith.cmpi slt, %add3A_95, %lt3A : i32
        %convert_element_type3A_97 = arith.extui %lt3A_96 : i1 to i32
        %cond3A_98 = arith.constant 0 : i32
        %cond3A_99 = arith.cmpi ne, %convert_element_type3A_97, %cond3A_98 : i32
        scf.if %cond3A_99 {
          %add3A_106 = arith.constant 1 : i32
          %add3A_107 = arith.addi %add3A_82, %add3A_106 : i32
          %dma_start3A_108 = arith.constant 0 : i32
          %dma_start3A_109 = tpu.memref_slice %arg7[%add3A_107, %dma_start3A_108] : memref<48x128xi32, #tpu.memory_space<vmem>> -> memref<1x128xi32, #tpu.memory_space<vmem>>
          %dma_start3A_110 = tpu.memref_squeeze %dma_start3A_109 : memref<1x128xi32, #tpu.memory_space<vmem>> -> memref<128xi32, #tpu.memory_space<vmem>>
          %dma_start3A_111 = arith.constant 0 : i32
          %dma_start3A_112 = arith.constant 0 : i32
          %dma_start3A_113 = tpu.memref_slice %arg2[%dma_start3A_111, %dma_start3A_112] : memref<10112x128xf32, #tpu.memory_space<hbm>> -> memref<10112x128xf32, #tpu.memory_space<hbm>>
          tpu.enqueue_indirect_dma source(%dma_start3A_113 : memref<10112x128xf32, #tpu.memory_space<hbm>>) target(%arg9 : memref<128x128xf32, #tpu.memory_space<vmem>>) offsets(%dma_start3A_110 : memref<128xi32, #tpu.memory_space<vmem>>) semaphore(%arg12 : memref<!tpu.dma_semaphore, #tpu.memory_space<semaphore_mem>>)
        } else {
        }
        %dma_wait3A_100 = arith.constant 0 : i32
        %dma_wait3A_101 = tpu.memref_slice %arg7[%add3A_82, %dma_wait3A_100] : memref<48x128xi32, #tpu.memory_space<vmem>> -> memref<1x128xi32, #tpu.memory_space<vmem>>
        %dma_wait3A_102 = tpu.memref_squeeze %dma_wait3A_101 : memref<1x128xi32, #tpu.memory_space<vmem>> -> memref<128xi32, #tpu.memory_space<vmem>>
        %dma_wait3A_103 = arith.constant 0 : i32
        %dma_wait3A_104 = arith.constant 0 : i32
        %dma_wait3A_105 = tpu.memref_slice %arg2[%dma_wait3A_103, %dma_wait3A_104] : memref<10112x128xf32, #tpu.memory_space<hbm>> -> memref<10112x128xf32, #tpu.memory_space<hbm>>
        tpu.wait_indirect_dma semaphore(%arg13 : memref<!tpu.dma_semaphore, #tpu.memory_space<semaphore_mem>>) src(%dma_wait3A_105 : memref<10112x128xf32, #tpu.memory_space<hbm>>) dst(%arg10 : memref<128x128xf32, #tpu.memory_space<vmem>>)
        "tpu.region"() ({
          %run_scoped3A = tpu.sem_alloc : memref<!tpu.dma_semaphore, #tpu.memory_space<semaphore_mem>>
          %dma_start3A_106 = arith.constant 0 : i32
          %dma_start3A_107 = tpu.memref_slice %arg8[%add3A_82, %dma_start3A_106] : memref<48x128xi32, #tpu.memory_space<vmem>> -> memref<1x128xi32, #tpu.memory_space<vmem>>
          %dma_start3A_108 = tpu.memref_squeeze %dma_start3A_107 : memref<1x128xi32, #tpu.memory_space<vmem>> -> memref<128xi32, #tpu.memory_space<vmem>>
          %dma_start3A_109 = arith.constant 0 : i32
          %dma_start3A_110 = arith.constant 0 : i32
          %dma_start3A_111 = tpu.memref_slice %arg11[%dma_start3A_109, %dma_start3A_110] : memref<10112x128xf32, #tpu.memory_space<vmem_shared>> -> memref<10112x128xf32, #tpu.memory_space<vmem_shared>>
          tpu.enqueue_indirect_dma source(%arg10 : memref<128x128xf32, #tpu.memory_space<vmem>>) target(%dma_start3A_111 : memref<10112x128xf32, #tpu.memory_space<vmem_shared>>) offsets(%dma_start3A_108 : memref<128xi32, #tpu.memory_space<vmem>>) semaphore(%run_scoped3A : memref<!tpu.dma_semaphore, #tpu.memory_space<semaphore_mem>>) {add = true}
          %dma_wait3A_112 = arith.constant 0 : i32
          %dma_wait3A_113 = tpu.memref_slice %arg8[%add3A_82, %dma_wait3A_112] : memref<48x128xi32, #tpu.memory_space<vmem>> -> memref<1x128xi32, #tpu.memory_space<vmem>>
          %dma_wait3A_114 = tpu.memref_squeeze %dma_wait3A_113 : memref<1x128xi32, #tpu.memory_space<vmem>> -> memref<128xi32, #tpu.memory_space<vmem>>
          %dma_wait3A_115 = arith.constant 0 : i32
          %dma_wait3A_116 = arith.constant 0 : i32
          %dma_wait3A_117 = tpu.memref_slice %arg11[%dma_wait3A_115, %dma_wait3A_116] : memref<10112x128xf32, #tpu.memory_space<vmem_shared>> -> memref<10112x128xf32, #tpu.memory_space<vmem_shared>>
          tpu.wait_indirect_dma semaphore(%run_scoped3A : memref<!tpu.dma_semaphore, #tpu.memory_space<semaphore_mem>>) src(%arg10 : memref<128x128xf32, #tpu.memory_space<vmem>>) dst(%dma_wait3A_117 : memref<10112x128xf32, #tpu.memory_space<vmem_shared>>)
          tpu.yield
        }) : () -> ()
      }
      %scan3A_35 = arith.constant 24 : i32
      %mul3A_36 = arith.constant 144 : i32
      %mul3A_37 = arith.muli %arg1, %mul3A_36 : i32
      %add3A_38 = arith.constant 48 : i32
      %add3A_39 = arith.addi %mul3A_37, %add3A_38 : i32
      "tpu.region"() ({
        %run_scoped3A = tpu.sem_alloc : memref<!tpu.dma_semaphore, #tpu.memory_space<semaphore_mem>>
        %dma_start3A_78 = arith.constant 0 : i32
        %dma_start3A_79 = tpu.memref_slice %arg3[%add3A_39, %dma_start3A_78] : memref<2560x128xi32, #tpu.memory_space<hbm>> -> memref<48x128xi32, #tpu.memory_space<hbm>>
        %dma_start3A_80 = arith.constant 0 : i32
        %dma_start3A_81 = tpu.memref_slice %arg3[%add3A_39, %dma_start3A_80] : memref<2560x128xi32, #tpu.memory_space<hbm>> -> memref<48x128xi32, #tpu.memory_space<hbm>>
        tpu.enqueue_dma source(%dma_start3A_81 : memref<48x128xi32, #tpu.memory_space<hbm>>) target(%arg7 : memref<48x128xi32, #tpu.memory_space<vmem>>) target_semaphore(%run_scoped3A : memref<!tpu.dma_semaphore, #tpu.memory_space<semaphore_mem>>)
        %dma_wait3A = arith.constant 0 : i32
        %dma_wait3A_82 = tpu.memref_slice %arg3[%add3A_39, %dma_wait3A] : memref<2560x128xi32, #tpu.memory_space<hbm>> -> memref<48x128xi32, #tpu.memory_space<hbm>>
        %dma_wait3A_83 = arith.constant 0 : i32
        %dma_wait3A_84 = tpu.memref_slice %arg3[%add3A_39, %dma_wait3A_83] : memref<2560x128xi32, #tpu.memory_space<hbm>> -> memref<48x128xi32, #tpu.memory_space<hbm>>
        tpu.wait_dma2 semaphore(%run_scoped3A : memref<!tpu.dma_semaphore, #tpu.memory_space<semaphore_mem>>) src(%dma_wait3A_84 : memref<48x128xi32, #tpu.memory_space<hbm>>) dst(%arg7 : memref<48x128xi32, #tpu.memory_space<vmem>>)
        tpu.yield
      }) : () -> ()
      %mul3A_40 = arith.constant 144 : i32
      %mul3A_41 = arith.muli %arg1, %mul3A_40 : i32
      %add3A_42 = arith.constant 48 : i32
      %add3A_43 = arith.addi %mul3A_41, %add3A_42 : i32
      "tpu.region"() ({
        %run_scoped3A = tpu.sem_alloc : memref<!tpu.dma_semaphore, #tpu.memory_space<semaphore_mem>>
        %dma_start3A_78 = arith.constant 0 : i32
        %dma_start3A_79 = tpu.memref_slice %arg4[%add3A_43, %dma_start3A_78] : memref<2560x128xi32, #tpu.memory_space<hbm>> -> memref<48x128xi32, #tpu.memory_space<hbm>>
        %dma_start3A_80 = arith.constant 0 : i32
        %dma_start3A_81 = tpu.memref_slice %arg4[%add3A_43, %dma_start3A_80] : memref<2560x128xi32, #tpu.memory_space<hbm>> -> memref<48x128xi32, #tpu.memory_space<hbm>>
        tpu.enqueue_dma source(%dma_start3A_81 : memref<48x128xi32, #tpu.memory_space<hbm>>) target(%arg8 : memref<48x128xi32, #tpu.memory_space<vmem>>) target_semaphore(%run_scoped3A : memref<!tpu.dma_semaphore, #tpu.memory_space<semaphore_mem>>)
        %dma_wait3A = arith.constant 0 : i32
        %dma_wait3A_82 = tpu.memref_slice %arg4[%add3A_43, %dma_wait3A] : memref<2560x128xi32, #tpu.memory_space<hbm>> -> memref<48x128xi32, #tpu.memory_space<hbm>>
        %dma_wait3A_83 = arith.constant 0 : i32
        %dma_wait3A_84 = tpu.memref_slice %arg4[%add3A_43, %dma_wait3A_83] : memref<2560x128xi32, #tpu.memory_space<hbm>> -> memref<48x128xi32, #tpu.memory_space<hbm>>
        tpu.wait_dma2 semaphore(%run_scoped3A : memref<!tpu.dma_semaphore, #tpu.memory_space<semaphore_mem>>) src(%dma_wait3A_84 : memref<48x128xi32, #tpu.memory_space<hbm>>) dst(%arg8 : memref<48x128xi32, #tpu.memory_space<vmem>>)
        tpu.yield
      }) : () -> ()
      %dma_start3A_44 = arith.constant 0 : i32
      %dma_start3A_45 = arith.constant 0 : i32
      %dma_start3A_46 = tpu.memref_slice %arg7[%dma_start3A_44, %dma_start3A_45] : memref<48x128xi32, #tpu.memory_space<vmem>> -> memref<1x128xi32, #tpu.memory_space<vmem>>
      %dma_start3A_47 = tpu.memref_squeeze %dma_start3A_46 : memref<1x128xi32, #tpu.memory_space<vmem>> -> memref<128xi32, #tpu.memory_space<vmem>>
      %dma_start3A_48 = arith.constant 0 : i32
      %dma_start3A_49 = arith.constant 0 : i32
      %dma_start3A_50 = tpu.memref_slice %arg2[%dma_start3A_48, %dma_start3A_49] : memref<10112x128xf32, #tpu.memory_space<hbm>> -> memref<10112x128xf32, #tpu.memory_space<hbm>>
      tpu.enqueue_indirect_dma source(%dma_start3A_50 : memref<10112x128xf32, #tpu.memory_space<hbm>>) target(%arg9 : memref<128x128xf32, #tpu.memory_space<vmem>>) offsets(%dma_start3A_47 : memref<128xi32, #tpu.memory_space<vmem>>) semaphore(%arg12 : memref<!tpu.dma_semaphore, #tpu.memory_space<semaphore_mem>>)
      %scan3A_51 = arith.constant 0 : i32
      %scan3A_52 = arith.constant 0 : i32
      %scan3A_53 = arith.constant 24 : i32
      %scan3A_54 = arith.addi %scan3A_52, %scan3A_53 : i32
      %scan3A_55 = arith.constant 1 : i32
      scf.for %scan3A_78 = %scan3A_52 to %scan3A_54 step %scan3A_55  : i32 {
        %mul3A_79 = arith.constant 2 : i32
        %mul3A_80 = arith.muli %mul3A_79, %scan3A_78 : i32
        %add3A_81 = arith.constant 1 : i32
        %add3A_82 = arith.addi %mul3A_80, %add3A_81 : i32
        %dma_start3A_83 = arith.constant 0 : i32
        %dma_start3A_84 = tpu.memref_slice %arg7[%add3A_82, %dma_start3A_83] : memref<48x128xi32, #tpu.memory_space<vmem>> -> memref<1x128xi32, #tpu.memory_space<vmem>>
        %dma_start3A_85 = tpu.memref_squeeze %dma_start3A_84 : memref<1x128xi32, #tpu.memory_space<vmem>> -> memref<128xi32, #tpu.memory_space<vmem>>
        %dma_start3A_86 = arith.constant 0 : i32
        %dma_start3A_87 = arith.constant 0 : i32
        %dma_start3A_88 = tpu.memref_slice %arg2[%dma_start3A_86, %dma_start3A_87] : memref<10112x128xf32, #tpu.memory_space<hbm>> -> memref<10112x128xf32, #tpu.memory_space<hbm>>
        tpu.enqueue_indirect_dma source(%dma_start3A_88 : memref<10112x128xf32, #tpu.memory_space<hbm>>) target(%arg10 : memref<128x128xf32, #tpu.memory_space<vmem>>) offsets(%dma_start3A_85 : memref<128xi32, #tpu.memory_space<vmem>>) semaphore(%arg13 : memref<!tpu.dma_semaphore, #tpu.memory_space<semaphore_mem>>)
        %dma_wait3A = arith.constant 0 : i32
        %dma_wait3A_89 = tpu.memref_slice %arg7[%mul3A_80, %dma_wait3A] : memref<48x128xi32, #tpu.memory_space<vmem>> -> memref<1x128xi32, #tpu.memory_space<vmem>>
        %dma_wait3A_90 = tpu.memref_squeeze %dma_wait3A_89 : memref<1x128xi32, #tpu.memory_space<vmem>> -> memref<128xi32, #tpu.memory_space<vmem>>
        %dma_wait3A_91 = arith.constant 0 : i32
        %dma_wait3A_92 = arith.constant 0 : i32
        %dma_wait3A_93 = tpu.memref_slice %arg2[%dma_wait3A_91, %dma_wait3A_92] : memref<10112x128xf32, #tpu.memory_space<hbm>> -> memref<10112x128xf32, #tpu.memory_space<hbm>>
        tpu.wait_indirect_dma semaphore(%arg12 : memref<!tpu.dma_semaphore, #tpu.memory_space<semaphore_mem>>) src(%dma_wait3A_93 : memref<10112x128xf32, #tpu.memory_space<hbm>>) dst(%arg9 : memref<128x128xf32, #tpu.memory_space<vmem>>)
        "tpu.region"() ({
          %run_scoped3A = tpu.sem_alloc : memref<!tpu.dma_semaphore, #tpu.memory_space<semaphore_mem>>
          %dma_start3A_106 = arith.constant 0 : i32
          %dma_start3A_107 = tpu.memref_slice %arg8[%mul3A_80, %dma_start3A_106] : memref<48x128xi32, #tpu.memory_space<vmem>> -> memref<1x128xi32, #tpu.memory_space<vmem>>
          %dma_start3A_108 = tpu.memref_squeeze %dma_start3A_107 : memref<1x128xi32, #tpu.memory_space<vmem>> -> memref<128xi32, #tpu.memory_space<vmem>>
          %dma_start3A_109 = arith.constant 0 : i32
          %dma_start3A_110 = arith.constant 0 : i32
          %dma_start3A_111 = tpu.memref_slice %arg11[%dma_start3A_109, %dma_start3A_110] : memref<10112x128xf32, #tpu.memory_space<vmem_shared>> -> memref<10112x128xf32, #tpu.memory_space<vmem_shared>>
          tpu.enqueue_indirect_dma source(%arg9 : memref<128x128xf32, #tpu.memory_space<vmem>>) target(%dma_start3A_111 : memref<10112x128xf32, #tpu.memory_space<vmem_shared>>) offsets(%dma_start3A_108 : memref<128xi32, #tpu.memory_space<vmem>>) semaphore(%run_scoped3A : memref<!tpu.dma_semaphore, #tpu.memory_space<semaphore_mem>>) {add = true}
          %dma_wait3A_112 = arith.constant 0 : i32
          %dma_wait3A_113 = tpu.memref_slice %arg8[%mul3A_80, %dma_wait3A_112] : memref<48x128xi32, #tpu.memory_space<vmem>> -> memref<1x128xi32, #tpu.memory_space<vmem>>
          %dma_wait3A_114 = tpu.memref_squeeze %dma_wait3A_113 : memref<1x128xi32, #tpu.memory_space<vmem>> -> memref<128xi32, #tpu.memory_space<vmem>>
          %dma_wait3A_115 = arith.constant 0 : i32
          %dma_wait3A_116 = arith.constant 0 : i32
          %dma_wait3A_117 = tpu.memref_slice %arg11[%dma_wait3A_115, %dma_wait3A_116] : memref<10112x128xf32, #tpu.memory_space<vmem_shared>> -> memref<10112x128xf32, #tpu.memory_space<vmem_shared>>
          tpu.wait_indirect_dma semaphore(%run_scoped3A : memref<!tpu.dma_semaphore, #tpu.memory_space<semaphore_mem>>) src(%arg9 : memref<128x128xf32, #tpu.memory_space<vmem>>) dst(%dma_wait3A_117 : memref<10112x128xf32, #tpu.memory_space<vmem_shared>>)
          tpu.yield
        }) : () -> ()
        %add3A_94 = arith.constant 1 : i32
        %add3A_95 = arith.addi %add3A_82, %add3A_94 : i32
        %lt3A = arith.constant 48 : i32
        %lt3A_96 = arith.cmpi slt, %add3A_95, %lt3A : i32
        %convert_element_type3A_97 = arith.extui %lt3A_96 : i1 to i32
        %cond3A_98 = arith.constant 0 : i32
        %cond3A_99 = arith.cmpi ne, %convert_element_type3A_97, %cond3A_98 : i32
        scf.if %cond3A_99 {
          %add3A_106 = arith.constant 1 : i32
          %add3A_107 = arith.addi %add3A_82, %add3A_106 : i32
          %dma_start3A_108 = arith.constant 0 : i32
          %dma_start3A_109 = tpu.memref_slice %arg7[%add3A_107, %dma_start3A_108] : memref<48x128xi32, #tpu.memory_space<vmem>> -> memref<1x128xi32, #tpu.memory_space<vmem>>
          %dma_start3A_110 = tpu.memref_squeeze %dma_start3A_109 : memref<1x128xi32, #tpu.memory_space<vmem>> -> memref<128xi32, #tpu.memory_space<vmem>>
          %dma_start3A_111 = arith.constant 0 : i32
          %dma_start3A_112 = arith.constant 0 : i32
          %dma_start3A_113 = tpu.memref_slice %arg2[%dma_start3A_111, %dma_start3A_112] : memref<10112x128xf32, #tpu.memory_space<hbm>> -> memref<10112x128xf32, #tpu.memory_space<hbm>>
          tpu.enqueue_indirect_dma source(%dma_start3A_113 : memref<10112x128xf32, #tpu.memory_space<hbm>>) target(%arg9 : memref<128x128xf32, #tpu.memory_space<vmem>>) offsets(%dma_start3A_110 : memref<128xi32, #tpu.memory_space<vmem>>) semaphore(%arg12 : memref<!tpu.dma_semaphore, #tpu.memory_space<semaphore_mem>>)
        } else {
        }
        %dma_wait3A_100 = arith.constant 0 : i32
        %dma_wait3A_101 = tpu.memref_slice %arg7[%add3A_82, %dma_wait3A_100] : memref<48x128xi32, #tpu.memory_space<vmem>> -> memref<1x128xi32, #tpu.memory_space<vmem>>
        %dma_wait3A_102 = tpu.memref_squeeze %dma_wait3A_101 : memref<1x128xi32, #tpu.memory_space<vmem>> -> memref<128xi32, #tpu.memory_space<vmem>>
        %dma_wait3A_103 = arith.constant 0 : i32
        %dma_wait3A_104 = arith.constant 0 : i32
        %dma_wait3A_105 = tpu.memref_slice %arg2[%dma_wait3A_103, %dma_wait3A_104] : memref<10112x128xf32, #tpu.memory_space<hbm>> -> memref<10112x128xf32, #tpu.memory_space<hbm>>
        tpu.wait_indirect_dma semaphore(%arg13 : memref<!tpu.dma_semaphore, #tpu.memory_space<semaphore_mem>>) src(%dma_wait3A_105 : memref<10112x128xf32, #tpu.memory_space<hbm>>) dst(%arg10 : memref<128x128xf32, #tpu.memory_space<vmem>>)
        "tpu.region"() ({
          %run_scoped3A = tpu.sem_alloc : memref<!tpu.dma_semaphore, #tpu.memory_space<semaphore_mem>>
          %dma_start3A_106 = arith.constant 0 : i32
          %dma_start3A_107 = tpu.memref_slice %arg8[%add3A_82, %dma_start3A_106] : memref<48x128xi32, #tpu.memory_space<vmem>> -> memref<1x128xi32, #tpu.memory_space<vmem>>
          %dma_start3A_108 = tpu.memref_squeeze %dma_start3A_107 : memref<1x128xi32, #tpu.memory_space<vmem>> -> memref<128xi32, #tpu.memory_space<vmem>>
          %dma_start3A_109 = arith.constant 0 : i32
          %dma_start3A_110 = arith.constant 0 : i32
          %dma_start3A_111 = tpu.memref_slice %arg11[%dma_start3A_109, %dma_start3A_110] : memref<10112x128xf32, #tpu.memory_space<vmem_shared>> -> memref<10112x128xf32, #tpu.memory_space<vmem_shared>>
          tpu.enqueue_indirect_dma source(%arg10 : memref<128x128xf32, #tpu.memory_space<vmem>>) target(%dma_start3A_111 : memref<10112x128xf32, #tpu.memory_space<vmem_shared>>) offsets(%dma_start3A_108 : memref<128xi32, #tpu.memory_space<vmem>>) semaphore(%run_scoped3A : memref<!tpu.dma_semaphore, #tpu.memory_space<semaphore_mem>>) {add = true}
          %dma_wait3A_112 = arith.constant 0 : i32
          %dma_wait3A_113 = tpu.memref_slice %arg8[%add3A_82, %dma_wait3A_112] : memref<48x128xi32, #tpu.memory_space<vmem>> -> memref<1x128xi32, #tpu.memory_space<vmem>>
          %dma_wait3A_114 = tpu.memref_squeeze %dma_wait3A_113 : memref<1x128xi32, #tpu.memory_space<vmem>> -> memref<128xi32, #tpu.memory_space<vmem>>
          %dma_wait3A_115 = arith.constant 0 : i32
          %dma_wait3A_116 = arith.constant 0 : i32
          %dma_wait3A_117 = tpu.memref_slice %arg11[%dma_wait3A_115, %dma_wait3A_116] : memref<10112x128xf32, #tpu.memory_space<vmem_shared>> -> memref<10112x128xf32, #tpu.memory_space<vmem_shared>>
          tpu.wait_indirect_dma semaphore(%run_scoped3A : memref<!tpu.dma_semaphore, #tpu.memory_space<semaphore_mem>>) src(%arg10 : memref<128x128xf32, #tpu.memory_space<vmem>>) dst(%dma_wait3A_117 : memref<10112x128xf32, #tpu.memory_space<vmem_shared>>)
          tpu.yield
        }) : () -> ()
      }
      %scan3A_56 = arith.constant 24 : i32
      %mul3A_57 = arith.constant 144 : i32
      %mul3A_58 = arith.muli %arg1, %mul3A_57 : i32
      %add3A_59 = arith.constant 96 : i32
      %add3A_60 = arith.addi %mul3A_58, %add3A_59 : i32
      "tpu.region"() ({
        %run_scoped3A = tpu.sem_alloc : memref<!tpu.dma_semaphore, #tpu.memory_space<semaphore_mem>>
        %dma_start3A_78 = arith.constant 0 : i32
        %dma_start3A_79 = tpu.memref_slice %arg3[%add3A_60, %dma_start3A_78] : memref<2560x128xi32, #tpu.memory_space<hbm>> -> memref<48x128xi32, #tpu.memory_space<hbm>>
        %dma_start3A_80 = arith.constant 0 : i32
        %dma_start3A_81 = tpu.memref_slice %arg3[%add3A_60, %dma_start3A_80] : memref<2560x128xi32, #tpu.memory_space<hbm>> -> memref<48x128xi32, #tpu.memory_space<hbm>>
        tpu.enqueue_dma source(%dma_start3A_81 : memref<48x128xi32, #tpu.memory_space<hbm>>) target(%arg7 : memref<48x128xi32, #tpu.memory_space<vmem>>) target_semaphore(%run_scoped3A : memref<!tpu.dma_semaphore, #tpu.memory_space<semaphore_mem>>)
        %dma_wait3A = arith.constant 0 : i32
        %dma_wait3A_82 = tpu.memref_slice %arg3[%add3A_60, %dma_wait3A] : memref<2560x128xi32, #tpu.memory_space<hbm>> -> memref<48x128xi32, #tpu.memory_space<hbm>>
        %dma_wait3A_83 = arith.constant 0 : i32
        %dma_wait3A_84 = tpu.memref_slice %arg3[%add3A_60, %dma_wait3A_83] : memref<2560x128xi32, #tpu.memory_space<hbm>> -> memref<48x128xi32, #tpu.memory_space<hbm>>
        tpu.wait_dma2 semaphore(%run_scoped3A : memref<!tpu.dma_semaphore, #tpu.memory_space<semaphore_mem>>) src(%dma_wait3A_84 : memref<48x128xi32, #tpu.memory_space<hbm>>) dst(%arg7 : memref<48x128xi32, #tpu.memory_space<vmem>>)
        tpu.yield
      }) : () -> ()
      %mul3A_61 = arith.constant 144 : i32
      %mul3A_62 = arith.muli %arg1, %mul3A_61 : i32
      %add3A_63 = arith.constant 96 : i32
      %add3A_64 = arith.addi %mul3A_62, %add3A_63 : i32
      "tpu.region"() ({
        %run_scoped3A = tpu.sem_alloc : memref<!tpu.dma_semaphore, #tpu.memory_space<semaphore_mem>>
        %dma_start3A_78 = arith.constant 0 : i32
        %dma_start3A_79 = tpu.memref_slice %arg4[%add3A_64, %dma_start3A_78] : memref<2560x128xi32, #tpu.memory_space<hbm>> -> memref<48x128xi32, #tpu.memory_space<hbm>>
        %dma_start3A_80 = arith.constant 0 : i32
        %dma_start3A_81 = tpu.memref_slice %arg4[%add3A_64, %dma_start3A_80] : memref<2560x128xi32, #tpu.memory_space<hbm>> -> memref<48x128xi32, #tpu.memory_space<hbm>>
        tpu.enqueue_dma source(%dma_start3A_81 : memref<48x128xi32, #tpu.memory_space<hbm>>) target(%arg8 : memref<48x128xi32, #tpu.memory_space<vmem>>) target_semaphore(%run_scoped3A : memref<!tpu.dma_semaphore, #tpu.memory_space<semaphore_mem>>)
        %dma_wait3A = arith.constant 0 : i32
        %dma_wait3A_82 = tpu.memref_slice %arg4[%add3A_64, %dma_wait3A] : memref<2560x128xi32, #tpu.memory_space<hbm>> -> memref<48x128xi32, #tpu.memory_space<hbm>>
        %dma_wait3A_83 = arith.constant 0 : i32
        %dma_wait3A_84 = tpu.memref_slice %arg4[%add3A_64, %dma_wait3A_83] : memref<2560x128xi32, #tpu.memory_space<hbm>> -> memref<48x128xi32, #tpu.memory_space<hbm>>
        tpu.wait_dma2 semaphore(%run_scoped3A : memref<!tpu.dma_semaphore, #tpu.memory_space<semaphore_mem>>) src(%dma_wait3A_84 : memref<48x128xi32, #tpu.memory_space<hbm>>) dst(%arg8 : memref<48x128xi32, #tpu.memory_space<vmem>>)
        tpu.yield
      }) : () -> ()
      %dma_start3A_65 = arith.constant 0 : i32
      %dma_start3A_66 = arith.constant 0 : i32
      %dma_start3A_67 = tpu.memref_slice %arg7[%dma_start3A_65, %dma_start3A_66] : memref<48x128xi32, #tpu.memory_space<vmem>> -> memref<1x128xi32, #tpu.memory_space<vmem>>
      %dma_start3A_68 = tpu.memref_squeeze %dma_start3A_67 : memref<1x128xi32, #tpu.memory_space<vmem>> -> memref<128xi32, #tpu.memory_space<vmem>>
      %dma_start3A_69 = arith.constant 0 : i32
      %dma_start3A_70 = arith.constant 0 : i32
      %dma_start3A_71 = tpu.memref_slice %arg2[%dma_start3A_69, %dma_start3A_70] : memref<10112x128xf32, #tpu.memory_space<hbm>> -> memref<10112x128xf32, #tpu.memory_space<hbm>>
      tpu.enqueue_indirect_dma source(%dma_start3A_71 : memref<10112x128xf32, #tpu.memory_space<hbm>>) target(%arg9 : memref<128x128xf32, #tpu.memory_space<vmem>>) offsets(%dma_start3A_68 : memref<128xi32, #tpu.memory_space<vmem>>) semaphore(%arg12 : memref<!tpu.dma_semaphore, #tpu.memory_space<semaphore_mem>>)
      %scan3A_72 = arith.constant 0 : i32
      %scan3A_73 = arith.constant 0 : i32
      %scan3A_74 = arith.constant 24 : i32
      %scan3A_75 = arith.addi %scan3A_73, %scan3A_74 : i32
      %scan3A_76 = arith.constant 1 : i32
      scf.for %scan3A_78 = %scan3A_73 to %scan3A_75 step %scan3A_76  : i32 {
        %mul3A_79 = arith.constant 2 : i32
        %mul3A_80 = arith.muli %mul3A_79, %scan3A_78 : i32
        %add3A_81 = arith.constant 1 : i32
        %add3A_82 = arith.addi %mul3A_80, %add3A_81 : i32
        %dma_start3A_83 = arith.constant 0 : i32
        %dma_start3A_84 = tpu.memref_slice %arg7[%add3A_82, %dma_start3A_83] : memref<48x128xi32, #tpu.memory_space<vmem>> -> memref<1x128xi32, #tpu.memory_space<vmem>>
        %dma_start3A_85 = tpu.memref_squeeze %dma_start3A_84 : memref<1x128xi32, #tpu.memory_space<vmem>> -> memref<128xi32, #tpu.memory_space<vmem>>
        %dma_start3A_86 = arith.constant 0 : i32
        %dma_start3A_87 = arith.constant 0 : i32
        %dma_start3A_88 = tpu.memref_slice %arg2[%dma_start3A_86, %dma_start3A_87] : memref<10112x128xf32, #tpu.memory_space<hbm>> -> memref<10112x128xf32, #tpu.memory_space<hbm>>
        tpu.enqueue_indirect_dma source(%dma_start3A_88 : memref<10112x128xf32, #tpu.memory_space<hbm>>) target(%arg10 : memref<128x128xf32, #tpu.memory_space<vmem>>) offsets(%dma_start3A_85 : memref<128xi32, #tpu.memory_space<vmem>>) semaphore(%arg13 : memref<!tpu.dma_semaphore, #tpu.memory_space<semaphore_mem>>)
        %dma_wait3A = arith.constant 0 : i32
        %dma_wait3A_89 = tpu.memref_slice %arg7[%mul3A_80, %dma_wait3A] : memref<48x128xi32, #tpu.memory_space<vmem>> -> memref<1x128xi32, #tpu.memory_space<vmem>>
        %dma_wait3A_90 = tpu.memref_squeeze %dma_wait3A_89 : memref<1x128xi32, #tpu.memory_space<vmem>> -> memref<128xi32, #tpu.memory_space<vmem>>
        %dma_wait3A_91 = arith.constant 0 : i32
        %dma_wait3A_92 = arith.constant 0 : i32
        %dma_wait3A_93 = tpu.memref_slice %arg2[%dma_wait3A_91, %dma_wait3A_92] : memref<10112x128xf32, #tpu.memory_space<hbm>> -> memref<10112x128xf32, #tpu.memory_space<hbm>>
        tpu.wait_indirect_dma semaphore(%arg12 : memref<!tpu.dma_semaphore, #tpu.memory_space<semaphore_mem>>) src(%dma_wait3A_93 : memref<10112x128xf32, #tpu.memory_space<hbm>>) dst(%arg9 : memref<128x128xf32, #tpu.memory_space<vmem>>)
        "tpu.region"() ({
          %run_scoped3A = tpu.sem_alloc : memref<!tpu.dma_semaphore, #tpu.memory_space<semaphore_mem>>
          %dma_start3A_106 = arith.constant 0 : i32
          %dma_start3A_107 = tpu.memref_slice %arg8[%mul3A_80, %dma_start3A_106] : memref<48x128xi32, #tpu.memory_space<vmem>> -> memref<1x128xi32, #tpu.memory_space<vmem>>
          %dma_start3A_108 = tpu.memref_squeeze %dma_start3A_107 : memref<1x128xi32, #tpu.memory_space<vmem>> -> memref<128xi32, #tpu.memory_space<vmem>>
          %dma_start3A_109 = arith.constant 0 : i32
          %dma_start3A_110 = arith.constant 0 : i32
          %dma_start3A_111 = tpu.memref_slice %arg11[%dma_start3A_109, %dma_start3A_110] : memref<10112x128xf32, #tpu.memory_space<vmem_shared>> -> memref<10112x128xf32, #tpu.memory_space<vmem_shared>>
          tpu.enqueue_indirect_dma source(%arg9 : memref<128x128xf32, #tpu.memory_space<vmem>>) target(%dma_start3A_111 : memref<10112x128xf32, #tpu.memory_space<vmem_shared>>) offsets(%dma_start3A_108 : memref<128xi32, #tpu.memory_space<vmem>>) semaphore(%run_scoped3A : memref<!tpu.dma_semaphore, #tpu.memory_space<semaphore_mem>>) {add = true}
          %dma_wait3A_112 = arith.constant 0 : i32
          %dma_wait3A_113 = tpu.memref_slice %arg8[%mul3A_80, %dma_wait3A_112] : memref<48x128xi32, #tpu.memory_space<vmem>> -> memref<1x128xi32, #tpu.memory_space<vmem>>
          %dma_wait3A_114 = tpu.memref_squeeze %dma_wait3A_113 : memref<1x128xi32, #tpu.memory_space<vmem>> -> memref<128xi32, #tpu.memory_space<vmem>>
          %dma_wait3A_115 = arith.constant 0 : i32
          %dma_wait3A_116 = arith.constant 0 : i32
          %dma_wait3A_117 = tpu.memref_slice %arg11[%dma_wait3A_115, %dma_wait3A_116] : memref<10112x128xf32, #tpu.memory_space<vmem_shared>> -> memref<10112x128xf32, #tpu.memory_space<vmem_shared>>
          tpu.wait_indirect_dma semaphore(%run_scoped3A : memref<!tpu.dma_semaphore, #tpu.memory_space<semaphore_mem>>) src(%arg9 : memref<128x128xf32, #tpu.memory_space<vmem>>) dst(%dma_wait3A_117 : memref<10112x128xf32, #tpu.memory_space<vmem_shared>>)
          tpu.yield
        }) : () -> ()
        %add3A_94 = arith.constant 1 : i32
        %add3A_95 = arith.addi %add3A_82, %add3A_94 : i32
        %lt3A = arith.constant 48 : i32
        %lt3A_96 = arith.cmpi slt, %add3A_95, %lt3A : i32
        %convert_element_type3A_97 = arith.extui %lt3A_96 : i1 to i32
        %cond3A_98 = arith.constant 0 : i32
        %cond3A_99 = arith.cmpi ne, %convert_element_type3A_97, %cond3A_98 : i32
        scf.if %cond3A_99 {
          %add3A_106 = arith.constant 1 : i32
          %add3A_107 = arith.addi %add3A_82, %add3A_106 : i32
          %dma_start3A_108 = arith.constant 0 : i32
          %dma_start3A_109 = tpu.memref_slice %arg7[%add3A_107, %dma_start3A_108] : memref<48x128xi32, #tpu.memory_space<vmem>> -> memref<1x128xi32, #tpu.memory_space<vmem>>
          %dma_start3A_110 = tpu.memref_squeeze %dma_start3A_109 : memref<1x128xi32, #tpu.memory_space<vmem>> -> memref<128xi32, #tpu.memory_space<vmem>>
          %dma_start3A_111 = arith.constant 0 : i32
          %dma_start3A_112 = arith.constant 0 : i32
          %dma_start3A_113 = tpu.memref_slice %arg2[%dma_start3A_111, %dma_start3A_112] : memref<10112x128xf32, #tpu.memory_space<hbm>> -> memref<10112x128xf32, #tpu.memory_space<hbm>>
          tpu.enqueue_indirect_dma source(%dma_start3A_113 : memref<10112x128xf32, #tpu.memory_space<hbm>>) target(%arg9 : memref<128x128xf32, #tpu.memory_space<vmem>>) offsets(%dma_start3A_110 : memref<128xi32, #tpu.memory_space<vmem>>) semaphore(%arg12 : memref<!tpu.dma_semaphore, #tpu.memory_space<semaphore_mem>>)
        } else {
        }
        %dma_wait3A_100 = arith.constant 0 : i32
        %dma_wait3A_101 = tpu.memref_slice %arg7[%add3A_82, %dma_wait3A_100] : memref<48x128xi32, #tpu.memory_space<vmem>> -> memref<1x128xi32, #tpu.memory_space<vmem>>
        %dma_wait3A_102 = tpu.memref_squeeze %dma_wait3A_101 : memref<1x128xi32, #tpu.memory_space<vmem>> -> memref<128xi32, #tpu.memory_space<vmem>>
        %dma_wait3A_103 = arith.constant 0 : i32
        %dma_wait3A_104 = arith.constant 0 : i32
        %dma_wait3A_105 = tpu.memref_slice %arg2[%dma_wait3A_103, %dma_wait3A_104] : memref<10112x128xf32, #tpu.memory_space<hbm>> -> memref<10112x128xf32, #tpu.memory_space<hbm>>
        tpu.wait_indirect_dma semaphore(%arg13 : memref<!tpu.dma_semaphore, #tpu.memory_space<semaphore_mem>>) src(%dma_wait3A_105 : memref<10112x128xf32, #tpu.memory_space<hbm>>) dst(%arg10 : memref<128x128xf32, #tpu.memory_space<vmem>>)
        "tpu.region"() ({
          %run_scoped3A = tpu.sem_alloc : memref<!tpu.dma_semaphore, #tpu.memory_space<semaphore_mem>>
          %dma_start3A_106 = arith.constant 0 : i32
          %dma_start3A_107 = tpu.memref_slice %arg8[%add3A_82, %dma_start3A_106] : memref<48x128xi32, #tpu.memory_space<vmem>> -> memref<1x128xi32, #tpu.memory_space<vmem>>
          %dma_start3A_108 = tpu.memref_squeeze %dma_start3A_107 : memref<1x128xi32, #tpu.memory_space<vmem>> -> memref<128xi32, #tpu.memory_space<vmem>>
          %dma_start3A_109 = arith.constant 0 : i32
          %dma_start3A_110 = arith.constant 0 : i32
          %dma_start3A_111 = tpu.memref_slice %arg11[%dma_start3A_109, %dma_start3A_110] : memref<10112x128xf32, #tpu.memory_space<vmem_shared>> -> memref<10112x128xf32, #tpu.memory_space<vmem_shared>>
          tpu.enqueue_indirect_dma source(%arg10 : memref<128x128xf32, #tpu.memory_space<vmem>>) target(%dma_start3A_111 : memref<10112x128xf32, #tpu.memory_space<vmem_shared>>) offsets(%dma_start3A_108 : memref<128xi32, #tpu.memory_space<vmem>>) semaphore(%run_scoped3A : memref<!tpu.dma_semaphore, #tpu.memory_space<semaphore_mem>>) {add = true}
          %dma_wait3A_112 = arith.constant 0 : i32
          %dma_wait3A_113 = tpu.memref_slice %arg8[%add3A_82, %dma_wait3A_112] : memref<48x128xi32, #tpu.memory_space<vmem>> -> memref<1x128xi32, #tpu.memory_space<vmem>>
          %dma_wait3A_114 = tpu.memref_squeeze %dma_wait3A_113 : memref<1x128xi32, #tpu.memory_space<vmem>> -> memref<128xi32, #tpu.memory_space<vmem>>
          %dma_wait3A_115 = arith.constant 0 : i32
          %dma_wait3A_116 = arith.constant 0 : i32
          %dma_wait3A_117 = tpu.memref_slice %arg11[%dma_wait3A_115, %dma_wait3A_116] : memref<10112x128xf32, #tpu.memory_space<vmem_shared>> -> memref<10112x128xf32, #tpu.memory_space<vmem_shared>>
          tpu.wait_indirect_dma semaphore(%run_scoped3A : memref<!tpu.dma_semaphore, #tpu.memory_space<semaphore_mem>>) src(%arg10 : memref<128x128xf32, #tpu.memory_space<vmem>>) dst(%dma_wait3A_117 : memref<10112x128xf32, #tpu.memory_space<vmem_shared>>)
          tpu.yield
        }) : () -> ()
      }
      %scan3A_77 = arith.constant 24 : i32
    } else {
    }
    %eq3A_8 = arith.constant 1 : i32
    %eq3A_9 = arith.cmpi eq, %arg0, %eq3A_8 : i32
    %convert_element_type3A_10 = arith.extui %eq3A_9 : i1 to i32
    %cond3A_11 = arith.constant 0 : i32
    %cond3A_12 = arith.cmpi ne, %convert_element_type3A_10, %cond3A_11 : i32
    scf.if %cond3A_12 {
      %dma_start3A = arith.constant 0 : i32
      %dma_start3A_18 = arith.constant 0 : i32
      %dma_start3A_19 = tpu.memref_slice %arg7[%dma_start3A, %dma_start3A_18] : memref<48x128xi32, #tpu.memory_space<vmem>> -> memref<1x128xi32, #tpu.memory_space<vmem>>
      %dma_start3A_20 = tpu.memref_squeeze %dma_start3A_19 : memref<1x128xi32, #tpu.memory_space<vmem>> -> memref<128xi32, #tpu.memory_space<vmem>>
      %dma_start3A_21 = arith.constant 0 : i32
      %dma_start3A_22 = arith.constant 0 : i32
      %dma_start3A_23 = tpu.memref_slice %arg2[%dma_start3A_21, %dma_start3A_22] : memref<10112x128xf32, #tpu.memory_space<hbm>> -> memref<10112x128xf32, #tpu.memory_space<hbm>>
      tpu.enqueue_indirect_dma source(%dma_start3A_23 : memref<10112x128xf32, #tpu.memory_space<hbm>>) target(%arg9 : memref<128x128xf32, #tpu.memory_space<vmem>>) offsets(%dma_start3A_20 : memref<128xi32, #tpu.memory_space<vmem>>) semaphore(%arg12 : memref<!tpu.dma_semaphore, #tpu.memory_space<semaphore_mem>>)
      %scan3A = arith.constant 0 : i32
      %scan3A_24 = arith.constant 0 : i32
      %scan3A_25 = arith.constant 8 : i32
      %scan3A_26 = arith.addi %scan3A_24, %scan3A_25 : i32
      %scan3A_27 = arith.constant 1 : i32
      scf.for %scan3A_29 = %scan3A_24 to %scan3A_26 step %scan3A_27  : i32 {
        %mul3A_30 = arith.constant 2 : i32
        %mul3A_31 = arith.muli %mul3A_30, %scan3A_29 : i32
        %add3A = arith.constant 1 : i32
        %add3A_32 = arith.addi %mul3A_31, %add3A : i32
        %dma_start3A_33 = arith.constant 0 : i32
        %dma_start3A_34 = tpu.memref_slice %arg7[%add3A_32, %dma_start3A_33] : memref<48x128xi32, #tpu.memory_space<vmem>> -> memref<1x128xi32, #tpu.memory_space<vmem>>
        %dma_start3A_35 = tpu.memref_squeeze %dma_start3A_34 : memref<1x128xi32, #tpu.memory_space<vmem>> -> memref<128xi32, #tpu.memory_space<vmem>>
        %dma_start3A_36 = arith.constant 0 : i32
        %dma_start3A_37 = arith.constant 0 : i32
        %dma_start3A_38 = tpu.memref_slice %arg2[%dma_start3A_36, %dma_start3A_37] : memref<10112x128xf32, #tpu.memory_space<hbm>> -> memref<10112x128xf32, #tpu.memory_space<hbm>>
        tpu.enqueue_indirect_dma source(%dma_start3A_38 : memref<10112x128xf32, #tpu.memory_space<hbm>>) target(%arg10 : memref<128x128xf32, #tpu.memory_space<vmem>>) offsets(%dma_start3A_35 : memref<128xi32, #tpu.memory_space<vmem>>) semaphore(%arg13 : memref<!tpu.dma_semaphore, #tpu.memory_space<semaphore_mem>>)
        %dma_wait3A = arith.constant 0 : i32
        %dma_wait3A_39 = tpu.memref_slice %arg7[%mul3A_31, %dma_wait3A] : memref<48x128xi32, #tpu.memory_space<vmem>> -> memref<1x128xi32, #tpu.memory_space<vmem>>
        %dma_wait3A_40 = tpu.memref_squeeze %dma_wait3A_39 : memref<1x128xi32, #tpu.memory_space<vmem>> -> memref<128xi32, #tpu.memory_space<vmem>>
        %dma_wait3A_41 = arith.constant 0 : i32
        %dma_wait3A_42 = arith.constant 0 : i32
        %dma_wait3A_43 = tpu.memref_slice %arg2[%dma_wait3A_41, %dma_wait3A_42] : memref<10112x128xf32, #tpu.memory_space<hbm>> -> memref<10112x128xf32, #tpu.memory_space<hbm>>
        tpu.wait_indirect_dma semaphore(%arg12 : memref<!tpu.dma_semaphore, #tpu.memory_space<semaphore_mem>>) src(%dma_wait3A_43 : memref<10112x128xf32, #tpu.memory_space<hbm>>) dst(%arg9 : memref<128x128xf32, #tpu.memory_space<vmem>>)
        "tpu.region"() ({
          %run_scoped3A = tpu.sem_alloc : memref<!tpu.dma_semaphore, #tpu.memory_space<semaphore_mem>>
          %dma_start3A_56 = arith.constant 0 : i32
          %dma_start3A_57 = tpu.memref_slice %arg8[%mul3A_31, %dma_start3A_56] : memref<48x128xi32, #tpu.memory_space<vmem>> -> memref<1x128xi32, #tpu.memory_space<vmem>>
          %dma_start3A_58 = tpu.memref_squeeze %dma_start3A_57 : memref<1x128xi32, #tpu.memory_space<vmem>> -> memref<128xi32, #tpu.memory_space<vmem>>
          %dma_start3A_59 = arith.constant 0 : i32
          %dma_start3A_60 = arith.constant 0 : i32
          %dma_start3A_61 = tpu.memref_slice %arg11[%dma_start3A_59, %dma_start3A_60] : memref<10112x128xf32, #tpu.memory_space<vmem_shared>> -> memref<10112x128xf32, #tpu.memory_space<vmem_shared>>
          tpu.enqueue_indirect_dma source(%arg9 : memref<128x128xf32, #tpu.memory_space<vmem>>) target(%dma_start3A_61 : memref<10112x128xf32, #tpu.memory_space<vmem_shared>>) offsets(%dma_start3A_58 : memref<128xi32, #tpu.memory_space<vmem>>) semaphore(%run_scoped3A : memref<!tpu.dma_semaphore, #tpu.memory_space<semaphore_mem>>) {add = true}
          %dma_wait3A_62 = arith.constant 0 : i32
          %dma_wait3A_63 = tpu.memref_slice %arg8[%mul3A_31, %dma_wait3A_62] : memref<48x128xi32, #tpu.memory_space<vmem>> -> memref<1x128xi32, #tpu.memory_space<vmem>>
          %dma_wait3A_64 = tpu.memref_squeeze %dma_wait3A_63 : memref<1x128xi32, #tpu.memory_space<vmem>> -> memref<128xi32, #tpu.memory_space<vmem>>
          %dma_wait3A_65 = arith.constant 0 : i32
          %dma_wait3A_66 = arith.constant 0 : i32
          %dma_wait3A_67 = tpu.memref_slice %arg11[%dma_wait3A_65, %dma_wait3A_66] : memref<10112x128xf32, #tpu.memory_space<vmem_shared>> -> memref<10112x128xf32, #tpu.memory_space<vmem_shared>>
          tpu.wait_indirect_dma semaphore(%run_scoped3A : memref<!tpu.dma_semaphore, #tpu.memory_space<semaphore_mem>>) src(%arg9 : memref<128x128xf32, #tpu.memory_space<vmem>>) dst(%dma_wait3A_67 : memref<10112x128xf32, #tpu.memory_space<vmem_shared>>)
          tpu.yield
        }) : () -> ()
        %add3A_44 = arith.constant 1 : i32
        %add3A_45 = arith.addi %add3A_32, %add3A_44 : i32
        %lt3A = arith.constant 16 : i32
        %lt3A_46 = arith.cmpi slt, %add3A_45, %lt3A : i32
        %convert_element_type3A_47 = arith.extui %lt3A_46 : i1 to i32
        %cond3A_48 = arith.constant 0 : i32
        %cond3A_49 = arith.cmpi ne, %convert_element_type3A_47, %cond3A_48 : i32
        scf.if %cond3A_49 {
          %add3A_56 = arith.constant 1 : i32
          %add3A_57 = arith.addi %add3A_32, %add3A_56 : i32
          %dma_start3A_58 = arith.constant 0 : i32
          %dma_start3A_59 = tpu.memref_slice %arg7[%add3A_57, %dma_start3A_58] : memref<48x128xi32, #tpu.memory_space<vmem>> -> memref<1x128xi32, #tpu.memory_space<vmem>>
          %dma_start3A_60 = tpu.memref_squeeze %dma_start3A_59 : memref<1x128xi32, #tpu.memory_space<vmem>> -> memref<128xi32, #tpu.memory_space<vmem>>
          %dma_start3A_61 = arith.constant 0 : i32
          %dma_start3A_62 = arith.constant 0 : i32
          %dma_start3A_63 = tpu.memref_slice %arg2[%dma_start3A_61, %dma_start3A_62] : memref<10112x128xf32, #tpu.memory_space<hbm>> -> memref<10112x128xf32, #tpu.memory_space<hbm>>
          tpu.enqueue_indirect_dma source(%dma_start3A_63 : memref<10112x128xf32, #tpu.memory_space<hbm>>) target(%arg9 : memref<128x128xf32, #tpu.memory_space<vmem>>) offsets(%dma_start3A_60 : memref<128xi32, #tpu.memory_space<vmem>>) semaphore(%arg12 : memref<!tpu.dma_semaphore, #tpu.memory_space<semaphore_mem>>)
        } else {
        }
        %dma_wait3A_50 = arith.constant 0 : i32
        %dma_wait3A_51 = tpu.memref_slice %arg7[%add3A_32, %dma_wait3A_50] : memref<48x128xi32, #tpu.memory_space<vmem>> -> memref<1x128xi32, #tpu.memory_space<vmem>>
        %dma_wait3A_52 = tpu.memref_squeeze %dma_wait3A_51 : memref<1x128xi32, #tpu.memory_space<vmem>> -> memref<128xi32, #tpu.memory_space<vmem>>
        %dma_wait3A_53 = arith.constant 0 : i32
        %dma_wait3A_54 = arith.constant 0 : i32
        %dma_wait3A_55 = tpu.memref_slice %arg2[%dma_wait3A_53, %dma_wait3A_54] : memref<10112x128xf32, #tpu.memory_space<hbm>> -> memref<10112x128xf32, #tpu.memory_space<hbm>>
        tpu.wait_indirect_dma semaphore(%arg13 : memref<!tpu.dma_semaphore, #tpu.memory_space<semaphore_mem>>) src(%dma_wait3A_55 : memref<10112x128xf32, #tpu.memory_space<hbm>>) dst(%arg10 : memref<128x128xf32, #tpu.memory_space<vmem>>)
        "tpu.region"() ({
          %run_scoped3A = tpu.sem_alloc : memref<!tpu.dma_semaphore, #tpu.memory_space<semaphore_mem>>
          %dma_start3A_56 = arith.constant 0 : i32
          %dma_start3A_57 = tpu.memref_slice %arg8[%add3A_32, %dma_start3A_56] : memref<48x128xi32, #tpu.memory_space<vmem>> -> memref<1x128xi32, #tpu.memory_space<vmem>>
          %dma_start3A_58 = tpu.memref_squeeze %dma_start3A_57 : memref<1x128xi32, #tpu.memory_space<vmem>> -> memref<128xi32, #tpu.memory_space<vmem>>
          %dma_start3A_59 = arith.constant 0 : i32
          %dma_start3A_60 = arith.constant 0 : i32
          %dma_start3A_61 = tpu.memref_slice %arg11[%dma_start3A_59, %dma_start3A_60] : memref<10112x128xf32, #tpu.memory_space<vmem_shared>> -> memref<10112x128xf32, #tpu.memory_space<vmem_shared>>
          tpu.enqueue_indirect_dma source(%arg10 : memref<128x128xf32, #tpu.memory_space<vmem>>) target(%dma_start3A_61 : memref<10112x128xf32, #tpu.memory_space<vmem_shared>>) offsets(%dma_start3A_58 : memref<128xi32, #tpu.memory_space<vmem>>) semaphore(%run_scoped3A : memref<!tpu.dma_semaphore, #tpu.memory_space<semaphore_mem>>) {add = true}
          %dma_wait3A_62 = arith.constant 0 : i32
          %dma_wait3A_63 = tpu.memref_slice %arg8[%add3A_32, %dma_wait3A_62] : memref<48x128xi32, #tpu.memory_space<vmem>> -> memref<1x128xi32, #tpu.memory_space<vmem>>
          %dma_wait3A_64 = tpu.memref_squeeze %dma_wait3A_63 : memref<1x128xi32, #tpu.memory_space<vmem>> -> memref<128xi32, #tpu.memory_space<vmem>>
          %dma_wait3A_65 = arith.constant 0 : i32
          %dma_wait3A_66 = arith.constant 0 : i32
          %dma_wait3A_67 = tpu.memref_slice %arg11[%dma_wait3A_65, %dma_wait3A_66] : memref<10112x128xf32, #tpu.memory_space<vmem_shared>> -> memref<10112x128xf32, #tpu.memory_space<vmem_shared>>
          tpu.wait_indirect_dma semaphore(%run_scoped3A : memref<!tpu.dma_semaphore, #tpu.memory_space<semaphore_mem>>) src(%arg10 : memref<128x128xf32, #tpu.memory_space<vmem>>) dst(%dma_wait3A_67 : memref<10112x128xf32, #tpu.memory_space<vmem_shared>>)
          tpu.yield
        }) : () -> ()
      }
      %scan3A_28 = arith.constant 8 : i32
    } else {
    }
    %barrier3A_13 = arith.constant 0 : index
    tpu.barrier barrier_id(%barrier3A_13)
    %mul3A_14 = arith.constant 632 : i32
    %mul3A_15 = arith.muli %arg1, %mul3A_14 : i32
    %mul3A_16 = arith.constant 632 : i32
    %mul3A_17 = arith.muli %arg1, %mul3A_16 : i32
    "tpu.region"() ({
      %run_scoped3A = tpu.sem_alloc : memref<!tpu.dma_semaphore, #tpu.memory_space<semaphore_mem>>
      %dma_start3A = arith.constant 0 : i32
      %dma_start3A_18 = tpu.memref_slice %arg6[%arg0, %mul3A_17, %dma_start3A] : memref<2x10112x128xf32, #tpu.memory_space<hbm>> -> memref<1x632x128xf32, #tpu.memory_space<hbm>>
      %dma_start3A_19 = tpu.memref_squeeze %dma_start3A_18 : memref<1x632x128xf32, #tpu.memory_space<hbm>> -> memref<632x128xf32, #tpu.memory_space<hbm>>
      %dma_start3A_20 = arith.constant 0 : i32
      %dma_start3A_21 = tpu.memref_slice %arg11[%mul3A_15, %dma_start3A_20] : memref<10112x128xf32, #tpu.memory_space<vmem_shared>> -> memref<632x128xf32, #tpu.memory_space<vmem_shared>>
      tpu.enqueue_dma source(%dma_start3A_21 : memref<632x128xf32, #tpu.memory_space<vmem_shared>>) target(%dma_start3A_19 : memref<632x128xf32, #tpu.memory_space<hbm>>) target_semaphore(%run_scoped3A : memref<!tpu.dma_semaphore, #tpu.memory_space<semaphore_mem>>)
      %dma_wait3A = arith.constant 0 : i32
      %dma_wait3A_22 = tpu.memref_slice %arg6[%arg0, %mul3A_17, %dma_wait3A] : memref<2x10112x128xf32, #tpu.memory_space<hbm>> -> memref<1x632x128xf32, #tpu.memory_space<hbm>>
      %dma_wait3A_23 = tpu.memref_squeeze %dma_wait3A_22 : memref<1x632x128xf32, #tpu.memory_space<hbm>> -> memref<632x128xf32, #tpu.memory_space<hbm>>
      %dma_wait3A_24 = arith.constant 0 : i32
      %dma_wait3A_25 = tpu.memref_slice %arg11[%mul3A_15, %dma_wait3A_24] : memref<10112x128xf32, #tpu.memory_space<vmem_shared>> -> memref<632x128xf32, #tpu.memory_space<vmem_shared>>
      tpu.wait_dma2 semaphore(%run_scoped3A : memref<!tpu.dma_semaphore, #tpu.memory_space<semaphore_mem>>) src(%dma_wait3A_25 : memref<632x128xf32, #tpu.memory_space<vmem_shared>>) dst(%dma_wait3A_23 : memref<632x128xf32, #tpu.memory_space<hbm>>)
      tpu.yield
    }) : () -> ()
    return
  }
}

#map = affine_map<(d0, d1) -> (0, 0)>
#map1 = affine_map<(d0, d1) -> (0, 0, 0)>
module attributes {stable_mosaic.version = 14 : i64} {
  func.func @_msg(%arg0: i32, %arg1: i32, %arg2: memref<10112x128xf32, #tpu.memory_space<hbm>>, %arg3: memref<2560x128xi32, #tpu.memory_space<hbm>>, %arg4: memref<2560x128xi32, #tpu.memory_space<hbm>>, %arg5: memref<632x128xf32, #tpu.memory_space<hbm>>, %arg6: memref<2x10112x128xf32, #tpu.memory_space<hbm>>, %arg7: memref<48x128xi32, #tpu.memory_space<vmem>>, %arg8: memref<48x128xi32, #tpu.memory_space<vmem>>, %arg9: memref<128x128xf32, #tpu.memory_space<vmem>>, %arg10: memref<128x128xf32, #tpu.memory_space<vmem>>, %arg11: memref<10112x128xf32, #tpu.memory_space<vmem_shared>>, %arg12: memref<!tpu.dma_semaphore, #tpu.memory_space<semaphore_mem>>, %arg13: memref<!tpu.dma_semaphore, #tpu.memory_space<semaphore_mem>>) attributes {dimension_semantics = [#tpu.dimension_semantics<core_parallel>, #tpu.dimension_semantics<subcore_parallel>], iteration_bounds = array<i64: 2, 16>, scalar_prefetch = 0 : i64, scratch_operands = 7 : i64, tpu.core_type = #tpu.core_type<sc_vector_subcore>, window_params = [{transform_indices = #map}, {transform_indices = #map}, {transform_indices = #map}, {transform_indices = #map}, {transform_indices = #map1}]} {
    %mul3A = arith.constant 632 : i32
    %mul3A_0 = arith.muli %arg1, %mul3A : i32
    "tpu.region"() ({
      %run_scoped3A = tpu.sem_alloc : memref<!tpu.dma_semaphore, #tpu.memory_space<semaphore_mem>>
      %dma_start3A = arith.constant 0 : i32
      %dma_start3A_18 = tpu.memref_slice %arg11[%mul3A_0, %dma_start3A] : memref<10112x128xf32, #tpu.memory_space<vmem_shared>> -> memref<632x128xf32, #tpu.memory_space<vmem_shared>>
      tpu.enqueue_dma source(%arg5 : memref<632x128xf32, #tpu.memory_space<hbm>>) target(%dma_start3A_18 : memref<632x128xf32, #tpu.memory_space<vmem_shared>>) target_semaphore(%run_scoped3A : memref<!tpu.dma_semaphore, #tpu.memory_space<semaphore_mem>>)
      %dma_wait3A = arith.constant 0 : i32
      %dma_wait3A_19 = tpu.memref_slice %arg11[%mul3A_0, %dma_wait3A] : memref<10112x128xf32, #tpu.memory_space<vmem_shared>> -> memref<632x128xf32, #tpu.memory_space<vmem_shared>>
      tpu.wait_dma2 semaphore(%run_scoped3A : memref<!tpu.dma_semaphore, #tpu.memory_space<semaphore_mem>>) src(%arg5 : memref<632x128xf32, #tpu.memory_space<hbm>>) dst(%dma_wait3A_19 : memref<632x128xf32, #tpu.memory_space<vmem_shared>>)
      tpu.yield
    }) : () -> ()
    %eq3A = arith.constant 1 : i32
    %eq3A_1 = arith.cmpi eq, %arg0, %eq3A : i32
    %convert_element_type3A = arith.extui %eq3A_1 : i1 to i32
    %cond3A = arith.constant 0 : i32
    %cond3A_2 = arith.cmpi ne, %convert_element_type3A, %cond3A : i32
    scf.if %cond3A_2 {
      %mul3A_18 = arith.constant 16 : i32
      %mul3A_19 = arith.muli %arg1, %mul3A_18 : i32
      %add3A = arith.constant 2304 : i32
      %add3A_20 = arith.addi %add3A, %mul3A_19 : i32
      "tpu.region"() ({
        %run_scoped3A = tpu.sem_alloc : memref<!tpu.dma_semaphore, #tpu.memory_space<semaphore_mem>>
        %dma_start3A = arith.constant 0 : i32
        %dma_start3A_21 = arith.constant 0 : i32
        %dma_start3A_22 = tpu.memref_slice %arg7[%dma_start3A, %dma_start3A_21] : memref<48x128xi32, #tpu.memory_space<vmem>> -> memref<16x128xi32, #tpu.memory_space<vmem>>
        %dma_start3A_23 = arith.constant 0 : i32
        %dma_start3A_24 = tpu.memref_slice %arg3[%add3A_20, %dma_start3A_23] : memref<2560x128xi32, #tpu.memory_space<hbm>> -> memref<16x128xi32, #tpu.memory_space<hbm>>
        %dma_start3A_25 = arith.constant 0 : i32
        %dma_start3A_26 = arith.constant 0 : i32
        %dma_start3A_27 = tpu.memref_slice %arg7[%dma_start3A_25, %dma_start3A_26] : memref<48x128xi32, #tpu.memory_space<vmem>> -> memref<16x128xi32, #tpu.memory_space<vmem>>
        %dma_start3A_28 = arith.constant 0 : i32
        %dma_start3A_29 = tpu.memref_slice %arg3[%add3A_20, %dma_start3A_28] : memref<2560x128xi32, #tpu.memory_space<hbm>> -> memref<16x128xi32, #tpu.memory_space<hbm>>
        tpu.enqueue_dma source(%dma_start3A_29 : memref<16x128xi32, #tpu.memory_space<hbm>>) target(%dma_start3A_27 : memref<16x128xi32, #tpu.memory_space<vmem>>) target_semaphore(%run_scoped3A : memref<!tpu.dma_semaphore, #tpu.memory_space<semaphore_mem>>)
        %dma_wait3A = arith.constant 0 : i32
        %dma_wait3A_30 = arith.constant 0 : i32
        %dma_wait3A_31 = tpu.memref_slice %arg7[%dma_wait3A, %dma_wait3A_30] : memref<48x128xi32, #tpu.memory_space<vmem>> -> memref<16x128xi32, #tpu.memory_space<vmem>>
        %dma_wait3A_32 = arith.constant 0 : i32
        %dma_wait3A_33 = tpu.memref_slice %arg3[%add3A_20, %dma_wait3A_32] : memref<2560x128xi32, #tpu.memory_space<hbm>> -> memref<16x128xi32, #tpu.memory_space<hbm>>
        %dma_wait3A_34 = arith.constant 0 : i32
        %dma_wait3A_35 = arith.constant 0 : i32
        %dma_wait3A_36 = tpu.memref_slice %arg7[%dma_wait3A_34, %dma_wait3A_35] : memref<48x128xi32, #tpu.memory_space<vmem>> -> memref<16x128xi32, #tpu.memory_space<vmem>>
        %dma_wait3A_37 = arith.constant 0 : i32
        %dma_wait3A_38 = tpu.memref_slice %arg3[%add3A_20, %dma_wait3A_37] : memref<2560x128xi32, #tpu.memory_space<hbm>> -> memref<16x128xi32, #tpu.memory_space<hbm>>
        tpu.wait_dma2 semaphore(%run_scoped3A : memref<!tpu.dma_semaphore, #tpu.memory_space<semaphore_mem>>) src(%dma_wait3A_38 : memref<16x128xi32, #tpu.memory_space<hbm>>) dst(%dma_wait3A_36 : memref<16x128xi32, #tpu.memory_space<vmem>>)
        tpu.yield
      }) : () -> ()
      "tpu.region"() ({
        %run_scoped3A = tpu.sem_alloc : memref<!tpu.dma_semaphore, #tpu.memory_space<semaphore_mem>>
        %dma_start3A = arith.constant 0 : i32
        %dma_start3A_21 = arith.constant 0 : i32
        %dma_start3A_22 = tpu.memref_slice %arg8[%dma_start3A, %dma_start3A_21] : memref<48x128xi32, #tpu.memory_space<vmem>> -> memref<16x128xi32, #tpu.memory_space<vmem>>
        %dma_start3A_23 = arith.constant 0 : i32
        %dma_start3A_24 = tpu.memref_slice %arg4[%add3A_20, %dma_start3A_23] : memref<2560x128xi32, #tpu.memory_space<hbm>> -> memref<16x128xi32, #tpu.memory_space<hbm>>
        %dma_start3A_25 = arith.constant 0 : i32
        %dma_start3A_26 = arith.constant 0 : i32
        %dma_start3A_27 = tpu.memref_slice %arg8[%dma_start3A_25, %dma_start3A_26] : memref<48x128xi32, #tpu.memory_space<vmem>> -> memref<16x128xi32, #tpu.memory_space<vmem>>
        %dma_start3A_28 = arith.constant 0 : i32
        %dma_start3A_29 = tpu.memref_slice %arg4[%add3A_20, %dma_start3A_28] : memref<2560x128xi32, #tpu.memory_space<hbm>> -> memref<16x128xi32, #tpu.memory_space<hbm>>
        tpu.enqueue_dma source(%dma_start3A_29 : memref<16x128xi32, #tpu.memory_space<hbm>>) target(%dma_start3A_27 : memref<16x128xi32, #tpu.memory_space<vmem>>) target_semaphore(%run_scoped3A : memref<!tpu.dma_semaphore, #tpu.memory_space<semaphore_mem>>)
        %dma_wait3A = arith.constant 0 : i32
        %dma_wait3A_30 = arith.constant 0 : i32
        %dma_wait3A_31 = tpu.memref_slice %arg8[%dma_wait3A, %dma_wait3A_30] : memref<48x128xi32, #tpu.memory_space<vmem>> -> memref<16x128xi32, #tpu.memory_space<vmem>>
        %dma_wait3A_32 = arith.constant 0 : i32
        %dma_wait3A_33 = tpu.memref_slice %arg4[%add3A_20, %dma_wait3A_32] : memref<2560x128xi32, #tpu.memory_space<hbm>> -> memref<16x128xi32, #tpu.memory_space<hbm>>
        %dma_wait3A_34 = arith.constant 0 : i32
        %dma_wait3A_35 = arith.constant 0 : i32
        %dma_wait3A_36 = tpu.memref_slice %arg8[%dma_wait3A_34, %dma_wait3A_35] : memref<48x128xi32, #tpu.memory_space<vmem>> -> memref<16x128xi32, #tpu.memory_space<vmem>>
        %dma_wait3A_37 = arith.constant 0 : i32
        %dma_wait3A_38 = tpu.memref_slice %arg4[%add3A_20, %dma_wait3A_37] : memref<2560x128xi32, #tpu.memory_space<hbm>> -> memref<16x128xi32, #tpu.memory_space<hbm>>
        tpu.wait_dma2 semaphore(%run_scoped3A : memref<!tpu.dma_semaphore, #tpu.memory_space<semaphore_mem>>) src(%dma_wait3A_38 : memref<16x128xi32, #tpu.memory_space<hbm>>) dst(%dma_wait3A_36 : memref<16x128xi32, #tpu.memory_space<vmem>>)
        tpu.yield
      }) : () -> ()
    } else {
    }
    %barrier3A = arith.constant 0 : index
    tpu.barrier barrier_id(%barrier3A)
    %eq3A_3 = arith.constant 0 : i32
    %eq3A_4 = arith.cmpi eq, %arg0, %eq3A_3 : i32
    %convert_element_type3A_5 = arith.extui %eq3A_4 : i1 to i32
    %cond3A_6 = arith.constant 0 : i32
    %cond3A_7 = arith.cmpi ne, %convert_element_type3A_5, %cond3A_6 : i32
    scf.if %cond3A_7 {
      %mul3A_18 = arith.constant 144 : i32
      %mul3A_19 = arith.muli %arg1, %mul3A_18 : i32
      %add3A = arith.constant 0 : i32
      %add3A_20 = arith.addi %mul3A_19, %add3A : i32
      "tpu.region"() ({
        %run_scoped3A = tpu.sem_alloc : memref<!tpu.dma_semaphore, #tpu.memory_space<semaphore_mem>>
        %dma_start3A_78 = arith.constant 0 : i32
        %dma_start3A_79 = tpu.memref_slice %arg3[%add3A_20, %dma_start3A_78] : memref<2560x128xi32, #tpu.memory_space<hbm>> -> memref<48x128xi32, #tpu.memory_space<hbm>>
        %dma_start3A_80 = arith.constant 0 : i32
        %dma_start3A_81 = tpu.memref_slice %arg3[%add3A_20, %dma_start3A_80] : memref<2560x128xi32, #tpu.memory_space<hbm>> -> memref<48x128xi32, #tpu.memory_space<hbm>>
        tpu.enqueue_dma source(%dma_start3A_81 : memref<48x128xi32, #tpu.memory_space<hbm>>) target(%arg7 : memref<48x128xi32, #tpu.memory_space<vmem>>) target_semaphore(%run_scoped3A : memref<!tpu.dma_semaphore, #tpu.memory_space<semaphore_mem>>)
        %dma_wait3A = arith.constant 0 : i32
        %dma_wait3A_82 = tpu.memref_slice %arg3[%add3A_20, %dma_wait3A] : memref<2560x128xi32, #tpu.memory_space<hbm>> -> memref<48x128xi32, #tpu.memory_space<hbm>>
        %dma_wait3A_83 = arith.constant 0 : i32
        %dma_wait3A_84 = tpu.memref_slice %arg3[%add3A_20, %dma_wait3A_83] : memref<2560x128xi32, #tpu.memory_space<hbm>> -> memref<48x128xi32, #tpu.memory_space<hbm>>
        tpu.wait_dma2 semaphore(%run_scoped3A : memref<!tpu.dma_semaphore, #tpu.memory_space<semaphore_mem>>) src(%dma_wait3A_84 : memref<48x128xi32, #tpu.memory_space<hbm>>) dst(%arg7 : memref<48x128xi32, #tpu.memory_space<vmem>>)
        tpu.yield
      }) : () -> ()
      %mul3A_21 = arith.constant 144 : i32
      %mul3A_22 = arith.muli %arg1, %mul3A_21 : i32
      %add3A_23 = arith.constant 0 : i32
      %add3A_24 = arith.addi %mul3A_22, %add3A_23 : i32
      "tpu.region"() ({
        %run_scoped3A = tpu.sem_alloc : memref<!tpu.dma_semaphore, #tpu.memory_space<semaphore_mem>>
        %dma_start3A_78 = arith.constant 0 : i32
        %dma_start3A_79 = tpu.memref_slice %arg4[%add3A_24, %dma_start3A_78] : memref<2560x128xi32, #tpu.memory_space<hbm>> -> memref<48x128xi32, #tpu.memory_space<hbm>>
        %dma_start3A_80 = arith.constant 0 : i32
        %dma_start3A_81 = tpu.memref_slice %arg4[%add3A_24, %dma_start3A_80] : memref<2560x128xi32, #tpu.memory_space<hbm>> -> memref<48x128xi32, #tpu.memory_space<hbm>>
        tpu.enqueue_dma source(%dma_start3A_81 : memref<48x128xi32, #tpu.memory_space<hbm>>) target(%arg8 : memref<48x128xi32, #tpu.memory_space<vmem>>) target_semaphore(%run_scoped3A : memref<!tpu.dma_semaphore, #tpu.memory_space<semaphore_mem>>)
        %dma_wait3A = arith.constant 0 : i32
        %dma_wait3A_82 = tpu.memref_slice %arg4[%add3A_24, %dma_wait3A] : memref<2560x128xi32, #tpu.memory_space<hbm>> -> memref<48x128xi32, #tpu.memory_space<hbm>>
        %dma_wait3A_83 = arith.constant 0 : i32
        %dma_wait3A_84 = tpu.memref_slice %arg4[%add3A_24, %dma_wait3A_83] : memref<2560x128xi32, #tpu.memory_space<hbm>> -> memref<48x128xi32, #tpu.memory_space<hbm>>
        tpu.wait_dma2 semaphore(%run_scoped3A : memref<!tpu.dma_semaphore, #tpu.memory_space<semaphore_mem>>) src(%dma_wait3A_84 : memref<48x128xi32, #tpu.memory_space<hbm>>) dst(%arg8 : memref<48x128xi32, #tpu.memory_space<vmem>>)
        tpu.yield
      }) : () -> ()
      %dma_start3A = arith.constant 0 : i32
      %dma_start3A_25 = arith.constant 0 : i32
      %dma_start3A_26 = tpu.memref_slice %arg7[%dma_start3A, %dma_start3A_25] : memref<48x128xi32, #tpu.memory_space<vmem>> -> memref<1x128xi32, #tpu.memory_space<vmem>>
      %dma_start3A_27 = tpu.memref_squeeze %dma_start3A_26 : memref<1x128xi32, #tpu.memory_space<vmem>> -> memref<128xi32, #tpu.memory_space<vmem>>
      %dma_start3A_28 = arith.constant 0 : i32
      %dma_start3A_29 = arith.constant 0 : i32
      %dma_start3A_30 = tpu.memref_slice %arg2[%dma_start3A_28, %dma_start3A_29] : memref<10112x128xf32, #tpu.memory_space<hbm>> -> memref<10112x128xf32, #tpu.memory_space<hbm>>
      tpu.enqueue_indirect_dma source(%dma_start3A_30 : memref<10112x128xf32, #tpu.memory_space<hbm>>) target(%arg9 : memref<128x128xf32, #tpu.memory_space<vmem>>) offsets(%dma_start3A_27 : memref<128xi32, #tpu.memory_space<vmem>>) semaphore(%arg12 : memref<!tpu.dma_semaphore, #tpu.memory_space<semaphore_mem>>)
      %scan3A = arith.constant 0 : i32
      %scan3A_31 = arith.constant 0 : i32
      %scan3A_32 = arith.constant 24 : i32
      %scan3A_33 = arith.addi %scan3A_31, %scan3A_32 : i32
      %scan3A_34 = arith.constant 1 : i32
      scf.for %scan3A_78 = %scan3A_31 to %scan3A_33 step %scan3A_34  : i32 {
        %mul3A_79 = arith.constant 2 : i32
        %mul3A_80 = arith.muli %mul3A_79, %scan3A_78 : i32
        %add3A_81 = arith.constant 1 : i32
        %add3A_82 = arith.addi %mul3A_80, %add3A_81 : i32
        %dma_start3A_83 = arith.constant 0 : i32
        %dma_start3A_84 = tpu.memref_slice %arg7[%add3A_82, %dma_start3A_83] : memref<48x128xi32, #tpu.memory_space<vmem>> -> memref<1x128xi32, #tpu.memory_space<vmem>>
        %dma_start3A_85 = tpu.memref_squeeze %dma_start3A_84 : memref<1x128xi32, #tpu.memory_space<vmem>> -> memref<128xi32, #tpu.memory_space<vmem>>
        %dma_start3A_86 = arith.constant 0 : i32
        %dma_start3A_87 = arith.constant 0 : i32
        %dma_start3A_88 = tpu.memref_slice %arg2[%dma_start3A_86, %dma_start3A_87] : memref<10112x128xf32, #tpu.memory_space<hbm>> -> memref<10112x128xf32, #tpu.memory_space<hbm>>
        tpu.enqueue_indirect_dma source(%dma_start3A_88 : memref<10112x128xf32, #tpu.memory_space<hbm>>) target(%arg10 : memref<128x128xf32, #tpu.memory_space<vmem>>) offsets(%dma_start3A_85 : memref<128xi32, #tpu.memory_space<vmem>>) semaphore(%arg13 : memref<!tpu.dma_semaphore, #tpu.memory_space<semaphore_mem>>)
        %dma_wait3A = arith.constant 0 : i32
        %dma_wait3A_89 = tpu.memref_slice %arg7[%mul3A_80, %dma_wait3A] : memref<48x128xi32, #tpu.memory_space<vmem>> -> memref<1x128xi32, #tpu.memory_space<vmem>>
        %dma_wait3A_90 = tpu.memref_squeeze %dma_wait3A_89 : memref<1x128xi32, #tpu.memory_space<vmem>> -> memref<128xi32, #tpu.memory_space<vmem>>
        %dma_wait3A_91 = arith.constant 0 : i32
        %dma_wait3A_92 = arith.constant 0 : i32
        %dma_wait3A_93 = tpu.memref_slice %arg2[%dma_wait3A_91, %dma_wait3A_92] : memref<10112x128xf32, #tpu.memory_space<hbm>> -> memref<10112x128xf32, #tpu.memory_space<hbm>>
        tpu.wait_indirect_dma semaphore(%arg12 : memref<!tpu.dma_semaphore, #tpu.memory_space<semaphore_mem>>) src(%dma_wait3A_93 : memref<10112x128xf32, #tpu.memory_space<hbm>>) dst(%arg9 : memref<128x128xf32, #tpu.memory_space<vmem>>)
        "tpu.region"() ({
          %run_scoped3A = tpu.sem_alloc : memref<!tpu.dma_semaphore, #tpu.memory_space<semaphore_mem>>
          %dma_start3A_106 = arith.constant 0 : i32
          %dma_start3A_107 = tpu.memref_slice %arg8[%mul3A_80, %dma_start3A_106] : memref<48x128xi32, #tpu.memory_space<vmem>> -> memref<1x128xi32, #tpu.memory_space<vmem>>
          %dma_start3A_108 = tpu.memref_squeeze %dma_start3A_107 : memref<1x128xi32, #tpu.memory_space<vmem>> -> memref<128xi32, #tpu.memory_space<vmem>>
          %dma_start3A_109 = arith.constant 0 : i32
          %dma_start3A_110 = arith.constant 0 : i32
          %dma_start3A_111 = tpu.memref_slice %arg11[%dma_start3A_109, %dma_start3A_110] : memref<10112x128xf32, #tpu.memory_space<vmem_shared>> -> memref<10112x128xf32, #tpu.memory_space<vmem_shared>>
          tpu.enqueue_indirect_dma source(%arg9 : memref<128x128xf32, #tpu.memory_space<vmem>>) target(%dma_start3A_111 : memref<10112x128xf32, #tpu.memory_space<vmem_shared>>) offsets(%dma_start3A_108 : memref<128xi32, #tpu.memory_space<vmem>>) semaphore(%run_scoped3A : memref<!tpu.dma_semaphore, #tpu.memory_space<semaphore_mem>>) {add = true}
          %dma_wait3A_112 = arith.constant 0 : i32
          %dma_wait3A_113 = tpu.memref_slice %arg8[%mul3A_80, %dma_wait3A_112] : memref<48x128xi32, #tpu.memory_space<vmem>> -> memref<1x128xi32, #tpu.memory_space<vmem>>
          %dma_wait3A_114 = tpu.memref_squeeze %dma_wait3A_113 : memref<1x128xi32, #tpu.memory_space<vmem>> -> memref<128xi32, #tpu.memory_space<vmem>>
          %dma_wait3A_115 = arith.constant 0 : i32
          %dma_wait3A_116 = arith.constant 0 : i32
          %dma_wait3A_117 = tpu.memref_slice %arg11[%dma_wait3A_115, %dma_wait3A_116] : memref<10112x128xf32, #tpu.memory_space<vmem_shared>> -> memref<10112x128xf32, #tpu.memory_space<vmem_shared>>
          tpu.wait_indirect_dma semaphore(%run_scoped3A : memref<!tpu.dma_semaphore, #tpu.memory_space<semaphore_mem>>) src(%arg9 : memref<128x128xf32, #tpu.memory_space<vmem>>) dst(%dma_wait3A_117 : memref<10112x128xf32, #tpu.memory_space<vmem_shared>>)
          tpu.yield
        }) : () -> ()
        %add3A_94 = arith.constant 1 : i32
        %add3A_95 = arith.addi %add3A_82, %add3A_94 : i32
        %lt3A = arith.constant 48 : i32
        %lt3A_96 = arith.cmpi slt, %add3A_95, %lt3A : i32
        %convert_element_type3A_97 = arith.extui %lt3A_96 : i1 to i32
        %cond3A_98 = arith.constant 0 : i32
        %cond3A_99 = arith.cmpi ne, %convert_element_type3A_97, %cond3A_98 : i32
        scf.if %cond3A_99 {
          %add3A_106 = arith.constant 1 : i32
          %add3A_107 = arith.addi %add3A_82, %add3A_106 : i32
          %dma_start3A_108 = arith.constant 0 : i32
          %dma_start3A_109 = tpu.memref_slice %arg7[%add3A_107, %dma_start3A_108] : memref<48x128xi32, #tpu.memory_space<vmem>> -> memref<1x128xi32, #tpu.memory_space<vmem>>
          %dma_start3A_110 = tpu.memref_squeeze %dma_start3A_109 : memref<1x128xi32, #tpu.memory_space<vmem>> -> memref<128xi32, #tpu.memory_space<vmem>>
          %dma_start3A_111 = arith.constant 0 : i32
          %dma_start3A_112 = arith.constant 0 : i32
          %dma_start3A_113 = tpu.memref_slice %arg2[%dma_start3A_111, %dma_start3A_112] : memref<10112x128xf32, #tpu.memory_space<hbm>> -> memref<10112x128xf32, #tpu.memory_space<hbm>>
          tpu.enqueue_indirect_dma source(%dma_start3A_113 : memref<10112x128xf32, #tpu.memory_space<hbm>>) target(%arg9 : memref<128x128xf32, #tpu.memory_space<vmem>>) offsets(%dma_start3A_110 : memref<128xi32, #tpu.memory_space<vmem>>) semaphore(%arg12 : memref<!tpu.dma_semaphore, #tpu.memory_space<semaphore_mem>>)
        } else {
        }
        %dma_wait3A_100 = arith.constant 0 : i32
        %dma_wait3A_101 = tpu.memref_slice %arg7[%add3A_82, %dma_wait3A_100] : memref<48x128xi32, #tpu.memory_space<vmem>> -> memref<1x128xi32, #tpu.memory_space<vmem>>
        %dma_wait3A_102 = tpu.memref_squeeze %dma_wait3A_101 : memref<1x128xi32, #tpu.memory_space<vmem>> -> memref<128xi32, #tpu.memory_space<vmem>>
        %dma_wait3A_103 = arith.constant 0 : i32
        %dma_wait3A_104 = arith.constant 0 : i32
        %dma_wait3A_105 = tpu.memref_slice %arg2[%dma_wait3A_103, %dma_wait3A_104] : memref<10112x128xf32, #tpu.memory_space<hbm>> -> memref<10112x128xf32, #tpu.memory_space<hbm>>
        tpu.wait_indirect_dma semaphore(%arg13 : memref<!tpu.dma_semaphore, #tpu.memory_space<semaphore_mem>>) src(%dma_wait3A_105 : memref<10112x128xf32, #tpu.memory_space<hbm>>) dst(%arg10 : memref<128x128xf32, #tpu.memory_space<vmem>>)
        "tpu.region"() ({
          %run_scoped3A = tpu.sem_alloc : memref<!tpu.dma_semaphore, #tpu.memory_space<semaphore_mem>>
          %dma_start3A_106 = arith.constant 0 : i32
          %dma_start3A_107 = tpu.memref_slice %arg8[%add3A_82, %dma_start3A_106] : memref<48x128xi32, #tpu.memory_space<vmem>> -> memref<1x128xi32, #tpu.memory_space<vmem>>
          %dma_start3A_108 = tpu.memref_squeeze %dma_start3A_107 : memref<1x128xi32, #tpu.memory_space<vmem>> -> memref<128xi32, #tpu.memory_space<vmem>>
          %dma_start3A_109 = arith.constant 0 : i32
          %dma_start3A_110 = arith.constant 0 : i32
          %dma_start3A_111 = tpu.memref_slice %arg11[%dma_start3A_109, %dma_start3A_110] : memref<10112x128xf32, #tpu.memory_space<vmem_shared>> -> memref<10112x128xf32, #tpu.memory_space<vmem_shared>>
          tpu.enqueue_indirect_dma source(%arg10 : memref<128x128xf32, #tpu.memory_space<vmem>>) target(%dma_start3A_111 : memref<10112x128xf32, #tpu.memory_space<vmem_shared>>) offsets(%dma_start3A_108 : memref<128xi32, #tpu.memory_space<vmem>>) semaphore(%run_scoped3A : memref<!tpu.dma_semaphore, #tpu.memory_space<semaphore_mem>>) {add = true}
          %dma_wait3A_112 = arith.constant 0 : i32
          %dma_wait3A_113 = tpu.memref_slice %arg8[%add3A_82, %dma_wait3A_112] : memref<48x128xi32, #tpu.memory_space<vmem>> -> memref<1x128xi32, #tpu.memory_space<vmem>>
          %dma_wait3A_114 = tpu.memref_squeeze %dma_wait3A_113 : memref<1x128xi32, #tpu.memory_space<vmem>> -> memref<128xi32, #tpu.memory_space<vmem>>
          %dma_wait3A_115 = arith.constant 0 : i32
          %dma_wait3A_116 = arith.constant 0 : i32
          %dma_wait3A_117 = tpu.memref_slice %arg11[%dma_wait3A_115, %dma_wait3A_116] : memref<10112x128xf32, #tpu.memory_space<vmem_shared>> -> memref<10112x128xf32, #tpu.memory_space<vmem_shared>>
          tpu.wait_indirect_dma semaphore(%run_scoped3A : memref<!tpu.dma_semaphore, #tpu.memory_space<semaphore_mem>>) src(%arg10 : memref<128x128xf32, #tpu.memory_space<vmem>>) dst(%dma_wait3A_117 : memref<10112x128xf32, #tpu.memory_space<vmem_shared>>)
          tpu.yield
        }) : () -> ()
      }
      %scan3A_35 = arith.constant 24 : i32
      %mul3A_36 = arith.constant 144 : i32
      %mul3A_37 = arith.muli %arg1, %mul3A_36 : i32
      %add3A_38 = arith.constant 48 : i32
      %add3A_39 = arith.addi %mul3A_37, %add3A_38 : i32
      "tpu.region"() ({
        %run_scoped3A = tpu.sem_alloc : memref<!tpu.dma_semaphore, #tpu.memory_space<semaphore_mem>>
        %dma_start3A_78 = arith.constant 0 : i32
        %dma_start3A_79 = tpu.memref_slice %arg3[%add3A_39, %dma_start3A_78] : memref<2560x128xi32, #tpu.memory_space<hbm>> -> memref<48x128xi32, #tpu.memory_space<hbm>>
        %dma_start3A_80 = arith.constant 0 : i32
        %dma_start3A_81 = tpu.memref_slice %arg3[%add3A_39, %dma_start3A_80] : memref<2560x128xi32, #tpu.memory_space<hbm>> -> memref<48x128xi32, #tpu.memory_space<hbm>>
        tpu.enqueue_dma source(%dma_start3A_81 : memref<48x128xi32, #tpu.memory_space<hbm>>) target(%arg7 : memref<48x128xi32, #tpu.memory_space<vmem>>) target_semaphore(%run_scoped3A : memref<!tpu.dma_semaphore, #tpu.memory_space<semaphore_mem>>)
        %dma_wait3A = arith.constant 0 : i32
        %dma_wait3A_82 = tpu.memref_slice %arg3[%add3A_39, %dma_wait3A] : memref<2560x128xi32, #tpu.memory_space<hbm>> -> memref<48x128xi32, #tpu.memory_space<hbm>>
        %dma_wait3A_83 = arith.constant 0 : i32
        %dma_wait3A_84 = tpu.memref_slice %arg3[%add3A_39, %dma_wait3A_83] : memref<2560x128xi32, #tpu.memory_space<hbm>> -> memref<48x128xi32, #tpu.memory_space<hbm>>
        tpu.wait_dma2 semaphore(%run_scoped3A : memref<!tpu.dma_semaphore, #tpu.memory_space<semaphore_mem>>) src(%dma_wait3A_84 : memref<48x128xi32, #tpu.memory_space<hbm>>) dst(%arg7 : memref<48x128xi32, #tpu.memory_space<vmem>>)
        tpu.yield
      }) : () -> ()
      %mul3A_40 = arith.constant 144 : i32
      %mul3A_41 = arith.muli %arg1, %mul3A_40 : i32
      %add3A_42 = arith.constant 48 : i32
      %add3A_43 = arith.addi %mul3A_41, %add3A_42 : i32
      "tpu.region"() ({
        %run_scoped3A = tpu.sem_alloc : memref<!tpu.dma_semaphore, #tpu.memory_space<semaphore_mem>>
        %dma_start3A_78 = arith.constant 0 : i32
        %dma_start3A_79 = tpu.memref_slice %arg4[%add3A_43, %dma_start3A_78] : memref<2560x128xi32, #tpu.memory_space<hbm>> -> memref<48x128xi32, #tpu.memory_space<hbm>>
        %dma_start3A_80 = arith.constant 0 : i32
        %dma_start3A_81 = tpu.memref_slice %arg4[%add3A_43, %dma_start3A_80] : memref<2560x128xi32, #tpu.memory_space<hbm>> -> memref<48x128xi32, #tpu.memory_space<hbm>>
        tpu.enqueue_dma source(%dma_start3A_81 : memref<48x128xi32, #tpu.memory_space<hbm>>) target(%arg8 : memref<48x128xi32, #tpu.memory_space<vmem>>) target_semaphore(%run_scoped3A : memref<!tpu.dma_semaphore, #tpu.memory_space<semaphore_mem>>)
        %dma_wait3A = arith.constant 0 : i32
        %dma_wait3A_82 = tpu.memref_slice %arg4[%add3A_43, %dma_wait3A] : memref<2560x128xi32, #tpu.memory_space<hbm>> -> memref<48x128xi32, #tpu.memory_space<hbm>>
        %dma_wait3A_83 = arith.constant 0 : i32
        %dma_wait3A_84 = tpu.memref_slice %arg4[%add3A_43, %dma_wait3A_83] : memref<2560x128xi32, #tpu.memory_space<hbm>> -> memref<48x128xi32, #tpu.memory_space<hbm>>
        tpu.wait_dma2 semaphore(%run_scoped3A : memref<!tpu.dma_semaphore, #tpu.memory_space<semaphore_mem>>) src(%dma_wait3A_84 : memref<48x128xi32, #tpu.memory_space<hbm>>) dst(%arg8 : memref<48x128xi32, #tpu.memory_space<vmem>>)
        tpu.yield
      }) : () -> ()
      %dma_start3A_44 = arith.constant 0 : i32
      %dma_start3A_45 = arith.constant 0 : i32
      %dma_start3A_46 = tpu.memref_slice %arg7[%dma_start3A_44, %dma_start3A_45] : memref<48x128xi32, #tpu.memory_space<vmem>> -> memref<1x128xi32, #tpu.memory_space<vmem>>
      %dma_start3A_47 = tpu.memref_squeeze %dma_start3A_46 : memref<1x128xi32, #tpu.memory_space<vmem>> -> memref<128xi32, #tpu.memory_space<vmem>>
      %dma_start3A_48 = arith.constant 0 : i32
      %dma_start3A_49 = arith.constant 0 : i32
      %dma_start3A_50 = tpu.memref_slice %arg2[%dma_start3A_48, %dma_start3A_49] : memref<10112x128xf32, #tpu.memory_space<hbm>> -> memref<10112x128xf32, #tpu.memory_space<hbm>>
      tpu.enqueue_indirect_dma source(%dma_start3A_50 : memref<10112x128xf32, #tpu.memory_space<hbm>>) target(%arg9 : memref<128x128xf32, #tpu.memory_space<vmem>>) offsets(%dma_start3A_47 : memref<128xi32, #tpu.memory_space<vmem>>) semaphore(%arg12 : memref<!tpu.dma_semaphore, #tpu.memory_space<semaphore_mem>>)
      %scan3A_51 = arith.constant 0 : i32
      %scan3A_52 = arith.constant 0 : i32
      %scan3A_53 = arith.constant 24 : i32
      %scan3A_54 = arith.addi %scan3A_52, %scan3A_53 : i32
      %scan3A_55 = arith.constant 1 : i32
      scf.for %scan3A_78 = %scan3A_52 to %scan3A_54 step %scan3A_55  : i32 {
        %mul3A_79 = arith.constant 2 : i32
        %mul3A_80 = arith.muli %mul3A_79, %scan3A_78 : i32
        %add3A_81 = arith.constant 1 : i32
        %add3A_82 = arith.addi %mul3A_80, %add3A_81 : i32
        %dma_start3A_83 = arith.constant 0 : i32
        %dma_start3A_84 = tpu.memref_slice %arg7[%add3A_82, %dma_start3A_83] : memref<48x128xi32, #tpu.memory_space<vmem>> -> memref<1x128xi32, #tpu.memory_space<vmem>>
        %dma_start3A_85 = tpu.memref_squeeze %dma_start3A_84 : memref<1x128xi32, #tpu.memory_space<vmem>> -> memref<128xi32, #tpu.memory_space<vmem>>
        %dma_start3A_86 = arith.constant 0 : i32
        %dma_start3A_87 = arith.constant 0 : i32
        %dma_start3A_88 = tpu.memref_slice %arg2[%dma_start3A_86, %dma_start3A_87] : memref<10112x128xf32, #tpu.memory_space<hbm>> -> memref<10112x128xf32, #tpu.memory_space<hbm>>
        tpu.enqueue_indirect_dma source(%dma_start3A_88 : memref<10112x128xf32, #tpu.memory_space<hbm>>) target(%arg10 : memref<128x128xf32, #tpu.memory_space<vmem>>) offsets(%dma_start3A_85 : memref<128xi32, #tpu.memory_space<vmem>>) semaphore(%arg13 : memref<!tpu.dma_semaphore, #tpu.memory_space<semaphore_mem>>)
        %dma_wait3A = arith.constant 0 : i32
        %dma_wait3A_89 = tpu.memref_slice %arg7[%mul3A_80, %dma_wait3A] : memref<48x128xi32, #tpu.memory_space<vmem>> -> memref<1x128xi32, #tpu.memory_space<vmem>>
        %dma_wait3A_90 = tpu.memref_squeeze %dma_wait3A_89 : memref<1x128xi32, #tpu.memory_space<vmem>> -> memref<128xi32, #tpu.memory_space<vmem>>
        %dma_wait3A_91 = arith.constant 0 : i32
        %dma_wait3A_92 = arith.constant 0 : i32
        %dma_wait3A_93 = tpu.memref_slice %arg2[%dma_wait3A_91, %dma_wait3A_92] : memref<10112x128xf32, #tpu.memory_space<hbm>> -> memref<10112x128xf32, #tpu.memory_space<hbm>>
        tpu.wait_indirect_dma semaphore(%arg12 : memref<!tpu.dma_semaphore, #tpu.memory_space<semaphore_mem>>) src(%dma_wait3A_93 : memref<10112x128xf32, #tpu.memory_space<hbm>>) dst(%arg9 : memref<128x128xf32, #tpu.memory_space<vmem>>)
        "tpu.region"() ({
          %run_scoped3A = tpu.sem_alloc : memref<!tpu.dma_semaphore, #tpu.memory_space<semaphore_mem>>
          %dma_start3A_106 = arith.constant 0 : i32
          %dma_start3A_107 = tpu.memref_slice %arg8[%mul3A_80, %dma_start3A_106] : memref<48x128xi32, #tpu.memory_space<vmem>> -> memref<1x128xi32, #tpu.memory_space<vmem>>
          %dma_start3A_108 = tpu.memref_squeeze %dma_start3A_107 : memref<1x128xi32, #tpu.memory_space<vmem>> -> memref<128xi32, #tpu.memory_space<vmem>>
          %dma_start3A_109 = arith.constant 0 : i32
          %dma_start3A_110 = arith.constant 0 : i32
          %dma_start3A_111 = tpu.memref_slice %arg11[%dma_start3A_109, %dma_start3A_110] : memref<10112x128xf32, #tpu.memory_space<vmem_shared>> -> memref<10112x128xf32, #tpu.memory_space<vmem_shared>>
          tpu.enqueue_indirect_dma source(%arg9 : memref<128x128xf32, #tpu.memory_space<vmem>>) target(%dma_start3A_111 : memref<10112x128xf32, #tpu.memory_space<vmem_shared>>) offsets(%dma_start3A_108 : memref<128xi32, #tpu.memory_space<vmem>>) semaphore(%run_scoped3A : memref<!tpu.dma_semaphore, #tpu.memory_space<semaphore_mem>>) {add = true}
          %dma_wait3A_112 = arith.constant 0 : i32
          %dma_wait3A_113 = tpu.memref_slice %arg8[%mul3A_80, %dma_wait3A_112] : memref<48x128xi32, #tpu.memory_space<vmem>> -> memref<1x128xi32, #tpu.memory_space<vmem>>
          %dma_wait3A_114 = tpu.memref_squeeze %dma_wait3A_113 : memref<1x128xi32, #tpu.memory_space<vmem>> -> memref<128xi32, #tpu.memory_space<vmem>>
          %dma_wait3A_115 = arith.constant 0 : i32
          %dma_wait3A_116 = arith.constant 0 : i32
          %dma_wait3A_117 = tpu.memref_slice %arg11[%dma_wait3A_115, %dma_wait3A_116] : memref<10112x128xf32, #tpu.memory_space<vmem_shared>> -> memref<10112x128xf32, #tpu.memory_space<vmem_shared>>
          tpu.wait_indirect_dma semaphore(%run_scoped3A : memref<!tpu.dma_semaphore, #tpu.memory_space<semaphore_mem>>) src(%arg9 : memref<128x128xf32, #tpu.memory_space<vmem>>) dst(%dma_wait3A_117 : memref<10112x128xf32, #tpu.memory_space<vmem_shared>>)
          tpu.yield
        }) : () -> ()
        %add3A_94 = arith.constant 1 : i32
        %add3A_95 = arith.addi %add3A_82, %add3A_94 : i32
        %lt3A = arith.constant 48 : i32
        %lt3A_96 = arith.cmpi slt, %add3A_95, %lt3A : i32
        %convert_element_type3A_97 = arith.extui %lt3A_96 : i1 to i32
        %cond3A_98 = arith.constant 0 : i32
        %cond3A_99 = arith.cmpi ne, %convert_element_type3A_97, %cond3A_98 : i32
        scf.if %cond3A_99 {
          %add3A_106 = arith.constant 1 : i32
          %add3A_107 = arith.addi %add3A_82, %add3A_106 : i32
          %dma_start3A_108 = arith.constant 0 : i32
          %dma_start3A_109 = tpu.memref_slice %arg7[%add3A_107, %dma_start3A_108] : memref<48x128xi32, #tpu.memory_space<vmem>> -> memref<1x128xi32, #tpu.memory_space<vmem>>
          %dma_start3A_110 = tpu.memref_squeeze %dma_start3A_109 : memref<1x128xi32, #tpu.memory_space<vmem>> -> memref<128xi32, #tpu.memory_space<vmem>>
          %dma_start3A_111 = arith.constant 0 : i32
          %dma_start3A_112 = arith.constant 0 : i32
          %dma_start3A_113 = tpu.memref_slice %arg2[%dma_start3A_111, %dma_start3A_112] : memref<10112x128xf32, #tpu.memory_space<hbm>> -> memref<10112x128xf32, #tpu.memory_space<hbm>>
          tpu.enqueue_indirect_dma source(%dma_start3A_113 : memref<10112x128xf32, #tpu.memory_space<hbm>>) target(%arg9 : memref<128x128xf32, #tpu.memory_space<vmem>>) offsets(%dma_start3A_110 : memref<128xi32, #tpu.memory_space<vmem>>) semaphore(%arg12 : memref<!tpu.dma_semaphore, #tpu.memory_space<semaphore_mem>>)
        } else {
        }
        %dma_wait3A_100 = arith.constant 0 : i32
        %dma_wait3A_101 = tpu.memref_slice %arg7[%add3A_82, %dma_wait3A_100] : memref<48x128xi32, #tpu.memory_space<vmem>> -> memref<1x128xi32, #tpu.memory_space<vmem>>
        %dma_wait3A_102 = tpu.memref_squeeze %dma_wait3A_101 : memref<1x128xi32, #tpu.memory_space<vmem>> -> memref<128xi32, #tpu.memory_space<vmem>>
        %dma_wait3A_103 = arith.constant 0 : i32
        %dma_wait3A_104 = arith.constant 0 : i32
        %dma_wait3A_105 = tpu.memref_slice %arg2[%dma_wait3A_103, %dma_wait3A_104] : memref<10112x128xf32, #tpu.memory_space<hbm>> -> memref<10112x128xf32, #tpu.memory_space<hbm>>
        tpu.wait_indirect_dma semaphore(%arg13 : memref<!tpu.dma_semaphore, #tpu.memory_space<semaphore_mem>>) src(%dma_wait3A_105 : memref<10112x128xf32, #tpu.memory_space<hbm>>) dst(%arg10 : memref<128x128xf32, #tpu.memory_space<vmem>>)
        "tpu.region"() ({
          %run_scoped3A = tpu.sem_alloc : memref<!tpu.dma_semaphore, #tpu.memory_space<semaphore_mem>>
          %dma_start3A_106 = arith.constant 0 : i32
          %dma_start3A_107 = tpu.memref_slice %arg8[%add3A_82, %dma_start3A_106] : memref<48x128xi32, #tpu.memory_space<vmem>> -> memref<1x128xi32, #tpu.memory_space<vmem>>
          %dma_start3A_108 = tpu.memref_squeeze %dma_start3A_107 : memref<1x128xi32, #tpu.memory_space<vmem>> -> memref<128xi32, #tpu.memory_space<vmem>>
          %dma_start3A_109 = arith.constant 0 : i32
          %dma_start3A_110 = arith.constant 0 : i32
          %dma_start3A_111 = tpu.memref_slice %arg11[%dma_start3A_109, %dma_start3A_110] : memref<10112x128xf32, #tpu.memory_space<vmem_shared>> -> memref<10112x128xf32, #tpu.memory_space<vmem_shared>>
          tpu.enqueue_indirect_dma source(%arg10 : memref<128x128xf32, #tpu.memory_space<vmem>>) target(%dma_start3A_111 : memref<10112x128xf32, #tpu.memory_space<vmem_shared>>) offsets(%dma_start3A_108 : memref<128xi32, #tpu.memory_space<vmem>>) semaphore(%run_scoped3A : memref<!tpu.dma_semaphore, #tpu.memory_space<semaphore_mem>>) {add = true}
          %dma_wait3A_112 = arith.constant 0 : i32
          %dma_wait3A_113 = tpu.memref_slice %arg8[%add3A_82, %dma_wait3A_112] : memref<48x128xi32, #tpu.memory_space<vmem>> -> memref<1x128xi32, #tpu.memory_space<vmem>>
          %dma_wait3A_114 = tpu.memref_squeeze %dma_wait3A_113 : memref<1x128xi32, #tpu.memory_space<vmem>> -> memref<128xi32, #tpu.memory_space<vmem>>
          %dma_wait3A_115 = arith.constant 0 : i32
          %dma_wait3A_116 = arith.constant 0 : i32
          %dma_wait3A_117 = tpu.memref_slice %arg11[%dma_wait3A_115, %dma_wait3A_116] : memref<10112x128xf32, #tpu.memory_space<vmem_shared>> -> memref<10112x128xf32, #tpu.memory_space<vmem_shared>>
          tpu.wait_indirect_dma semaphore(%run_scoped3A : memref<!tpu.dma_semaphore, #tpu.memory_space<semaphore_mem>>) src(%arg10 : memref<128x128xf32, #tpu.memory_space<vmem>>) dst(%dma_wait3A_117 : memref<10112x128xf32, #tpu.memory_space<vmem_shared>>)
          tpu.yield
        }) : () -> ()
      }
      %scan3A_56 = arith.constant 24 : i32
      %mul3A_57 = arith.constant 144 : i32
      %mul3A_58 = arith.muli %arg1, %mul3A_57 : i32
      %add3A_59 = arith.constant 96 : i32
      %add3A_60 = arith.addi %mul3A_58, %add3A_59 : i32
      "tpu.region"() ({
        %run_scoped3A = tpu.sem_alloc : memref<!tpu.dma_semaphore, #tpu.memory_space<semaphore_mem>>
        %dma_start3A_78 = arith.constant 0 : i32
        %dma_start3A_79 = tpu.memref_slice %arg3[%add3A_60, %dma_start3A_78] : memref<2560x128xi32, #tpu.memory_space<hbm>> -> memref<48x128xi32, #tpu.memory_space<hbm>>
        %dma_start3A_80 = arith.constant 0 : i32
        %dma_start3A_81 = tpu.memref_slice %arg3[%add3A_60, %dma_start3A_80] : memref<2560x128xi32, #tpu.memory_space<hbm>> -> memref<48x128xi32, #tpu.memory_space<hbm>>
        tpu.enqueue_dma source(%dma_start3A_81 : memref<48x128xi32, #tpu.memory_space<hbm>>) target(%arg7 : memref<48x128xi32, #tpu.memory_space<vmem>>) target_semaphore(%run_scoped3A : memref<!tpu.dma_semaphore, #tpu.memory_space<semaphore_mem>>)
        %dma_wait3A = arith.constant 0 : i32
        %dma_wait3A_82 = tpu.memref_slice %arg3[%add3A_60, %dma_wait3A] : memref<2560x128xi32, #tpu.memory_space<hbm>> -> memref<48x128xi32, #tpu.memory_space<hbm>>
        %dma_wait3A_83 = arith.constant 0 : i32
        %dma_wait3A_84 = tpu.memref_slice %arg3[%add3A_60, %dma_wait3A_83] : memref<2560x128xi32, #tpu.memory_space<hbm>> -> memref<48x128xi32, #tpu.memory_space<hbm>>
        tpu.wait_dma2 semaphore(%run_scoped3A : memref<!tpu.dma_semaphore, #tpu.memory_space<semaphore_mem>>) src(%dma_wait3A_84 : memref<48x128xi32, #tpu.memory_space<hbm>>) dst(%arg7 : memref<48x128xi32, #tpu.memory_space<vmem>>)
        tpu.yield
      }) : () -> ()
      %mul3A_61 = arith.constant 144 : i32
      %mul3A_62 = arith.muli %arg1, %mul3A_61 : i32
      %add3A_63 = arith.constant 96 : i32
      %add3A_64 = arith.addi %mul3A_62, %add3A_63 : i32
      "tpu.region"() ({
        %run_scoped3A = tpu.sem_alloc : memref<!tpu.dma_semaphore, #tpu.memory_space<semaphore_mem>>
        %dma_start3A_78 = arith.constant 0 : i32
        %dma_start3A_79 = tpu.memref_slice %arg4[%add3A_64, %dma_start3A_78] : memref<2560x128xi32, #tpu.memory_space<hbm>> -> memref<48x128xi32, #tpu.memory_space<hbm>>
        %dma_start3A_80 = arith.constant 0 : i32
        %dma_start3A_81 = tpu.memref_slice %arg4[%add3A_64, %dma_start3A_80] : memref<2560x128xi32, #tpu.memory_space<hbm>> -> memref<48x128xi32, #tpu.memory_space<hbm>>
        tpu.enqueue_dma source(%dma_start3A_81 : memref<48x128xi32, #tpu.memory_space<hbm>>) target(%arg8 : memref<48x128xi32, #tpu.memory_space<vmem>>) target_semaphore(%run_scoped3A : memref<!tpu.dma_semaphore, #tpu.memory_space<semaphore_mem>>)
        %dma_wait3A = arith.constant 0 : i32
        %dma_wait3A_82 = tpu.memref_slice %arg4[%add3A_64, %dma_wait3A] : memref<2560x128xi32, #tpu.memory_space<hbm>> -> memref<48x128xi32, #tpu.memory_space<hbm>>
        %dma_wait3A_83 = arith.constant 0 : i32
        %dma_wait3A_84 = tpu.memref_slice %arg4[%add3A_64, %dma_wait3A_83] : memref<2560x128xi32, #tpu.memory_space<hbm>> -> memref<48x128xi32, #tpu.memory_space<hbm>>
        tpu.wait_dma2 semaphore(%run_scoped3A : memref<!tpu.dma_semaphore, #tpu.memory_space<semaphore_mem>>) src(%dma_wait3A_84 : memref<48x128xi32, #tpu.memory_space<hbm>>) dst(%arg8 : memref<48x128xi32, #tpu.memory_space<vmem>>)
        tpu.yield
      }) : () -> ()
      %dma_start3A_65 = arith.constant 0 : i32
      %dma_start3A_66 = arith.constant 0 : i32
      %dma_start3A_67 = tpu.memref_slice %arg7[%dma_start3A_65, %dma_start3A_66] : memref<48x128xi32, #tpu.memory_space<vmem>> -> memref<1x128xi32, #tpu.memory_space<vmem>>
      %dma_start3A_68 = tpu.memref_squeeze %dma_start3A_67 : memref<1x128xi32, #tpu.memory_space<vmem>> -> memref<128xi32, #tpu.memory_space<vmem>>
      %dma_start3A_69 = arith.constant 0 : i32
      %dma_start3A_70 = arith.constant 0 : i32
      %dma_start3A_71 = tpu.memref_slice %arg2[%dma_start3A_69, %dma_start3A_70] : memref<10112x128xf32, #tpu.memory_space<hbm>> -> memref<10112x128xf32, #tpu.memory_space<hbm>>
      tpu.enqueue_indirect_dma source(%dma_start3A_71 : memref<10112x128xf32, #tpu.memory_space<hbm>>) target(%arg9 : memref<128x128xf32, #tpu.memory_space<vmem>>) offsets(%dma_start3A_68 : memref<128xi32, #tpu.memory_space<vmem>>) semaphore(%arg12 : memref<!tpu.dma_semaphore, #tpu.memory_space<semaphore_mem>>)
      %scan3A_72 = arith.constant 0 : i32
      %scan3A_73 = arith.constant 0 : i32
      %scan3A_74 = arith.constant 24 : i32
      %scan3A_75 = arith.addi %scan3A_73, %scan3A_74 : i32
      %scan3A_76 = arith.constant 1 : i32
      scf.for %scan3A_78 = %scan3A_73 to %scan3A_75 step %scan3A_76  : i32 {
        %mul3A_79 = arith.constant 2 : i32
        %mul3A_80 = arith.muli %mul3A_79, %scan3A_78 : i32
        %add3A_81 = arith.constant 1 : i32
        %add3A_82 = arith.addi %mul3A_80, %add3A_81 : i32
        %dma_start3A_83 = arith.constant 0 : i32
        %dma_start3A_84 = tpu.memref_slice %arg7[%add3A_82, %dma_start3A_83] : memref<48x128xi32, #tpu.memory_space<vmem>> -> memref<1x128xi32, #tpu.memory_space<vmem>>
        %dma_start3A_85 = tpu.memref_squeeze %dma_start3A_84 : memref<1x128xi32, #tpu.memory_space<vmem>> -> memref<128xi32, #tpu.memory_space<vmem>>
        %dma_start3A_86 = arith.constant 0 : i32
        %dma_start3A_87 = arith.constant 0 : i32
        %dma_start3A_88 = tpu.memref_slice %arg2[%dma_start3A_86, %dma_start3A_87] : memref<10112x128xf32, #tpu.memory_space<hbm>> -> memref<10112x128xf32, #tpu.memory_space<hbm>>
        tpu.enqueue_indirect_dma source(%dma_start3A_88 : memref<10112x128xf32, #tpu.memory_space<hbm>>) target(%arg10 : memref<128x128xf32, #tpu.memory_space<vmem>>) offsets(%dma_start3A_85 : memref<128xi32, #tpu.memory_space<vmem>>) semaphore(%arg13 : memref<!tpu.dma_semaphore, #tpu.memory_space<semaphore_mem>>)
        %dma_wait3A = arith.constant 0 : i32
        %dma_wait3A_89 = tpu.memref_slice %arg7[%mul3A_80, %dma_wait3A] : memref<48x128xi32, #tpu.memory_space<vmem>> -> memref<1x128xi32, #tpu.memory_space<vmem>>
        %dma_wait3A_90 = tpu.memref_squeeze %dma_wait3A_89 : memref<1x128xi32, #tpu.memory_space<vmem>> -> memref<128xi32, #tpu.memory_space<vmem>>
        %dma_wait3A_91 = arith.constant 0 : i32
        %dma_wait3A_92 = arith.constant 0 : i32
        %dma_wait3A_93 = tpu.memref_slice %arg2[%dma_wait3A_91, %dma_wait3A_92] : memref<10112x128xf32, #tpu.memory_space<hbm>> -> memref<10112x128xf32, #tpu.memory_space<hbm>>
        tpu.wait_indirect_dma semaphore(%arg12 : memref<!tpu.dma_semaphore, #tpu.memory_space<semaphore_mem>>) src(%dma_wait3A_93 : memref<10112x128xf32, #tpu.memory_space<hbm>>) dst(%arg9 : memref<128x128xf32, #tpu.memory_space<vmem>>)
        "tpu.region"() ({
          %run_scoped3A = tpu.sem_alloc : memref<!tpu.dma_semaphore, #tpu.memory_space<semaphore_mem>>
          %dma_start3A_106 = arith.constant 0 : i32
          %dma_start3A_107 = tpu.memref_slice %arg8[%mul3A_80, %dma_start3A_106] : memref<48x128xi32, #tpu.memory_space<vmem>> -> memref<1x128xi32, #tpu.memory_space<vmem>>
          %dma_start3A_108 = tpu.memref_squeeze %dma_start3A_107 : memref<1x128xi32, #tpu.memory_space<vmem>> -> memref<128xi32, #tpu.memory_space<vmem>>
          %dma_start3A_109 = arith.constant 0 : i32
          %dma_start3A_110 = arith.constant 0 : i32
          %dma_start3A_111 = tpu.memref_slice %arg11[%dma_start3A_109, %dma_start3A_110] : memref<10112x128xf32, #tpu.memory_space<vmem_shared>> -> memref<10112x128xf32, #tpu.memory_space<vmem_shared>>
          tpu.enqueue_indirect_dma source(%arg9 : memref<128x128xf32, #tpu.memory_space<vmem>>) target(%dma_start3A_111 : memref<10112x128xf32, #tpu.memory_space<vmem_shared>>) offsets(%dma_start3A_108 : memref<128xi32, #tpu.memory_space<vmem>>) semaphore(%run_scoped3A : memref<!tpu.dma_semaphore, #tpu.memory_space<semaphore_mem>>) {add = true}
          %dma_wait3A_112 = arith.constant 0 : i32
          %dma_wait3A_113 = tpu.memref_slice %arg8[%mul3A_80, %dma_wait3A_112] : memref<48x128xi32, #tpu.memory_space<vmem>> -> memref<1x128xi32, #tpu.memory_space<vmem>>
          %dma_wait3A_114 = tpu.memref_squeeze %dma_wait3A_113 : memref<1x128xi32, #tpu.memory_space<vmem>> -> memref<128xi32, #tpu.memory_space<vmem>>
          %dma_wait3A_115 = arith.constant 0 : i32
          %dma_wait3A_116 = arith.constant 0 : i32
          %dma_wait3A_117 = tpu.memref_slice %arg11[%dma_wait3A_115, %dma_wait3A_116] : memref<10112x128xf32, #tpu.memory_space<vmem_shared>> -> memref<10112x128xf32, #tpu.memory_space<vmem_shared>>
          tpu.wait_indirect_dma semaphore(%run_scoped3A : memref<!tpu.dma_semaphore, #tpu.memory_space<semaphore_mem>>) src(%arg9 : memref<128x128xf32, #tpu.memory_space<vmem>>) dst(%dma_wait3A_117 : memref<10112x128xf32, #tpu.memory_space<vmem_shared>>)
          tpu.yield
        }) : () -> ()
        %add3A_94 = arith.constant 1 : i32
        %add3A_95 = arith.addi %add3A_82, %add3A_94 : i32
        %lt3A = arith.constant 48 : i32
        %lt3A_96 = arith.cmpi slt, %add3A_95, %lt3A : i32
        %convert_element_type3A_97 = arith.extui %lt3A_96 : i1 to i32
        %cond3A_98 = arith.constant 0 : i32
        %cond3A_99 = arith.cmpi ne, %convert_element_type3A_97, %cond3A_98 : i32
        scf.if %cond3A_99 {
          %add3A_106 = arith.constant 1 : i32
          %add3A_107 = arith.addi %add3A_82, %add3A_106 : i32
          %dma_start3A_108 = arith.constant 0 : i32
          %dma_start3A_109 = tpu.memref_slice %arg7[%add3A_107, %dma_start3A_108] : memref<48x128xi32, #tpu.memory_space<vmem>> -> memref<1x128xi32, #tpu.memory_space<vmem>>
          %dma_start3A_110 = tpu.memref_squeeze %dma_start3A_109 : memref<1x128xi32, #tpu.memory_space<vmem>> -> memref<128xi32, #tpu.memory_space<vmem>>
          %dma_start3A_111 = arith.constant 0 : i32
          %dma_start3A_112 = arith.constant 0 : i32
          %dma_start3A_113 = tpu.memref_slice %arg2[%dma_start3A_111, %dma_start3A_112] : memref<10112x128xf32, #tpu.memory_space<hbm>> -> memref<10112x128xf32, #tpu.memory_space<hbm>>
          tpu.enqueue_indirect_dma source(%dma_start3A_113 : memref<10112x128xf32, #tpu.memory_space<hbm>>) target(%arg9 : memref<128x128xf32, #tpu.memory_space<vmem>>) offsets(%dma_start3A_110 : memref<128xi32, #tpu.memory_space<vmem>>) semaphore(%arg12 : memref<!tpu.dma_semaphore, #tpu.memory_space<semaphore_mem>>)
        } else {
        }
        %dma_wait3A_100 = arith.constant 0 : i32
        %dma_wait3A_101 = tpu.memref_slice %arg7[%add3A_82, %dma_wait3A_100] : memref<48x128xi32, #tpu.memory_space<vmem>> -> memref<1x128xi32, #tpu.memory_space<vmem>>
        %dma_wait3A_102 = tpu.memref_squeeze %dma_wait3A_101 : memref<1x128xi32, #tpu.memory_space<vmem>> -> memref<128xi32, #tpu.memory_space<vmem>>
        %dma_wait3A_103 = arith.constant 0 : i32
        %dma_wait3A_104 = arith.constant 0 : i32
        %dma_wait3A_105 = tpu.memref_slice %arg2[%dma_wait3A_103, %dma_wait3A_104] : memref<10112x128xf32, #tpu.memory_space<hbm>> -> memref<10112x128xf32, #tpu.memory_space<hbm>>
        tpu.wait_indirect_dma semaphore(%arg13 : memref<!tpu.dma_semaphore, #tpu.memory_space<semaphore_mem>>) src(%dma_wait3A_105 : memref<10112x128xf32, #tpu.memory_space<hbm>>) dst(%arg10 : memref<128x128xf32, #tpu.memory_space<vmem>>)
        "tpu.region"() ({
          %run_scoped3A = tpu.sem_alloc : memref<!tpu.dma_semaphore, #tpu.memory_space<semaphore_mem>>
          %dma_start3A_106 = arith.constant 0 : i32
          %dma_start3A_107 = tpu.memref_slice %arg8[%add3A_82, %dma_start3A_106] : memref<48x128xi32, #tpu.memory_space<vmem>> -> memref<1x128xi32, #tpu.memory_space<vmem>>
          %dma_start3A_108 = tpu.memref_squeeze %dma_start3A_107 : memref<1x128xi32, #tpu.memory_space<vmem>> -> memref<128xi32, #tpu.memory_space<vmem>>
          %dma_start3A_109 = arith.constant 0 : i32
          %dma_start3A_110 = arith.constant 0 : i32
          %dma_start3A_111 = tpu.memref_slice %arg11[%dma_start3A_109, %dma_start3A_110] : memref<10112x128xf32, #tpu.memory_space<vmem_shared>> -> memref<10112x128xf32, #tpu.memory_space<vmem_shared>>
          tpu.enqueue_indirect_dma source(%arg10 : memref<128x128xf32, #tpu.memory_space<vmem>>) target(%dma_start3A_111 : memref<10112x128xf32, #tpu.memory_space<vmem_shared>>) offsets(%dma_start3A_108 : memref<128xi32, #tpu.memory_space<vmem>>) semaphore(%run_scoped3A : memref<!tpu.dma_semaphore, #tpu.memory_space<semaphore_mem>>) {add = true}
          %dma_wait3A_112 = arith.constant 0 : i32
          %dma_wait3A_113 = tpu.memref_slice %arg8[%add3A_82, %dma_wait3A_112] : memref<48x128xi32, #tpu.memory_space<vmem>> -> memref<1x128xi32, #tpu.memory_space<vmem>>
          %dma_wait3A_114 = tpu.memref_squeeze %dma_wait3A_113 : memref<1x128xi32, #tpu.memory_space<vmem>> -> memref<128xi32, #tpu.memory_space<vmem>>
          %dma_wait3A_115 = arith.constant 0 : i32
          %dma_wait3A_116 = arith.constant 0 : i32
          %dma_wait3A_117 = tpu.memref_slice %arg11[%dma_wait3A_115, %dma_wait3A_116] : memref<10112x128xf32, #tpu.memory_space<vmem_shared>> -> memref<10112x128xf32, #tpu.memory_space<vmem_shared>>
          tpu.wait_indirect_dma semaphore(%run_scoped3A : memref<!tpu.dma_semaphore, #tpu.memory_space<semaphore_mem>>) src(%arg10 : memref<128x128xf32, #tpu.memory_space<vmem>>) dst(%dma_wait3A_117 : memref<10112x128xf32, #tpu.memory_space<vmem_shared>>)
          tpu.yield
        }) : () -> ()
      }
      %scan3A_77 = arith.constant 24 : i32
    } else {
    }
    %eq3A_8 = arith.constant 1 : i32
    %eq3A_9 = arith.cmpi eq, %arg0, %eq3A_8 : i32
    %convert_element_type3A_10 = arith.extui %eq3A_9 : i1 to i32
    %cond3A_11 = arith.constant 0 : i32
    %cond3A_12 = arith.cmpi ne, %convert_element_type3A_10, %cond3A_11 : i32
    scf.if %cond3A_12 {
      %dma_start3A = arith.constant 0 : i32
      %dma_start3A_18 = arith.constant 0 : i32
      %dma_start3A_19 = tpu.memref_slice %arg7[%dma_start3A, %dma_start3A_18] : memref<48x128xi32, #tpu.memory_space<vmem>> -> memref<1x128xi32, #tpu.memory_space<vmem>>
      %dma_start3A_20 = tpu.memref_squeeze %dma_start3A_19 : memref<1x128xi32, #tpu.memory_space<vmem>> -> memref<128xi32, #tpu.memory_space<vmem>>
      %dma_start3A_21 = arith.constant 0 : i32
      %dma_start3A_22 = arith.constant 0 : i32
      %dma_start3A_23 = tpu.memref_slice %arg2[%dma_start3A_21, %dma_start3A_22] : memref<10112x128xf32, #tpu.memory_space<hbm>> -> memref<10112x128xf32, #tpu.memory_space<hbm>>
      tpu.enqueue_indirect_dma source(%dma_start3A_23 : memref<10112x128xf32, #tpu.memory_space<hbm>>) target(%arg9 : memref<128x128xf32, #tpu.memory_space<vmem>>) offsets(%dma_start3A_20 : memref<128xi32, #tpu.memory_space<vmem>>) semaphore(%arg12 : memref<!tpu.dma_semaphore, #tpu.memory_space<semaphore_mem>>)
      %scan3A = arith.constant 0 : i32
      %scan3A_24 = arith.constant 0 : i32
      %scan3A_25 = arith.constant 8 : i32
      %scan3A_26 = arith.addi %scan3A_24, %scan3A_25 : i32
      %scan3A_27 = arith.constant 1 : i32
      scf.for %scan3A_29 = %scan3A_24 to %scan3A_26 step %scan3A_27  : i32 {
        %mul3A_30 = arith.constant 2 : i32
        %mul3A_31 = arith.muli %mul3A_30, %scan3A_29 : i32
        %add3A = arith.constant 1 : i32
        %add3A_32 = arith.addi %mul3A_31, %add3A : i32
        %dma_start3A_33 = arith.constant 0 : i32
        %dma_start3A_34 = tpu.memref_slice %arg7[%add3A_32, %dma_start3A_33] : memref<48x128xi32, #tpu.memory_space<vmem>> -> memref<1x128xi32, #tpu.memory_space<vmem>>
        %dma_start3A_35 = tpu.memref_squeeze %dma_start3A_34 : memref<1x128xi32, #tpu.memory_space<vmem>> -> memref<128xi32, #tpu.memory_space<vmem>>
        %dma_start3A_36 = arith.constant 0 : i32
        %dma_start3A_37 = arith.constant 0 : i32
        %dma_start3A_38 = tpu.memref_slice %arg2[%dma_start3A_36, %dma_start3A_37] : memref<10112x128xf32, #tpu.memory_space<hbm>> -> memref<10112x128xf32, #tpu.memory_space<hbm>>
        tpu.enqueue_indirect_dma source(%dma_start3A_38 : memref<10112x128xf32, #tpu.memory_space<hbm>>) target(%arg10 : memref<128x128xf32, #tpu.memory_space<vmem>>) offsets(%dma_start3A_35 : memref<128xi32, #tpu.memory_space<vmem>>) semaphore(%arg13 : memref<!tpu.dma_semaphore, #tpu.memory_space<semaphore_mem>>)
        %dma_wait3A = arith.constant 0 : i32
        %dma_wait3A_39 = tpu.memref_slice %arg7[%mul3A_31, %dma_wait3A] : memref<48x128xi32, #tpu.memory_space<vmem>> -> memref<1x128xi32, #tpu.memory_space<vmem>>
        %dma_wait3A_40 = tpu.memref_squeeze %dma_wait3A_39 : memref<1x128xi32, #tpu.memory_space<vmem>> -> memref<128xi32, #tpu.memory_space<vmem>>
        %dma_wait3A_41 = arith.constant 0 : i32
        %dma_wait3A_42 = arith.constant 0 : i32
        %dma_wait3A_43 = tpu.memref_slice %arg2[%dma_wait3A_41, %dma_wait3A_42] : memref<10112x128xf32, #tpu.memory_space<hbm>> -> memref<10112x128xf32, #tpu.memory_space<hbm>>
        tpu.wait_indirect_dma semaphore(%arg12 : memref<!tpu.dma_semaphore, #tpu.memory_space<semaphore_mem>>) src(%dma_wait3A_43 : memref<10112x128xf32, #tpu.memory_space<hbm>>) dst(%arg9 : memref<128x128xf32, #tpu.memory_space<vmem>>)
        "tpu.region"() ({
          %run_scoped3A = tpu.sem_alloc : memref<!tpu.dma_semaphore, #tpu.memory_space<semaphore_mem>>
          %dma_start3A_56 = arith.constant 0 : i32
          %dma_start3A_57 = tpu.memref_slice %arg8[%mul3A_31, %dma_start3A_56] : memref<48x128xi32, #tpu.memory_space<vmem>> -> memref<1x128xi32, #tpu.memory_space<vmem>>
          %dma_start3A_58 = tpu.memref_squeeze %dma_start3A_57 : memref<1x128xi32, #tpu.memory_space<vmem>> -> memref<128xi32, #tpu.memory_space<vmem>>
          %dma_start3A_59 = arith.constant 0 : i32
          %dma_start3A_60 = arith.constant 0 : i32
          %dma_start3A_61 = tpu.memref_slice %arg11[%dma_start3A_59, %dma_start3A_60] : memref<10112x128xf32, #tpu.memory_space<vmem_shared>> -> memref<10112x128xf32, #tpu.memory_space<vmem_shared>>
          tpu.enqueue_indirect_dma source(%arg9 : memref<128x128xf32, #tpu.memory_space<vmem>>) target(%dma_start3A_61 : memref<10112x128xf32, #tpu.memory_space<vmem_shared>>) offsets(%dma_start3A_58 : memref<128xi32, #tpu.memory_space<vmem>>) semaphore(%run_scoped3A : memref<!tpu.dma_semaphore, #tpu.memory_space<semaphore_mem>>) {add = true}
          %dma_wait3A_62 = arith.constant 0 : i32
          %dma_wait3A_63 = tpu.memref_slice %arg8[%mul3A_31, %dma_wait3A_62] : memref<48x128xi32, #tpu.memory_space<vmem>> -> memref<1x128xi32, #tpu.memory_space<vmem>>
          %dma_wait3A_64 = tpu.memref_squeeze %dma_wait3A_63 : memref<1x128xi32, #tpu.memory_space<vmem>> -> memref<128xi32, #tpu.memory_space<vmem>>
          %dma_wait3A_65 = arith.constant 0 : i32
          %dma_wait3A_66 = arith.constant 0 : i32
          %dma_wait3A_67 = tpu.memref_slice %arg11[%dma_wait3A_65, %dma_wait3A_66] : memref<10112x128xf32, #tpu.memory_space<vmem_shared>> -> memref<10112x128xf32, #tpu.memory_space<vmem_shared>>
          tpu.wait_indirect_dma semaphore(%run_scoped3A : memref<!tpu.dma_semaphore, #tpu.memory_space<semaphore_mem>>) src(%arg9 : memref<128x128xf32, #tpu.memory_space<vmem>>) dst(%dma_wait3A_67 : memref<10112x128xf32, #tpu.memory_space<vmem_shared>>)
          tpu.yield
        }) : () -> ()
        %add3A_44 = arith.constant 1 : i32
        %add3A_45 = arith.addi %add3A_32, %add3A_44 : i32
        %lt3A = arith.constant 16 : i32
        %lt3A_46 = arith.cmpi slt, %add3A_45, %lt3A : i32
        %convert_element_type3A_47 = arith.extui %lt3A_46 : i1 to i32
        %cond3A_48 = arith.constant 0 : i32
        %cond3A_49 = arith.cmpi ne, %convert_element_type3A_47, %cond3A_48 : i32
        scf.if %cond3A_49 {
          %add3A_56 = arith.constant 1 : i32
          %add3A_57 = arith.addi %add3A_32, %add3A_56 : i32
          %dma_start3A_58 = arith.constant 0 : i32
          %dma_start3A_59 = tpu.memref_slice %arg7[%add3A_57, %dma_start3A_58] : memref<48x128xi32, #tpu.memory_space<vmem>> -> memref<1x128xi32, #tpu.memory_space<vmem>>
          %dma_start3A_60 = tpu.memref_squeeze %dma_start3A_59 : memref<1x128xi32, #tpu.memory_space<vmem>> -> memref<128xi32, #tpu.memory_space<vmem>>
          %dma_start3A_61 = arith.constant 0 : i32
          %dma_start3A_62 = arith.constant 0 : i32
          %dma_start3A_63 = tpu.memref_slice %arg2[%dma_start3A_61, %dma_start3A_62] : memref<10112x128xf32, #tpu.memory_space<hbm>> -> memref<10112x128xf32, #tpu.memory_space<hbm>>
          tpu.enqueue_indirect_dma source(%dma_start3A_63 : memref<10112x128xf32, #tpu.memory_space<hbm>>) target(%arg9 : memref<128x128xf32, #tpu.memory_space<vmem>>) offsets(%dma_start3A_60 : memref<128xi32, #tpu.memory_space<vmem>>) semaphore(%arg12 : memref<!tpu.dma_semaphore, #tpu.memory_space<semaphore_mem>>)
        } else {
        }
        %dma_wait3A_50 = arith.constant 0 : i32
        %dma_wait3A_51 = tpu.memref_slice %arg7[%add3A_32, %dma_wait3A_50] : memref<48x128xi32, #tpu.memory_space<vmem>> -> memref<1x128xi32, #tpu.memory_space<vmem>>
        %dma_wait3A_52 = tpu.memref_squeeze %dma_wait3A_51 : memref<1x128xi32, #tpu.memory_space<vmem>> -> memref<128xi32, #tpu.memory_space<vmem>>
        %dma_wait3A_53 = arith.constant 0 : i32
        %dma_wait3A_54 = arith.constant 0 : i32
        %dma_wait3A_55 = tpu.memref_slice %arg2[%dma_wait3A_53, %dma_wait3A_54] : memref<10112x128xf32, #tpu.memory_space<hbm>> -> memref<10112x128xf32, #tpu.memory_space<hbm>>
        tpu.wait_indirect_dma semaphore(%arg13 : memref<!tpu.dma_semaphore, #tpu.memory_space<semaphore_mem>>) src(%dma_wait3A_55 : memref<10112x128xf32, #tpu.memory_space<hbm>>) dst(%arg10 : memref<128x128xf32, #tpu.memory_space<vmem>>)
        "tpu.region"() ({
          %run_scoped3A = tpu.sem_alloc : memref<!tpu.dma_semaphore, #tpu.memory_space<semaphore_mem>>
          %dma_start3A_56 = arith.constant 0 : i32
          %dma_start3A_57 = tpu.memref_slice %arg8[%add3A_32, %dma_start3A_56] : memref<48x128xi32, #tpu.memory_space<vmem>> -> memref<1x128xi32, #tpu.memory_space<vmem>>
          %dma_start3A_58 = tpu.memref_squeeze %dma_start3A_57 : memref<1x128xi32, #tpu.memory_space<vmem>> -> memref<128xi32, #tpu.memory_space<vmem>>
          %dma_start3A_59 = arith.constant 0 : i32
          %dma_start3A_60 = arith.constant 0 : i32
          %dma_start3A_61 = tpu.memref_slice %arg11[%dma_start3A_59, %dma_start3A_60] : memref<10112x128xf32, #tpu.memory_space<vmem_shared>> -> memref<10112x128xf32, #tpu.memory_space<vmem_shared>>
          tpu.enqueue_indirect_dma source(%arg10 : memref<128x128xf32, #tpu.memory_space<vmem>>) target(%dma_start3A_61 : memref<10112x128xf32, #tpu.memory_space<vmem_shared>>) offsets(%dma_start3A_58 : memref<128xi32, #tpu.memory_space<vmem>>) semaphore(%run_scoped3A : memref<!tpu.dma_semaphore, #tpu.memory_space<semaphore_mem>>) {add = true}
          %dma_wait3A_62 = arith.constant 0 : i32
          %dma_wait3A_63 = tpu.memref_slice %arg8[%add3A_32, %dma_wait3A_62] : memref<48x128xi32, #tpu.memory_space<vmem>> -> memref<1x128xi32, #tpu.memory_space<vmem>>
          %dma_wait3A_64 = tpu.memref_squeeze %dma_wait3A_63 : memref<1x128xi32, #tpu.memory_space<vmem>> -> memref<128xi32, #tpu.memory_space<vmem>>
          %dma_wait3A_65 = arith.constant 0 : i32
          %dma_wait3A_66 = arith.constant 0 : i32
          %dma_wait3A_67 = tpu.memref_slice %arg11[%dma_wait3A_65, %dma_wait3A_66] : memref<10112x128xf32, #tpu.memory_space<vmem_shared>> -> memref<10112x128xf32, #tpu.memory_space<vmem_shared>>
          tpu.wait_indirect_dma semaphore(%run_scoped3A : memref<!tpu.dma_semaphore, #tpu.memory_space<semaphore_mem>>) src(%arg10 : memref<128x128xf32, #tpu.memory_space<vmem>>) dst(%dma_wait3A_67 : memref<10112x128xf32, #tpu.memory_space<vmem_shared>>)
          tpu.yield
        }) : () -> ()
      }
      %scan3A_28 = arith.constant 8 : i32
    } else {
    }
    %barrier3A_13 = arith.constant 0 : index
    tpu.barrier barrier_id(%barrier3A_13)
    %mul3A_14 = arith.constant 632 : i32
    %mul3A_15 = arith.muli %arg1, %mul3A_14 : i32
    %mul3A_16 = arith.constant 632 : i32
    %mul3A_17 = arith.muli %arg1, %mul3A_16 : i32
    "tpu.region"() ({
      %run_scoped3A = tpu.sem_alloc : memref<!tpu.dma_semaphore, #tpu.memory_space<semaphore_mem>>
      %dma_start3A = arith.constant 0 : i32
      %dma_start3A_18 = tpu.memref_slice %arg6[%arg0, %mul3A_17, %dma_start3A] : memref<2x10112x128xf32, #tpu.memory_space<hbm>> -> memref<1x632x128xf32, #tpu.memory_space<hbm>>
      %dma_start3A_19 = tpu.memref_squeeze %dma_start3A_18 : memref<1x632x128xf32, #tpu.memory_space<hbm>> -> memref<632x128xf32, #tpu.memory_space<hbm>>
      %dma_start3A_20 = arith.constant 0 : i32
      %dma_start3A_21 = tpu.memref_slice %arg11[%mul3A_15, %dma_start3A_20] : memref<10112x128xf32, #tpu.memory_space<vmem_shared>> -> memref<632x128xf32, #tpu.memory_space<vmem_shared>>
      tpu.enqueue_dma source(%dma_start3A_21 : memref<632x128xf32, #tpu.memory_space<vmem_shared>>) target(%dma_start3A_19 : memref<632x128xf32, #tpu.memory_space<hbm>>) target_semaphore(%run_scoped3A : memref<!tpu.dma_semaphore, #tpu.memory_space<semaphore_mem>>)
      %dma_wait3A = arith.constant 0 : i32
      %dma_wait3A_22 = tpu.memref_slice %arg6[%arg0, %mul3A_17, %dma_wait3A] : memref<2x10112x128xf32, #tpu.memory_space<hbm>> -> memref<1x632x128xf32, #tpu.memory_space<hbm>>
      %dma_wait3A_23 = tpu.memref_squeeze %dma_wait3A_22 : memref<1x632x128xf32, #tpu.memory_space<hbm>> -> memref<632x128xf32, #tpu.memory_space<hbm>>
      %dma_wait3A_24 = arith.constant 0 : i32
      %dma_wait3A_25 = tpu.memref_slice %arg11[%mul3A_15, %dma_wait3A_24] : memref<10112x128xf32, #tpu.memory_space<vmem_shared>> -> memref<632x128xf32, #tpu.memory_space<vmem_shared>>
      tpu.wait_dma2 semaphore(%run_scoped3A : memref<!tpu.dma_semaphore, #tpu.memory_space<semaphore_mem>>) src(%dma_wait3A_25 : memref<632x128xf32, #tpu.memory_space<vmem_shared>>) dst(%dma_wait3A_23 : memref<632x128xf32, #tpu.memory_space<hbm>>)
      tpu.yield
    }) : () -> ()
    return
  }
}

#map = affine_map<(d0, d1) -> (0, 0)>
#map1 = affine_map<(d0, d1) -> (0, 0, 0)>
module attributes {stable_mosaic.version = 14 : i64} {
  func.func @_deg(%arg0: i32, %arg1: i32, %arg2: memref<2560x128xi32, #tpu.memory_space<hbm>>, %arg3: memref<632x128xf32, #tpu.memory_space<hbm>>, %arg4: memref<128x128xf32, #tpu.memory_space<hbm>>, %arg5: memref<2x10112x128xf32, #tpu.memory_space<hbm>>, %arg6: memref<80x128xi32, #tpu.memory_space<vmem>>, %arg7: memref<128x128xf32, #tpu.memory_space<vmem>>, %arg8: memref<10112x128xf32, #tpu.memory_space<vmem_shared>>) attributes {dimension_semantics = [#tpu.dimension_semantics<core_parallel>, #tpu.dimension_semantics<subcore_parallel>], iteration_bounds = array<i64: 2, 16>, scalar_prefetch = 0 : i64, scratch_operands = 3 : i64, tpu.core_type = #tpu.core_type<sc_vector_subcore>, window_params = [{transform_indices = #map}, {transform_indices = #map}, {transform_indices = #map}, {transform_indices = #map1}]} {
    %mul3A = arith.constant 16 : i32
    %mul3A_0 = arith.muli %arg0, %mul3A : i32
    %add3A = arith.addi %mul3A_0, %arg1 : i32
    %mul3A_1 = arith.constant 632 : i32
    %mul3A_2 = arith.muli %arg1, %mul3A_1 : i32
    "tpu.region"() ({
      %run_scoped3A = tpu.sem_alloc : memref<!tpu.dma_semaphore, #tpu.memory_space<semaphore_mem>>
      %dma_start3A = arith.constant 0 : i32
      %dma_start3A_15 = tpu.memref_slice %arg8[%mul3A_2, %dma_start3A] : memref<10112x128xf32, #tpu.memory_space<vmem_shared>> -> memref<632x128xf32, #tpu.memory_space<vmem_shared>>
      tpu.enqueue_dma source(%arg3 : memref<632x128xf32, #tpu.memory_space<hbm>>) target(%dma_start3A_15 : memref<632x128xf32, #tpu.memory_space<vmem_shared>>) target_semaphore(%run_scoped3A : memref<!tpu.dma_semaphore, #tpu.memory_space<semaphore_mem>>)
      %dma_wait3A = arith.constant 0 : i32
      %dma_wait3A_16 = tpu.memref_slice %arg8[%mul3A_2, %dma_wait3A] : memref<10112x128xf32, #tpu.memory_space<vmem_shared>> -> memref<632x128xf32, #tpu.memory_space<vmem_shared>>
      tpu.wait_dma2 semaphore(%run_scoped3A : memref<!tpu.dma_semaphore, #tpu.memory_space<semaphore_mem>>) src(%arg3 : memref<632x128xf32, #tpu.memory_space<hbm>>) dst(%dma_wait3A_16 : memref<632x128xf32, #tpu.memory_space<vmem_shared>>)
      tpu.yield
    }) : () -> ()
    "tpu.region"() ({
      %run_scoped3A = tpu.sem_alloc : memref<!tpu.dma_semaphore, #tpu.memory_space<semaphore_mem>>
      tpu.enqueue_dma source(%arg4 : memref<128x128xf32, #tpu.memory_space<hbm>>) target(%arg7 : memref<128x128xf32, #tpu.memory_space<vmem>>) target_semaphore(%run_scoped3A : memref<!tpu.dma_semaphore, #tpu.memory_space<semaphore_mem>>)
      tpu.wait_dma2 semaphore(%run_scoped3A : memref<!tpu.dma_semaphore, #tpu.memory_space<semaphore_mem>>) src(%arg4 : memref<128x128xf32, #tpu.memory_space<hbm>>) dst(%arg7 : memref<128x128xf32, #tpu.memory_space<vmem>>)
      tpu.yield
    }) : () -> ()
    %mul3A_3 = arith.constant 80 : i32
    %mul3A_4 = arith.muli %add3A, %mul3A_3 : i32
    "tpu.region"() ({
      %run_scoped3A = tpu.sem_alloc : memref<!tpu.dma_semaphore, #tpu.memory_space<semaphore_mem>>
      %dma_start3A = arith.constant 0 : i32
      %dma_start3A_15 = tpu.memref_slice %arg2[%mul3A_4, %dma_start3A] : memref<2560x128xi32, #tpu.memory_space<hbm>> -> memref<80x128xi32, #tpu.memory_space<hbm>>
      %dma_start3A_16 = arith.constant 0 : i32
      %dma_start3A_17 = tpu.memref_slice %arg2[%mul3A_4, %dma_start3A_16] : memref<2560x128xi32, #tpu.memory_space<hbm>> -> memref<80x128xi32, #tpu.memory_space<hbm>>
      tpu.enqueue_dma source(%dma_start3A_17 : memref<80x128xi32, #tpu.memory_space<hbm>>) target(%arg6 : memref<80x128xi32, #tpu.memory_space<vmem>>) target_semaphore(%run_scoped3A : memref<!tpu.dma_semaphore, #tpu.memory_space<semaphore_mem>>)
      %dma_wait3A = arith.constant 0 : i32
      %dma_wait3A_18 = tpu.memref_slice %arg2[%mul3A_4, %dma_wait3A] : memref<2560x128xi32, #tpu.memory_space<hbm>> -> memref<80x128xi32, #tpu.memory_space<hbm>>
      %dma_wait3A_19 = arith.constant 0 : i32
      %dma_wait3A_20 = tpu.memref_slice %arg2[%mul3A_4, %dma_wait3A_19] : memref<2560x128xi32, #tpu.memory_space<hbm>> -> memref<80x128xi32, #tpu.memory_space<hbm>>
      tpu.wait_dma2 semaphore(%run_scoped3A : memref<!tpu.dma_semaphore, #tpu.memory_space<semaphore_mem>>) src(%dma_wait3A_20 : memref<80x128xi32, #tpu.memory_space<hbm>>) dst(%arg6 : memref<80x128xi32, #tpu.memory_space<vmem>>)
      tpu.yield
    }) : () -> ()
    %barrier3A = arith.constant 0 : index
    tpu.barrier barrier_id(%barrier3A)
    %scan3A = arith.constant 0 : i32
    %scan3A_5 = arith.constant 0 : i32
    %scan3A_6 = arith.constant 80 : i32
    %scan3A_7 = arith.addi %scan3A_5, %scan3A_6 : i32
    %scan3A_8 = arith.constant 1 : i32
    scf.for %scan3A_15 = %scan3A_5 to %scan3A_7 step %scan3A_8  : i32 {
      "tpu.region"() ({
        %run_scoped3A = tpu.sem_alloc : memref<!tpu.dma_semaphore, #tpu.memory_space<semaphore_mem>>
        %dma_start3A = arith.constant 0 : i32
        %dma_start3A_16 = tpu.memref_slice %arg6[%scan3A_15, %dma_start3A] : memref<80x128xi32, #tpu.memory_space<vmem>> -> memref<1x128xi32, #tpu.memory_space<vmem>>
        %dma_start3A_17 = tpu.memref_squeeze %dma_start3A_16 : memref<1x128xi32, #tpu.memory_space<vmem>> -> memref<128xi32, #tpu.memory_space<vmem>>
        %dma_start3A_18 = arith.constant 0 : i32
        %dma_start3A_19 = arith.constant 0 : i32
        %dma_start3A_20 = tpu.memref_slice %arg8[%dma_start3A_18, %dma_start3A_19] : memref<10112x128xf32, #tpu.memory_space<vmem_shared>> -> memref<10112x128xf32, #tpu.memory_space<vmem_shared>>
        tpu.enqueue_indirect_dma source(%arg7 : memref<128x128xf32, #tpu.memory_space<vmem>>) target(%dma_start3A_20 : memref<10112x128xf32, #tpu.memory_space<vmem_shared>>) offsets(%dma_start3A_17 : memref<128xi32, #tpu.memory_space<vmem>>) semaphore(%run_scoped3A : memref<!tpu.dma_semaphore, #tpu.memory_space<semaphore_mem>>) {add = true}
        %dma_wait3A = arith.constant 0 : i32
        %dma_wait3A_21 = tpu.memref_slice %arg6[%scan3A_15, %dma_wait3A] : memref<80x128xi32, #tpu.memory_space<vmem>> -> memref<1x128xi32, #tpu.memory_space<vmem>>
        %dma_wait3A_22 = tpu.memref_squeeze %dma_wait3A_21 : memref<1x128xi32, #tpu.memory_space<vmem>> -> memref<128xi32, #tpu.memory_space<vmem>>
        %dma_wait3A_23 = arith.constant 0 : i32
        %dma_wait3A_24 = arith.constant 0 : i32
        %dma_wait3A_25 = tpu.memref_slice %arg8[%dma_wait3A_23, %dma_wait3A_24] : memref<10112x128xf32, #tpu.memory_space<vmem_shared>> -> memref<10112x128xf32, #tpu.memory_space<vmem_shared>>
        tpu.wait_indirect_dma semaphore(%run_scoped3A : memref<!tpu.dma_semaphore, #tpu.memory_space<semaphore_mem>>) src(%arg7 : memref<128x128xf32, #tpu.memory_space<vmem>>) dst(%dma_wait3A_25 : memref<10112x128xf32, #tpu.memory_space<vmem_shared>>)
        tpu.yield
      }) : () -> ()
    }
    %scan3A_9 = arith.constant 80 : i32
    %barrier3A_10 = arith.constant 0 : index
    tpu.barrier barrier_id(%barrier3A_10)
    %mul3A_11 = arith.constant 632 : i32
    %mul3A_12 = arith.muli %arg1, %mul3A_11 : i32
    %mul3A_13 = arith.constant 632 : i32
    %mul3A_14 = arith.muli %arg1, %mul3A_13 : i32
    "tpu.region"() ({
      %run_scoped3A = tpu.sem_alloc : memref<!tpu.dma_semaphore, #tpu.memory_space<semaphore_mem>>
      %dma_start3A = arith.constant 0 : i32
      %dma_start3A_15 = tpu.memref_slice %arg5[%arg0, %mul3A_14, %dma_start3A] : memref<2x10112x128xf32, #tpu.memory_space<hbm>> -> memref<1x632x128xf32, #tpu.memory_space<hbm>>
      %dma_start3A_16 = tpu.memref_squeeze %dma_start3A_15 : memref<1x632x128xf32, #tpu.memory_space<hbm>> -> memref<632x128xf32, #tpu.memory_space<hbm>>
      %dma_start3A_17 = arith.constant 0 : i32
      %dma_start3A_18 = tpu.memref_slice %arg8[%mul3A_12, %dma_start3A_17] : memref<10112x128xf32, #tpu.memory_space<vmem_shared>> -> memref<632x128xf32, #tpu.memory_space<vmem_shared>>
      tpu.enqueue_dma source(%dma_start3A_18 : memref<632x128xf32, #tpu.memory_space<vmem_shared>>) target(%dma_start3A_16 : memref<632x128xf32, #tpu.memory_space<hbm>>) target_semaphore(%run_scoped3A : memref<!tpu.dma_semaphore, #tpu.memory_space<semaphore_mem>>)
      %dma_wait3A = arith.constant 0 : i32
      %dma_wait3A_19 = tpu.memref_slice %arg5[%arg0, %mul3A_14, %dma_wait3A] : memref<2x10112x128xf32, #tpu.memory_space<hbm>> -> memref<1x632x128xf32, #tpu.memory_space<hbm>>
      %dma_wait3A_20 = tpu.memref_squeeze %dma_wait3A_19 : memref<1x632x128xf32, #tpu.memory_space<hbm>> -> memref<632x128xf32, #tpu.memory_space<hbm>>
      %dma_wait3A_21 = arith.constant 0 : i32
      %dma_wait3A_22 = tpu.memref_slice %arg8[%mul3A_12, %dma_wait3A_21] : memref<10112x128xf32, #tpu.memory_space<vmem_shared>> -> memref<632x128xf32, #tpu.memory_space<vmem_shared>>
      tpu.wait_dma2 semaphore(%run_scoped3A : memref<!tpu.dma_semaphore, #tpu.memory_space<semaphore_mem>>) src(%dma_wait3A_22 : memref<632x128xf32, #tpu.memory_space<vmem_shared>>) dst(%dma_wait3A_20 : memref<632x128xf32, #tpu.memory_space<hbm>>)
      tpu.yield
    }) : () -> ()
    return
  }
}

#map = affine_map<(d0, d1) -> (0, 0)>
#map1 = affine_map<(d0, d1) -> (0, 0, 0)>
module attributes {stable_mosaic.version = 14 : i64} {
  func.func @_msg(%arg0: i32, %arg1: i32, %arg2: memref<10112x128xf32, #tpu.memory_space<hbm>>, %arg3: memref<2560x128xi32, #tpu.memory_space<hbm>>, %arg4: memref<2560x128xi32, #tpu.memory_space<hbm>>, %arg5: memref<632x128xf32, #tpu.memory_space<hbm>>, %arg6: memref<2x10112x128xf32, #tpu.memory_space<hbm>>, %arg7: memref<48x128xi32, #tpu.memory_space<vmem>>, %arg8: memref<48x128xi32, #tpu.memory_space<vmem>>, %arg9: memref<128x128xf32, #tpu.memory_space<vmem>>, %arg10: memref<128x128xf32, #tpu.memory_space<vmem>>, %arg11: memref<10112x128xf32, #tpu.memory_space<vmem_shared>>, %arg12: memref<!tpu.dma_semaphore, #tpu.memory_space<semaphore_mem>>, %arg13: memref<!tpu.dma_semaphore, #tpu.memory_space<semaphore_mem>>) attributes {dimension_semantics = [#tpu.dimension_semantics<core_parallel>, #tpu.dimension_semantics<subcore_parallel>], iteration_bounds = array<i64: 2, 16>, scalar_prefetch = 0 : i64, scratch_operands = 7 : i64, tpu.core_type = #tpu.core_type<sc_vector_subcore>, window_params = [{transform_indices = #map}, {transform_indices = #map}, {transform_indices = #map}, {transform_indices = #map}, {transform_indices = #map1}]} {
    %mul3A = arith.constant 632 : i32
    %mul3A_0 = arith.muli %arg1, %mul3A : i32
    "tpu.region"() ({
      %run_scoped3A = tpu.sem_alloc : memref<!tpu.dma_semaphore, #tpu.memory_space<semaphore_mem>>
      %dma_start3A = arith.constant 0 : i32
      %dma_start3A_18 = tpu.memref_slice %arg11[%mul3A_0, %dma_start3A] : memref<10112x128xf32, #tpu.memory_space<vmem_shared>> -> memref<632x128xf32, #tpu.memory_space<vmem_shared>>
      tpu.enqueue_dma source(%arg5 : memref<632x128xf32, #tpu.memory_space<hbm>>) target(%dma_start3A_18 : memref<632x128xf32, #tpu.memory_space<vmem_shared>>) target_semaphore(%run_scoped3A : memref<!tpu.dma_semaphore, #tpu.memory_space<semaphore_mem>>)
      %dma_wait3A = arith.constant 0 : i32
      %dma_wait3A_19 = tpu.memref_slice %arg11[%mul3A_0, %dma_wait3A] : memref<10112x128xf32, #tpu.memory_space<vmem_shared>> -> memref<632x128xf32, #tpu.memory_space<vmem_shared>>
      tpu.wait_dma2 semaphore(%run_scoped3A : memref<!tpu.dma_semaphore, #tpu.memory_space<semaphore_mem>>) src(%arg5 : memref<632x128xf32, #tpu.memory_space<hbm>>) dst(%dma_wait3A_19 : memref<632x128xf32, #tpu.memory_space<vmem_shared>>)
      tpu.yield
    }) : () -> ()
    %eq3A = arith.constant 1 : i32
    %eq3A_1 = arith.cmpi eq, %arg0, %eq3A : i32
    %convert_element_type3A = arith.extui %eq3A_1 : i1 to i32
    %cond3A = arith.constant 0 : i32
    %cond3A_2 = arith.cmpi ne, %convert_element_type3A, %cond3A : i32
    scf.if %cond3A_2 {
      %mul3A_18 = arith.constant 16 : i32
      %mul3A_19 = arith.muli %arg1, %mul3A_18 : i32
      %add3A = arith.constant 2304 : i32
      %add3A_20 = arith.addi %add3A, %mul3A_19 : i32
      "tpu.region"() ({
        %run_scoped3A = tpu.sem_alloc : memref<!tpu.dma_semaphore, #tpu.memory_space<semaphore_mem>>
        %dma_start3A = arith.constant 0 : i32
        %dma_start3A_21 = arith.constant 0 : i32
        %dma_start3A_22 = tpu.memref_slice %arg7[%dma_start3A, %dma_start3A_21] : memref<48x128xi32, #tpu.memory_space<vmem>> -> memref<16x128xi32, #tpu.memory_space<vmem>>
        %dma_start3A_23 = arith.constant 0 : i32
        %dma_start3A_24 = tpu.memref_slice %arg3[%add3A_20, %dma_start3A_23] : memref<2560x128xi32, #tpu.memory_space<hbm>> -> memref<16x128xi32, #tpu.memory_space<hbm>>
        %dma_start3A_25 = arith.constant 0 : i32
        %dma_start3A_26 = arith.constant 0 : i32
        %dma_start3A_27 = tpu.memref_slice %arg7[%dma_start3A_25, %dma_start3A_26] : memref<48x128xi32, #tpu.memory_space<vmem>> -> memref<16x128xi32, #tpu.memory_space<vmem>>
        %dma_start3A_28 = arith.constant 0 : i32
        %dma_start3A_29 = tpu.memref_slice %arg3[%add3A_20, %dma_start3A_28] : memref<2560x128xi32, #tpu.memory_space<hbm>> -> memref<16x128xi32, #tpu.memory_space<hbm>>
        tpu.enqueue_dma source(%dma_start3A_29 : memref<16x128xi32, #tpu.memory_space<hbm>>) target(%dma_start3A_27 : memref<16x128xi32, #tpu.memory_space<vmem>>) target_semaphore(%run_scoped3A : memref<!tpu.dma_semaphore, #tpu.memory_space<semaphore_mem>>)
        %dma_wait3A = arith.constant 0 : i32
        %dma_wait3A_30 = arith.constant 0 : i32
        %dma_wait3A_31 = tpu.memref_slice %arg7[%dma_wait3A, %dma_wait3A_30] : memref<48x128xi32, #tpu.memory_space<vmem>> -> memref<16x128xi32, #tpu.memory_space<vmem>>
        %dma_wait3A_32 = arith.constant 0 : i32
        %dma_wait3A_33 = tpu.memref_slice %arg3[%add3A_20, %dma_wait3A_32] : memref<2560x128xi32, #tpu.memory_space<hbm>> -> memref<16x128xi32, #tpu.memory_space<hbm>>
        %dma_wait3A_34 = arith.constant 0 : i32
        %dma_wait3A_35 = arith.constant 0 : i32
        %dma_wait3A_36 = tpu.memref_slice %arg7[%dma_wait3A_34, %dma_wait3A_35] : memref<48x128xi32, #tpu.memory_space<vmem>> -> memref<16x128xi32, #tpu.memory_space<vmem>>
        %dma_wait3A_37 = arith.constant 0 : i32
        %dma_wait3A_38 = tpu.memref_slice %arg3[%add3A_20, %dma_wait3A_37] : memref<2560x128xi32, #tpu.memory_space<hbm>> -> memref<16x128xi32, #tpu.memory_space<hbm>>
        tpu.wait_dma2 semaphore(%run_scoped3A : memref<!tpu.dma_semaphore, #tpu.memory_space<semaphore_mem>>) src(%dma_wait3A_38 : memref<16x128xi32, #tpu.memory_space<hbm>>) dst(%dma_wait3A_36 : memref<16x128xi32, #tpu.memory_space<vmem>>)
        tpu.yield
      }) : () -> ()
      "tpu.region"() ({
        %run_scoped3A = tpu.sem_alloc : memref<!tpu.dma_semaphore, #tpu.memory_space<semaphore_mem>>
        %dma_start3A = arith.constant 0 : i32
        %dma_start3A_21 = arith.constant 0 : i32
        %dma_start3A_22 = tpu.memref_slice %arg8[%dma_start3A, %dma_start3A_21] : memref<48x128xi32, #tpu.memory_space<vmem>> -> memref<16x128xi32, #tpu.memory_space<vmem>>
        %dma_start3A_23 = arith.constant 0 : i32
        %dma_start3A_24 = tpu.memref_slice %arg4[%add3A_20, %dma_start3A_23] : memref<2560x128xi32, #tpu.memory_space<hbm>> -> memref<16x128xi32, #tpu.memory_space<hbm>>
        %dma_start3A_25 = arith.constant 0 : i32
        %dma_start3A_26 = arith.constant 0 : i32
        %dma_start3A_27 = tpu.memref_slice %arg8[%dma_start3A_25, %dma_start3A_26] : memref<48x128xi32, #tpu.memory_space<vmem>> -> memref<16x128xi32, #tpu.memory_space<vmem>>
        %dma_start3A_28 = arith.constant 0 : i32
        %dma_start3A_29 = tpu.memref_slice %arg4[%add3A_20, %dma_start3A_28] : memref<2560x128xi32, #tpu.memory_space<hbm>> -> memref<16x128xi32, #tpu.memory_space<hbm>>
        tpu.enqueue_dma source(%dma_start3A_29 : memref<16x128xi32, #tpu.memory_space<hbm>>) target(%dma_start3A_27 : memref<16x128xi32, #tpu.memory_space<vmem>>) target_semaphore(%run_scoped3A : memref<!tpu.dma_semaphore, #tpu.memory_space<semaphore_mem>>)
        %dma_wait3A = arith.constant 0 : i32
        %dma_wait3A_30 = arith.constant 0 : i32
        %dma_wait3A_31 = tpu.memref_slice %arg8[%dma_wait3A, %dma_wait3A_30] : memref<48x128xi32, #tpu.memory_space<vmem>> -> memref<16x128xi32, #tpu.memory_space<vmem>>
        %dma_wait3A_32 = arith.constant 0 : i32
        %dma_wait3A_33 = tpu.memref_slice %arg4[%add3A_20, %dma_wait3A_32] : memref<2560x128xi32, #tpu.memory_space<hbm>> -> memref<16x128xi32, #tpu.memory_space<hbm>>
        %dma_wait3A_34 = arith.constant 0 : i32
        %dma_wait3A_35 = arith.constant 0 : i32
        %dma_wait3A_36 = tpu.memref_slice %arg8[%dma_wait3A_34, %dma_wait3A_35] : memref<48x128xi32, #tpu.memory_space<vmem>> -> memref<16x128xi32, #tpu.memory_space<vmem>>
        %dma_wait3A_37 = arith.constant 0 : i32
        %dma_wait3A_38 = tpu.memref_slice %arg4[%add3A_20, %dma_wait3A_37] : memref<2560x128xi32, #tpu.memory_space<hbm>> -> memref<16x128xi32, #tpu.memory_space<hbm>>
        tpu.wait_dma2 semaphore(%run_scoped3A : memref<!tpu.dma_semaphore, #tpu.memory_space<semaphore_mem>>) src(%dma_wait3A_38 : memref<16x128xi32, #tpu.memory_space<hbm>>) dst(%dma_wait3A_36 : memref<16x128xi32, #tpu.memory_space<vmem>>)
        tpu.yield
      }) : () -> ()
    } else {
    }
    %barrier3A = arith.constant 0 : index
    tpu.barrier barrier_id(%barrier3A)
    %eq3A_3 = arith.constant 0 : i32
    %eq3A_4 = arith.cmpi eq, %arg0, %eq3A_3 : i32
    %convert_element_type3A_5 = arith.extui %eq3A_4 : i1 to i32
    %cond3A_6 = arith.constant 0 : i32
    %cond3A_7 = arith.cmpi ne, %convert_element_type3A_5, %cond3A_6 : i32
    scf.if %cond3A_7 {
      %mul3A_18 = arith.constant 144 : i32
      %mul3A_19 = arith.muli %arg1, %mul3A_18 : i32
      %add3A = arith.constant 0 : i32
      %add3A_20 = arith.addi %mul3A_19, %add3A : i32
      "tpu.region"() ({
        %run_scoped3A = tpu.sem_alloc : memref<!tpu.dma_semaphore, #tpu.memory_space<semaphore_mem>>
        %dma_start3A_78 = arith.constant 0 : i32
        %dma_start3A_79 = tpu.memref_slice %arg3[%add3A_20, %dma_start3A_78] : memref<2560x128xi32, #tpu.memory_space<hbm>> -> memref<48x128xi32, #tpu.memory_space<hbm>>
        %dma_start3A_80 = arith.constant 0 : i32
        %dma_start3A_81 = tpu.memref_slice %arg3[%add3A_20, %dma_start3A_80] : memref<2560x128xi32, #tpu.memory_space<hbm>> -> memref<48x128xi32, #tpu.memory_space<hbm>>
        tpu.enqueue_dma source(%dma_start3A_81 : memref<48x128xi32, #tpu.memory_space<hbm>>) target(%arg7 : memref<48x128xi32, #tpu.memory_space<vmem>>) target_semaphore(%run_scoped3A : memref<!tpu.dma_semaphore, #tpu.memory_space<semaphore_mem>>)
        %dma_wait3A = arith.constant 0 : i32
        %dma_wait3A_82 = tpu.memref_slice %arg3[%add3A_20, %dma_wait3A] : memref<2560x128xi32, #tpu.memory_space<hbm>> -> memref<48x128xi32, #tpu.memory_space<hbm>>
        %dma_wait3A_83 = arith.constant 0 : i32
        %dma_wait3A_84 = tpu.memref_slice %arg3[%add3A_20, %dma_wait3A_83] : memref<2560x128xi32, #tpu.memory_space<hbm>> -> memref<48x128xi32, #tpu.memory_space<hbm>>
        tpu.wait_dma2 semaphore(%run_scoped3A : memref<!tpu.dma_semaphore, #tpu.memory_space<semaphore_mem>>) src(%dma_wait3A_84 : memref<48x128xi32, #tpu.memory_space<hbm>>) dst(%arg7 : memref<48x128xi32, #tpu.memory_space<vmem>>)
        tpu.yield
      }) : () -> ()
      %mul3A_21 = arith.constant 144 : i32
      %mul3A_22 = arith.muli %arg1, %mul3A_21 : i32
      %add3A_23 = arith.constant 0 : i32
      %add3A_24 = arith.addi %mul3A_22, %add3A_23 : i32
      "tpu.region"() ({
        %run_scoped3A = tpu.sem_alloc : memref<!tpu.dma_semaphore, #tpu.memory_space<semaphore_mem>>
        %dma_start3A_78 = arith.constant 0 : i32
        %dma_start3A_79 = tpu.memref_slice %arg4[%add3A_24, %dma_start3A_78] : memref<2560x128xi32, #tpu.memory_space<hbm>> -> memref<48x128xi32, #tpu.memory_space<hbm>>
        %dma_start3A_80 = arith.constant 0 : i32
        %dma_start3A_81 = tpu.memref_slice %arg4[%add3A_24, %dma_start3A_80] : memref<2560x128xi32, #tpu.memory_space<hbm>> -> memref<48x128xi32, #tpu.memory_space<hbm>>
        tpu.enqueue_dma source(%dma_start3A_81 : memref<48x128xi32, #tpu.memory_space<hbm>>) target(%arg8 : memref<48x128xi32, #tpu.memory_space<vmem>>) target_semaphore(%run_scoped3A : memref<!tpu.dma_semaphore, #tpu.memory_space<semaphore_mem>>)
        %dma_wait3A = arith.constant 0 : i32
        %dma_wait3A_82 = tpu.memref_slice %arg4[%add3A_24, %dma_wait3A] : memref<2560x128xi32, #tpu.memory_space<hbm>> -> memref<48x128xi32, #tpu.memory_space<hbm>>
        %dma_wait3A_83 = arith.constant 0 : i32
        %dma_wait3A_84 = tpu.memref_slice %arg4[%add3A_24, %dma_wait3A_83] : memref<2560x128xi32, #tpu.memory_space<hbm>> -> memref<48x128xi32, #tpu.memory_space<hbm>>
        tpu.wait_dma2 semaphore(%run_scoped3A : memref<!tpu.dma_semaphore, #tpu.memory_space<semaphore_mem>>) src(%dma_wait3A_84 : memref<48x128xi32, #tpu.memory_space<hbm>>) dst(%arg8 : memref<48x128xi32, #tpu.memory_space<vmem>>)
        tpu.yield
      }) : () -> ()
      %dma_start3A = arith.constant 0 : i32
      %dma_start3A_25 = arith.constant 0 : i32
      %dma_start3A_26 = tpu.memref_slice %arg7[%dma_start3A, %dma_start3A_25] : memref<48x128xi32, #tpu.memory_space<vmem>> -> memref<1x128xi32, #tpu.memory_space<vmem>>
      %dma_start3A_27 = tpu.memref_squeeze %dma_start3A_26 : memref<1x128xi32, #tpu.memory_space<vmem>> -> memref<128xi32, #tpu.memory_space<vmem>>
      %dma_start3A_28 = arith.constant 0 : i32
      %dma_start3A_29 = arith.constant 0 : i32
      %dma_start3A_30 = tpu.memref_slice %arg2[%dma_start3A_28, %dma_start3A_29] : memref<10112x128xf32, #tpu.memory_space<hbm>> -> memref<10112x128xf32, #tpu.memory_space<hbm>>
      tpu.enqueue_indirect_dma source(%dma_start3A_30 : memref<10112x128xf32, #tpu.memory_space<hbm>>) target(%arg9 : memref<128x128xf32, #tpu.memory_space<vmem>>) offsets(%dma_start3A_27 : memref<128xi32, #tpu.memory_space<vmem>>) semaphore(%arg12 : memref<!tpu.dma_semaphore, #tpu.memory_space<semaphore_mem>>)
      %scan3A = arith.constant 0 : i32
      %scan3A_31 = arith.constant 0 : i32
      %scan3A_32 = arith.constant 24 : i32
      %scan3A_33 = arith.addi %scan3A_31, %scan3A_32 : i32
      %scan3A_34 = arith.constant 1 : i32
      scf.for %scan3A_78 = %scan3A_31 to %scan3A_33 step %scan3A_34  : i32 {
        %mul3A_79 = arith.constant 2 : i32
        %mul3A_80 = arith.muli %mul3A_79, %scan3A_78 : i32
        %add3A_81 = arith.constant 1 : i32
        %add3A_82 = arith.addi %mul3A_80, %add3A_81 : i32
        %dma_start3A_83 = arith.constant 0 : i32
        %dma_start3A_84 = tpu.memref_slice %arg7[%add3A_82, %dma_start3A_83] : memref<48x128xi32, #tpu.memory_space<vmem>> -> memref<1x128xi32, #tpu.memory_space<vmem>>
        %dma_start3A_85 = tpu.memref_squeeze %dma_start3A_84 : memref<1x128xi32, #tpu.memory_space<vmem>> -> memref<128xi32, #tpu.memory_space<vmem>>
        %dma_start3A_86 = arith.constant 0 : i32
        %dma_start3A_87 = arith.constant 0 : i32
        %dma_start3A_88 = tpu.memref_slice %arg2[%dma_start3A_86, %dma_start3A_87] : memref<10112x128xf32, #tpu.memory_space<hbm>> -> memref<10112x128xf32, #tpu.memory_space<hbm>>
        tpu.enqueue_indirect_dma source(%dma_start3A_88 : memref<10112x128xf32, #tpu.memory_space<hbm>>) target(%arg10 : memref<128x128xf32, #tpu.memory_space<vmem>>) offsets(%dma_start3A_85 : memref<128xi32, #tpu.memory_space<vmem>>) semaphore(%arg13 : memref<!tpu.dma_semaphore, #tpu.memory_space<semaphore_mem>>)
        %dma_wait3A = arith.constant 0 : i32
        %dma_wait3A_89 = tpu.memref_slice %arg7[%mul3A_80, %dma_wait3A] : memref<48x128xi32, #tpu.memory_space<vmem>> -> memref<1x128xi32, #tpu.memory_space<vmem>>
        %dma_wait3A_90 = tpu.memref_squeeze %dma_wait3A_89 : memref<1x128xi32, #tpu.memory_space<vmem>> -> memref<128xi32, #tpu.memory_space<vmem>>
        %dma_wait3A_91 = arith.constant 0 : i32
        %dma_wait3A_92 = arith.constant 0 : i32
        %dma_wait3A_93 = tpu.memref_slice %arg2[%dma_wait3A_91, %dma_wait3A_92] : memref<10112x128xf32, #tpu.memory_space<hbm>> -> memref<10112x128xf32, #tpu.memory_space<hbm>>
        tpu.wait_indirect_dma semaphore(%arg12 : memref<!tpu.dma_semaphore, #tpu.memory_space<semaphore_mem>>) src(%dma_wait3A_93 : memref<10112x128xf32, #tpu.memory_space<hbm>>) dst(%arg9 : memref<128x128xf32, #tpu.memory_space<vmem>>)
        "tpu.region"() ({
          %run_scoped3A = tpu.sem_alloc : memref<!tpu.dma_semaphore, #tpu.memory_space<semaphore_mem>>
          %dma_start3A_106 = arith.constant 0 : i32
          %dma_start3A_107 = tpu.memref_slice %arg8[%mul3A_80, %dma_start3A_106] : memref<48x128xi32, #tpu.memory_space<vmem>> -> memref<1x128xi32, #tpu.memory_space<vmem>>
          %dma_start3A_108 = tpu.memref_squeeze %dma_start3A_107 : memref<1x128xi32, #tpu.memory_space<vmem>> -> memref<128xi32, #tpu.memory_space<vmem>>
          %dma_start3A_109 = arith.constant 0 : i32
          %dma_start3A_110 = arith.constant 0 : i32
          %dma_start3A_111 = tpu.memref_slice %arg11[%dma_start3A_109, %dma_start3A_110] : memref<10112x128xf32, #tpu.memory_space<vmem_shared>> -> memref<10112x128xf32, #tpu.memory_space<vmem_shared>>
          tpu.enqueue_indirect_dma source(%arg9 : memref<128x128xf32, #tpu.memory_space<vmem>>) target(%dma_start3A_111 : memref<10112x128xf32, #tpu.memory_space<vmem_shared>>) offsets(%dma_start3A_108 : memref<128xi32, #tpu.memory_space<vmem>>) semaphore(%run_scoped3A : memref<!tpu.dma_semaphore, #tpu.memory_space<semaphore_mem>>) {add = true}
          %dma_wait3A_112 = arith.constant 0 : i32
          %dma_wait3A_113 = tpu.memref_slice %arg8[%mul3A_80, %dma_wait3A_112] : memref<48x128xi32, #tpu.memory_space<vmem>> -> memref<1x128xi32, #tpu.memory_space<vmem>>
          %dma_wait3A_114 = tpu.memref_squeeze %dma_wait3A_113 : memref<1x128xi32, #tpu.memory_space<vmem>> -> memref<128xi32, #tpu.memory_space<vmem>>
          %dma_wait3A_115 = arith.constant 0 : i32
          %dma_wait3A_116 = arith.constant 0 : i32
          %dma_wait3A_117 = tpu.memref_slice %arg11[%dma_wait3A_115, %dma_wait3A_116] : memref<10112x128xf32, #tpu.memory_space<vmem_shared>> -> memref<10112x128xf32, #tpu.memory_space<vmem_shared>>
          tpu.wait_indirect_dma semaphore(%run_scoped3A : memref<!tpu.dma_semaphore, #tpu.memory_space<semaphore_mem>>) src(%arg9 : memref<128x128xf32, #tpu.memory_space<vmem>>) dst(%dma_wait3A_117 : memref<10112x128xf32, #tpu.memory_space<vmem_shared>>)
          tpu.yield
        }) : () -> ()
        %add3A_94 = arith.constant 1 : i32
        %add3A_95 = arith.addi %add3A_82, %add3A_94 : i32
        %lt3A = arith.constant 48 : i32
        %lt3A_96 = arith.cmpi slt, %add3A_95, %lt3A : i32
        %convert_element_type3A_97 = arith.extui %lt3A_96 : i1 to i32
        %cond3A_98 = arith.constant 0 : i32
        %cond3A_99 = arith.cmpi ne, %convert_element_type3A_97, %cond3A_98 : i32
        scf.if %cond3A_99 {
          %add3A_106 = arith.constant 1 : i32
          %add3A_107 = arith.addi %add3A_82, %add3A_106 : i32
          %dma_start3A_108 = arith.constant 0 : i32
          %dma_start3A_109 = tpu.memref_slice %arg7[%add3A_107, %dma_start3A_108] : memref<48x128xi32, #tpu.memory_space<vmem>> -> memref<1x128xi32, #tpu.memory_space<vmem>>
          %dma_start3A_110 = tpu.memref_squeeze %dma_start3A_109 : memref<1x128xi32, #tpu.memory_space<vmem>> -> memref<128xi32, #tpu.memory_space<vmem>>
          %dma_start3A_111 = arith.constant 0 : i32
          %dma_start3A_112 = arith.constant 0 : i32
          %dma_start3A_113 = tpu.memref_slice %arg2[%dma_start3A_111, %dma_start3A_112] : memref<10112x128xf32, #tpu.memory_space<hbm>> -> memref<10112x128xf32, #tpu.memory_space<hbm>>
          tpu.enqueue_indirect_dma source(%dma_start3A_113 : memref<10112x128xf32, #tpu.memory_space<hbm>>) target(%arg9 : memref<128x128xf32, #tpu.memory_space<vmem>>) offsets(%dma_start3A_110 : memref<128xi32, #tpu.memory_space<vmem>>) semaphore(%arg12 : memref<!tpu.dma_semaphore, #tpu.memory_space<semaphore_mem>>)
        } else {
        }
        %dma_wait3A_100 = arith.constant 0 : i32
        %dma_wait3A_101 = tpu.memref_slice %arg7[%add3A_82, %dma_wait3A_100] : memref<48x128xi32, #tpu.memory_space<vmem>> -> memref<1x128xi32, #tpu.memory_space<vmem>>
        %dma_wait3A_102 = tpu.memref_squeeze %dma_wait3A_101 : memref<1x128xi32, #tpu.memory_space<vmem>> -> memref<128xi32, #tpu.memory_space<vmem>>
        %dma_wait3A_103 = arith.constant 0 : i32
        %dma_wait3A_104 = arith.constant 0 : i32
        %dma_wait3A_105 = tpu.memref_slice %arg2[%dma_wait3A_103, %dma_wait3A_104] : memref<10112x128xf32, #tpu.memory_space<hbm>> -> memref<10112x128xf32, #tpu.memory_space<hbm>>
        tpu.wait_indirect_dma semaphore(%arg13 : memref<!tpu.dma_semaphore, #tpu.memory_space<semaphore_mem>>) src(%dma_wait3A_105 : memref<10112x128xf32, #tpu.memory_space<hbm>>) dst(%arg10 : memref<128x128xf32, #tpu.memory_space<vmem>>)
        "tpu.region"() ({
          %run_scoped3A = tpu.sem_alloc : memref<!tpu.dma_semaphore, #tpu.memory_space<semaphore_mem>>
          %dma_start3A_106 = arith.constant 0 : i32
          %dma_start3A_107 = tpu.memref_slice %arg8[%add3A_82, %dma_start3A_106] : memref<48x128xi32, #tpu.memory_space<vmem>> -> memref<1x128xi32, #tpu.memory_space<vmem>>
          %dma_start3A_108 = tpu.memref_squeeze %dma_start3A_107 : memref<1x128xi32, #tpu.memory_space<vmem>> -> memref<128xi32, #tpu.memory_space<vmem>>
          %dma_start3A_109 = arith.constant 0 : i32
          %dma_start3A_110 = arith.constant 0 : i32
          %dma_start3A_111 = tpu.memref_slice %arg11[%dma_start3A_109, %dma_start3A_110] : memref<10112x128xf32, #tpu.memory_space<vmem_shared>> -> memref<10112x128xf32, #tpu.memory_space<vmem_shared>>
          tpu.enqueue_indirect_dma source(%arg10 : memref<128x128xf32, #tpu.memory_space<vmem>>) target(%dma_start3A_111 : memref<10112x128xf32, #tpu.memory_space<vmem_shared>>) offsets(%dma_start3A_108 : memref<128xi32, #tpu.memory_space<vmem>>) semaphore(%run_scoped3A : memref<!tpu.dma_semaphore, #tpu.memory_space<semaphore_mem>>) {add = true}
          %dma_wait3A_112 = arith.constant 0 : i32
          %dma_wait3A_113 = tpu.memref_slice %arg8[%add3A_82, %dma_wait3A_112] : memref<48x128xi32, #tpu.memory_space<vmem>> -> memref<1x128xi32, #tpu.memory_space<vmem>>
          %dma_wait3A_114 = tpu.memref_squeeze %dma_wait3A_113 : memref<1x128xi32, #tpu.memory_space<vmem>> -> memref<128xi32, #tpu.memory_space<vmem>>
          %dma_wait3A_115 = arith.constant 0 : i32
          %dma_wait3A_116 = arith.constant 0 : i32
          %dma_wait3A_117 = tpu.memref_slice %arg11[%dma_wait3A_115, %dma_wait3A_116] : memref<10112x128xf32, #tpu.memory_space<vmem_shared>> -> memref<10112x128xf32, #tpu.memory_space<vmem_shared>>
          tpu.wait_indirect_dma semaphore(%run_scoped3A : memref<!tpu.dma_semaphore, #tpu.memory_space<semaphore_mem>>) src(%arg10 : memref<128x128xf32, #tpu.memory_space<vmem>>) dst(%dma_wait3A_117 : memref<10112x128xf32, #tpu.memory_space<vmem_shared>>)
          tpu.yield
        }) : () -> ()
      }
      %scan3A_35 = arith.constant 24 : i32
      %mul3A_36 = arith.constant 144 : i32
      %mul3A_37 = arith.muli %arg1, %mul3A_36 : i32
      %add3A_38 = arith.constant 48 : i32
      %add3A_39 = arith.addi %mul3A_37, %add3A_38 : i32
      "tpu.region"() ({
        %run_scoped3A = tpu.sem_alloc : memref<!tpu.dma_semaphore, #tpu.memory_space<semaphore_mem>>
        %dma_start3A_78 = arith.constant 0 : i32
        %dma_start3A_79 = tpu.memref_slice %arg3[%add3A_39, %dma_start3A_78] : memref<2560x128xi32, #tpu.memory_space<hbm>> -> memref<48x128xi32, #tpu.memory_space<hbm>>
        %dma_start3A_80 = arith.constant 0 : i32
        %dma_start3A_81 = tpu.memref_slice %arg3[%add3A_39, %dma_start3A_80] : memref<2560x128xi32, #tpu.memory_space<hbm>> -> memref<48x128xi32, #tpu.memory_space<hbm>>
        tpu.enqueue_dma source(%dma_start3A_81 : memref<48x128xi32, #tpu.memory_space<hbm>>) target(%arg7 : memref<48x128xi32, #tpu.memory_space<vmem>>) target_semaphore(%run_scoped3A : memref<!tpu.dma_semaphore, #tpu.memory_space<semaphore_mem>>)
        %dma_wait3A = arith.constant 0 : i32
        %dma_wait3A_82 = tpu.memref_slice %arg3[%add3A_39, %dma_wait3A] : memref<2560x128xi32, #tpu.memory_space<hbm>> -> memref<48x128xi32, #tpu.memory_space<hbm>>
        %dma_wait3A_83 = arith.constant 0 : i32
        %dma_wait3A_84 = tpu.memref_slice %arg3[%add3A_39, %dma_wait3A_83] : memref<2560x128xi32, #tpu.memory_space<hbm>> -> memref<48x128xi32, #tpu.memory_space<hbm>>
        tpu.wait_dma2 semaphore(%run_scoped3A : memref<!tpu.dma_semaphore, #tpu.memory_space<semaphore_mem>>) src(%dma_wait3A_84 : memref<48x128xi32, #tpu.memory_space<hbm>>) dst(%arg7 : memref<48x128xi32, #tpu.memory_space<vmem>>)
        tpu.yield
      }) : () -> ()
      %mul3A_40 = arith.constant 144 : i32
      %mul3A_41 = arith.muli %arg1, %mul3A_40 : i32
      %add3A_42 = arith.constant 48 : i32
      %add3A_43 = arith.addi %mul3A_41, %add3A_42 : i32
      "tpu.region"() ({
        %run_scoped3A = tpu.sem_alloc : memref<!tpu.dma_semaphore, #tpu.memory_space<semaphore_mem>>
        %dma_start3A_78 = arith.constant 0 : i32
        %dma_start3A_79 = tpu.memref_slice %arg4[%add3A_43, %dma_start3A_78] : memref<2560x128xi32, #tpu.memory_space<hbm>> -> memref<48x128xi32, #tpu.memory_space<hbm>>
        %dma_start3A_80 = arith.constant 0 : i32
        %dma_start3A_81 = tpu.memref_slice %arg4[%add3A_43, %dma_start3A_80] : memref<2560x128xi32, #tpu.memory_space<hbm>> -> memref<48x128xi32, #tpu.memory_space<hbm>>
        tpu.enqueue_dma source(%dma_start3A_81 : memref<48x128xi32, #tpu.memory_space<hbm>>) target(%arg8 : memref<48x128xi32, #tpu.memory_space<vmem>>) target_semaphore(%run_scoped3A : memref<!tpu.dma_semaphore, #tpu.memory_space<semaphore_mem>>)
        %dma_wait3A = arith.constant 0 : i32
        %dma_wait3A_82 = tpu.memref_slice %arg4[%add3A_43, %dma_wait3A] : memref<2560x128xi32, #tpu.memory_space<hbm>> -> memref<48x128xi32, #tpu.memory_space<hbm>>
        %dma_wait3A_83 = arith.constant 0 : i32
        %dma_wait3A_84 = tpu.memref_slice %arg4[%add3A_43, %dma_wait3A_83] : memref<2560x128xi32, #tpu.memory_space<hbm>> -> memref<48x128xi32, #tpu.memory_space<hbm>>
        tpu.wait_dma2 semaphore(%run_scoped3A : memref<!tpu.dma_semaphore, #tpu.memory_space<semaphore_mem>>) src(%dma_wait3A_84 : memref<48x128xi32, #tpu.memory_space<hbm>>) dst(%arg8 : memref<48x128xi32, #tpu.memory_space<vmem>>)
        tpu.yield
      }) : () -> ()
      %dma_start3A_44 = arith.constant 0 : i32
      %dma_start3A_45 = arith.constant 0 : i32
      %dma_start3A_46 = tpu.memref_slice %arg7[%dma_start3A_44, %dma_start3A_45] : memref<48x128xi32, #tpu.memory_space<vmem>> -> memref<1x128xi32, #tpu.memory_space<vmem>>
      %dma_start3A_47 = tpu.memref_squeeze %dma_start3A_46 : memref<1x128xi32, #tpu.memory_space<vmem>> -> memref<128xi32, #tpu.memory_space<vmem>>
      %dma_start3A_48 = arith.constant 0 : i32
      %dma_start3A_49 = arith.constant 0 : i32
      %dma_start3A_50 = tpu.memref_slice %arg2[%dma_start3A_48, %dma_start3A_49] : memref<10112x128xf32, #tpu.memory_space<hbm>> -> memref<10112x128xf32, #tpu.memory_space<hbm>>
      tpu.enqueue_indirect_dma source(%dma_start3A_50 : memref<10112x128xf32, #tpu.memory_space<hbm>>) target(%arg9 : memref<128x128xf32, #tpu.memory_space<vmem>>) offsets(%dma_start3A_47 : memref<128xi32, #tpu.memory_space<vmem>>) semaphore(%arg12 : memref<!tpu.dma_semaphore, #tpu.memory_space<semaphore_mem>>)
      %scan3A_51 = arith.constant 0 : i32
      %scan3A_52 = arith.constant 0 : i32
      %scan3A_53 = arith.constant 24 : i32
      %scan3A_54 = arith.addi %scan3A_52, %scan3A_53 : i32
      %scan3A_55 = arith.constant 1 : i32
      scf.for %scan3A_78 = %scan3A_52 to %scan3A_54 step %scan3A_55  : i32 {
        %mul3A_79 = arith.constant 2 : i32
        %mul3A_80 = arith.muli %mul3A_79, %scan3A_78 : i32
        %add3A_81 = arith.constant 1 : i32
        %add3A_82 = arith.addi %mul3A_80, %add3A_81 : i32
        %dma_start3A_83 = arith.constant 0 : i32
        %dma_start3A_84 = tpu.memref_slice %arg7[%add3A_82, %dma_start3A_83] : memref<48x128xi32, #tpu.memory_space<vmem>> -> memref<1x128xi32, #tpu.memory_space<vmem>>
        %dma_start3A_85 = tpu.memref_squeeze %dma_start3A_84 : memref<1x128xi32, #tpu.memory_space<vmem>> -> memref<128xi32, #tpu.memory_space<vmem>>
        %dma_start3A_86 = arith.constant 0 : i32
        %dma_start3A_87 = arith.constant 0 : i32
        %dma_start3A_88 = tpu.memref_slice %arg2[%dma_start3A_86, %dma_start3A_87] : memref<10112x128xf32, #tpu.memory_space<hbm>> -> memref<10112x128xf32, #tpu.memory_space<hbm>>
        tpu.enqueue_indirect_dma source(%dma_start3A_88 : memref<10112x128xf32, #tpu.memory_space<hbm>>) target(%arg10 : memref<128x128xf32, #tpu.memory_space<vmem>>) offsets(%dma_start3A_85 : memref<128xi32, #tpu.memory_space<vmem>>) semaphore(%arg13 : memref<!tpu.dma_semaphore, #tpu.memory_space<semaphore_mem>>)
        %dma_wait3A = arith.constant 0 : i32
        %dma_wait3A_89 = tpu.memref_slice %arg7[%mul3A_80, %dma_wait3A] : memref<48x128xi32, #tpu.memory_space<vmem>> -> memref<1x128xi32, #tpu.memory_space<vmem>>
        %dma_wait3A_90 = tpu.memref_squeeze %dma_wait3A_89 : memref<1x128xi32, #tpu.memory_space<vmem>> -> memref<128xi32, #tpu.memory_space<vmem>>
        %dma_wait3A_91 = arith.constant 0 : i32
        %dma_wait3A_92 = arith.constant 0 : i32
        %dma_wait3A_93 = tpu.memref_slice %arg2[%dma_wait3A_91, %dma_wait3A_92] : memref<10112x128xf32, #tpu.memory_space<hbm>> -> memref<10112x128xf32, #tpu.memory_space<hbm>>
        tpu.wait_indirect_dma semaphore(%arg12 : memref<!tpu.dma_semaphore, #tpu.memory_space<semaphore_mem>>) src(%dma_wait3A_93 : memref<10112x128xf32, #tpu.memory_space<hbm>>) dst(%arg9 : memref<128x128xf32, #tpu.memory_space<vmem>>)
        "tpu.region"() ({
          %run_scoped3A = tpu.sem_alloc : memref<!tpu.dma_semaphore, #tpu.memory_space<semaphore_mem>>
          %dma_start3A_106 = arith.constant 0 : i32
          %dma_start3A_107 = tpu.memref_slice %arg8[%mul3A_80, %dma_start3A_106] : memref<48x128xi32, #tpu.memory_space<vmem>> -> memref<1x128xi32, #tpu.memory_space<vmem>>
          %dma_start3A_108 = tpu.memref_squeeze %dma_start3A_107 : memref<1x128xi32, #tpu.memory_space<vmem>> -> memref<128xi32, #tpu.memory_space<vmem>>
          %dma_start3A_109 = arith.constant 0 : i32
          %dma_start3A_110 = arith.constant 0 : i32
          %dma_start3A_111 = tpu.memref_slice %arg11[%dma_start3A_109, %dma_start3A_110] : memref<10112x128xf32, #tpu.memory_space<vmem_shared>> -> memref<10112x128xf32, #tpu.memory_space<vmem_shared>>
          tpu.enqueue_indirect_dma source(%arg9 : memref<128x128xf32, #tpu.memory_space<vmem>>) target(%dma_start3A_111 : memref<10112x128xf32, #tpu.memory_space<vmem_shared>>) offsets(%dma_start3A_108 : memref<128xi32, #tpu.memory_space<vmem>>) semaphore(%run_scoped3A : memref<!tpu.dma_semaphore, #tpu.memory_space<semaphore_mem>>) {add = true}
          %dma_wait3A_112 = arith.constant 0 : i32
          %dma_wait3A_113 = tpu.memref_slice %arg8[%mul3A_80, %dma_wait3A_112] : memref<48x128xi32, #tpu.memory_space<vmem>> -> memref<1x128xi32, #tpu.memory_space<vmem>>
          %dma_wait3A_114 = tpu.memref_squeeze %dma_wait3A_113 : memref<1x128xi32, #tpu.memory_space<vmem>> -> memref<128xi32, #tpu.memory_space<vmem>>
          %dma_wait3A_115 = arith.constant 0 : i32
          %dma_wait3A_116 = arith.constant 0 : i32
          %dma_wait3A_117 = tpu.memref_slice %arg11[%dma_wait3A_115, %dma_wait3A_116] : memref<10112x128xf32, #tpu.memory_space<vmem_shared>> -> memref<10112x128xf32, #tpu.memory_space<vmem_shared>>
          tpu.wait_indirect_dma semaphore(%run_scoped3A : memref<!tpu.dma_semaphore, #tpu.memory_space<semaphore_mem>>) src(%arg9 : memref<128x128xf32, #tpu.memory_space<vmem>>) dst(%dma_wait3A_117 : memref<10112x128xf32, #tpu.memory_space<vmem_shared>>)
          tpu.yield
        }) : () -> ()
        %add3A_94 = arith.constant 1 : i32
        %add3A_95 = arith.addi %add3A_82, %add3A_94 : i32
        %lt3A = arith.constant 48 : i32
        %lt3A_96 = arith.cmpi slt, %add3A_95, %lt3A : i32
        %convert_element_type3A_97 = arith.extui %lt3A_96 : i1 to i32
        %cond3A_98 = arith.constant 0 : i32
        %cond3A_99 = arith.cmpi ne, %convert_element_type3A_97, %cond3A_98 : i32
        scf.if %cond3A_99 {
          %add3A_106 = arith.constant 1 : i32
          %add3A_107 = arith.addi %add3A_82, %add3A_106 : i32
          %dma_start3A_108 = arith.constant 0 : i32
          %dma_start3A_109 = tpu.memref_slice %arg7[%add3A_107, %dma_start3A_108] : memref<48x128xi32, #tpu.memory_space<vmem>> -> memref<1x128xi32, #tpu.memory_space<vmem>>
          %dma_start3A_110 = tpu.memref_squeeze %dma_start3A_109 : memref<1x128xi32, #tpu.memory_space<vmem>> -> memref<128xi32, #tpu.memory_space<vmem>>
          %dma_start3A_111 = arith.constant 0 : i32
          %dma_start3A_112 = arith.constant 0 : i32
          %dma_start3A_113 = tpu.memref_slice %arg2[%dma_start3A_111, %dma_start3A_112] : memref<10112x128xf32, #tpu.memory_space<hbm>> -> memref<10112x128xf32, #tpu.memory_space<hbm>>
          tpu.enqueue_indirect_dma source(%dma_start3A_113 : memref<10112x128xf32, #tpu.memory_space<hbm>>) target(%arg9 : memref<128x128xf32, #tpu.memory_space<vmem>>) offsets(%dma_start3A_110 : memref<128xi32, #tpu.memory_space<vmem>>) semaphore(%arg12 : memref<!tpu.dma_semaphore, #tpu.memory_space<semaphore_mem>>)
        } else {
        }
        %dma_wait3A_100 = arith.constant 0 : i32
        %dma_wait3A_101 = tpu.memref_slice %arg7[%add3A_82, %dma_wait3A_100] : memref<48x128xi32, #tpu.memory_space<vmem>> -> memref<1x128xi32, #tpu.memory_space<vmem>>
        %dma_wait3A_102 = tpu.memref_squeeze %dma_wait3A_101 : memref<1x128xi32, #tpu.memory_space<vmem>> -> memref<128xi32, #tpu.memory_space<vmem>>
        %dma_wait3A_103 = arith.constant 0 : i32
        %dma_wait3A_104 = arith.constant 0 : i32
        %dma_wait3A_105 = tpu.memref_slice %arg2[%dma_wait3A_103, %dma_wait3A_104] : memref<10112x128xf32, #tpu.memory_space<hbm>> -> memref<10112x128xf32, #tpu.memory_space<hbm>>
        tpu.wait_indirect_dma semaphore(%arg13 : memref<!tpu.dma_semaphore, #tpu.memory_space<semaphore_mem>>) src(%dma_wait3A_105 : memref<10112x128xf32, #tpu.memory_space<hbm>>) dst(%arg10 : memref<128x128xf32, #tpu.memory_space<vmem>>)
        "tpu.region"() ({
          %run_scoped3A = tpu.sem_alloc : memref<!tpu.dma_semaphore, #tpu.memory_space<semaphore_mem>>
          %dma_start3A_106 = arith.constant 0 : i32
          %dma_start3A_107 = tpu.memref_slice %arg8[%add3A_82, %dma_start3A_106] : memref<48x128xi32, #tpu.memory_space<vmem>> -> memref<1x128xi32, #tpu.memory_space<vmem>>
          %dma_start3A_108 = tpu.memref_squeeze %dma_start3A_107 : memref<1x128xi32, #tpu.memory_space<vmem>> -> memref<128xi32, #tpu.memory_space<vmem>>
          %dma_start3A_109 = arith.constant 0 : i32
          %dma_start3A_110 = arith.constant 0 : i32
          %dma_start3A_111 = tpu.memref_slice %arg11[%dma_start3A_109, %dma_start3A_110] : memref<10112x128xf32, #tpu.memory_space<vmem_shared>> -> memref<10112x128xf32, #tpu.memory_space<vmem_shared>>
          tpu.enqueue_indirect_dma source(%arg10 : memref<128x128xf32, #tpu.memory_space<vmem>>) target(%dma_start3A_111 : memref<10112x128xf32, #tpu.memory_space<vmem_shared>>) offsets(%dma_start3A_108 : memref<128xi32, #tpu.memory_space<vmem>>) semaphore(%run_scoped3A : memref<!tpu.dma_semaphore, #tpu.memory_space<semaphore_mem>>) {add = true}
          %dma_wait3A_112 = arith.constant 0 : i32
          %dma_wait3A_113 = tpu.memref_slice %arg8[%add3A_82, %dma_wait3A_112] : memref<48x128xi32, #tpu.memory_space<vmem>> -> memref<1x128xi32, #tpu.memory_space<vmem>>
          %dma_wait3A_114 = tpu.memref_squeeze %dma_wait3A_113 : memref<1x128xi32, #tpu.memory_space<vmem>> -> memref<128xi32, #tpu.memory_space<vmem>>
          %dma_wait3A_115 = arith.constant 0 : i32
          %dma_wait3A_116 = arith.constant 0 : i32
          %dma_wait3A_117 = tpu.memref_slice %arg11[%dma_wait3A_115, %dma_wait3A_116] : memref<10112x128xf32, #tpu.memory_space<vmem_shared>> -> memref<10112x128xf32, #tpu.memory_space<vmem_shared>>
          tpu.wait_indirect_dma semaphore(%run_scoped3A : memref<!tpu.dma_semaphore, #tpu.memory_space<semaphore_mem>>) src(%arg10 : memref<128x128xf32, #tpu.memory_space<vmem>>) dst(%dma_wait3A_117 : memref<10112x128xf32, #tpu.memory_space<vmem_shared>>)
          tpu.yield
        }) : () -> ()
      }
      %scan3A_56 = arith.constant 24 : i32
      %mul3A_57 = arith.constant 144 : i32
      %mul3A_58 = arith.muli %arg1, %mul3A_57 : i32
      %add3A_59 = arith.constant 96 : i32
      %add3A_60 = arith.addi %mul3A_58, %add3A_59 : i32
      "tpu.region"() ({
        %run_scoped3A = tpu.sem_alloc : memref<!tpu.dma_semaphore, #tpu.memory_space<semaphore_mem>>
        %dma_start3A_78 = arith.constant 0 : i32
        %dma_start3A_79 = tpu.memref_slice %arg3[%add3A_60, %dma_start3A_78] : memref<2560x128xi32, #tpu.memory_space<hbm>> -> memref<48x128xi32, #tpu.memory_space<hbm>>
        %dma_start3A_80 = arith.constant 0 : i32
        %dma_start3A_81 = tpu.memref_slice %arg3[%add3A_60, %dma_start3A_80] : memref<2560x128xi32, #tpu.memory_space<hbm>> -> memref<48x128xi32, #tpu.memory_space<hbm>>
        tpu.enqueue_dma source(%dma_start3A_81 : memref<48x128xi32, #tpu.memory_space<hbm>>) target(%arg7 : memref<48x128xi32, #tpu.memory_space<vmem>>) target_semaphore(%run_scoped3A : memref<!tpu.dma_semaphore, #tpu.memory_space<semaphore_mem>>)
        %dma_wait3A = arith.constant 0 : i32
        %dma_wait3A_82 = tpu.memref_slice %arg3[%add3A_60, %dma_wait3A] : memref<2560x128xi32, #tpu.memory_space<hbm>> -> memref<48x128xi32, #tpu.memory_space<hbm>>
        %dma_wait3A_83 = arith.constant 0 : i32
        %dma_wait3A_84 = tpu.memref_slice %arg3[%add3A_60, %dma_wait3A_83] : memref<2560x128xi32, #tpu.memory_space<hbm>> -> memref<48x128xi32, #tpu.memory_space<hbm>>
        tpu.wait_dma2 semaphore(%run_scoped3A : memref<!tpu.dma_semaphore, #tpu.memory_space<semaphore_mem>>) src(%dma_wait3A_84 : memref<48x128xi32, #tpu.memory_space<hbm>>) dst(%arg7 : memref<48x128xi32, #tpu.memory_space<vmem>>)
        tpu.yield
      }) : () -> ()
      %mul3A_61 = arith.constant 144 : i32
      %mul3A_62 = arith.muli %arg1, %mul3A_61 : i32
      %add3A_63 = arith.constant 96 : i32
      %add3A_64 = arith.addi %mul3A_62, %add3A_63 : i32
      "tpu.region"() ({
        %run_scoped3A = tpu.sem_alloc : memref<!tpu.dma_semaphore, #tpu.memory_space<semaphore_mem>>
        %dma_start3A_78 = arith.constant 0 : i32
        %dma_start3A_79 = tpu.memref_slice %arg4[%add3A_64, %dma_start3A_78] : memref<2560x128xi32, #tpu.memory_space<hbm>> -> memref<48x128xi32, #tpu.memory_space<hbm>>
        %dma_start3A_80 = arith.constant 0 : i32
        %dma_start3A_81 = tpu.memref_slice %arg4[%add3A_64, %dma_start3A_80] : memref<2560x128xi32, #tpu.memory_space<hbm>> -> memref<48x128xi32, #tpu.memory_space<hbm>>
        tpu.enqueue_dma source(%dma_start3A_81 : memref<48x128xi32, #tpu.memory_space<hbm>>) target(%arg8 : memref<48x128xi32, #tpu.memory_space<vmem>>) target_semaphore(%run_scoped3A : memref<!tpu.dma_semaphore, #tpu.memory_space<semaphore_mem>>)
        %dma_wait3A = arith.constant 0 : i32
        %dma_wait3A_82 = tpu.memref_slice %arg4[%add3A_64, %dma_wait3A] : memref<2560x128xi32, #tpu.memory_space<hbm>> -> memref<48x128xi32, #tpu.memory_space<hbm>>
        %dma_wait3A_83 = arith.constant 0 : i32
        %dma_wait3A_84 = tpu.memref_slice %arg4[%add3A_64, %dma_wait3A_83] : memref<2560x128xi32, #tpu.memory_space<hbm>> -> memref<48x128xi32, #tpu.memory_space<hbm>>
        tpu.wait_dma2 semaphore(%run_scoped3A : memref<!tpu.dma_semaphore, #tpu.memory_space<semaphore_mem>>) src(%dma_wait3A_84 : memref<48x128xi32, #tpu.memory_space<hbm>>) dst(%arg8 : memref<48x128xi32, #tpu.memory_space<vmem>>)
        tpu.yield
      }) : () -> ()
      %dma_start3A_65 = arith.constant 0 : i32
      %dma_start3A_66 = arith.constant 0 : i32
      %dma_start3A_67 = tpu.memref_slice %arg7[%dma_start3A_65, %dma_start3A_66] : memref<48x128xi32, #tpu.memory_space<vmem>> -> memref<1x128xi32, #tpu.memory_space<vmem>>
      %dma_start3A_68 = tpu.memref_squeeze %dma_start3A_67 : memref<1x128xi32, #tpu.memory_space<vmem>> -> memref<128xi32, #tpu.memory_space<vmem>>
      %dma_start3A_69 = arith.constant 0 : i32
      %dma_start3A_70 = arith.constant 0 : i32
      %dma_start3A_71 = tpu.memref_slice %arg2[%dma_start3A_69, %dma_start3A_70] : memref<10112x128xf32, #tpu.memory_space<hbm>> -> memref<10112x128xf32, #tpu.memory_space<hbm>>
      tpu.enqueue_indirect_dma source(%dma_start3A_71 : memref<10112x128xf32, #tpu.memory_space<hbm>>) target(%arg9 : memref<128x128xf32, #tpu.memory_space<vmem>>) offsets(%dma_start3A_68 : memref<128xi32, #tpu.memory_space<vmem>>) semaphore(%arg12 : memref<!tpu.dma_semaphore, #tpu.memory_space<semaphore_mem>>)
      %scan3A_72 = arith.constant 0 : i32
      %scan3A_73 = arith.constant 0 : i32
      %scan3A_74 = arith.constant 24 : i32
      %scan3A_75 = arith.addi %scan3A_73, %scan3A_74 : i32
      %scan3A_76 = arith.constant 1 : i32
      scf.for %scan3A_78 = %scan3A_73 to %scan3A_75 step %scan3A_76  : i32 {
        %mul3A_79 = arith.constant 2 : i32
        %mul3A_80 = arith.muli %mul3A_79, %scan3A_78 : i32
        %add3A_81 = arith.constant 1 : i32
        %add3A_82 = arith.addi %mul3A_80, %add3A_81 : i32
        %dma_start3A_83 = arith.constant 0 : i32
        %dma_start3A_84 = tpu.memref_slice %arg7[%add3A_82, %dma_start3A_83] : memref<48x128xi32, #tpu.memory_space<vmem>> -> memref<1x128xi32, #tpu.memory_space<vmem>>
        %dma_start3A_85 = tpu.memref_squeeze %dma_start3A_84 : memref<1x128xi32, #tpu.memory_space<vmem>> -> memref<128xi32, #tpu.memory_space<vmem>>
        %dma_start3A_86 = arith.constant 0 : i32
        %dma_start3A_87 = arith.constant 0 : i32
        %dma_start3A_88 = tpu.memref_slice %arg2[%dma_start3A_86, %dma_start3A_87] : memref<10112x128xf32, #tpu.memory_space<hbm>> -> memref<10112x128xf32, #tpu.memory_space<hbm>>
        tpu.enqueue_indirect_dma source(%dma_start3A_88 : memref<10112x128xf32, #tpu.memory_space<hbm>>) target(%arg10 : memref<128x128xf32, #tpu.memory_space<vmem>>) offsets(%dma_start3A_85 : memref<128xi32, #tpu.memory_space<vmem>>) semaphore(%arg13 : memref<!tpu.dma_semaphore, #tpu.memory_space<semaphore_mem>>)
        %dma_wait3A = arith.constant 0 : i32
        %dma_wait3A_89 = tpu.memref_slice %arg7[%mul3A_80, %dma_wait3A] : memref<48x128xi32, #tpu.memory_space<vmem>> -> memref<1x128xi32, #tpu.memory_space<vmem>>
        %dma_wait3A_90 = tpu.memref_squeeze %dma_wait3A_89 : memref<1x128xi32, #tpu.memory_space<vmem>> -> memref<128xi32, #tpu.memory_space<vmem>>
        %dma_wait3A_91 = arith.constant 0 : i32
        %dma_wait3A_92 = arith.constant 0 : i32
        %dma_wait3A_93 = tpu.memref_slice %arg2[%dma_wait3A_91, %dma_wait3A_92] : memref<10112x128xf32, #tpu.memory_space<hbm>> -> memref<10112x128xf32, #tpu.memory_space<hbm>>
        tpu.wait_indirect_dma semaphore(%arg12 : memref<!tpu.dma_semaphore, #tpu.memory_space<semaphore_mem>>) src(%dma_wait3A_93 : memref<10112x128xf32, #tpu.memory_space<hbm>>) dst(%arg9 : memref<128x128xf32, #tpu.memory_space<vmem>>)
        "tpu.region"() ({
          %run_scoped3A = tpu.sem_alloc : memref<!tpu.dma_semaphore, #tpu.memory_space<semaphore_mem>>
          %dma_start3A_106 = arith.constant 0 : i32
          %dma_start3A_107 = tpu.memref_slice %arg8[%mul3A_80, %dma_start3A_106] : memref<48x128xi32, #tpu.memory_space<vmem>> -> memref<1x128xi32, #tpu.memory_space<vmem>>
          %dma_start3A_108 = tpu.memref_squeeze %dma_start3A_107 : memref<1x128xi32, #tpu.memory_space<vmem>> -> memref<128xi32, #tpu.memory_space<vmem>>
          %dma_start3A_109 = arith.constant 0 : i32
          %dma_start3A_110 = arith.constant 0 : i32
          %dma_start3A_111 = tpu.memref_slice %arg11[%dma_start3A_109, %dma_start3A_110] : memref<10112x128xf32, #tpu.memory_space<vmem_shared>> -> memref<10112x128xf32, #tpu.memory_space<vmem_shared>>
          tpu.enqueue_indirect_dma source(%arg9 : memref<128x128xf32, #tpu.memory_space<vmem>>) target(%dma_start3A_111 : memref<10112x128xf32, #tpu.memory_space<vmem_shared>>) offsets(%dma_start3A_108 : memref<128xi32, #tpu.memory_space<vmem>>) semaphore(%run_scoped3A : memref<!tpu.dma_semaphore, #tpu.memory_space<semaphore_mem>>) {add = true}
          %dma_wait3A_112 = arith.constant 0 : i32
          %dma_wait3A_113 = tpu.memref_slice %arg8[%mul3A_80, %dma_wait3A_112] : memref<48x128xi32, #tpu.memory_space<vmem>> -> memref<1x128xi32, #tpu.memory_space<vmem>>
          %dma_wait3A_114 = tpu.memref_squeeze %dma_wait3A_113 : memref<1x128xi32, #tpu.memory_space<vmem>> -> memref<128xi32, #tpu.memory_space<vmem>>
          %dma_wait3A_115 = arith.constant 0 : i32
          %dma_wait3A_116 = arith.constant 0 : i32
          %dma_wait3A_117 = tpu.memref_slice %arg11[%dma_wait3A_115, %dma_wait3A_116] : memref<10112x128xf32, #tpu.memory_space<vmem_shared>> -> memref<10112x128xf32, #tpu.memory_space<vmem_shared>>
          tpu.wait_indirect_dma semaphore(%run_scoped3A : memref<!tpu.dma_semaphore, #tpu.memory_space<semaphore_mem>>) src(%arg9 : memref<128x128xf32, #tpu.memory_space<vmem>>) dst(%dma_wait3A_117 : memref<10112x128xf32, #tpu.memory_space<vmem_shared>>)
          tpu.yield
        }) : () -> ()
        %add3A_94 = arith.constant 1 : i32
        %add3A_95 = arith.addi %add3A_82, %add3A_94 : i32
        %lt3A = arith.constant 48 : i32
        %lt3A_96 = arith.cmpi slt, %add3A_95, %lt3A : i32
        %convert_element_type3A_97 = arith.extui %lt3A_96 : i1 to i32
        %cond3A_98 = arith.constant 0 : i32
        %cond3A_99 = arith.cmpi ne, %convert_element_type3A_97, %cond3A_98 : i32
        scf.if %cond3A_99 {
          %add3A_106 = arith.constant 1 : i32
          %add3A_107 = arith.addi %add3A_82, %add3A_106 : i32
          %dma_start3A_108 = arith.constant 0 : i32
          %dma_start3A_109 = tpu.memref_slice %arg7[%add3A_107, %dma_start3A_108] : memref<48x128xi32, #tpu.memory_space<vmem>> -> memref<1x128xi32, #tpu.memory_space<vmem>>
          %dma_start3A_110 = tpu.memref_squeeze %dma_start3A_109 : memref<1x128xi32, #tpu.memory_space<vmem>> -> memref<128xi32, #tpu.memory_space<vmem>>
          %dma_start3A_111 = arith.constant 0 : i32
          %dma_start3A_112 = arith.constant 0 : i32
          %dma_start3A_113 = tpu.memref_slice %arg2[%dma_start3A_111, %dma_start3A_112] : memref<10112x128xf32, #tpu.memory_space<hbm>> -> memref<10112x128xf32, #tpu.memory_space<hbm>>
          tpu.enqueue_indirect_dma source(%dma_start3A_113 : memref<10112x128xf32, #tpu.memory_space<hbm>>) target(%arg9 : memref<128x128xf32, #tpu.memory_space<vmem>>) offsets(%dma_start3A_110 : memref<128xi32, #tpu.memory_space<vmem>>) semaphore(%arg12 : memref<!tpu.dma_semaphore, #tpu.memory_space<semaphore_mem>>)
        } else {
        }
        %dma_wait3A_100 = arith.constant 0 : i32
        %dma_wait3A_101 = tpu.memref_slice %arg7[%add3A_82, %dma_wait3A_100] : memref<48x128xi32, #tpu.memory_space<vmem>> -> memref<1x128xi32, #tpu.memory_space<vmem>>
        %dma_wait3A_102 = tpu.memref_squeeze %dma_wait3A_101 : memref<1x128xi32, #tpu.memory_space<vmem>> -> memref<128xi32, #tpu.memory_space<vmem>>
        %dma_wait3A_103 = arith.constant 0 : i32
        %dma_wait3A_104 = arith.constant 0 : i32
        %dma_wait3A_105 = tpu.memref_slice %arg2[%dma_wait3A_103, %dma_wait3A_104] : memref<10112x128xf32, #tpu.memory_space<hbm>> -> memref<10112x128xf32, #tpu.memory_space<hbm>>
        tpu.wait_indirect_dma semaphore(%arg13 : memref<!tpu.dma_semaphore, #tpu.memory_space<semaphore_mem>>) src(%dma_wait3A_105 : memref<10112x128xf32, #tpu.memory_space<hbm>>) dst(%arg10 : memref<128x128xf32, #tpu.memory_space<vmem>>)
        "tpu.region"() ({
          %run_scoped3A = tpu.sem_alloc : memref<!tpu.dma_semaphore, #tpu.memory_space<semaphore_mem>>
          %dma_start3A_106 = arith.constant 0 : i32
          %dma_start3A_107 = tpu.memref_slice %arg8[%add3A_82, %dma_start3A_106] : memref<48x128xi32, #tpu.memory_space<vmem>> -> memref<1x128xi32, #tpu.memory_space<vmem>>
          %dma_start3A_108 = tpu.memref_squeeze %dma_start3A_107 : memref<1x128xi32, #tpu.memory_space<vmem>> -> memref<128xi32, #tpu.memory_space<vmem>>
          %dma_start3A_109 = arith.constant 0 : i32
          %dma_start3A_110 = arith.constant 0 : i32
          %dma_start3A_111 = tpu.memref_slice %arg11[%dma_start3A_109, %dma_start3A_110] : memref<10112x128xf32, #tpu.memory_space<vmem_shared>> -> memref<10112x128xf32, #tpu.memory_space<vmem_shared>>
          tpu.enqueue_indirect_dma source(%arg10 : memref<128x128xf32, #tpu.memory_space<vmem>>) target(%dma_start3A_111 : memref<10112x128xf32, #tpu.memory_space<vmem_shared>>) offsets(%dma_start3A_108 : memref<128xi32, #tpu.memory_space<vmem>>) semaphore(%run_scoped3A : memref<!tpu.dma_semaphore, #tpu.memory_space<semaphore_mem>>) {add = true}
          %dma_wait3A_112 = arith.constant 0 : i32
          %dma_wait3A_113 = tpu.memref_slice %arg8[%add3A_82, %dma_wait3A_112] : memref<48x128xi32, #tpu.memory_space<vmem>> -> memref<1x128xi32, #tpu.memory_space<vmem>>
          %dma_wait3A_114 = tpu.memref_squeeze %dma_wait3A_113 : memref<1x128xi32, #tpu.memory_space<vmem>> -> memref<128xi32, #tpu.memory_space<vmem>>
          %dma_wait3A_115 = arith.constant 0 : i32
          %dma_wait3A_116 = arith.constant 0 : i32
          %dma_wait3A_117 = tpu.memref_slice %arg11[%dma_wait3A_115, %dma_wait3A_116] : memref<10112x128xf32, #tpu.memory_space<vmem_shared>> -> memref<10112x128xf32, #tpu.memory_space<vmem_shared>>
          tpu.wait_indirect_dma semaphore(%run_scoped3A : memref<!tpu.dma_semaphore, #tpu.memory_space<semaphore_mem>>) src(%arg10 : memref<128x128xf32, #tpu.memory_space<vmem>>) dst(%dma_wait3A_117 : memref<10112x128xf32, #tpu.memory_space<vmem_shared>>)
          tpu.yield
        }) : () -> ()
      }
      %scan3A_77 = arith.constant 24 : i32
    } else {
    }
    %eq3A_8 = arith.constant 1 : i32
    %eq3A_9 = arith.cmpi eq, %arg0, %eq3A_8 : i32
    %convert_element_type3A_10 = arith.extui %eq3A_9 : i1 to i32
    %cond3A_11 = arith.constant 0 : i32
    %cond3A_12 = arith.cmpi ne, %convert_element_type3A_10, %cond3A_11 : i32
    scf.if %cond3A_12 {
      %dma_start3A = arith.constant 0 : i32
      %dma_start3A_18 = arith.constant 0 : i32
      %dma_start3A_19 = tpu.memref_slice %arg7[%dma_start3A, %dma_start3A_18] : memref<48x128xi32, #tpu.memory_space<vmem>> -> memref<1x128xi32, #tpu.memory_space<vmem>>
      %dma_start3A_20 = tpu.memref_squeeze %dma_start3A_19 : memref<1x128xi32, #tpu.memory_space<vmem>> -> memref<128xi32, #tpu.memory_space<vmem>>
      %dma_start3A_21 = arith.constant 0 : i32
      %dma_start3A_22 = arith.constant 0 : i32
      %dma_start3A_23 = tpu.memref_slice %arg2[%dma_start3A_21, %dma_start3A_22] : memref<10112x128xf32, #tpu.memory_space<hbm>> -> memref<10112x128xf32, #tpu.memory_space<hbm>>
      tpu.enqueue_indirect_dma source(%dma_start3A_23 : memref<10112x128xf32, #tpu.memory_space<hbm>>) target(%arg9 : memref<128x128xf32, #tpu.memory_space<vmem>>) offsets(%dma_start3A_20 : memref<128xi32, #tpu.memory_space<vmem>>) semaphore(%arg12 : memref<!tpu.dma_semaphore, #tpu.memory_space<semaphore_mem>>)
      %scan3A = arith.constant 0 : i32
      %scan3A_24 = arith.constant 0 : i32
      %scan3A_25 = arith.constant 8 : i32
      %scan3A_26 = arith.addi %scan3A_24, %scan3A_25 : i32
      %scan3A_27 = arith.constant 1 : i32
      scf.for %scan3A_29 = %scan3A_24 to %scan3A_26 step %scan3A_27  : i32 {
        %mul3A_30 = arith.constant 2 : i32
        %mul3A_31 = arith.muli %mul3A_30, %scan3A_29 : i32
        %add3A = arith.constant 1 : i32
        %add3A_32 = arith.addi %mul3A_31, %add3A : i32
        %dma_start3A_33 = arith.constant 0 : i32
        %dma_start3A_34 = tpu.memref_slice %arg7[%add3A_32, %dma_start3A_33] : memref<48x128xi32, #tpu.memory_space<vmem>> -> memref<1x128xi32, #tpu.memory_space<vmem>>
        %dma_start3A_35 = tpu.memref_squeeze %dma_start3A_34 : memref<1x128xi32, #tpu.memory_space<vmem>> -> memref<128xi32, #tpu.memory_space<vmem>>
        %dma_start3A_36 = arith.constant 0 : i32
        %dma_start3A_37 = arith.constant 0 : i32
        %dma_start3A_38 = tpu.memref_slice %arg2[%dma_start3A_36, %dma_start3A_37] : memref<10112x128xf32, #tpu.memory_space<hbm>> -> memref<10112x128xf32, #tpu.memory_space<hbm>>
        tpu.enqueue_indirect_dma source(%dma_start3A_38 : memref<10112x128xf32, #tpu.memory_space<hbm>>) target(%arg10 : memref<128x128xf32, #tpu.memory_space<vmem>>) offsets(%dma_start3A_35 : memref<128xi32, #tpu.memory_space<vmem>>) semaphore(%arg13 : memref<!tpu.dma_semaphore, #tpu.memory_space<semaphore_mem>>)
        %dma_wait3A = arith.constant 0 : i32
        %dma_wait3A_39 = tpu.memref_slice %arg7[%mul3A_31, %dma_wait3A] : memref<48x128xi32, #tpu.memory_space<vmem>> -> memref<1x128xi32, #tpu.memory_space<vmem>>
        %dma_wait3A_40 = tpu.memref_squeeze %dma_wait3A_39 : memref<1x128xi32, #tpu.memory_space<vmem>> -> memref<128xi32, #tpu.memory_space<vmem>>
        %dma_wait3A_41 = arith.constant 0 : i32
        %dma_wait3A_42 = arith.constant 0 : i32
        %dma_wait3A_43 = tpu.memref_slice %arg2[%dma_wait3A_41, %dma_wait3A_42] : memref<10112x128xf32, #tpu.memory_space<hbm>> -> memref<10112x128xf32, #tpu.memory_space<hbm>>
        tpu.wait_indirect_dma semaphore(%arg12 : memref<!tpu.dma_semaphore, #tpu.memory_space<semaphore_mem>>) src(%dma_wait3A_43 : memref<10112x128xf32, #tpu.memory_space<hbm>>) dst(%arg9 : memref<128x128xf32, #tpu.memory_space<vmem>>)
        "tpu.region"() ({
          %run_scoped3A = tpu.sem_alloc : memref<!tpu.dma_semaphore, #tpu.memory_space<semaphore_mem>>
          %dma_start3A_56 = arith.constant 0 : i32
          %dma_start3A_57 = tpu.memref_slice %arg8[%mul3A_31, %dma_start3A_56] : memref<48x128xi32, #tpu.memory_space<vmem>> -> memref<1x128xi32, #tpu.memory_space<vmem>>
          %dma_start3A_58 = tpu.memref_squeeze %dma_start3A_57 : memref<1x128xi32, #tpu.memory_space<vmem>> -> memref<128xi32, #tpu.memory_space<vmem>>
          %dma_start3A_59 = arith.constant 0 : i32
          %dma_start3A_60 = arith.constant 0 : i32
          %dma_start3A_61 = tpu.memref_slice %arg11[%dma_start3A_59, %dma_start3A_60] : memref<10112x128xf32, #tpu.memory_space<vmem_shared>> -> memref<10112x128xf32, #tpu.memory_space<vmem_shared>>
          tpu.enqueue_indirect_dma source(%arg9 : memref<128x128xf32, #tpu.memory_space<vmem>>) target(%dma_start3A_61 : memref<10112x128xf32, #tpu.memory_space<vmem_shared>>) offsets(%dma_start3A_58 : memref<128xi32, #tpu.memory_space<vmem>>) semaphore(%run_scoped3A : memref<!tpu.dma_semaphore, #tpu.memory_space<semaphore_mem>>) {add = true}
          %dma_wait3A_62 = arith.constant 0 : i32
          %dma_wait3A_63 = tpu.memref_slice %arg8[%mul3A_31, %dma_wait3A_62] : memref<48x128xi32, #tpu.memory_space<vmem>> -> memref<1x128xi32, #tpu.memory_space<vmem>>
          %dma_wait3A_64 = tpu.memref_squeeze %dma_wait3A_63 : memref<1x128xi32, #tpu.memory_space<vmem>> -> memref<128xi32, #tpu.memory_space<vmem>>
          %dma_wait3A_65 = arith.constant 0 : i32
          %dma_wait3A_66 = arith.constant 0 : i32
          %dma_wait3A_67 = tpu.memref_slice %arg11[%dma_wait3A_65, %dma_wait3A_66] : memref<10112x128xf32, #tpu.memory_space<vmem_shared>> -> memref<10112x128xf32, #tpu.memory_space<vmem_shared>>
          tpu.wait_indirect_dma semaphore(%run_scoped3A : memref<!tpu.dma_semaphore, #tpu.memory_space<semaphore_mem>>) src(%arg9 : memref<128x128xf32, #tpu.memory_space<vmem>>) dst(%dma_wait3A_67 : memref<10112x128xf32, #tpu.memory_space<vmem_shared>>)
          tpu.yield
        }) : () -> ()
        %add3A_44 = arith.constant 1 : i32
        %add3A_45 = arith.addi %add3A_32, %add3A_44 : i32
        %lt3A = arith.constant 16 : i32
        %lt3A_46 = arith.cmpi slt, %add3A_45, %lt3A : i32
        %convert_element_type3A_47 = arith.extui %lt3A_46 : i1 to i32
        %cond3A_48 = arith.constant 0 : i32
        %cond3A_49 = arith.cmpi ne, %convert_element_type3A_47, %cond3A_48 : i32
        scf.if %cond3A_49 {
          %add3A_56 = arith.constant 1 : i32
          %add3A_57 = arith.addi %add3A_32, %add3A_56 : i32
          %dma_start3A_58 = arith.constant 0 : i32
          %dma_start3A_59 = tpu.memref_slice %arg7[%add3A_57, %dma_start3A_58] : memref<48x128xi32, #tpu.memory_space<vmem>> -> memref<1x128xi32, #tpu.memory_space<vmem>>
          %dma_start3A_60 = tpu.memref_squeeze %dma_start3A_59 : memref<1x128xi32, #tpu.memory_space<vmem>> -> memref<128xi32, #tpu.memory_space<vmem>>
          %dma_start3A_61 = arith.constant 0 : i32
          %dma_start3A_62 = arith.constant 0 : i32
          %dma_start3A_63 = tpu.memref_slice %arg2[%dma_start3A_61, %dma_start3A_62] : memref<10112x128xf32, #tpu.memory_space<hbm>> -> memref<10112x128xf32, #tpu.memory_space<hbm>>
          tpu.enqueue_indirect_dma source(%dma_start3A_63 : memref<10112x128xf32, #tpu.memory_space<hbm>>) target(%arg9 : memref<128x128xf32, #tpu.memory_space<vmem>>) offsets(%dma_start3A_60 : memref<128xi32, #tpu.memory_space<vmem>>) semaphore(%arg12 : memref<!tpu.dma_semaphore, #tpu.memory_space<semaphore_mem>>)
        } else {
        }
        %dma_wait3A_50 = arith.constant 0 : i32
        %dma_wait3A_51 = tpu.memref_slice %arg7[%add3A_32, %dma_wait3A_50] : memref<48x128xi32, #tpu.memory_space<vmem>> -> memref<1x128xi32, #tpu.memory_space<vmem>>
        %dma_wait3A_52 = tpu.memref_squeeze %dma_wait3A_51 : memref<1x128xi32, #tpu.memory_space<vmem>> -> memref<128xi32, #tpu.memory_space<vmem>>
        %dma_wait3A_53 = arith.constant 0 : i32
        %dma_wait3A_54 = arith.constant 0 : i32
        %dma_wait3A_55 = tpu.memref_slice %arg2[%dma_wait3A_53, %dma_wait3A_54] : memref<10112x128xf32, #tpu.memory_space<hbm>> -> memref<10112x128xf32, #tpu.memory_space<hbm>>
        tpu.wait_indirect_dma semaphore(%arg13 : memref<!tpu.dma_semaphore, #tpu.memory_space<semaphore_mem>>) src(%dma_wait3A_55 : memref<10112x128xf32, #tpu.memory_space<hbm>>) dst(%arg10 : memref<128x128xf32, #tpu.memory_space<vmem>>)
        "tpu.region"() ({
          %run_scoped3A = tpu.sem_alloc : memref<!tpu.dma_semaphore, #tpu.memory_space<semaphore_mem>>
          %dma_start3A_56 = arith.constant 0 : i32
          %dma_start3A_57 = tpu.memref_slice %arg8[%add3A_32, %dma_start3A_56] : memref<48x128xi32, #tpu.memory_space<vmem>> -> memref<1x128xi32, #tpu.memory_space<vmem>>
          %dma_start3A_58 = tpu.memref_squeeze %dma_start3A_57 : memref<1x128xi32, #tpu.memory_space<vmem>> -> memref<128xi32, #tpu.memory_space<vmem>>
          %dma_start3A_59 = arith.constant 0 : i32
          %dma_start3A_60 = arith.constant 0 : i32
          %dma_start3A_61 = tpu.memref_slice %arg11[%dma_start3A_59, %dma_start3A_60] : memref<10112x128xf32, #tpu.memory_space<vmem_shared>> -> memref<10112x128xf32, #tpu.memory_space<vmem_shared>>
          tpu.enqueue_indirect_dma source(%arg10 : memref<128x128xf32, #tpu.memory_space<vmem>>) target(%dma_start3A_61 : memref<10112x128xf32, #tpu.memory_space<vmem_shared>>) offsets(%dma_start3A_58 : memref<128xi32, #tpu.memory_space<vmem>>) semaphore(%run_scoped3A : memref<!tpu.dma_semaphore, #tpu.memory_space<semaphore_mem>>) {add = true}
          %dma_wait3A_62 = arith.constant 0 : i32
          %dma_wait3A_63 = tpu.memref_slice %arg8[%add3A_32, %dma_wait3A_62] : memref<48x128xi32, #tpu.memory_space<vmem>> -> memref<1x128xi32, #tpu.memory_space<vmem>>
          %dma_wait3A_64 = tpu.memref_squeeze %dma_wait3A_63 : memref<1x128xi32, #tpu.memory_space<vmem>> -> memref<128xi32, #tpu.memory_space<vmem>>
          %dma_wait3A_65 = arith.constant 0 : i32
          %dma_wait3A_66 = arith.constant 0 : i32
          %dma_wait3A_67 = tpu.memref_slice %arg11[%dma_wait3A_65, %dma_wait3A_66] : memref<10112x128xf32, #tpu.memory_space<vmem_shared>> -> memref<10112x128xf32, #tpu.memory_space<vmem_shared>>
          tpu.wait_indirect_dma semaphore(%run_scoped3A : memref<!tpu.dma_semaphore, #tpu.memory_space<semaphore_mem>>) src(%arg10 : memref<128x128xf32, #tpu.memory_space<vmem>>) dst(%dma_wait3A_67 : memref<10112x128xf32, #tpu.memory_space<vmem_shared>>)
          tpu.yield
        }) : () -> ()
      }
      %scan3A_28 = arith.constant 8 : i32
    } else {
    }
    %barrier3A_13 = arith.constant 0 : index
    tpu.barrier barrier_id(%barrier3A_13)
    %mul3A_14 = arith.constant 632 : i32
    %mul3A_15 = arith.muli %arg1, %mul3A_14 : i32
    %mul3A_16 = arith.constant 632 : i32
    %mul3A_17 = arith.muli %arg1, %mul3A_16 : i32
    "tpu.region"() ({
      %run_scoped3A = tpu.sem_alloc : memref<!tpu.dma_semaphore, #tpu.memory_space<semaphore_mem>>
      %dma_start3A = arith.constant 0 : i32
      %dma_start3A_18 = tpu.memref_slice %arg6[%arg0, %mul3A_17, %dma_start3A] : memref<2x10112x128xf32, #tpu.memory_space<hbm>> -> memref<1x632x128xf32, #tpu.memory_space<hbm>>
      %dma_start3A_19 = tpu.memref_squeeze %dma_start3A_18 : memref<1x632x128xf32, #tpu.memory_space<hbm>> -> memref<632x128xf32, #tpu.memory_space<hbm>>
      %dma_start3A_20 = arith.constant 0 : i32
      %dma_start3A_21 = tpu.memref_slice %arg11[%mul3A_15, %dma_start3A_20] : memref<10112x128xf32, #tpu.memory_space<vmem_shared>> -> memref<632x128xf32, #tpu.memory_space<vmem_shared>>
      tpu.enqueue_dma source(%dma_start3A_21 : memref<632x128xf32, #tpu.memory_space<vmem_shared>>) target(%dma_start3A_19 : memref<632x128xf32, #tpu.memory_space<hbm>>) target_semaphore(%run_scoped3A : memref<!tpu.dma_semaphore, #tpu.memory_space<semaphore_mem>>)
      %dma_wait3A = arith.constant 0 : i32
      %dma_wait3A_22 = tpu.memref_slice %arg6[%arg0, %mul3A_17, %dma_wait3A] : memref<2x10112x128xf32, #tpu.memory_space<hbm>> -> memref<1x632x128xf32, #tpu.memory_space<hbm>>
      %dma_wait3A_23 = tpu.memref_squeeze %dma_wait3A_22 : memref<1x632x128xf32, #tpu.memory_space<hbm>> -> memref<632x128xf32, #tpu.memory_space<hbm>>
      %dma_wait3A_24 = arith.constant 0 : i32
      %dma_wait3A_25 = tpu.memref_slice %arg11[%mul3A_15, %dma_wait3A_24] : memref<10112x128xf32, #tpu.memory_space<vmem_shared>> -> memref<632x128xf32, #tpu.memory_space<vmem_shared>>
      tpu.wait_dma2 semaphore(%run_scoped3A : memref<!tpu.dma_semaphore, #tpu.memory_space<semaphore_mem>>) src(%dma_wait3A_25 : memref<632x128xf32, #tpu.memory_space<vmem_shared>>) dst(%dma_wait3A_23 : memref<632x128xf32, #tpu.memory_space<hbm>>)
      tpu.yield
    }) : () -> ()
    return
  }
}

module attributes {stable_mosaic.version = 14 : i64} {
  func.func @_init_body(%arg0: i32, %arg1: memref<2x1000x128xf32, #tpu.memory_space<vmem>>, %arg2: memref<1000x1xf32, #tpu.memory_space<vmem>>, %arg3: memref<1x128xf32, #tpu.memory_space<vmem>>, %arg4: memref<1x128xf32, #tpu.memory_space<vmem>>, %arg5: memref<128x128xf32, #tpu.memory_space<vmem>>, %arg6: memref<1000x1xf32, #tpu.memory_space<vmem>>, %arg7: memref<1000x128xf32, #tpu.memory_space<vmem>>) attributes {dimension_semantics = [#tpu.dimension_semantics<arbitrary>], iteration_bounds = array<i64: 10>, scalar_prefetch = 0 : i64, scratch_operands = 0 : i64, tpu.core_type = #tpu.core_type<tc>, window_params = [{transform_indices = @transform_0, window_bounds = array<i64: 2, 1000, 128>}, {transform_indices = @transform_1, window_bounds = array<i64: 1000, 1>}, {pipeline_mode = #tpu.pipeline_mode<synchronous>, transform_indices = @transform_2, window_bounds = array<i64: 1, 128>}, {pipeline_mode = #tpu.pipeline_mode<synchronous>, transform_indices = @transform_3, window_bounds = array<i64: 1, 128>}, {pipeline_mode = #tpu.pipeline_mode<synchronous>, transform_indices = @transform_4, window_bounds = array<i64: 128, 128>}, {transform_indices = @transform_5, window_bounds = array<i64: 1000, 1>}, {transform_indices = @transform_6, window_bounds = array<i64: 1000, 128>}]} {
    %get3A = arith.constant 0 : index
    %get3A_0 = arith.constant 0 : index
    %get3A_1 = arith.constant 0 : index
    %get3A_2 = vector.load %arg1[%get3A, %get3A_0, %get3A_1] : memref<2x1000x128xf32, #tpu.memory_space<vmem>>, vector<1x1000x1xf32>
    %get3A_3 = vector.shape_cast %get3A_2 : vector<1x1000x1xf32> to vector<1000x1xf32>
    %get3A_4 = arith.constant 1 : index
    %get3A_5 = arith.constant 0 : index
    %get3A_6 = arith.constant 0 : index
    %get3A_7 = vector.load %arg1[%get3A_4, %get3A_5, %get3A_6] : memref<2x1000x128xf32, #tpu.memory_space<vmem>>, vector<1x1000x1xf32>
    %get3A_8 = vector.shape_cast %get3A_7 : vector<1x1000x1xf32> to vector<1000x1xf32>
    %add3A = arith.addf %get3A_3, %get3A_8 : vector<1000x1xf32>
    %add3A_9 = arith.constant 1.000000e+00 : f32
    %add3A_10 = vector.broadcast %add3A_9 : f32 to vector<1000x1xf32>
    %add3A_11 = arith.addf %add3A, %add3A_10 : vector<1000x1xf32>
    %rsqrt3A = math.rsqrt %add3A_11 : vector<1000x1xf32>
    %get3A_12 = arith.constant 0 : index
    %get3A_13 = arith.constant 0 : index
    %get3A_14 = vector.load %arg2[%get3A_12, %get3A_13] : memref<1000x1xf32, #tpu.memory_space<vmem>>, vector<1000x1xf32>
    %get3A_15 = arith.constant 0 : index
    %get3A_16 = arith.constant 0 : index
    %get3A_17 = vector.load %arg3[%get3A_15, %get3A_16] : memref<1x128xf32, #tpu.memory_space<vmem>>, vector<1x128xf32>
    %mul3A = vector.broadcast %get3A_14 : vector<1000x1xf32> to vector<1000x128xf32>
    %mul3A_18 = vector.broadcast %get3A_17 : vector<1x128xf32> to vector<1000x128xf32>
    %mul3A_19 = arith.mulf %mul3A, %mul3A_18 : vector<1000x128xf32>
    %get3A_20 = arith.constant 0 : index
    %get3A_21 = arith.constant 0 : index
    %get3A_22 = vector.load %arg4[%get3A_20, %get3A_21] : memref<1x128xf32, #tpu.memory_space<vmem>>, vector<1x128xf32>
    %add3A_23 = vector.broadcast %get3A_22 : vector<1x128xf32> to vector<1000x128xf32>
    %add3A_24 = arith.addf %mul3A_19, %add3A_23 : vector<1000x128xf32>
    %max3A = arith.constant 0.000000e+00 : f32
    %max3A_25 = vector.broadcast %max3A : f32 to vector<1000x128xf32>
    %max3A_26 = arith.maximumf %add3A_24, %max3A_25 : vector<1000x128xf32>
    %get3A_27 = arith.constant 0 : index
    %get3A_28 = arith.constant 0 : index
    %get3A_29 = vector.load %arg5[%get3A_27, %get3A_28] : memref<128x128xf32, #tpu.memory_space<vmem>>, vector<128x128xf32>
    %dot_general3A = arith.constant dense<0.000000e+00> : vector<1000x128xf32>
    %dot_general3A_30 = tpu.matmul %max3A_26, %get3A_29, %dot_general3A {dimension_numbers = #tpu.dot_dimension_numbers<[1], [1], [0], [0], [0, 0, 1, 0], [], []>, transpose_lhs_hint = false} : vector<1000x128xf32>, vector<128x128xf32>, vector<1000x128xf32> -> vector<1000x128xf32>
    %mul3A_31 = vector.broadcast %rsqrt3A : vector<1000x1xf32> to vector<1000x128xf32>
    %mul3A_32 = arith.mulf %dot_general3A_30, %mul3A_31 : vector<1000x128xf32>
    %swap3A = arith.constant 0 : index
    %swap3A_33 = arith.constant 0 : index
    %swap3A_34 = vector.load %arg6[%swap3A, %swap3A_33] : memref<1000x1xf32, #tpu.memory_space<vmem>>, vector<1000x1xf32>
    tpu.vector_store %arg6[%swap3A, %swap3A_33], %rsqrt3A {strides = array<i32>} : memref<1000x1xf32, #tpu.memory_space<vmem>>, vector<1000x1xf32>,
    %swap3A_35 = arith.constant 0 : index
    %swap3A_36 = arith.constant 0 : index
    %swap3A_37 = vector.load %arg7[%swap3A_35, %swap3A_36] : memref<1000x128xf32, #tpu.memory_space<vmem>>, vector<1000x128xf32>
    tpu.vector_store %arg7[%swap3A_35, %swap3A_36], %mul3A_32 {strides = array<i32>} : memref<1000x128xf32, #tpu.memory_space<vmem>>, vector<1000x128xf32>,
    return
  }
  func.func @transform_0(%arg0: i32) -> (i32, i32, i32) {
    %c0_i32 = arith.constant 0 : i32
    %c0_i32_0 = arith.constant 0 : i32
    %c0_i32_1 = arith.constant 0 : i32
    return %c0_i32, %arg0, %c0_i32_0 : i32, i32, i32
  }
  func.func @transform_1(%arg0: i32) -> (i32, i32) {
    %c0_i32 = arith.constant 0 : i32
    %c0_i32_0 = arith.constant 0 : i32
    return %arg0, %c0_i32 : i32, i32
  }
  func.func @transform_2(%arg0: i32) -> (i32, i32) {
    %c0_i32 = arith.constant 0 : i32
    %c0_i32_0 = arith.constant 0 : i32
    %c0_i32_1 = arith.constant 0 : i32
    return %c0_i32, %c0_i32_0 : i32, i32
  }
  func.func @transform_3(%arg0: i32) -> (i32, i32) {
    %c0_i32 = arith.constant 0 : i32
    %c0_i32_0 = arith.constant 0 : i32
    %c0_i32_1 = arith.constant 0 : i32
    return %c0_i32, %c0_i32_0 : i32, i32
  }
  func.func @transform_4(%arg0: i32) -> (i32, i32) {
    %c0_i32 = arith.constant 0 : i32
    %c0_i32_0 = arith.constant 0 : i32
    %c0_i32_1 = arith.constant 0 : i32
    return %c0_i32, %c0_i32_0 : i32, i32
  }
  func.func @transform_5(%arg0: i32) -> (i32, i32) {
    %c0_i32 = arith.constant 0 : i32
    %c0_i32_0 = arith.constant 0 : i32
    return %arg0, %c0_i32 : i32, i32
  }
  func.func @transform_6(%arg0: i32) -> (i32, i32) {
    %c0_i32 = arith.constant 0 : i32
    %c0_i32_0 = arith.constant 0 : i32
    return %arg0, %c0_i32 : i32, i32
  }
}

module attributes {stable_mosaic.version = 14 : i64} {
  func.func @_layer_body(%arg0: i32, %arg1: memref<2x1000x128xf32, #tpu.memory_space<vmem>>, %arg2: memref<1000x128xf32, #tpu.memory_space<vmem>>, %arg3: memref<1000x1xf32, #tpu.memory_space<vmem>>, %arg4: memref<1x128xf32, #tpu.memory_space<vmem>>, %arg5: memref<128x128xf32, #tpu.memory_space<vmem>>, %arg6: memref<1000x128xf32, #tpu.memory_space<vmem>>) attributes {dimension_semantics = [#tpu.dimension_semantics<arbitrary>], iteration_bounds = array<i64: 10>, scalar_prefetch = 0 : i64, scratch_operands = 0 : i64, tpu.core_type = #tpu.core_type<tc>, window_params = [{transform_indices = @transform_0, window_bounds = array<i64: 2, 1000, 128>}, {transform_indices = @transform_1, window_bounds = array<i64: 1000, 128>}, {transform_indices = @transform_2, window_bounds = array<i64: 1000, 1>}, {pipeline_mode = #tpu.pipeline_mode<synchronous>, transform_indices = @transform_3, window_bounds = array<i64: 1, 128>}, {pipeline_mode = #tpu.pipeline_mode<synchronous>, transform_indices = @transform_4, window_bounds = array<i64: 128, 128>}, {transform_indices = @transform_5, window_bounds = array<i64: 1000, 128>}]} {
    %get3A = arith.constant 0 : index
    %get3A_0 = arith.constant 0 : index
    %get3A_1 = arith.constant 0 : index
    %get3A_2 = vector.load %arg1[%get3A, %get3A_0, %get3A_1] : memref<2x1000x128xf32, #tpu.memory_space<vmem>>, vector<1x1000x128xf32>
    %get3A_3 = vector.shape_cast %get3A_2 : vector<1x1000x128xf32> to vector<1000x128xf32>
    %get3A_4 = arith.constant 1 : index
    %get3A_5 = arith.constant 0 : index
    %get3A_6 = arith.constant 0 : index
    %get3A_7 = vector.load %arg1[%get3A_4, %get3A_5, %get3A_6] : memref<2x1000x128xf32, #tpu.memory_space<vmem>>, vector<1x1000x128xf32>
    %get3A_8 = vector.shape_cast %get3A_7 : vector<1x1000x128xf32> to vector<1000x128xf32>
    %add3A = arith.addf %get3A_3, %get3A_8 : vector<1000x128xf32>
    %get3A_9 = arith.constant 0 : index
    %get3A_10 = arith.constant 0 : index
    %get3A_11 = vector.load %arg2[%get3A_9, %get3A_10] : memref<1000x128xf32, #tpu.memory_space<vmem>>, vector<1000x128xf32>
    %add3A_12 = arith.addf %add3A, %get3A_11 : vector<1000x128xf32>
    %get3A_13 = arith.constant 0 : index
    %get3A_14 = arith.constant 0 : index
    %get3A_15 = vector.load %arg3[%get3A_13, %get3A_14] : memref<1000x1xf32, #tpu.memory_space<vmem>>, vector<1000x1xf32>
    %mul3A = vector.broadcast %get3A_15 : vector<1000x1xf32> to vector<1000x128xf32>
    %mul3A_16 = arith.mulf %add3A_12, %mul3A : vector<1000x128xf32>
    %get3A_17 = arith.constant 0 : index
    %get3A_18 = arith.constant 0 : index
    %get3A_19 = vector.load %arg4[%get3A_17, %get3A_18] : memref<1x128xf32, #tpu.memory_space<vmem>>, vector<1x128xf32>
    %add3A_20 = vector.broadcast %get3A_19 : vector<1x128xf32> to vector<1000x128xf32>
    %add3A_21 = arith.addf %mul3A_16, %add3A_20 : vector<1000x128xf32>
    %max3A = arith.constant 0.000000e+00 : f32
    %max3A_22 = vector.broadcast %max3A : f32 to vector<1000x128xf32>
    %max3A_23 = arith.maximumf %add3A_21, %max3A_22 : vector<1000x128xf32>
    %get3A_24 = arith.constant 0 : index
    %get3A_25 = arith.constant 0 : index
    %get3A_26 = vector.load %arg5[%get3A_24, %get3A_25] : memref<128x128xf32, #tpu.memory_space<vmem>>, vector<128x128xf32>
    %dot_general3A = arith.constant dense<0.000000e+00> : vector<1000x128xf32>
    %dot_general3A_27 = tpu.matmul %max3A_23, %get3A_26, %dot_general3A {dimension_numbers = #tpu.dot_dimension_numbers<[1], [1], [0], [0], [0, 0, 1, 0], [], []>, transpose_lhs_hint = false} : vector<1000x128xf32>, vector<128x128xf32>, vector<1000x128xf32> -> vector<1000x128xf32>
    %mul3A_28 = vector.broadcast %get3A_15 : vector<1000x1xf32> to vector<1000x128xf32>
    %mul3A_29 = arith.mulf %dot_general3A_27, %mul3A_28 : vector<1000x128xf32>
    %swap3A = arith.constant 0 : index
    %swap3A_30 = arith.constant 0 : index
    %swap3A_31 = vector.load %arg6[%swap3A, %swap3A_30] : memref<1000x128xf32, #tpu.memory_space<vmem>>, vector<1000x128xf32>
    tpu.vector_store %arg6[%swap3A, %swap3A_30], %mul3A_29 {strides = array<i32>} : memref<1000x128xf32, #tpu.memory_space<vmem>>, vector<1000x128xf32>,
    return
  }
  func.func @transform_0(%arg0: i32) -> (i32, i32, i32) {
    %c0_i32 = arith.constant 0 : i32
    %c0_i32_0 = arith.constant 0 : i32
    %c0_i32_1 = arith.constant 0 : i32
    return %c0_i32, %arg0, %c0_i32_0 : i32, i32, i32
  }
  func.func @transform_1(%arg0: i32) -> (i32, i32) {
    %c0_i32 = arith.constant 0 : i32
    %c0_i32_0 = arith.constant 0 : i32
    return %arg0, %c0_i32 : i32, i32
  }
  func.func @transform_2(%arg0: i32) -> (i32, i32) {
    %c0_i32 = arith.constant 0 : i32
    %c0_i32_0 = arith.constant 0 : i32
    return %arg0, %c0_i32 : i32, i32
  }
  func.func @transform_3(%arg0: i32) -> (i32, i32) {
    %c0_i32 = arith.constant 0 : i32
    %c0_i32_0 = arith.constant 0 : i32
    %c0_i32_1 = arith.constant 0 : i32
    return %c0_i32, %c0_i32_0 : i32, i32
  }
  func.func @transform_4(%arg0: i32) -> (i32, i32) {
    %c0_i32 = arith.constant 0 : i32
    %c0_i32_0 = arith.constant 0 : i32
    %c0_i32_1 = arith.constant 0 : i32
    return %c0_i32, %c0_i32_0 : i32, i32
  }
  func.func @transform_5(%arg0: i32) -> (i32, i32) {
    %c0_i32 = arith.constant 0 : i32
    %c0_i32_0 = arith.constant 0 : i32
    return %arg0, %c0_i32 : i32, i32
  }
}

module attributes {stable_mosaic.version = 14 : i64} {
  func.func @_final_body(%arg0: i32, %arg1: memref<2x1000x128xf32, #tpu.memory_space<vmem>>, %arg2: memref<1000x128xf32, #tpu.memory_space<vmem>>, %arg3: memref<1000x1xf32, #tpu.memory_space<vmem>>, %arg4: memref<1x128xf32, #tpu.memory_space<vmem>>, %arg5: memref<1x1x1000xi32, #tpu.memory_space<vmem>>, %arg6: memref<128x128xf32, #tpu.memory_space<vmem>>, %arg7: memref<1x128xf32, #tpu.memory_space<vmem>>, %arg8: memref<64x128xf32, #tpu.memory_space<vmem>>, %arg9: memref<64x128xf32, #tpu.memory_space<vmem>>, %arg10: memref<64x1xf32, #tpu.memory_space<vmem>>) attributes {dimension_semantics = [#tpu.dimension_semantics<arbitrary>], iteration_bounds = array<i64: 10>, scalar_prefetch = 0 : i64, scratch_operands = 2 : i64, tpu.core_type = #tpu.core_type<tc>, window_params = [{transform_indices = @transform_0, window_bounds = array<i64: 2, 1000, 128>}, {transform_indices = @transform_1, window_bounds = array<i64: 1000, 128>}, {transform_indices = @transform_2, window_bounds = array<i64: 1000, 1>}, {pipeline_mode = #tpu.pipeline_mode<synchronous>, transform_indices = @transform_3, window_bounds = array<i64: 1, 128>}, {transform_indices = @transform_4, window_bounds = array<i64: 1, 1, 1000>}, {pipeline_mode = #tpu.pipeline_mode<synchronous>, transform_indices = @transform_5, window_bounds = array<i64: 128, 128>}, {pipeline_mode = #tpu.pipeline_mode<synchronous>, transform_indices = @transform_6, window_bounds = array<i64: 1, 128>}, {pipeline_mode = #tpu.pipeline_mode<synchronous>, transform_indices = @transform_7, window_bounds = array<i64: 64, 128>}]} {
    %eq3A = arith.constant 0 : i32
    %eq3A_0 = arith.cmpi eq, %arg0, %eq3A : i32
    %convert_element_type3A = arith.extui %eq3A_0 : i1 to i32
    %cond3A = arith.constant 0 : i32
    %cond3A_1 = arith.cmpi ne, %convert_element_type3A, %cond3A : i32
    scf.if %cond3A_1 {
      %broadcast_in_dim3A_55 = arith.constant 0.000000e+00 : f32
      %broadcast_in_dim3A_56 = vector.broadcast %broadcast_in_dim3A_55 : f32 to vector<64x128xf32>
      %swap3A_57 = arith.constant 0 : index
      %swap3A_58 = arith.constant 0 : index
      %swap3A_59 = vector.load %arg9[%swap3A_57, %swap3A_58] : memref<64x128xf32, #tpu.memory_space<vmem>>, vector<64x128xf32>
      tpu.vector_store %arg9[%swap3A_57, %swap3A_58], %broadcast_in_dim3A_56 {strides = array<i32>} : memref<64x128xf32, #tpu.memory_space<vmem>>, vector<64x128xf32>,
      %broadcast_in_dim3A_60 = arith.constant 0.000000e+00 : f32
      %broadcast_in_dim3A_61 = vector.broadcast %broadcast_in_dim3A_60 : f32 to vector<64x1xf32>
      %swap3A_62 = arith.constant 0 : index
      %swap3A_63 = arith.constant 0 : index
      %swap3A_64 = vector.load %arg10[%swap3A_62, %swap3A_63] : memref<64x1xf32, #tpu.memory_space<vmem>>, vector<64x1xf32>
      tpu.vector_store %arg10[%swap3A_62, %swap3A_63], %broadcast_in_dim3A_61 {strides = array<i32>} : memref<64x1xf32, #tpu.memory_space<vmem>>, vector<64x1xf32>,
    } else {
    }
    %get3A = arith.constant 0 : index
    %get3A_2 = arith.constant 0 : index
    %get3A_3 = arith.constant 0 : index
    %get3A_4 = vector.load %arg1[%get3A, %get3A_2, %get3A_3] : memref<2x1000x128xf32, #tpu.memory_space<vmem>>, vector<1x1000x128xf32>
    %get3A_5 = vector.shape_cast %get3A_4 : vector<1x1000x128xf32> to vector<1000x128xf32>
    %get3A_6 = arith.constant 1 : index
    %get3A_7 = arith.constant 0 : index
    %get3A_8 = arith.constant 0 : index
    %get3A_9 = vector.load %arg1[%get3A_6, %get3A_7, %get3A_8] : memref<2x1000x128xf32, #tpu.memory_space<vmem>>, vector<1x1000x128xf32>
    %get3A_10 = vector.shape_cast %get3A_9 : vector<1x1000x128xf32> to vector<1000x128xf32>
    %add3A = arith.addf %get3A_5, %get3A_10 : vector<1000x128xf32>
    %get3A_11 = arith.constant 0 : index
    %get3A_12 = arith.constant 0 : index
    %get3A_13 = vector.load %arg2[%get3A_11, %get3A_12] : memref<1000x128xf32, #tpu.memory_space<vmem>>, vector<1000x128xf32>
    %add3A_14 = arith.addf %add3A, %get3A_13 : vector<1000x128xf32>
    %get3A_15 = arith.constant 0 : index
    %get3A_16 = arith.constant 0 : index
    %get3A_17 = vector.load %arg3[%get3A_15, %get3A_16] : memref<1000x1xf32, #tpu.memory_space<vmem>>, vector<1000x1xf32>
    %mul3A = vector.broadcast %get3A_17 : vector<1000x1xf32> to vector<1000x128xf32>
    %mul3A_18 = arith.mulf %add3A_14, %mul3A : vector<1000x128xf32>
    %get3A_19 = arith.constant 0 : index
    %get3A_20 = arith.constant 0 : index
    %get3A_21 = vector.load %arg4[%get3A_19, %get3A_20] : memref<1x128xf32, #tpu.memory_space<vmem>>, vector<1x128xf32>
    %add3A_22 = vector.broadcast %get3A_21 : vector<1x128xf32> to vector<1000x128xf32>
    %add3A_23 = arith.addf %mul3A_18, %add3A_22 : vector<1000x128xf32>
    %max3A = arith.constant 0.000000e+00 : f32
    %max3A_24 = vector.broadcast %max3A : f32 to vector<1000x128xf32>
    %max3A_25 = arith.maximumf %add3A_23, %max3A_24 : vector<1000x128xf32>
    %get3A_26 = arith.constant 0 : index
    %get3A_27 = arith.constant 0 : index
    %get3A_28 = arith.constant 0 : index
    %get3A_29 = vector.load %arg5[%get3A_26, %get3A_27, %get3A_28] : memref<1x1x1000xi32, #tpu.memory_space<vmem>>, vector<1x1x1000xi32>
    %get3A_30 = vector.shape_cast %get3A_29 : vector<1x1x1000xi32> to vector<1x1000xi32>
    %iota3A = tpu.iota {dimensions = array<i32: 0>} : vector<64x1000xi32>
    %eq3A_31 = vector.broadcast %get3A_30 : vector<1x1000xi32> to vector<64x1000xi32>
    %eq3A_32 = arith.cmpi eq, %iota3A, %eq3A_31 : vector<64x1000xi32>
    %convert_element_type3A_33 = arith.extui %eq3A_32 : vector<64x1000xi1> to vector<64x1000xi32>
    %convert_element_type3A_34 = arith.sitofp %convert_element_type3A_33 : vector<64x1000xi32> to vector<64x1000xf32>
    %get3A_35 = arith.constant 0 : index
    %get3A_36 = arith.constant 0 : index
    %get3A_37 = vector.load %arg9[%get3A_35, %get3A_36] : memref<64x128xf32, #tpu.memory_space<vmem>>, vector<64x128xf32>
    %dot_general3A = arith.constant dense<0.000000e+00> : vector<64x128xf32>
    %dot_general3A_38 = tpu.matmul %convert_element_type3A_34, %max3A_25, %dot_general3A {dimension_numbers = #tpu.dot_dimension_numbers<[1], [0], [0], [1], [0, 0, 1, 1], [], []>, transpose_lhs_hint = false} : vector<64x1000xf32>, vector<1000x128xf32>, vector<64x128xf32> -> vector<64x128xf32>
    %add3A_39 = arith.addf %get3A_37, %dot_general3A_38 : vector<64x128xf32>
    %swap3A = arith.constant 0 : index
    %swap3A_40 = arith.constant 0 : index
    %swap3A_41 = vector.load %arg9[%swap3A, %swap3A_40] : memref<64x128xf32, #tpu.memory_space<vmem>>, vector<64x128xf32>
    tpu.vector_store %arg9[%swap3A, %swap3A_40], %add3A_39 {strides = array<i32>} : memref<64x128xf32, #tpu.memory_space<vmem>>, vector<64x128xf32>,
    %get3A_42 = arith.constant 0 : index
    %get3A_43 = arith.constant 0 : index
    %get3A_44 = vector.load %arg10[%get3A_42, %get3A_43] : memref<64x1xf32, #tpu.memory_space<vmem>>, vector<64x1xf32>
    %reduce_sum3A = arith.constant dense<0.000000e+00> : vector<64xf32>
    %reduce_sum3A_45 = vector.multi_reduction <add>, %convert_element_type3A_34, %reduce_sum3A [1] : vector<64x1000xf32> to vector<64xf32>
    %broadcast_in_dim3A = vector.shape_cast %reduce_sum3A_45 : vector<64xf32> to vector<64x1xf32>
    %add3A_46 = arith.addf %get3A_44, %broadcast_in_dim3A : vector<64x1xf32>
    %swap3A_47 = arith.constant 0 : index
    %swap3A_48 = arith.constant 0 : index
    %swap3A_49 = vector.load %arg10[%swap3A_47, %swap3A_48] : memref<64x1xf32, #tpu.memory_space<vmem>>, vector<64x1xf32>
    tpu.vector_store %arg10[%swap3A_47, %swap3A_48], %add3A_46 {strides = array<i32>} : memref<64x1xf32, #tpu.memory_space<vmem>>, vector<64x1xf32>,
    %eq3A_50 = arith.constant 9 : i32
    %eq3A_51 = arith.cmpi eq, %arg0, %eq3A_50 : i32
    %convert_element_type3A_52 = arith.extui %eq3A_51 : i1 to i32
    %cond3A_53 = arith.constant 0 : i32
    %cond3A_54 = arith.cmpi ne, %convert_element_type3A_52, %cond3A_53 : i32
    scf.if %cond3A_54 {
      %get3A_55 = arith.constant 0 : index
      %get3A_56 = arith.constant 0 : index
      %get3A_57 = vector.load %arg9[%get3A_55, %get3A_56] : memref<64x128xf32, #tpu.memory_space<vmem>>, vector<64x128xf32>
      %get3A_58 = arith.constant 0 : index
      %get3A_59 = arith.constant 0 : index
      %get3A_60 = vector.load %arg10[%get3A_58, %get3A_59] : memref<64x1xf32, #tpu.memory_space<vmem>>, vector<64x1xf32>
      %max3A_61 = arith.constant 1.000000e+00 : f32
      %max3A_62 = vector.broadcast %max3A_61 : f32 to vector<64x1xf32>
      %max3A_63 = arith.maximumf %get3A_60, %max3A_62 : vector<64x1xf32>
      %div3A = vector.broadcast %max3A_63 : vector<64x1xf32> to vector<64x128xf32>
      %div3A_64 = arith.divf %get3A_57, %div3A : vector<64x128xf32>
      %get3A_65 = arith.constant 0 : index
      %get3A_66 = arith.constant 0 : index
      %get3A_67 = vector.load %arg6[%get3A_65, %get3A_66] : memref<128x128xf32, #tpu.memory_space<vmem>>, vector<128x128xf32>
      %dot_general3A_68 = arith.constant dense<0.000000e+00> : vector<64x128xf32>
      %dot_general3A_69 = tpu.matmul %div3A_64, %get3A_67, %dot_general3A_68 {dimension_numbers = #tpu.dot_dimension_numbers<[1], [1], [0], [0], [0, 0, 1, 0], [], []>, transpose_lhs_hint = false} : vector<64x128xf32>, vector<128x128xf32>, vector<64x128xf32> -> vector<64x128xf32>
      %get3A_70 = arith.constant 0 : index
      %get3A_71 = arith.constant 0 : index
      %get3A_72 = vector.load %arg7[%get3A_70, %get3A_71] : memref<1x128xf32, #tpu.memory_space<vmem>>, vector<1x128xf32>
      %add3A_73 = vector.broadcast %get3A_72 : vector<1x128xf32> to vector<64x128xf32>
      %add3A_74 = arith.addf %dot_general3A_69, %add3A_73 : vector<64x128xf32>
      %max3A_75 = arith.constant 0.000000e+00 : f32
      %max3A_76 = vector.broadcast %max3A_75 : f32 to vector<64x128xf32>
      %max3A_77 = arith.maximumf %add3A_74, %max3A_76 : vector<64x128xf32>
      %swap3A_78 = arith.constant 0 : index
      %swap3A_79 = arith.constant 0 : index
      %swap3A_80 = vector.load %arg8[%swap3A_78, %swap3A_79] : memref<64x128xf32, #tpu.memory_space<vmem>>, vector<64x128xf32>
      tpu.vector_store %arg8[%swap3A_78, %swap3A_79], %max3A_77 {strides = array<i32>} : memref<64x128xf32, #tpu.memory_space<vmem>>, vector<64x128xf32>,
    } else {
    }
    return
  }
  func.func @transform_0(%arg0: i32) -> (i32, i32, i32) {
    %c0_i32 = arith.constant 0 : i32
    %c0_i32_0 = arith.constant 0 : i32
    %c0_i32_1 = arith.constant 0 : i32
    return %c0_i32, %arg0, %c0_i32_0 : i32, i32, i32
  }
  func.func @transform_1(%arg0: i32) -> (i32, i32) {
    %c0_i32 = arith.constant 0 : i32
    %c0_i32_0 = arith.constant 0 : i32
    return %arg0, %c0_i32 : i32, i32
  }
  func.func @transform_2(%arg0: i32) -> (i32, i32) {
    %c0_i32 = arith.constant 0 : i32
    %c0_i32_0 = arith.constant 0 : i32
    return %arg0, %c0_i32 : i32, i32
  }
  func.func @transform_3(%arg0: i32) -> (i32, i32) {
    %c0_i32 = arith.constant 0 : i32
    %c0_i32_0 = arith.constant 0 : i32
    %c0_i32_1 = arith.constant 0 : i32
    return %c0_i32, %c0_i32_0 : i32, i32
  }
  func.func @transform_4(%arg0: i32) -> (i32, i32, i32) {
    %c0_i32 = arith.constant 0 : i32
    %c0_i32_0 = arith.constant 0 : i32
    %c0_i32_1 = arith.constant 0 : i32
    return %arg0, %c0_i32, %c0_i32_0 : i32, i32, i32
  }
  func.func @transform_5(%arg0: i32) -> (i32, i32) {
    %c0_i32 = arith.constant 0 : i32
    %c0_i32_0 = arith.constant 0 : i32
    %c0_i32_1 = arith.constant 0 : i32
    return %c0_i32, %c0_i32_0 : i32, i32
  }
  func.func @transform_6(%arg0: i32) -> (i32, i32) {
    %c0_i32 = arith.constant 0 : i32
    %c0_i32_0 = arith.constant 0 : i32
    %c0_i32_1 = arith.constant 0 : i32
    return %c0_i32, %c0_i32_0 : i32, i32
  }
  func.func @transform_7(%arg0: i32) -> (i32, i32) {
    %c0_i32 = arith.constant 0 : i32
    %c0_i32_0 = arith.constant 0 : i32
    %c0_i32_1 = arith.constant 0 : i32
    return %c0_i32, %c0_i32_0 : i32, i32
  }
}

</mosaic_0001>

<sc_bundles>
// kernel: kernel.10.cloned.1.call-start
scs
__scs_entry_jumppad:
0x0: {  	(pc) =	sbr.rel $0x88, $3  }
0x1: {  	(tag) =	ssettag $0x0;
	lr =	simm.s32 $0x1  }
0x2: {  	[smem:$0x3F94] =	sst lr;
	_ =	strace $0xD0000000  }
0x3: {  	_ = 	snop  }
0x4: {  	_ = 	snop  }
0x5: {  	_ = 	snop  }
0x6: {  	_ = 	snop  }
0x7: {  	_ = 	snop  }
__scs_overlays_trampoline_lowered:
0x8: {  	[smem:$0x3FA3] =	sst s0  }
0x9: {  	[smem:$0x3FA4] =	sst s1  }
0xa: {  	[smem:$0x3FA5] =	sst s2  }
0xb: {  	[smem:$0x3FA6] =	sst s3  }
0xc: {  	[smem:$0x3FA7] =	sst s4  }
0xd: {  	[smem:$0x3FA8] =	sst s5  }
0xe: {  	[smem:$0x3FA9] =	sst s6  }
0xf: {  	[smem:$0x3FAA] =	sst s7  }
0x10: {  	[smem:$0x3FAB] =	sst s8  }
0x11: {  	[smem:$0x3FAC] =	sst s9;
	s0 =	simm.s32 @!p0 $0x0  }
0x12: {  	s1 =	sld [smem:$0x3F92];
	s0 =	simm.s32 @p0 $0x1  }
0x13: {  	[smem:$0x3FAD] =	sst s0;
	s0 =	simm.s32 @!p1 $0x0  }
0x14: {  	s2 =	sld [smem:$0x3F91];
	s0 =	simm.s32 @p1 $0x1  }
0x15: {  	[smem:$0x3FAE] =	sst s0;
	s0 =	simm.s32 @!p2 $0x0  }
0x16: {  	s3 =	sld [smem:$0x3FDB];
	s0 =	simm.s32 @p2 $0x1  }
0x17: {  	s4 =	simm.s32 $0x1BF5;
	[smem:$0x3FB0] =	sst s0  }
0x18: {  	s0 =	sld [smem:$0x3F93];
	_ =	swait.ge [sflag:s4], $0x0  }
0x19: {  	s7 =	sld [smem:$0x3F94]  }
0x1a: {  	s8 =	sadd.s32 $0xFFFFE003, lr  }
0x1b: {  	s9 =	sadd.s32 $0xFFFFFEF7, lr;
	s5 =	simm.s32 $0xFFFFFFFF;
	p2 =	slt.u32 s8, $0xFFFFF086  }
0x1c: {  	p1 =	slt.u32 s9, $0xF7A;
	s5 =	simm.s32 @!p2 $0x0  }
0x1d: {  	s5 =	simm.s32 @p1 $0x1;
	p0 =	seq.s32 s7, s2  }
0x1e: {  	s7 =	smul.u32 @!p0 $0xF7A, s2;
	p2 =	seq.s32 @!p0 s5, $0x0  }
0x1f: {  	s9 =	smul.u32 $0xF7A, s1;
	s8 =	simm.s32 @!p0 $0x1BF5;
	p2 =	por !p2, p0  }
0x20: {  	[sflag:s8] =	ssyncset.s32 @!p0 $0xFFFFF086;
	s6 =	sadd.s32 @!p0 s3, s7;
	s7 =	simm.s32 @!p0 $0x108  }
0x21: {  	s3 =	sadd.s32 s3, s9;
	s6 =	sadd.s32 @!p0 $0x88, s6;
	s7 =	simm.s32 @p2 $0x1082  }
0x22: {  	[simem:s7], [sflag:s8] =	dma.local @!p0 [hbm:s6], $0xF7A  }
0x23: {  	s9 =	sor.u32 $0xD0000000, s2;
	s6 =	simm.s32 $0x108;
	_ =	swait.ge @!p0 [sflag:s8], $0x0  }
0x24: {  	s3 =	sadd.s32 $0x88, s3;
	s6 =	simm.s32 @!p1 $0x1082;
	[sflag:s4] =	ssyncset.s32 $0xFFFFF086  }
0x25: {  	[simem:s6], [sflag:s4] =	dma.local [hbm:s3], $0xF7A  }
0x26: {  	[smem:$0x3F94] =	sst s1;
	(tag) =	ssettag s2;
	_ =	strace s9  }
0x27: {  	s1 =	sld [smem:$0x3FA4]  }
0x28: {  	s2 =	sld [smem:$0x3FA5]  }
0x29: {  	s4 =	sld [smem:$0x3FA7]  }
0x2a: {  	p0 =	seq.s32 s5, $0x0;
	s5 =	sld [smem:$0x3FA8]  }
0x2b: {  	s6 =	sld [smem:$0x3FA9]  }
0x2c: {  	s7 =	sld [smem:$0x3FAA]  }
0x2d: {  	s3 =	simm.s32 $0x108;
	s8 =	sld [smem:$0x3FAB]  }
0x2e: {  	s3 =	simm.s32 @!p0 $0x1082;
	s9 =	sld [smem:$0x3FAC]  }
0x2f: {  	lr =	sadd.s32 s0, s3;
	s0 =	sld [smem:$0x3FA3]  }
0x30: {  	s3 =	sld [smem:$0x3FA6]  }
0x31: {  	[smem:$0x3FAF] =	sst s10  }
0x32: {  	s10 =	sld [smem:$0x3FAD];
	_ =	sdelay $0x3  }
0x33: {  	p0 =	seq.s32 s10, $0x1;
	s10 =	sld [smem:$0x3FAF];
	_ =	sdelay $0x3  }
0x34: {  	[smem:$0x3FAF] =	sst s10  }
0x35: {  	s10 =	sld [smem:$0x3FAE];
	_ =	sdelay $0x3  }
0x36: {  	p1 =	seq.s32 s10, $0x1;
	s10 =	sld [smem:$0x3FAF];
	_ =	sdelay $0x3  }
0x37: {  	[smem:$0x3FAF] =	sst s10  }
0x38: {  	s10 =	sld [smem:$0x3FB0]  }
0x39: {  	_ = 	snop;
	(pc) =	sbr.ind lr, $3  }
0x3a: {  	_ = 	snop  }
0x3b: {  	_ = 	snop  }
0x3c: {  	p2 =	seq.s32 s10, $0x1;
	s10 =	sld [smem:$0x3FAF]  }
0x3d: {  	_ =	shalt  }
0x3e: {  	_ =	shalt  }
0x3f: {  	_ =	shalt  }
0x40: {  	_ =	shalt  }
0x41: {  	_ =	shalt  }
0x42: {  	_ =	shalt  }
0x43: {  	_ =	shalt  }
0x44: {  	_ =	shalt  }
0x45: {  	_ =	shalt  }
0x46: {  	_ =	shalt  }
0x47: {  	_ =	shalt  }
0x48: {  	_ =	shalt  }
0x49: {  	_ =	shalt  }
0x4a: {  	_ =	shalt  }
0x4b: {  	_ =	shalt  }
0x4c: {  	_ =	shalt  }
0x4d: {  	_ =	shalt  }
0x4e: {  	_ =	shalt  }
0x4f: {  	_ =	shalt  }
0x50: {  	_ =	shalt  }
0x51: {  	_ =	shalt  }
0x52: {  	_ =	shalt  }
0x53: {  	_ =	shalt  }
0x54: {  	_ =	shalt  }
0x55: {  	_ =	shalt  }
0x56: {  	_ =	shalt  }
0x57: {  	_ =	shalt  }
0x58: {  	_ =	shalt  }
0x59: {  	_ =	shalt  }
0x5a: {  	_ =	shalt  }
0x5b: {  	_ =	shalt  }
0x5c: {  	_ =	shalt  }
0x5d: {  	_ =	shalt  }
0x5e: {  	_ =	shalt  }
0x5f: {  	_ =	shalt  }
0x60: {  	_ =	shalt  }
0x61: {  	_ =	shalt  }
0x62: {  	_ =	shalt  }
0x63: {  	_ =	shalt  }
0x64: {  	_ =	shalt  }
0x65: {  	_ =	shalt  }
0x66: {  	_ =	shalt  }
0x67: {  	_ =	shalt  }
0x68: {  	_ =	shalt  }
0x69: {  	_ =	shalt  }
0x6a: {  	_ =	shalt  }
0x6b: {  	_ =	shalt  }
0x6c: {  	_ =	shalt  }
0x6d: {  	_ =	shalt  }
0x6e: {  	_ =	shalt  }
0x6f: {  	_ =	shalt  }
0x70: {  	_ =	shalt  }
0x71: {  	_ =	shalt  }
0x72: {  	_ =	shalt  }
0x73: {  	_ =	shalt  }
0x74: {  	_ =	shalt  }
0x75: {  	_ =	shalt  }
0x76: {  	_ =	shalt  }
0x77: {  	_ =	shalt  }
0x78: {  	_ =	shalt  }
0x79: {  	_ =	shalt  }
0x7a: {  	_ =	shalt  }
0x7b: {  	_ =	shalt  }
0x7c: {  	_ =	shalt  }
0x7d: {  	_ =	shalt  }
0x7e: {  	_ =	shalt  }
0x7f: {  	_ =	shalt  }
0x80: {  	_ =	shalt  }
0x81: {  	_ =	shalt  }
0x82: {  	_ =	shalt  }
0x83: {  	_ =	shalt  }
0x84: {  	_ =	shalt  }
0x85: {  	_ =	shalt  }
0x86: {  	_ =	shalt  }
0x87: {  	_ =	shalt  }
.Lfunc_end0:
.L_simem_size_0:
called_computation_lowered:
.L_overlay_start_0:
0x88: {  	s2 =	sld [smem:$0x3FD9]  }
0x89: {  	s3 =	sld [smem:$0x3FFE];
	_ =	sdelay $0x1  }
0x8a: {  	s1 =	srdreg.scid  }
0x8b: {  	s0 =	sand.u32 $0x1, s1  }
0x8c: {  	s16 =	sshll.u32 s0, $0xA;
	s2 =	sadd.s32 s3, s2  }
0x8d: {  	s2 =	sadd.s32 s2, s16  }
0x8e: {  	[smem:$0x3FBB] =	sst s2  }
0x8f: {  	_ = 	snop  }
0x90: {  	(tm) =	ssettm $0x1  }
0x91: {  	s17 =	sld [smem:$0x3FFB];
	_ =	sdelay $0x3  }
0x92: {  	_ =	strace s17  }
0x93: {  	s2 =	sld [smem:$0x3FFC];
	_ =	sdelay $0x3  }
0x94: {  	_ =	strace s2  }
0x95: {  	s2 =	sld [smem:$0x3FFD];
	_ =	sdelay $0x3  }
0x96: {  	_ =	strace s2  }
0x97: {  	_ =	strace $0x8FFFFFFF  }
0x98: {  	s18 =	sld [smem:$0x3FDB];
	_ =	sdelay $0x1  }
0x99: {  	s19 =	simm.s32 $_scs_section_size  }
0x9a: {  	s4 =	simm.s32 $_size__tile_overlayer_lowered;
	s5 =	simm.s32 $_tile_overlayer_lowered  }
0x9b: {  	s22 =	simm.s32 $0x1BFF;
	s21 =	sshll.u32 s5, $0x1;
	s2 =	sadd.s32 s19, s18  }
0x9c: {  	s6 =	simm.s32 $0x0;
	s20 =	sshll.u32 s4, $0x1;
	s4 =	sadd.s32 s21, s2  }
0x9d: {  	[timem:s6], [sflag:s22] =	dma.local [hbm:s4], s20  }
0x9e: {  	_ =	swait.ge [sflag:s22], s20  }
0x9f: {  	s3 =	ssub.s32 $0x0, s20;
	[sflag:s22] =	ssyncset.done $0x0  }
0xa0: {  	[sflag:s22] =	ssyncadd.s32 s3;
	_ =	sdelay $0x1  }
0xa1: {  	s23 =	simm.s32 $0x1B8B  }
0xa2: {  	_ =	swait.ge [sflag:s23], $0x1  }
0xa3: {  	[sflag:s23] =	ssyncset.done $0x0  }
0xa4: {  	s25 =	simm.s32 $0x1B8E;
	s24 =	sld [smem:$0x3FFE];
	[sflag:s23] =	ssyncadd.s32 $0xFFFFFFFF  }
0xa5: {  	s26 =	simm.s32 $execute0_lowered;
	[smem:$0x3FD2] =	sst s25  }
0xa6: {  	s4 =	sshll.u32 s26, $0x1;
	_ =	strace $0x80000046;
	[dreg:$0x1] =	wrdreg $0xFFFFFFFF  }
0xa7: {  	s28 =	simm.s32 $_size_execute0_lowered;
	s2 =	sadd.s32 s2, s4;
	[dreg:$0x0] =	wrdreg $0x0  }
0xa8: {  	s4 =	sshll.u32 s28, $0x1;
	[dreg:$0x2] =	wrdreg s2  }
0xa9: {  	[dreg:$0x3] =	wrdreg s4  }
0xaa: {  	[dreg:$0x4] =	wrdreg $0xC0  }
0xab: {  	_ =	task [dreg:s6], $0x5FFFF  }
0xac: {  	[dreg:$0x1] =	wrdreg $0xFFFFFFFF  }
0xad: {  	[dreg:$0x0] =	wrdreg $0x60  }
0xae: {  	[dreg:$0x2] =	wrdreg s24  }
0xaf: {  	[dreg:$0x3] =	wrdreg $0x68000  }
0xb0: {  	[dreg:$0x4] =	wrdreg $0x9  }
0xb1: {  	_ =	task.clear_ibuf [dreg:s6], $0x5FFFF;
	_ =	strace $0x90000046  }
0xb2: {  	s29 =	simm.s32 $0x9;
	_ =	strace $0x80000048  }
0xb3: {  	_ =	swait.ge [sflag:s29], $0x1  }
0xb4: {  	[sflag:s29] =	ssyncadd.s32 $0xFFFFFFFF  }
0xb5: {  	_ =	strace $0x90000048  }
0xb6: {  	_ =	sfence  }
0xb7: {  	s30 =	sld [smem:$0x0];
	_ =	sdelay $0x2  }
0xb8: {  	s31 =	sshll.u32 s1, $0xD;
	s1 =	sshrl.u32 s1, $0x2  }
0xb9: {  	s3 =	sand.u32 $0x4000, s31;
	s1 =	sadd.s32 s1, s30  }
0xba: {  	s0 =	sor.u32 s3, s0;
	s1 =	sshll.u32 s1, $0x11  }
0xbb: {  	s0 =	sor.u32 s1, s0  }
0xbc: {  	s0 =	sadd.s32 $0x8F2B, s0  }
0xbd: {  	[sflag:s0] =	ssyncadd.remote.s32 $0x1  }
0xbe: {  	_ =	sfence.sel $0xFFFF  }
0xbf: {  	[dreg:$0x0] =	wrdreg $0xFFFFFFFF;
	(pc) =	sbr.abs _section_cstart, $3  }
0xc0: {  	[dreg:$0x1] =	wrdreg $0xFFFFFFFF  }
0xc1: {  	_ =	task.clear_ibuf [dreg:s6], $0x2FFFF;
	_ =	strace $0x9FFFFFFF  }
0xc2: {  	(tm) =	ssettm $0x7FFFFFFF  }
0xc3: {  	_ =	shalt  }
tec
execute0_lowered:
.L_overlay_start_1:
0x0: {  	(tag) =	ssettag $0x1  }
0x1: {  	s7 =	rddreg [dreg:$0x0]  }
0x2: {  	s0 =	srdreg.scid;
	s2 =	rddreg [dreg:$0x1]  }
0x3: {  	s3 =	simm.s32 $0x0;
	s12 =	simm.s32 $0x2800;
	s6 =	sand.u32 $0x1, s0  }
0x4: {  	s13 =	simm.s32 $0x80;
	s0 =	stileid.u32;
	s5 =	smul.u32 $0x13C000, s6  }
0x5: {  	s14 =	simm.s32 $0x0;
	[smem:$0x7FF] =	sst s3;
	s8 =	smul.u32 $0x13C00, s0  }
0x6: {  	s1 =	sshll.u32 s6, $0x4;
	s10 =	smul.u32 $0x4F000, s0;
	s6 =	ssub.s32 $0x2, s6  }
0x7: {  	s31 =	sshll.u32 s0, $0x6;
	s1 =	sor.u32 s0, s1;
	s30 =	sshrl.u32 s6, $0x1  }
0x8: {  	s4 =	smul.u32 $0x500, s1;
	s1 =	rddreg [dreg:$0x2];
	_ =	strace $0x80000047  }
0x9: {  	s8 =	sadd.s32 s8, s5;
	s5 =	sadd.s32 $0x1A000, s7;
	s10 =	sshrl.u32 s10, $0x2  }
0xa: {  	s11 =	ssub.s32 s6, s30;
	s6 =	sor.u32 $0x1C01, s31;
	s8 =	sshrl.u32 s8, $0x3  }
0xb: {  	s10 =	sadd.s32 s10, s2;
	s9 =	sadd.s32 s4, s7;
	s4 =	sadd.s32 $0x17800, s7  }
0xc: {  	s8 =	sadd.s32 s8, s7;
	s10 =	sshrl.u32 s10, $0x3;
	s7 =	sadd.s32 $0xD800, s9  }
0xd: {  	s8 =	sadd.s32 $0x1A800, s8;
	s9 =	smax.u32 s11, $0x1;
	s11 =	simm.s32 $0x1  }
.LBB2_1:
0xe: {  	[spmem:s10], [sflag:s6] =	dma.local [hbm:s4], $0x2780  }
0xf: {  	_ =	swait.ge [sflag:s11], $0x2780  }
0x10: {  	[sflag:s11] =	ssyncset.done $0x0  }
0x11: {  	[sflag:s11] =	ssyncadd.s32 $0xFFFFD880  }
0x12: {  	[tilespmem:s12], [sflag:$0x1] =	stream.linear.gather [hbm4b:s5+s3], $0x4000, $0x38;
	[tilespmem:$0x1A400] =	vst v63  }
0x13: {  	_ =	swait.ge [sflag:s11], $0x4000  }
0x14: {  	[sflag:s11] =	ssyncset.done $0x0  }
0x15: {  	[sflag:s11] =	ssyncadd.s32 $0xFFFFC000  }
0x16: {  	[tilespmem:s3], [sflag:$0x1] =	stream.linear.gather [hbm4b:s7+s3], $0x2800, $0x38;
	[tilespmem:$0x1A400] =	vst v63  }
0x17: {  	_ =	swait.ge [sflag:s11], $0x2800  }
0x18: {  	[sflag:s11] =	ssyncset.done $0x0  }
0x19: {  	[sflag:s11] =	ssyncadd.s32 $0xFFFFD800  }
0x1a: {  	s15 =	simm.s32 $0x0;
	[bflag:$0x0] =	sbarrier.arrive $0xFFFF  }
0x1b: {  	[spmem:s2] =	stream.indirect.scatter.add.f32 [tilespmem:s12], [sflag:$0x1], $0x80, s15, s13, $0xb8;
	[tilespmem:$0x1A400] =	vst v63  }
0x1c: {  	_ =	swait.ge [sflag:s11], $0x4000  }
0x1d: {  	s15 =	simm.s32 $0x200;
	[sflag:s11] =	ssyncset.done $0x0  }
.LBB2_2:
0x1e: {  	s16 =	sshra.s32 s15, $0x2;
	[sflag:s11] =	ssyncadd.s32 $0xFFFFC000;
	p0 =	sne.s32 s15, $0x9E00  }
0x1f: {  	[spmem:s2] =	stream.indirect.scatter.add.f32 [tilespmem:s12], [sflag:$0x1], $0x80, s16, s13, $0xb8;
	[tilespmem:$0x1A400] =	vst v63  }
.Ltmp0:
0x20: {  	_ = 	snop;
	(pc) =	sbr.rel @p0 .LBB2_2-.Ltmp0, $4  }
0x21: {  	_ = 	snop  }
0x22: {  	s15 =	sadd.s32 $0x200, s15  }
0x23: {  	_ =	swait.ge [sflag:s11], $0x4000  }
0x24: {  	[sflag:s11] =	ssyncset.done $0x0  }
0x25: {  	s14 =	sadd.s32 $0x1, s14  }
0x26: {  	[sflag:s11] =	ssyncadd.s32 $0xFFFFC000;
	p0 =	sne.s32 s14, s9  }
.Ltmp1:
0x27: {  	[bflag:$0x0] =	sbarrier.arrive $0xFFFF;
	(pc) =	sbr.rel @p0 .LBB2_1-.Ltmp1, $4  }
0x28: {  	[hbm:s8], [sflag:s6] =	dma.local [spmem:s10], $0x2780  }
0x29: {  	_ =	swait.ge [sflag:s11], $0x2780  }
0x2a: {  	[sflag:s11] =	ssyncset.done $0x0  }
0x2b: {  	[sflag:s11] =	ssyncadd.s32 $0xFFFFD880  }
0x2c: {  	_ =	sfence.sel $0x180000  }
0x2d: {  	[bflag:$0x0] =	sbarrier.arrive $0xFFFF  }
0x2e: {  	p0 =	sne.s32 s0, $0x0;
	_ =	strace $0x90000047  }
0x2f: {  	s0 =	sadd.s32 @!p0 $0x100000, s1;
	[bflag:$0x2] =	sbarrier.arrive $0xFFFF  }
0x30: {  	[sflag:s0] =	ssyncadd.tile.s32 @!p0 $0x1;
	_ =	shalt  }
.Lfunc_end2:
_tile_overlayer_lowered:
.L_overlay_start_2:
0x31: {  	(tag) =	ssettag $0x2  }
0x32: {  	s0 =	rddreg [dreg:$0x0];
	s2 =	stileid.u32  }
0x33: {  	s1 =	rddreg [dreg:$0x1];
	p0 =	sne.s32 s2, $0x0  }
0x34: {  	s3 =	rddreg [dreg:$0x2];
	[bflag:$0x3] =	sbarrier.arrive $0xFFFF;
	s2 =	simm.s32 @!p0 $0x1C01  }
0x35: {  	[timem:s3], [sflag:s2] =	dma.local @!p0 [hbm:s0], s1  }
0x36: {  	s0 =	simm.s32 @!p0 $0x1  }
0x37: {  	_ =	swait.ge @!p0 [sflag:s0], s1  }
0x38: {  	s1 =	ssub.s32 @!p0 $0x0, s1;
	[sflag:s0] =	ssyncset.done @!p0 $0x0  }
0x39: {  	[sflag:s0] =	ssyncadd.s32 @!p0 s1  }
0x3a: {  	[bflag:$0x3] =	sbarrier.arrive $0xFFFF  }
0x3b: {  	_ =	shalt  }

// kernel: kernel.13.cloned.1.call-start
scs
__scs_entry_jumppad:
0x0: {  	(pc) =	sbr.rel $0x88, $3  }
0x1: {  	(tag) =	ssettag $0x0;
	lr =	simm.s32 $0x1  }
0x2: {  	[smem:$0x3F94] =	sst lr;
	_ =	strace $0xD0000000  }
0x3: {  	_ = 	snop  }
0x4: {  	_ = 	snop  }
0x5: {  	_ = 	snop  }
0x6: {  	_ = 	snop  }
0x7: {  	_ = 	snop  }
__scs_overlays_trampoline_lowered:
0x8: {  	[smem:$0x3FA3] =	sst s0  }
0x9: {  	[smem:$0x3FA4] =	sst s1  }
0xa: {  	[smem:$0x3FA5] =	sst s2  }
0xb: {  	[smem:$0x3FA6] =	sst s3  }
0xc: {  	[smem:$0x3FA7] =	sst s4  }
0xd: {  	[smem:$0x3FA8] =	sst s5  }
0xe: {  	[smem:$0x3FA9] =	sst s6  }
0xf: {  	[smem:$0x3FAA] =	sst s7  }
0x10: {  	[smem:$0x3FAB] =	sst s8  }
0x11: {  	[smem:$0x3FAC] =	sst s9;
	s0 =	simm.s32 @!p0 $0x0  }
0x12: {  	s1 =	sld [smem:$0x3F92];
	s0 =	simm.s32 @p0 $0x1  }
0x13: {  	[smem:$0x3FAD] =	sst s0;
	s0 =	simm.s32 @!p1 $0x0  }
0x14: {  	s2 =	sld [smem:$0x3F91];
	s0 =	simm.s32 @p1 $0x1  }
0x15: {  	[smem:$0x3FAE] =	sst s0;
	s0 =	simm.s32 @!p2 $0x0  }
0x16: {  	s3 =	sld [smem:$0x3FDB];
	s0 =	simm.s32 @p2 $0x1  }
0x17: {  	s4 =	simm.s32 $0x1BF5;
	[smem:$0x3FB0] =	sst s0  }
0x18: {  	s0 =	sld [smem:$0x3F93];
	_ =	swait.ge [sflag:s4], $0x0  }
0x19: {  	s7 =	sld [smem:$0x3F94]  }
0x1a: {  	s8 =	sadd.s32 $0xFFFFE003, lr  }
0x1b: {  	s9 =	sadd.s32 $0xFFFFFEF7, lr;
	s5 =	simm.s32 $0xFFFFFFFF;
	p2 =	slt.u32 s8, $0xFFFFF086  }
0x1c: {  	p1 =	slt.u32 s9, $0xF7A;
	s5 =	simm.s32 @!p2 $0x0  }
0x1d: {  	s5 =	simm.s32 @p1 $0x1;
	p0 =	seq.s32 s7, s2  }
0x1e: {  	s7 =	smul.u32 @!p0 $0xF7A, s2;
	p2 =	seq.s32 @!p0 s5, $0x0  }
0x1f: {  	s9 =	smul.u32 $0xF7A, s1;
	s8 =	simm.s32 @!p0 $0x1BF5;
	p2 =	por !p2, p0  }
0x20: {  	[sflag:s8] =	ssyncset.s32 @!p0 $0xFFFFF086;
	s6 =	sadd.s32 @!p0 s3, s7;
	s7 =	simm.s32 @!p0 $0x108  }
0x21: {  	s3 =	sadd.s32 s3, s9;
	s6 =	sadd.s32 @!p0 $0x88, s6;
	s7 =	simm.s32 @p2 $0x1082  }
0x22: {  	[simem:s7], [sflag:s8] =	dma.local @!p0 [hbm:s6], $0xF7A  }
0x23: {  	s9 =	sor.u32 $0xD0000000, s2;
	s6 =	simm.s32 $0x108;
	_ =	swait.ge @!p0 [sflag:s8], $0x0  }
0x24: {  	s3 =	sadd.s32 $0x88, s3;
	s6 =	simm.s32 @!p1 $0x1082;
	[sflag:s4] =	ssyncset.s32 $0xFFFFF086  }
0x25: {  	[simem:s6], [sflag:s4] =	dma.local [hbm:s3], $0xF7A  }
0x26: {  	[smem:$0x3F94] =	sst s1;
	(tag) =	ssettag s2;
	_ =	strace s9  }
0x27: {  	s1 =	sld [smem:$0x3FA4]  }
0x28: {  	s2 =	sld [smem:$0x3FA5]  }
0x29: {  	s4 =	sld [smem:$0x3FA7]  }
0x2a: {  	p0 =	seq.s32 s5, $0x0;
	s5 =	sld [smem:$0x3FA8]  }
0x2b: {  	s6 =	sld [smem:$0x3FA9]  }
0x2c: {  	s7 =	sld [smem:$0x3FAA]  }
0x2d: {  	s3 =	simm.s32 $0x108;
	s8 =	sld [smem:$0x3FAB]  }
0x2e: {  	s3 =	simm.s32 @!p0 $0x1082;
	s9 =	sld [smem:$0x3FAC]  }
0x2f: {  	lr =	sadd.s32 s0, s3;
	s0 =	sld [smem:$0x3FA3]  }
0x30: {  	s3 =	sld [smem:$0x3FA6]  }
0x31: {  	[smem:$0x3FAF] =	sst s10  }
0x32: {  	s10 =	sld [smem:$0x3FAD];
	_ =	sdelay $0x3  }
0x33: {  	p0 =	seq.s32 s10, $0x1;
	s10 =	sld [smem:$0x3FAF];
	_ =	sdelay $0x3  }
0x34: {  	[smem:$0x3FAF] =	sst s10  }
0x35: {  	s10 =	sld [smem:$0x3FAE];
	_ =	sdelay $0x3  }
0x36: {  	p1 =	seq.s32 s10, $0x1;
	s10 =	sld [smem:$0x3FAF];
	_ =	sdelay $0x3  }
0x37: {  	[smem:$0x3FAF] =	sst s10  }
0x38: {  	s10 =	sld [smem:$0x3FB0]  }
0x39: {  	_ = 	snop;
	(pc) =	sbr.ind lr, $3  }
0x3a: {  	_ = 	snop  }
0x3b: {  	_ = 	snop  }
0x3c: {  	p2 =	seq.s32 s10, $0x1;
	s10 =	sld [smem:$0x3FAF]  }
0x3d: {  	_ =	shalt  }
0x3e: {  	_ =	shalt  }
0x3f: {  	_ =	shalt  }
0x40: {  	_ =	shalt  }
0x41: {  	_ =	shalt  }
0x42: {  	_ =	shalt  }
0x43: {  	_ =	shalt  }
0x44: {  	_ =	shalt  }
0x45: {  	_ =	shalt  }
0x46: {  	_ =	shalt  }
0x47: {  	_ =	shalt  }
0x48: {  	_ =	shalt  }
0x49: {  	_ =	shalt  }
0x4a: {  	_ =	shalt  }
0x4b: {  	_ =	shalt  }
0x4c: {  	_ =	shalt  }
0x4d: {  	_ =	shalt  }
0x4e: {  	_ =	shalt  }
0x4f: {  	_ =	shalt  }
0x50: {  	_ =	shalt  }
0x51: {  	_ =	shalt  }
0x52: {  	_ =	shalt  }
0x53: {  	_ =	shalt  }
0x54: {  	_ =	shalt  }
0x55: {  	_ =	shalt  }
0x56: {  	_ =	shalt  }
0x57: {  	_ =	shalt  }
0x58: {  	_ =	shalt  }
0x59: {  	_ =	shalt  }
0x5a: {  	_ =	shalt  }
0x5b: {  	_ =	shalt  }
0x5c: {  	_ =	shalt  }
0x5d: {  	_ =	shalt  }
0x5e: {  	_ =	shalt  }
0x5f: {  	_ =	shalt  }
0x60: {  	_ =	shalt  }
0x61: {  	_ =	shalt  }
0x62: {  	_ =	shalt  }
0x63: {  	_ =	shalt  }
0x64: {  	_ =	shalt  }
0x65: {  	_ =	shalt  }
0x66: {  	_ =	shalt  }
0x67: {  	_ =	shalt  }
0x68: {  	_ =	shalt  }
0x69: {  	_ =	shalt  }
0x6a: {  	_ =	shalt  }
0x6b: {  	_ =	shalt  }
0x6c: {  	_ =	shalt  }
0x6d: {  	_ =	shalt  }
0x6e: {  	_ =	shalt  }
0x6f: {  	_ =	shalt  }
0x70: {  	_ =	shalt  }
0x71: {  	_ =	shalt  }
0x72: {  	_ =	shalt  }
0x73: {  	_ =	shalt  }
0x74: {  	_ =	shalt  }
0x75: {  	_ =	shalt  }
0x76: {  	_ =	shalt  }
0x77: {  	_ =	shalt  }
0x78: {  	_ =	shalt  }
0x79: {  	_ =	shalt  }
0x7a: {  	_ =	shalt  }
0x7b: {  	_ =	shalt  }
0x7c: {  	_ =	shalt  }
0x7d: {  	_ =	shalt  }
0x7e: {  	_ =	shalt  }
0x7f: {  	_ =	shalt  }
0x80: {  	_ =	shalt  }
0x81: {  	_ =	shalt  }
0x82: {  	_ =	shalt  }
0x83: {  	_ =	shalt  }
0x84: {  	_ =	shalt  }
0x85: {  	_ =	shalt  }
0x86: {  	_ =	shalt  }
0x87: {  	_ =	shalt  }
.Lfunc_end0:
.L_simem_size_0:
called_computation.1_lowered:
.L_overlay_start_0:
0x88: {  	s2 =	sld [smem:$0x3FD9]  }
0x89: {  	s3 =	sld [smem:$0x3FFE];
	_ =	sdelay $0x1  }
0x8a: {  	s1 =	srdreg.scid  }
0x8b: {  	s0 =	sand.u32 $0x1, s1  }
0x8c: {  	s16 =	sshll.u32 s0, $0xA;
	s2 =	sadd.s32 s3, s2  }
0x8d: {  	s2 =	sadd.s32 s2, s16  }
0x8e: {  	[smem:$0x3FBB] =	sst s2  }
0x8f: {  	_ = 	snop  }
0x90: {  	(tm) =	ssettm $0x1  }
0x91: {  	s17 =	sld [smem:$0x3FFB];
	_ =	sdelay $0x3  }
0x92: {  	_ =	strace s17  }
0x93: {  	s2 =	sld [smem:$0x3FFC];
	_ =	sdelay $0x3  }
0x94: {  	_ =	strace s2  }
0x95: {  	s2 =	sld [smem:$0x3FFD];
	_ =	sdelay $0x3  }
0x96: {  	_ =	strace s2  }
0x97: {  	_ =	strace $0x8FFFFFFF  }
0x98: {  	s18 =	sld [smem:$0x3FDB];
	_ =	sdelay $0x1  }
0x99: {  	s19 =	simm.s32 $_scs_section_size  }
0x9a: {  	s4 =	simm.s32 $_size__tile_overlayer_lowered;
	s5 =	simm.s32 $_tile_overlayer_lowered  }
0x9b: {  	s22 =	simm.s32 $0x1BFF;
	s21 =	sshll.u32 s5, $0x1;
	s2 =	sadd.s32 s19, s18  }
0x9c: {  	s6 =	simm.s32 $0x0;
	s20 =	sshll.u32 s4, $0x1;
	s4 =	sadd.s32 s21, s2  }
0x9d: {  	[timem:s6], [sflag:s22] =	dma.local [hbm:s4], s20  }
0x9e: {  	_ =	swait.ge [sflag:s22], s20  }
0x9f: {  	s3 =	ssub.s32 $0x0, s20;
	[sflag:s22] =	ssyncset.done $0x0  }
0xa0: {  	[sflag:s22] =	ssyncadd.s32 s3;
	_ =	sdelay $0x1  }
0xa1: {  	s23 =	simm.s32 $0x1B8B  }
0xa2: {  	_ =	swait.ge [sflag:s23], $0x1  }
0xa3: {  	[sflag:s23] =	ssyncset.done $0x0  }
0xa4: {  	s25 =	simm.s32 $0x1B8E;
	s24 =	sld [smem:$0x3FFE];
	[sflag:s23] =	ssyncadd.s32 $0xFFFFFFFF  }
0xa5: {  	s26 =	simm.s32 $execute0_lowered;
	[smem:$0x3FD2] =	sst s25  }
0xa6: {  	s4 =	sshll.u32 s26, $0x1;
	_ =	strace $0x80000049;
	[dreg:$0x1] =	wrdreg $0xFFFFFFFF  }
0xa7: {  	s28 =	simm.s32 $_size_execute0_lowered;
	s2 =	sadd.s32 s2, s4;
	[dreg:$0x0] =	wrdreg $0x0  }
0xa8: {  	s4 =	sshll.u32 s28, $0x1;
	[dreg:$0x2] =	wrdreg s2  }
0xa9: {  	[dreg:$0x3] =	wrdreg s4  }
0xaa: {  	[dreg:$0x4] =	wrdreg $0xC0  }
0xab: {  	_ =	task [dreg:s6], $0x5FFFF  }
0xac: {  	[dreg:$0x1] =	wrdreg $0xFFFFFFFF  }
0xad: {  	[dreg:$0x0] =	wrdreg $0x60  }
0xae: {  	[dreg:$0x2] =	wrdreg s24  }
0xaf: {  	[dreg:$0x3] =	wrdreg $0xB0000  }
0xb0: {  	[dreg:$0x4] =	wrdreg $0x9  }
0xb1: {  	_ =	task.clear_ibuf [dreg:s6], $0x5FFFF;
	_ =	strace $0x90000049  }
0xb2: {  	s29 =	simm.s32 $0x9;
	_ =	strace $0x8000004B  }
0xb3: {  	_ =	swait.ge [sflag:s29], $0x1  }
0xb4: {  	[sflag:s29] =	ssyncadd.s32 $0xFFFFFFFF  }
0xb5: {  	_ =	strace $0x9000004B  }
0xb6: {  	_ =	sfence  }
0xb7: {  	s30 =	sld [smem:$0x0];
	_ =	sdelay $0x2  }
0xb8: {  	s31 =	sshll.u32 s1, $0xD;
	s1 =	sshrl.u32 s1, $0x2  }
0xb9: {  	s3 =	sand.u32 $0x4000, s31;
	s1 =	sadd.s32 s1, s30  }
0xba: {  	s0 =	sor.u32 s3, s0;
	s1 =	sshll.u32 s1, $0x11  }
0xbb: {  	s0 =	sor.u32 s1, s0  }
0xbc: {  	s0 =	sadd.s32 $0x8F2B, s0  }
0xbd: {  	[sflag:s0] =	ssyncadd.remote.s32 $0x1  }
0xbe: {  	_ =	sfence.sel $0xFFFF  }
0xbf: {  	[dreg:$0x0] =	wrdreg $0xFFFFFFFF;
	(pc) =	sbr.abs _section_cstart, $3  }
0xc0: {  	[dreg:$0x1] =	wrdreg $0xFFFFFFFF  }
0xc1: {  	_ =	task.clear_ibuf [dreg:s6], $0x2FFFF;
	_ =	strace $0x9FFFFFFF  }
0xc2: {  	(tm) =	ssettm $0x7FFFFFFF  }
0xc3: {  	_ =	shalt  }
tec
execute0_lowered:
.L_overlay_start_1:
0x0: {  	(tag) =	ssettag $0x1  }
0x1: {  	s0 =	rddreg [dreg:$0x0]  }
0x2: {  	s1 =	rddreg [dreg:$0x1];
	s2 =	srdreg.scid  }
0x3: {  	s3 =	simm.s32 $0x0;
	s11 =	stileid.u32;
	s18 =	simm.s32 $0x3  }
0x4: {  	s19 =	simm.s32 $0x1800;
	s20 =	simm.s32 $0x80;
	s21 =	simm.s32 $0x3000  }
0x5: {  	s22 =	simm.s32 $0x7000;
	s23 =	simm.s32 $0x1;
	s28 =	simm.s32 $0x2F80  }
0x6: {  	s30 =	simm.s32 $0x0;
	s2 =	sand.u32 $0x1, s2;
	s6 =	smul.u32 $0x13C00, s11  }
0x7: {  	[smem:$0x7FF] =	sst s3;
	s4 =	sadd.s32 $0x1A000, s0;
	s9 =	smul.u32 $0x4F000, s11  }
0x8: {  	s13 =	sadd.s32 $0x3800, s0;
	s14 =	sadd.s32 $0xD800, s0;
	s10 =	smul.u32 $0x900, s11  }
0x9: {  	s26 =	sshll.u32 s11, $0x8;
	s29 =	sshll.u32 s11, $0x6;
	s11 =	smul.u32 $0x4800, s11  }
0xa: {  	s5 =	smul.u32 $0x13C000, s2;
	_ =	strace $0x8000004A;
	s24 =	ssub.s32 $0x2, s2  }
0xb: {  	s31 =	sor.u32 $0x9000, s26;
	p0 =	sne.s32 s2, $0x0;
	s26 =	simm.s32 $0x2F00  }
0xc: {  	s8 =	sshrl.u32 s24, $0x1;
	s25 =	sshrl.u32 s9, $0x2;
	s9 =	sadd.s32 s13, s10  }
0xd: {  	s11 =	sshrl.u32 s11, $0x3;
	s10 =	sadd.s32 s14, s10;
	s5 =	sadd.s32 s6, s5  }
0xe: {  	s16 =	ssub.s32 s24, s8;
	s17 =	sadd.s32 s25, s1;
	s6 =	sor.u32 $0x1C03, s29  }
0xf: {  	s8 =	sadd.s32 s14, s31;
	s12 =	sadd.s32 $0x300, s11;
	s15 =	sadd.s32 $0x600, s11  }
.Ltmp0:
0x10: {  	s24 =	simm.s32 $0x2;
	s25 =	simm.s32 $0x1780;
	(pc) =	sbr.rel .LBB2_1-.Ltmp0, $4  }
0x11: {  	s7 =	sshrl.u32 s5, $0x3;
	s5 =	sadd.s32 $0x17800, s0;
	s11 =	sadd.s32 s13, s12  }
0x12: {  	s12 =	sadd.s32 s14, s12;
	s14 =	sadd.s32 s14, s15;
	s16 =	smax.u32 s16, $0x1  }
0x13: {  	s17 =	sshrl.u32 s17, $0x3;
	s0 =	sadd.s32 s7, s0;
	s7 =	sadd.s32 s13, s31  }
0x14: {  	s13 =	sadd.s32 s13, s15;
	[dreg:$0x3] =	wrdreg s7;
	s15 =	sadd.s32 $0x41800, s0  }
.LBB2_10:
0x15: {  	s0 =	rddreg [dreg:$0x3]  }
0x16: {  	[tilespmem:s3], [sflag:$0x3] =	stream.linear.gather [hbm4b:s0+s3], $0x800, $0x38;
	[tilespmem:$0x1EC00] =	vst v63  }
0x17: {  	_ =	swait.ge [sflag:s18], $0x800  }
0x18: {  	[sflag:s18] =	ssyncset.done $0x0  }
0x19: {  	[sflag:s18] =	ssyncadd.s32 $0xFFFFF800  }
0x1a: {  	[tilespmem:s19], [sflag:$0x3] =	stream.linear.gather [hbm4b:s8+s3], $0x800, $0x38;
	[tilespmem:$0x1EC00] =	vst v63  }
0x1b: {  	_ =	swait.ge [sflag:s18], $0x800  }
0x1c: {  	[sflag:s18] =	ssyncset.done $0x0  }
0x1d: {  	[sflag:s18] =	ssyncadd.s32 $0xFFFFF800  }
0x1e: {  	[bflag:$0x0] =	sbarrier.arrive $0xFFFF  }
0x1f: {  	[tilespmem:s21], [sflag:$0x1] =	stream.indirect.gather [hbm4b:s4+s20], $0x80, s3, s20, $0xb8;
	[tilespmem:$0x1EC00] =	vst v63  }
0x20: {  	_ = 	snop  }
0x21: {  	[tilespmem:s22], [sflag:$0x2] =	stream.indirect.gather [hbm4b:s4+s20], $0x80, s20, s20, $0xb8;
	[tilespmem:$0x1EC00] =	vst v63  }
0x22: {  	_ =	swait.ge [sflag:s23], $0x4000  }
0x23: {  	[sflag:s23] =	ssyncset.done $0x0  }
0x24: {  	[sflag:s23] =	ssyncadd.s32 $0xFFFFC000  }
0x25: {  	[spmem:s1] =	stream.indirect.scatter.add.f32 [tilespmem:s21], [sflag:$0x3], $0x80, s19, s20, $0xb8;
	[tilespmem:$0x1EC00] =	vst v63  }
0x26: {  	_ =	swait.ge [sflag:s18], $0x4000  }
0x27: {  	[sflag:s18] =	ssyncset.done $0x0  }
0x28: {  	s7 =	simm.s32 $0x100;
	[sflag:s18] =	ssyncadd.s32 $0xFFFFC000  }
0x29: {  	[tilespmem:s21], [sflag:$0x1] =	stream.indirect.gather [hbm4b:s4+s20], $0x80, s7, s20, $0xb8;
	[tilespmem:$0x1EC00] =	vst v63  }
0x2a: {  	_ =	swait.ge [sflag:s24], $0x4000  }
0x2b: {  	[sflag:s24] =	ssyncset.done $0x0  }
0x2c: {  	s29 =	simm.s32 $0x1880;
	[sflag:s24] =	ssyncadd.s32 $0xFFFFC000  }
0x2d: {  	[spmem:s1] =	stream.indirect.scatter.add.f32 [tilespmem:s22], [sflag:$0x3], $0x80, s29, s20, $0xb8;
	[tilespmem:$0x1EC00] =	vst v63  }
0x2e: {  	_ =	swait.ge [sflag:s18], $0x4000  }
0x2f: {  	[sflag:s18] =	ssyncset.done $0x0  }
0x30: {  	s2 =	simm.s32 $0x180;
	[sflag:s18] =	ssyncadd.s32 $0xFFFFC000  }
0x31: {  	[tilespmem:s22], [sflag:$0x2] =	stream.indirect.gather [hbm4b:s4+s20], $0x80, s2, s20, $0xb8;
	[tilespmem:$0x1EC00] =	vst v63  }
0x32: {  	_ =	swait.ge [sflag:s23], $0x4000  }
0x33: {  	[sflag:s23] =	ssyncset.done $0x0  }
0x34: {  	s7 =	simm.s32 $0x1900;
	[sflag:s23] =	ssyncadd.s32 $0xFFFFC000  }
0x35: {  	[spmem:s1] =	stream.indirect.scatter.add.f32 [tilespmem:s21], [sflag:$0x3], $0x80, s7, s20, $0xb8;
	[tilespmem:$0x1EC00] =	vst v63  }
0x36: {  	_ =	swait.ge [sflag:s18], $0x4000  }
0x37: {  	[sflag:s18] =	ssyncset.done $0x0  }
0x38: {  	s29 =	simm.s32 $0x200;
	[sflag:s18] =	ssyncadd.s32 $0xFFFFC000  }
0x39: {  	[tilespmem:s21], [sflag:$0x1] =	stream.indirect.gather [hbm4b:s4+s20], $0x80, s29, s20, $0xb8;
	[tilespmem:$0x1EC00] =	vst v63  }
0x3a: {  	_ =	swait.ge [sflag:s24], $0x4000  }
0x3b: {  	[sflag:s24] =	ssyncset.done $0x0  }
0x3c: {  	s2 =	simm.s32 $0x1980;
	[sflag:s24] =	ssyncadd.s32 $0xFFFFC000  }
0x3d: {  	[spmem:s1] =	stream.indirect.scatter.add.f32 [tilespmem:s22], [sflag:$0x3], $0x80, s2, s20, $0xb8;
	[tilespmem:$0x1EC00] =	vst v63  }
0x3e: {  	_ =	swait.ge [sflag:s18], $0x4000  }
0x3f: {  	[sflag:s18] =	ssyncset.done $0x0  }
0x40: {  	s7 =	simm.s32 $0x280;
	[sflag:s18] =	ssyncadd.s32 $0xFFFFC000  }
0x41: {  	[tilespmem:s22], [sflag:$0x2] =	stream.indirect.gather [hbm4b:s4+s20], $0x80, s7, s20, $0xb8;
	[tilespmem:$0x1EC00] =	vst v63  }
0x42: {  	_ =	swait.ge [sflag:s23], $0x4000  }
0x43: {  	[sflag:s23] =	ssyncset.done $0x0  }
0x44: {  	s29 =	simm.s32 $0x1A00;
	[sflag:s23] =	ssyncadd.s32 $0xFFFFC000  }
0x45: {  	[spmem:s1] =	stream.indirect.scatter.add.f32 [tilespmem:s21], [sflag:$0x3], $0x80, s29, s20, $0xb8;
	[tilespmem:$0x1EC00] =	vst v63  }
0x46: {  	_ =	swait.ge [sflag:s18], $0x4000  }
0x47: {  	[sflag:s18] =	ssyncset.done $0x0  }
0x48: {  	s2 =	simm.s32 $0x300;
	[sflag:s18] =	ssyncadd.s32 $0xFFFFC000  }
0x49: {  	[tilespmem:s21], [sflag:$0x1] =	stream.indirect.gather [hbm4b:s4+s20], $0x80, s2, s20, $0xb8;
	[tilespmem:$0x1EC00] =	vst v63  }
0x4a: {  	_ =	swait.ge [sflag:s24], $0x4000  }
0x4b: {  	[sflag:s24] =	ssyncset.done $0x0  }
0x4c: {  	s7 =	simm.s32 $0x1A80;
	[sflag:s24] =	ssyncadd.s32 $0xFFFFC000  }
0x4d: {  	[spmem:s1] =	stream.indirect.scatter.add.f32 [tilespmem:s22], [sflag:$0x3], $0x80, s7, s20, $0xb8;
	[tilespmem:$0x1EC00] =	vst v63  }
0x4e: {  	_ =	swait.ge [sflag:s18], $0x4000  }
0x4f: {  	[sflag:s18] =	ssyncset.done $0x0  }
0x50: {  	s29 =	simm.s32 $0x380;
	[sflag:s18] =	ssyncadd.s32 $0xFFFFC000  }
0x51: {  	[tilespmem:s22], [sflag:$0x2] =	stream.indirect.gather [hbm4b:s4+s20], $0x80, s29, s20, $0xb8;
	[tilespmem:$0x1EC00] =	vst v63  }
0x52: {  	_ =	swait.ge [sflag:s23], $0x4000  }
0x53: {  	[sflag:s23] =	ssyncset.done $0x0  }
0x54: {  	s2 =	simm.s32 $0x1B00;
	[sflag:s23] =	ssyncadd.s32 $0xFFFFC000  }
0x55: {  	[spmem:s1] =	stream.indirect.scatter.add.f32 [tilespmem:s21], [sflag:$0x3], $0x80, s2, s20, $0xb8;
	[tilespmem:$0x1EC00] =	vst v63  }
0x56: {  	_ =	swait.ge [sflag:s18], $0x4000  }
0x57: {  	[sflag:s18] =	ssyncset.done $0x0  }
0x58: {  	s7 =	simm.s32 $0x400;
	[sflag:s18] =	ssyncadd.s32 $0xFFFFC000  }
0x59: {  	[tilespmem:s21], [sflag:$0x1] =	stream.indirect.gather [hbm4b:s4+s20], $0x80, s7, s20, $0xb8;
	[tilespmem:$0x1EC00] =	vst v63  }
0x5a: {  	_ =	swait.ge [sflag:s24], $0x4000  }
0x5b: {  	[sflag:s24] =	ssyncset.done $0x0  }
0x5c: {  	s29 =	simm.s32 $0x1B80;
	[sflag:s24] =	ssyncadd.s32 $0xFFFFC000  }
0x5d: {  	[spmem:s1] =	stream.indirect.scatter.add.f32 [tilespmem:s22], [sflag:$0x3], $0x80, s29, s20, $0xb8;
	[tilespmem:$0x1EC00] =	vst v63  }
0x5e: {  	_ =	swait.ge [sflag:s18], $0x4000  }
0x5f: {  	[sflag:s18] =	ssyncset.done $0x0  }
0x60: {  	s2 =	simm.s32 $0x480;
	[sflag:s18] =	ssyncadd.s32 $0xFFFFC000  }
0x61: {  	[tilespmem:s22], [sflag:$0x2] =	stream.indirect.gather [hbm4b:s4+s20], $0x80, s2, s20, $0xb8;
	[tilespmem:$0x1EC00] =	vst v63  }
0x62: {  	_ =	swait.ge [sflag:s23], $0x4000  }
0x63: {  	[sflag:s23] =	ssyncset.done $0x0  }
0x64: {  	s7 =	simm.s32 $0x1C00;
	[sflag:s23] =	ssyncadd.s32 $0xFFFFC000  }
0x65: {  	[spmem:s1] =	stream.indirect.scatter.add.f32 [tilespmem:s21], [sflag:$0x3], $0x80, s7, s20, $0xb8;
	[tilespmem:$0x1EC00] =	vst v63  }
0x66: {  	_ =	swait.ge [sflag:s18], $0x4000  }
0x67: {  	[sflag:s18] =	ssyncset.done $0x0  }
0x68: {  	s29 =	simm.s32 $0x500;
	[sflag:s18] =	ssyncadd.s32 $0xFFFFC000  }
0x69: {  	[tilespmem:s21], [sflag:$0x1] =	stream.indirect.gather [hbm4b:s4+s20], $0x80, s29, s20, $0xb8;
	[tilespmem:$0x1EC00] =	vst v63  }
0x6a: {  	_ =	swait.ge [sflag:s24], $0x4000  }
0x6b: {  	[sflag:s24] =	ssyncset.done $0x0  }
0x6c: {  	s2 =	simm.s32 $0x1C80;
	[sflag:s24] =	ssyncadd.s32 $0xFFFFC000  }
0x6d: {  	[spmem:s1] =	stream.indirect.scatter.add.f32 [tilespmem:s22], [sflag:$0x3], $0x80, s2, s20, $0xb8;
	[tilespmem:$0x1EC00] =	vst v63  }
0x6e: {  	_ =	swait.ge [sflag:s18], $0x4000  }
0x6f: {  	[sflag:s18] =	ssyncset.done $0x0  }
0x70: {  	s7 =	simm.s32 $0x580;
	[sflag:s18] =	ssyncadd.s32 $0xFFFFC000  }
0x71: {  	[tilespmem:s22], [sflag:$0x2] =	stream.indirect.gather [hbm4b:s4+s20], $0x80, s7, s20, $0xb8;
	[tilespmem:$0x1EC00] =	vst v63  }
0x72: {  	_ =	swait.ge [sflag:s23], $0x4000  }
0x73: {  	[sflag:s23] =	ssyncset.done $0x0  }
0x74: {  	s29 =	simm.s32 $0x1D00;
	[sflag:s23] =	ssyncadd.s32 $0xFFFFC000  }
0x75: {  	[spmem:s1] =	stream.indirect.scatter.add.f32 [tilespmem:s21], [sflag:$0x3], $0x80, s29, s20, $0xb8;
	[tilespmem:$0x1EC00] =	vst v63  }
0x76: {  	_ =	swait.ge [sflag:s18], $0x4000  }
0x77: {  	[sflag:s18] =	ssyncset.done $0x0  }
0x78: {  	s2 =	simm.s32 $0x600;
	[sflag:s18] =	ssyncadd.s32 $0xFFFFC000  }
0x79: {  	[tilespmem:s21], [sflag:$0x1] =	stream.indirect.gather [hbm4b:s4+s20], $0x80, s2, s20, $0xb8;
	[tilespmem:$0x1EC00] =	vst v63  }
0x7a: {  	_ =	swait.ge [sflag:s24], $0x4000  }
0x7b: {  	[sflag:s24] =	ssyncset.done $0x0  }
0x7c: {  	s7 =	simm.s32 $0x1D80;
	[sflag:s24] =	ssyncadd.s32 $0xFFFFC000  }
0x7d: {  	[spmem:s1] =	stream.indirect.scatter.add.f32 [tilespmem:s22], [sflag:$0x3], $0x80, s7, s20, $0xb8;
	[tilespmem:$0x1EC00] =	vst v63  }
0x7e: {  	_ =	swait.ge [sflag:s18], $0x4000  }
0x7f: {  	[sflag:s18] =	ssyncset.done $0x0  }
0x80: {  	s29 =	simm.s32 $0x680;
	[sflag:s18] =	ssyncadd.s32 $0xFFFFC000  }
0x81: {  	[tilespmem:s22], [sflag:$0x2] =	stream.indirect.gather [hbm4b:s4+s20], $0x80, s29, s20, $0xb8;
	[tilespmem:$0x1EC00] =	vst v63  }
0x82: {  	_ =	swait.ge [sflag:s23], $0x4000  }
0x83: {  	[sflag:s23] =	ssyncset.done $0x0  }
0x84: {  	s2 =	simm.s32 $0x1E00;
	[sflag:s23] =	ssyncadd.s32 $0xFFFFC000  }
0x85: {  	[spmem:s1] =	stream.indirect.scatter.add.f32 [tilespmem:s21], [sflag:$0x3], $0x80, s2, s20, $0xb8;
	[tilespmem:$0x1EC00] =	vst v63  }
0x86: {  	_ =	swait.ge [sflag:s18], $0x4000  }
0x87: {  	[sflag:s18] =	ssyncset.done $0x0  }
0x88: {  	s7 =	simm.s32 $0x700;
	[sflag:s18] =	ssyncadd.s32 $0xFFFFC000  }
0x89: {  	[tilespmem:s21], [sflag:$0x1] =	stream.indirect.gather [hbm4b:s4+s20], $0x80, s7, s20, $0xb8;
	[tilespmem:$0x1EC00] =	vst v63  }
0x8a: {  	_ =	swait.ge [sflag:s24], $0x4000  }
0x8b: {  	[sflag:s24] =	ssyncset.done $0x0  }
0x8c: {  	s29 =	simm.s32 $0x1E80;
	[sflag:s24] =	ssyncadd.s32 $0xFFFFC000  }
0x8d: {  	[spmem:s1] =	stream.indirect.scatter.add.f32 [tilespmem:s22], [sflag:$0x3], $0x80, s29, s20, $0xb8;
	[tilespmem:$0x1EC00] =	vst v63  }
0x8e: {  	_ =	swait.ge [sflag:s18], $0x4000  }
0x8f: {  	s31 =	simm.s32 $0x1F80;
	[sflag:s18] =	ssyncset.done $0x0  }
0x90: {  	s0 =	simm.s32 $0x1F00;
	s2 =	simm.s32 $0x780;
	[sflag:s18] =	ssyncadd.s32 $0xFFFFC000  }
.LBB2_11:
0x91: {  	[tilespmem:s22], [sflag:$0x2] =	stream.indirect.gather [hbm4b:s4+s20], $0x80, s2, s20, $0xb8;
	[tilespmem:$0x1EC00] =	vst v63  }
0x92: {  	_ =	swait.ge [sflag:s23], $0x4000  }
0x93: {  	[sflag:s23] =	ssyncset.done $0x0  }
0x94: {  	[sflag:s23] =	ssyncadd.s32 $0xFFFFC000  }
0x95: {  	[spmem:s1] =	stream.indirect.scatter.add.f32 [tilespmem:s21], [sflag:$0x3], $0x80, s0, s20, $0xb8;
	[tilespmem:$0x1EC00] =	vst v63  }
0x96: {  	_ =	swait.ge [sflag:s18], $0x4000  }
0x97: {  	[sflag:s18] =	ssyncset.done $0x0  }
0x98: {  	[sflag:s18] =	ssyncadd.s32 $0xFFFFC000  }
0x99: {  	_ =	swait.ge [sflag:s24], $0x4000  }
0x9a: {  	[sflag:s24] =	ssyncset.done $0x0  }
0x9b: {  	[sflag:s24] =	ssyncadd.s32 $0xFFFFC000  }
0x9c: {  	[spmem:s1] =	stream.indirect.scatter.add.f32 [tilespmem:s22], [sflag:$0x3], $0x80, s31, s20, $0xb8;
	[tilespmem:$0x1EC00] =	vst v63  }
0x9d: {  	_ =	swait.ge [sflag:s18], $0x4000  }
0x9e: {  	s30 =	sadd.s32 $0x1, s30;
	[sflag:s18] =	ssyncset.done $0x0  }
0x9f: {  	p1 =	sne.s32 s30, s16;
	[sflag:s18] =	ssyncadd.s32 $0xFFFFC000  }
.Ltmp1:
0xa0: {  	[bflag:$0x0] =	sbarrier.arrive $0xFFFF;
	(pc) =	sbr.rel @!p1 .LBB2_12-.Ltmp1, $4  }
0xa1: {  	[hbm:s15], [sflag:s6] =	dma.local [spmem:s17], $0x2780  }
0xa2: {  	_ =	swait.ge [sflag:s18], $0x2780  }
0xa3: {  	[sflag:s18] =	ssyncset.done $0x0  }
0xa4: {  	[sflag:s18] =	ssyncadd.s32 $0xFFFFD880  }
.LBB2_1:
.Ltmp2:
0xa5: {  	(pc) =	sbr.rel @p0 .LBB2_10-.Ltmp2, $4  }
0xa6: {  	[spmem:s17], [sflag:s6] =	dma.local [hbm:s5], $0x2780  }
0xa7: {  	_ =	swait.ge [sflag:s18], $0x2780  }
0xa8: {  	[sflag:s18] =	ssyncset.done $0x0  }
0xa9: {  	[sflag:s18] =	ssyncadd.s32 $0xFFFFD880  }
0xaa: {  	[bflag:$0x0] =	sbarrier.arrive $0xFFFF;
	s0 =	simm.s32 $0x0  }
0xab: {  	[tilespmem:s0], [sflag:$0x3] =	stream.linear.gather [hbm4b:s9+s0], $0x1800, $0x38;
	[tilespmem:$0x1EC00] =	vst v63  }
0xac: {  	_ =	swait.ge [sflag:s18], $0x1800  }
0xad: {  	[sflag:s18] =	ssyncset.done $0x0  }
0xae: {  	[sflag:s18] =	ssyncadd.s32 $0xFFFFE800  }
0xaf: {  	[tilespmem:s19], [sflag:$0x3] =	stream.linear.gather [hbm4b:s10+s0], $0x1800, $0x38;
	[tilespmem:$0x1EC00] =	vst v63  }
0xb0: {  	_ =	swait.ge [sflag:s18], $0x1800  }
0xb1: {  	[sflag:s18] =	ssyncset.done $0x0  }
0xb2: {  	[sflag:s18] =	ssyncadd.s32 $0xFFFFE800  }
0xb3: {  	[tilespmem:s21], [sflag:$0x1] =	stream.indirect.gather [hbm4b:s4+s20], $0x80, s0, s20, $0xb8;
	[tilespmem:$0x1EC00] =	vst v63  }
0xb4: {  	s29 =	simm.s32 $0x80  }
0xb5: {  	[tilespmem:s22], [sflag:$0x2] =	stream.indirect.gather [hbm4b:s4+s20], $0x80, s29, s20, $0xb8;
	[tilespmem:$0x1EC00] =	vst v63  }
0xb6: {  	_ =	swait.ge [sflag:s23], $0x4000  }
0xb7: {  	[sflag:s23] =	ssyncset.done $0x0  }
0xb8: {  	s2 =	simm.s32 $0x1800;
	[sflag:s23] =	ssyncadd.s32 $0xFFFFC000  }
0xb9: {  	[spmem:s1] =	stream.indirect.scatter.add.f32 [tilespmem:s21], [sflag:$0x3], $0x80, s2, s20, $0xb8;
	[tilespmem:$0x1EC00] =	vst v63  }
0xba: {  	_ =	swait.ge [sflag:s18], $0x4000  }
0xbb: {  	[sflag:s18] =	ssyncset.done $0x0  }
0xbc: {  	s7 =	simm.s32 $0x100;
	[sflag:s18] =	ssyncadd.s32 $0xFFFFC000  }
0xbd: {  	[tilespmem:s21], [sflag:$0x1] =	stream.indirect.gather [hbm4b:s4+s20], $0x80, s7, s20, $0xb8;
	[tilespmem:$0x1EC00] =	vst v63  }
0xbe: {  	_ =	swait.ge [sflag:s24], $0x4000  }
0xbf: {  	[sflag:s24] =	ssyncset.done $0x0  }
0xc0: {  	s29 =	simm.s32 $0x1880;
	[sflag:s24] =	ssyncadd.s32 $0xFFFFC000  }
0xc1: {  	[spmem:s1] =	stream.indirect.scatter.add.f32 [tilespmem:s22], [sflag:$0x3], $0x80, s29, s20, $0xb8;
	[tilespmem:$0x1EC00] =	vst v63  }
0xc2: {  	_ =	swait.ge [sflag:s18], $0x4000  }
0xc3: {  	s31 =	simm.s32 $0x100;
	s0 =	simm.s32 $0x800;
	[sflag:s18] =	ssyncset.done $0x0  }
.LBB2_3:
0xc4: {  	s2 =	sadd.s32 $0x80, s31  }
0xc5: {  	[sflag:s18] =	ssyncadd.s32 $0xFFFFC000;
	s29 =	smov.u32 s0;
	s7 =	sadd.s32 $0x400, s0  }
0xc6: {  	[tilespmem:s22], [sflag:$0x2] =	stream.indirect.gather [hbm4b:s4+s20], $0x80, s2, s20, $0xb8;
	[tilespmem:$0x1EC00] =	vst v63  }
0xc7: {  	p1 =	sne.s32 s0, $0x5800;
	_ =	swait.ge [sflag:s23], $0x4000  }
0xc8: {  	[sflag:s23] =	ssyncset.done $0x0  }
0xc9: {  	s0 =	sadd.s32 $0x1800, s31;
	[sflag:s23] =	ssyncadd.s32 $0xFFFFC000  }
0xca: {  	[spmem:s1] =	stream.indirect.scatter.add.f32 [tilespmem:s21], [sflag:$0x3], $0x80, s0, s20, $0xb8;
	[tilespmem:$0x1EC00] =	vst v63  }
0xcb: {  	_ =	swait.ge [sflag:s18], $0x4000  }
0xcc: {  	[sflag:s18] =	ssyncset.done $0x0  }
0xcd: {  	s0 =	sadd.s32 $0x100, s31;
	[sflag:s18] =	ssyncadd.s32 $0xFFFFC000  }
0xce: {  	[tilespmem:s21], [sflag:$0x1] =	stream.indirect.gather [hbm4b:s4+s20], $0x80, s0, s20, $0xb8;
	[tilespmem:$0x1EC00] =	vst v63  }
0xcf: {  	_ =	swait.ge [sflag:s24], $0x4000  }
.Ltmp3:
0xd0: {  	[sflag:s24] =	ssyncset.done $0x0;
	(pc) =	sbr.rel @p1 .LBB2_3-.Ltmp3, $4  }
0xd1: {  	s0 =	sadd.s32 $0x1880, s31;
	[sflag:s24] =	ssyncadd.s32 $0xFFFFC000  }
0xd2: {  	[spmem:s1] =	stream.indirect.scatter.add.f32 [tilespmem:s22], [sflag:$0x3], $0x80, s0, s20, $0xb8;
	[tilespmem:$0x1EC00] =	vst v63  }
0xd3: {  	_ =	swait.ge [sflag:s18], $0x4000  }
0xd4: {  	s31 =	sshra.s32 s29, $0x2;
	s0 =	smov.u32 s7;
	[sflag:s18] =	ssyncset.done $0x0  }
0xd5: {  	s0 =	sadd.s32 $0x80, s31;
	[sflag:s18] =	ssyncadd.s32 $0xFFFFC000  }
0xd6: {  	[tilespmem:s22], [sflag:$0x2] =	stream.indirect.gather [hbm4b:s4+s20], $0x80, s0, s20, $0xb8;
	[tilespmem:$0x1EC00] =	vst v63  }
0xd7: {  	_ =	swait.ge [sflag:s23], $0x4000  }
0xd8: {  	[sflag:s23] =	ssyncset.done $0x0  }
0xd9: {  	s7 =	sadd.s32 $0x1800, s31;
	[sflag:s23] =	ssyncadd.s32 $0xFFFFC000  }
0xda: {  	[spmem:s1] =	stream.indirect.scatter.add.f32 [tilespmem:s21], [sflag:$0x3], $0x80, s7, s20, $0xb8;
	[tilespmem:$0x1EC00] =	vst v63  }
0xdb: {  	_ =	swait.ge [sflag:s18], $0x4000  }
0xdc: {  	[sflag:s18] =	ssyncset.done $0x0  }
0xdd: {  	s29 =	sadd.s32 $0x100, s31;
	[sflag:s18] =	ssyncadd.s32 $0xFFFFC000  }
0xde: {  	[tilespmem:s21], [sflag:$0x1] =	stream.indirect.gather [hbm4b:s4+s20], $0x80, s29, s20, $0xb8;
	[tilespmem:$0x1EC00] =	vst v63  }
0xdf: {  	_ =	swait.ge [sflag:s24], $0x4000  }
0xe0: {  	[sflag:s24] =	ssyncset.done $0x0  }
0xe1: {  	s2 =	sadd.s32 $0x1880, s31;
	[sflag:s24] =	ssyncadd.s32 $0xFFFFC000  }
0xe2: {  	[spmem:s1] =	stream.indirect.scatter.add.f32 [tilespmem:s22], [sflag:$0x3], $0x80, s2, s20, $0xb8;
	[tilespmem:$0x1EC00] =	vst v63  }
0xe3: {  	_ =	swait.ge [sflag:s18], $0x4000  }
0xe4: {  	[sflag:s18] =	ssyncset.done $0x0  }
0xe5: {  	[sflag:s18] =	ssyncadd.s32 $0xFFFFC000  }
0xe6: {  	[tilespmem:s22], [sflag:$0x2] =	stream.indirect.gather [hbm4b:s4+s20], $0x80, s25, s20, $0xb8;
	[tilespmem:$0x1EC00] =	vst v63  }
0xe7: {  	_ =	swait.ge [sflag:s23], $0x4000  }
0xe8: {  	[sflag:s23] =	ssyncset.done $0x0  }
0xe9: {  	[sflag:s23] =	ssyncadd.s32 $0xFFFFC000  }
0xea: {  	[spmem:s1] =	stream.indirect.scatter.add.f32 [tilespmem:s21], [sflag:$0x3], $0x80, s26, s20, $0xb8;
	[tilespmem:$0x1EC00] =	vst v63  }
0xeb: {  	_ =	swait.ge [sflag:s18], $0x4000  }
0xec: {  	[sflag:s18] =	ssyncset.done $0x0  }
0xed: {  	[sflag:s18] =	ssyncadd.s32 $0xFFFFC000  }
0xee: {  	_ =	swait.ge [sflag:s24], $0x4000  }
0xef: {  	[sflag:s24] =	ssyncset.done $0x0  }
0xf0: {  	[sflag:s24] =	ssyncadd.s32 $0xFFFFC000  }
0xf1: {  	[spmem:s1] =	stream.indirect.scatter.add.f32 [tilespmem:s22], [sflag:$0x3], $0x80, s28, s20, $0xb8;
	[tilespmem:$0x1EC00] =	vst v63  }
0xf2: {  	_ =	swait.ge [sflag:s18], $0x4000  }
0xf3: {  	[sflag:s18] =	ssyncset.done $0x0  }
0xf4: {  	s7 =	simm.s32 $0x0;
	[sflag:s18] =	ssyncadd.s32 $0xFFFFC000  }
0xf5: {  	[tilespmem:s7], [sflag:$0x3] =	stream.linear.gather [hbm4b:s11+s7], $0x1800, $0x38;
	[tilespmem:$0x1EC00] =	vst v63  }
0xf6: {  	_ =	swait.ge [sflag:s18], $0x1800  }
0xf7: {  	[sflag:s18] =	ssyncset.done $0x0  }
0xf8: {  	[sflag:s18] =	ssyncadd.s32 $0xFFFFE800  }
0xf9: {  	[tilespmem:s19], [sflag:$0x3] =	stream.linear.gather [hbm4b:s12+s7], $0x1800, $0x38;
	[tilespmem:$0x1EC00] =	vst v63  }
0xfa: {  	_ =	swait.ge [sflag:s18], $0x1800  }
0xfb: {  	[sflag:s18] =	ssyncset.done $0x0  }
0xfc: {  	[sflag:s18] =	ssyncadd.s32 $0xFFFFE800  }
0xfd: {  	[tilespmem:s21], [sflag:$0x1] =	stream.indirect.gather [hbm4b:s4+s20], $0x80, s7, s20, $0xb8;
	[tilespmem:$0x1EC00] =	vst v63  }
0xfe: {  	s29 =	simm.s32 $0x80  }
0xff: {  	[tilespmem:s22], [sflag:$0x2] =	stream.indirect.gather [hbm4b:s4+s20], $0x80, s29, s20, $0xb8;
	[tilespmem:$0x1EC00] =	vst v63  }
0x100: {  	_ =	swait.ge [sflag:s23], $0x4000  }
0x101: {  	[sflag:s23] =	ssyncset.done $0x0  }
0x102: {  	s2 =	simm.s32 $0x1800;
	[sflag:s23] =	ssyncadd.s32 $0xFFFFC000  }
0x103: {  	[spmem:s1] =	stream.indirect.scatter.add.f32 [tilespmem:s21], [sflag:$0x3], $0x80, s2, s20, $0xb8;
	[tilespmem:$0x1EC00] =	vst v63  }
0x104: {  	_ =	swait.ge [sflag:s18], $0x4000  }
0x105: {  	[sflag:s18] =	ssyncset.done $0x0  }
0x106: {  	s7 =	simm.s32 $0x100;
	[sflag:s18] =	ssyncadd.s32 $0xFFFFC000  }
0x107: {  	[tilespmem:s21], [sflag:$0x1] =	stream.indirect.gather [hbm4b:s4+s20], $0x80, s7, s20, $0xb8;
	[tilespmem:$0x1EC00] =	vst v63  }
0x108: {  	_ =	swait.ge [sflag:s24], $0x4000  }
0x109: {  	[sflag:s24] =	ssyncset.done $0x0  }
0x10a: {  	s29 =	simm.s32 $0x1880;
	[sflag:s24] =	ssyncadd.s32 $0xFFFFC000  }
0x10b: {  	[spmem:s1] =	stream.indirect.scatter.add.f32 [tilespmem:s22], [sflag:$0x3], $0x80, s29, s20, $0xb8;
	[tilespmem:$0x1EC00] =	vst v63  }
0x10c: {  	_ =	swait.ge [sflag:s18], $0x4000  }
0x10d: {  	s31 =	simm.s32 $0x100;
	s0 =	simm.s32 $0x800;
	[sflag:s18] =	ssyncset.done $0x0  }
.LBB2_5:
0x10e: {  	s2 =	sadd.s32 $0x80, s31  }
0x10f: {  	[sflag:s18] =	ssyncadd.s32 $0xFFFFC000;
	s7 =	smov.u32 s0;
	s29 =	sadd.s32 $0x400, s0  }
0x110: {  	[tilespmem:s22], [sflag:$0x2] =	stream.indirect.gather [hbm4b:s4+s20], $0x80, s2, s20, $0xb8;
	[tilespmem:$0x1EC00] =	vst v63  }
0x111: {  	p1 =	sne.s32 s0, $0x5800;
	_ =	swait.ge [sflag:s23], $0x4000  }
0x112: {  	[sflag:s23] =	ssyncset.done $0x0  }
0x113: {  	s0 =	sadd.s32 $0x1800, s31;
	[sflag:s23] =	ssyncadd.s32 $0xFFFFC000  }
0x114: {  	[spmem:s1] =	stream.indirect.scatter.add.f32 [tilespmem:s21], [sflag:$0x3], $0x80, s0, s20, $0xb8;
	[tilespmem:$0x1EC00] =	vst v63  }
0x115: {  	_ =	swait.ge [sflag:s18], $0x4000  }
0x116: {  	[sflag:s18] =	ssyncset.done $0x0  }
0x117: {  	s0 =	sadd.s32 $0x100, s31;
	[sflag:s18] =	ssyncadd.s32 $0xFFFFC000  }
0x118: {  	[tilespmem:s21], [sflag:$0x1] =	stream.indirect.gather [hbm4b:s4+s20], $0x80, s0, s20, $0xb8;
	[tilespmem:$0x1EC00] =	vst v63  }
0x119: {  	_ =	swait.ge [sflag:s24], $0x4000  }
.Ltmp4:
0x11a: {  	[sflag:s24] =	ssyncset.done $0x0;
	(pc) =	sbr.rel @p1 .LBB2_5-.Ltmp4, $4  }
0x11b: {  	s0 =	sadd.s32 $0x1880, s31;
	[sflag:s24] =	ssyncadd.s32 $0xFFFFC000  }
0x11c: {  	[spmem:s1] =	stream.indirect.scatter.add.f32 [tilespmem:s22], [sflag:$0x3], $0x80, s0, s20, $0xb8;
	[tilespmem:$0x1EC00] =	vst v63  }
0x11d: {  	_ =	swait.ge [sflag:s18], $0x4000  }
0x11e: {  	s31 =	sshra.s32 s7, $0x2;
	s0 =	smov.u32 s29;
	[sflag:s18] =	ssyncset.done $0x0  }
0x11f: {  	s0 =	sadd.s32 $0x80, s31;
	[sflag:s18] =	ssyncadd.s32 $0xFFFFC000  }
0x120: {  	[tilespmem:s22], [sflag:$0x2] =	stream.indirect.gather [hbm4b:s4+s20], $0x80, s0, s20, $0xb8;
	[tilespmem:$0x1EC00] =	vst v63  }
0x121: {  	_ =	swait.ge [sflag:s23], $0x4000  }
0x122: {  	[sflag:s23] =	ssyncset.done $0x0  }
0x123: {  	s29 =	sadd.s32 $0x1800, s31;
	[sflag:s23] =	ssyncadd.s32 $0xFFFFC000  }
0x124: {  	[spmem:s1] =	stream.indirect.scatter.add.f32 [tilespmem:s21], [sflag:$0x3], $0x80, s29, s20, $0xb8;
	[tilespmem:$0x1EC00] =	vst v63  }
0x125: {  	_ =	swait.ge [sflag:s18], $0x4000  }
0x126: {  	[sflag:s18] =	ssyncset.done $0x0  }
0x127: {  	s2 =	sadd.s32 $0x100, s31;
	[sflag:s18] =	ssyncadd.s32 $0xFFFFC000  }
0x128: {  	[tilespmem:s21], [sflag:$0x1] =	stream.indirect.gather [hbm4b:s4+s20], $0x80, s2, s20, $0xb8;
	[tilespmem:$0x1EC00] =	vst v63  }
0x129: {  	_ =	swait.ge [sflag:s24], $0x4000  }
0x12a: {  	[sflag:s24] =	ssyncset.done $0x0  }
0x12b: {  	s7 =	sadd.s32 $0x1880, s31;
	[sflag:s24] =	ssyncadd.s32 $0xFFFFC000  }
0x12c: {  	[spmem:s1] =	stream.indirect.scatter.add.f32 [tilespmem:s22], [sflag:$0x3], $0x80, s7, s20, $0xb8;
	[tilespmem:$0x1EC00] =	vst v63  }
0x12d: {  	_ =	swait.ge [sflag:s18], $0x4000  }
0x12e: {  	[sflag:s18] =	ssyncset.done $0x0  }
0x12f: {  	[sflag:s18] =	ssyncadd.s32 $0xFFFFC000  }
0x130: {  	[tilespmem:s22], [sflag:$0x2] =	stream.indirect.gather [hbm4b:s4+s20], $0x80, s25, s20, $0xb8;
	[tilespmem:$0x1EC00] =	vst v63  }
0x131: {  	_ =	swait.ge [sflag:s23], $0x4000  }
0x132: {  	[sflag:s23] =	ssyncset.done $0x0  }
0x133: {  	[sflag:s23] =	ssyncadd.s32 $0xFFFFC000  }
0x134: {  	[spmem:s1] =	stream.indirect.scatter.add.f32 [tilespmem:s21], [sflag:$0x3], $0x80, s26, s20, $0xb8;
	[tilespmem:$0x1EC00] =	vst v63  }
0x135: {  	_ =	swait.ge [sflag:s18], $0x4000  }
0x136: {  	[sflag:s18] =	ssyncset.done $0x0  }
0x137: {  	[sflag:s18] =	ssyncadd.s32 $0xFFFFC000  }
0x138: {  	_ =	swait.ge [sflag:s24], $0x4000  }
0x139: {  	[sflag:s24] =	ssyncset.done $0x0  }
0x13a: {  	[sflag:s24] =	ssyncadd.s32 $0xFFFFC000  }
0x13b: {  	[spmem:s1] =	stream.indirect.scatter.add.f32 [tilespmem:s22], [sflag:$0x3], $0x80, s28, s20, $0xb8;
	[tilespmem:$0x1EC00] =	vst v63  }
0x13c: {  	_ =	swait.ge [sflag:s18], $0x4000  }
0x13d: {  	[sflag:s18] =	ssyncset.done $0x0  }
0x13e: {  	s29 =	simm.s32 $0x0;
	[sflag:s18] =	ssyncadd.s32 $0xFFFFC000  }
0x13f: {  	[tilespmem:s29], [sflag:$0x3] =	stream.linear.gather [hbm4b:s13+s29], $0x1800, $0x38;
	[tilespmem:$0x1EC00] =	vst v63  }
0x140: {  	_ =	swait.ge [sflag:s18], $0x1800  }
0x141: {  	[sflag:s18] =	ssyncset.done $0x0  }
0x142: {  	p2 =	por $0x0, $0x0;
	[sflag:s18] =	ssyncadd.s32 $0xFFFFE800  }
0x143: {  	[tilespmem:s19], [sflag:$0x3] =	stream.linear.gather [hbm4b:s14+s29], $0x1800, $0x38;
	[tilespmem:$0x1EC00] =	vst v63  }
.Ltmp5:
0x144: {  	_ = 	snop;
	(pc) =	sbr.rel @p2 .LBB2_9-.Ltmp5, $4  }
0x145: {  	_ =	swait.ge [sflag:s18], $0x1800  }
0x146: {  	[sflag:s18] =	ssyncset.done $0x0  }
0x147: {  	s31 =	simm.s32 $0x0;
	p1 =	por $0x0, $0x0;
	[sflag:s18] =	ssyncadd.s32 $0xFFFFE800  }
0x148: {  	[tilespmem:s21], [sflag:$0x1] =	stream.indirect.gather [hbm4b:s4+s20], $0x80, s29, s20, $0xb8;
	[tilespmem:$0x1EC00] =	vst v63  }
0x149: {  	s0 =	simm.s32 $0x80  }
0x14a: {  	[tilespmem:s22], [sflag:$0x2] =	stream.indirect.gather [hbm4b:s4+s20], $0x80, s0, s20, $0xb8;
	[tilespmem:$0x1EC00] =	vst v63  }
0x14b: {  	_ =	swait.ge [sflag:s23], $0x4000  }
0x14c: {  	[sflag:s23] =	ssyncset.done $0x0  }
0x14d: {  	s2 =	simm.s32 $0x1800;
	[sflag:s23] =	ssyncadd.s32 $0xFFFFC000  }
0x14e: {  	[spmem:s1] =	stream.indirect.scatter.add.f32 [tilespmem:s21], [sflag:$0x3], $0x80, s2, s20, $0xb8;
	[tilespmem:$0x1EC00] =	vst v63  }
0x14f: {  	_ =	swait.ge [sflag:s18], $0x4000  }
0x150: {  	[sflag:s18] =	ssyncset.done $0x0  }
0x151: {  	s7 =	simm.s32 $0x100;
	[sflag:s18] =	ssyncadd.s32 $0xFFFFC000  }
0x152: {  	[tilespmem:s21], [sflag:$0x1] =	stream.indirect.gather [hbm4b:s4+s20], $0x80, s7, s20, $0xb8;
	[tilespmem:$0x1EC00] =	vst v63  }
0x153: {  	p2 =	por $0x0, $0x0;
	_ =	swait.ge [sflag:s24], $0x4000  }
.Ltmp6:
0x154: {  	[sflag:s24] =	ssyncset.done $0x0;
	(pc) =	sbr.rel @p2 .LBB2_9-.Ltmp6, $4  }
0x155: {  	s29 =	simm.s32 $0x1880;
	[sflag:s24] =	ssyncadd.s32 $0xFFFFC000  }
0x156: {  	[spmem:s1] =	stream.indirect.scatter.add.f32 [tilespmem:s22], [sflag:$0x3], $0x80, s29, s20, $0xb8;
	[tilespmem:$0x1EC00] =	vst v63  }
0x157: {  	s31 =	simm.s32 $0x100;
	_ =	swait.ge [sflag:s18], $0x4000  }
0x158: {  	p1 =	por $0x1, $0x1;
	s0 =	simm.s32 $0x800;
	[sflag:s18] =	ssyncset.done $0x0  }
.LBB2_8:
0x159: {  	s2 =	sadd.s32 $0x80, s31  }
0x15a: {  	[sflag:s18] =	ssyncadd.s32 $0xFFFFC000;
	s7 =	smov.u32 s0;
	s29 =	sadd.s32 $0x400, s0  }
0x15b: {  	[tilespmem:s22], [sflag:$0x2] =	stream.indirect.gather [hbm4b:s4+s20], $0x80, s2, s20, $0xb8;
	[tilespmem:$0x1EC00] =	vst v63  }
0x15c: {  	p2 =	seq.s32 s0, $0x5800;
	_ =	swait.ge [sflag:s23], $0x4000  }
0x15d: {  	[sflag:s23] =	ssyncset.done $0x0  }
0x15e: {  	s0 =	sadd.s32 $0x1800, s31;
	[sflag:s23] =	ssyncadd.s32 $0xFFFFC000  }
0x15f: {  	[spmem:s1] =	stream.indirect.scatter.add.f32 [tilespmem:s21], [sflag:$0x3], $0x80, s0, s20, $0xb8;
	[tilespmem:$0x1EC00] =	vst v63  }
0x160: {  	_ =	swait.ge [sflag:s18], $0x4000  }
0x161: {  	[sflag:s18] =	ssyncset.done $0x0  }
0x162: {  	s0 =	sadd.s32 $0x100, s31;
	[sflag:s18] =	ssyncadd.s32 $0xFFFFC000  }
0x163: {  	[tilespmem:s21], [sflag:$0x1] =	stream.indirect.gather [hbm4b:s4+s20], $0x80, s0, s20, $0xb8;
	[tilespmem:$0x1EC00] =	vst v63  }
0x164: {  	_ =	swait.ge [sflag:s24], $0x4000  }
.Ltmp7:
0x165: {  	[sflag:s24] =	ssyncset.done $0x0;
	(pc) =	sbr.rel @!p2 .LBB2_8-.Ltmp7, $4  }
0x166: {  	s0 =	sadd.s32 $0x1880, s31;
	[sflag:s24] =	ssyncadd.s32 $0xFFFFC000  }
0x167: {  	[spmem:s1] =	stream.indirect.scatter.add.f32 [tilespmem:s22], [sflag:$0x3], $0x80, s0, s20, $0xb8;
	[tilespmem:$0x1EC00] =	vst v63  }
0x168: {  	_ =	swait.ge [sflag:s18], $0x4000  }
0x169: {  	s31 =	sshra.s32 s7, $0x2;
	s0 =	smov.u32 s29;
	[sflag:s18] =	ssyncset.done $0x0  }
.LBB2_9:
0x16a: {  	s0 =	sadd.s32 $0x80, s31;
	[sflag:s18] =	ssyncadd.s32 @p1 $0xFFFFC000  }
0x16b: {  	[tilespmem:s22], [sflag:$0x2] =	stream.indirect.gather [hbm4b:s4+s20], $0x80, s0, s20, $0xb8;
	[tilespmem:$0x1EC00] =	vst v63  }
0x16c: {  	_ =	swait.ge [sflag:s23], $0x4000  }
0x16d: {  	[sflag:s23] =	ssyncset.done $0x0  }
0x16e: {  	s2 =	sadd.s32 $0x1800, s31;
	[sflag:s23] =	ssyncadd.s32 $0xFFFFC000  }
0x16f: {  	[spmem:s1] =	stream.indirect.scatter.add.f32 [tilespmem:s21], [sflag:$0x3], $0x80, s2, s20, $0xb8;
	[tilespmem:$0x1EC00] =	vst v63  }
0x170: {  	_ =	swait.ge [sflag:s18], $0x4000  }
0x171: {  	[sflag:s18] =	ssyncset.done $0x0  }
0x172: {  	s7 =	sadd.s32 $0x100, s31;
	[sflag:s18] =	ssyncadd.s32 $0xFFFFC000  }
0x173: {  	[tilespmem:s21], [sflag:$0x1] =	stream.indirect.gather [hbm4b:s4+s20], $0x80, s7, s20, $0xb8;
	[tilespmem:$0x1EC00] =	vst v63  }
0x174: {  	_ =	swait.ge [sflag:s24], $0x4000  }
0x175: {  	[sflag:s24] =	ssyncset.done $0x0  }
.Ltmp8:
0x176: {  	s29 =	sadd.s32 $0x1880, s31;
	[sflag:s24] =	ssyncadd.s32 $0xFFFFC000;
	(pc) =	sbr.rel .LBB2_11-.Ltmp8, $4  }
0x177: {  	[spmem:s1] =	stream.indirect.scatter.add.f32 [tilespmem:s22], [sflag:$0x3], $0x80, s29, s20, $0xb8;
	[tilespmem:$0x1EC00] =	vst v63  }
0x178: {  	_ =	swait.ge [sflag:s18], $0x4000  }
0x179: {  	s31 =	simm.s32 $0x2F80;
	[sflag:s18] =	ssyncset.done $0x0  }
0x17a: {  	s0 =	simm.s32 $0x2F00;
	s2 =	simm.s32 $0x1780;
	[sflag:s18] =	ssyncadd.s32 $0xFFFFC000  }
.LBB2_12:
0x17b: {  	_ =	sfence.sel $0x180000  }
0x17c: {  	[bflag:$0x0] =	sbarrier.arrive $0xFFFF  }
0x17d: {  	_ =	strace $0x9000004A  }
0x17e: {  	s0 =	stileid.u32;
	[bflag:$0x2] =	sbarrier.arrive $0xFFFF  }
0x17f: {  	p0 =	sne.s32 s0, $0x0;
	s0 =	rddreg [dreg:$0x2]  }
0x180: {  	s0 =	sadd.s32 @!p0 $0x100000, s0  }
0x181: {  	[sflag:s0] =	ssyncadd.tile.s32 @!p0 $0x1;
	_ =	shalt  }
.Lfunc_end2:
_tile_overlayer_lowered:
.L_overlay_start_2:
0x182: {  	(tag) =	ssettag $0x2  }
0x183: {  	s0 =	rddreg [dreg:$0x0];
	s2 =	stileid.u32  }
0x184: {  	s1 =	rddreg [dreg:$0x1];
	p0 =	sne.s32 s2, $0x0  }
0x185: {  	s3 =	rddreg [dreg:$0x2];
	[bflag:$0x3] =	sbarrier.arrive $0xFFFF;
	s2 =	simm.s32 @!p0 $0x1C03  }
0x186: {  	[timem:s3], [sflag:s2] =	dma.local @!p0 [hbm:s0], s1  }
0x187: {  	s0 =	simm.s32 @!p0 $0x3  }
0x188: {  	_ =	swait.ge @!p0 [sflag:s0], s1  }
0x189: {  	s1 =	ssub.s32 @!p0 $0x0, s1;
	[sflag:s0] =	ssyncset.done @!p0 $0x0  }
0x18a: {  	[sflag:s0] =	ssyncadd.s32 @!p0 s1  }
0x18b: {  	[bflag:$0x3] =	sbarrier.arrive $0xFFFF  }
0x18c: {  	_ =	shalt  }

// kernel: kernel.16.cloned.1.call-start
scs
__scs_entry_jumppad:
0x0: {  	(pc) =	sbr.rel $0x88, $3  }
0x1: {  	(tag) =	ssettag $0x0;
	lr =	simm.s32 $0x1  }
0x2: {  	[smem:$0x3F94] =	sst lr;
	_ =	strace $0xD0000000  }
0x3: {  	_ = 	snop  }
0x4: {  	_ = 	snop  }
0x5: {  	_ = 	snop  }
0x6: {  	_ = 	snop  }
0x7: {  	_ = 	snop  }
__scs_overlays_trampoline_lowered:
0x8: {  	[smem:$0x3FA3] =	sst s0  }
0x9: {  	[smem:$0x3FA4] =	sst s1  }
0xa: {  	[smem:$0x3FA5] =	sst s2  }
0xb: {  	[smem:$0x3FA6] =	sst s3  }
0xc: {  	[smem:$0x3FA7] =	sst s4  }
0xd: {  	[smem:$0x3FA8] =	sst s5  }
0xe: {  	[smem:$0x3FA9] =	sst s6  }
0xf: {  	[smem:$0x3FAA] =	sst s7  }
0x10: {  	[smem:$0x3FAB] =	sst s8  }
0x11: {  	[smem:$0x3FAC] =	sst s9;
	s0 =	simm.s32 @!p0 $0x0  }
0x12: {  	s1 =	sld [smem:$0x3F92];
	s0 =	simm.s32 @p0 $0x1  }
0x13: {  	[smem:$0x3FAD] =	sst s0;
	s0 =	simm.s32 @!p1 $0x0  }
0x14: {  	s2 =	sld [smem:$0x3F91];
	s0 =	simm.s32 @p1 $0x1  }
0x15: {  	[smem:$0x3FAE] =	sst s0;
	s0 =	simm.s32 @!p2 $0x0  }
0x16: {  	s3 =	sld [smem:$0x3FDB];
	s0 =	simm.s32 @p2 $0x1  }
0x17: {  	s4 =	simm.s32 $0x1BF5;
	[smem:$0x3FB0] =	sst s0  }
0x18: {  	s0 =	sld [smem:$0x3F93];
	_ =	swait.ge [sflag:s4], $0x0  }
0x19: {  	s7 =	sld [smem:$0x3F94]  }
0x1a: {  	s8 =	sadd.s32 $0xFFFFE003, lr  }
0x1b: {  	s9 =	sadd.s32 $0xFFFFFEF7, lr;
	s5 =	simm.s32 $0xFFFFFFFF;
	p2 =	slt.u32 s8, $0xFFFFF086  }
0x1c: {  	p1 =	slt.u32 s9, $0xF7A;
	s5 =	simm.s32 @!p2 $0x0  }
0x1d: {  	s5 =	simm.s32 @p1 $0x1;
	p0 =	seq.s32 s7, s2  }
0x1e: {  	s7 =	smul.u32 @!p0 $0xF7A, s2;
	p2 =	seq.s32 @!p0 s5, $0x0  }
0x1f: {  	s9 =	smul.u32 $0xF7A, s1;
	s8 =	simm.s32 @!p0 $0x1BF5;
	p2 =	por !p2, p0  }
0x20: {  	[sflag:s8] =	ssyncset.s32 @!p0 $0xFFFFF086;
	s6 =	sadd.s32 @!p0 s3, s7;
	s7 =	simm.s32 @!p0 $0x108  }
0x21: {  	s3 =	sadd.s32 s3, s9;
	s6 =	sadd.s32 @!p0 $0x88, s6;
	s7 =	simm.s32 @p2 $0x1082  }
0x22: {  	[simem:s7], [sflag:s8] =	dma.local @!p0 [hbm:s6], $0xF7A  }
0x23: {  	s9 =	sor.u32 $0xD0000000, s2;
	s6 =	simm.s32 $0x108;
	_ =	swait.ge @!p0 [sflag:s8], $0x0  }
0x24: {  	s3 =	sadd.s32 $0x88, s3;
	s6 =	simm.s32 @!p1 $0x1082;
	[sflag:s4] =	ssyncset.s32 $0xFFFFF086  }
0x25: {  	[simem:s6], [sflag:s4] =	dma.local [hbm:s3], $0xF7A  }
0x26: {  	[smem:$0x3F94] =	sst s1;
	(tag) =	ssettag s2;
	_ =	strace s9  }
0x27: {  	s1 =	sld [smem:$0x3FA4]  }
0x28: {  	s2 =	sld [smem:$0x3FA5]  }
0x29: {  	s4 =	sld [smem:$0x3FA7]  }
0x2a: {  	p0 =	seq.s32 s5, $0x0;
	s5 =	sld [smem:$0x3FA8]  }
0x2b: {  	s6 =	sld [smem:$0x3FA9]  }
0x2c: {  	s7 =	sld [smem:$0x3FAA]  }
0x2d: {  	s3 =	simm.s32 $0x108;
	s8 =	sld [smem:$0x3FAB]  }
0x2e: {  	s3 =	simm.s32 @!p0 $0x1082;
	s9 =	sld [smem:$0x3FAC]  }
0x2f: {  	lr =	sadd.s32 s0, s3;
	s0 =	sld [smem:$0x3FA3]  }
0x30: {  	s3 =	sld [smem:$0x3FA6]  }
0x31: {  	[smem:$0x3FAF] =	sst s10  }
0x32: {  	s10 =	sld [smem:$0x3FAD];
	_ =	sdelay $0x3  }
0x33: {  	p0 =	seq.s32 s10, $0x1;
	s10 =	sld [smem:$0x3FAF];
	_ =	sdelay $0x3  }
0x34: {  	[smem:$0x3FAF] =	sst s10  }
0x35: {  	s10 =	sld [smem:$0x3FAE];
	_ =	sdelay $0x3  }
0x36: {  	p1 =	seq.s32 s10, $0x1;
	s10 =	sld [smem:$0x3FAF];
	_ =	sdelay $0x3  }
0x37: {  	[smem:$0x3FAF] =	sst s10  }
0x38: {  	s10 =	sld [smem:$0x3FB0]  }
0x39: {  	_ = 	snop;
	(pc) =	sbr.ind lr, $3  }
0x3a: {  	_ = 	snop  }
0x3b: {  	_ = 	snop  }
0x3c: {  	p2 =	seq.s32 s10, $0x1;
	s10 =	sld [smem:$0x3FAF]  }
0x3d: {  	_ =	shalt  }
0x3e: {  	_ =	shalt  }
0x3f: {  	_ =	shalt  }
0x40: {  	_ =	shalt  }
0x41: {  	_ =	shalt  }
0x42: {  	_ =	shalt  }
0x43: {  	_ =	shalt  }
0x44: {  	_ =	shalt  }
0x45: {  	_ =	shalt  }
0x46: {  	_ =	shalt  }
0x47: {  	_ =	shalt  }
0x48: {  	_ =	shalt  }
0x49: {  	_ =	shalt  }
0x4a: {  	_ =	shalt  }
0x4b: {  	_ =	shalt  }
0x4c: {  	_ =	shalt  }
0x4d: {  	_ =	shalt  }
0x4e: {  	_ =	shalt  }
0x4f: {  	_ =	shalt  }
0x50: {  	_ =	shalt  }
0x51: {  	_ =	shalt  }
0x52: {  	_ =	shalt  }
0x53: {  	_ =	shalt  }
0x54: {  	_ =	shalt  }
0x55: {  	_ =	shalt  }
0x56: {  	_ =	shalt  }
0x57: {  	_ =	shalt  }
0x58: {  	_ =	shalt  }
0x59: {  	_ =	shalt  }
0x5a: {  	_ =	shalt  }
0x5b: {  	_ =	shalt  }
0x5c: {  	_ =	shalt  }
0x5d: {  	_ =	shalt  }
0x5e: {  	_ =	shalt  }
0x5f: {  	_ =	shalt  }
0x60: {  	_ =	shalt  }
0x61: {  	_ =	shalt  }
0x62: {  	_ =	shalt  }
0x63: {  	_ =	shalt  }
0x64: {  	_ =	shalt  }
0x65: {  	_ =	shalt  }
0x66: {  	_ =	shalt  }
0x67: {  	_ =	shalt  }
0x68: {  	_ =	shalt  }
0x69: {  	_ =	shalt  }
0x6a: {  	_ =	shalt  }
0x6b: {  	_ =	shalt  }
0x6c: {  	_ =	shalt  }
0x6d: {  	_ =	shalt  }
0x6e: {  	_ =	shalt  }
0x6f: {  	_ =	shalt  }
0x70: {  	_ =	shalt  }
0x71: {  	_ =	shalt  }
0x72: {  	_ =	shalt  }
0x73: {  	_ =	shalt  }
0x74: {  	_ =	shalt  }
0x75: {  	_ =	shalt  }
0x76: {  	_ =	shalt  }
0x77: {  	_ =	shalt  }
0x78: {  	_ =	shalt  }
0x79: {  	_ =	shalt  }
0x7a: {  	_ =	shalt  }
0x7b: {  	_ =	shalt  }
0x7c: {  	_ =	shalt  }
0x7d: {  	_ =	shalt  }
0x7e: {  	_ =	shalt  }
0x7f: {  	_ =	shalt  }
0x80: {  	_ =	shalt  }
0x81: {  	_ =	shalt  }
0x82: {  	_ =	shalt  }
0x83: {  	_ =	shalt  }
0x84: {  	_ =	shalt  }
0x85: {  	_ =	shalt  }
0x86: {  	_ =	shalt  }
0x87: {  	_ =	shalt  }
.Lfunc_end0:
.L_simem_size_0:
called_computation.2_lowered:
.L_overlay_start_0:
0x88: {  	s2 =	sld [smem:$0x3FD9]  }
0x89: {  	s3 =	sld [smem:$0x3FFE];
	_ =	sdelay $0x1  }
0x8a: {  	s1 =	srdreg.scid  }
0x8b: {  	s0 =	sand.u32 $0x1, s1  }
0x8c: {  	s16 =	sshll.u32 s0, $0xA;
	s2 =	sadd.s32 s3, s2  }
0x8d: {  	s2 =	sadd.s32 s2, s16  }
0x8e: {  	[smem:$0x3FBB] =	sst s2  }
0x8f: {  	_ = 	snop  }
0x90: {  	(tm) =	ssettm $0x1  }
0x91: {  	s17 =	sld [smem:$0x3FFB];
	_ =	sdelay $0x3  }
0x92: {  	_ =	strace s17  }
0x93: {  	s2 =	sld [smem:$0x3FFC];
	_ =	sdelay $0x3  }
0x94: {  	_ =	strace s2  }
0x95: {  	s2 =	sld [smem:$0x3FFD];
	_ =	sdelay $0x3  }
0x96: {  	_ =	strace s2  }
0x97: {  	_ =	strace $0x8FFFFFFF  }
0x98: {  	s18 =	sld [smem:$0x3FDB];
	_ =	sdelay $0x1  }
0x99: {  	s19 =	simm.s32 $_scs_section_size  }
0x9a: {  	s4 =	simm.s32 $_size__tile_overlayer_lowered;
	s5 =	simm.s32 $_tile_overlayer_lowered  }
0x9b: {  	s22 =	simm.s32 $0x1BFF;
	s21 =	sshll.u32 s5, $0x1;
	s2 =	sadd.s32 s19, s18  }
0x9c: {  	s6 =	simm.s32 $0x0;
	s20 =	sshll.u32 s4, $0x1;
	s4 =	sadd.s32 s21, s2  }
0x9d: {  	[timem:s6], [sflag:s22] =	dma.local [hbm:s4], s20  }
0x9e: {  	_ =	swait.ge [sflag:s22], s20  }
0x9f: {  	s3 =	ssub.s32 $0x0, s20;
	[sflag:s22] =	ssyncset.done $0x0  }
0xa0: {  	[sflag:s22] =	ssyncadd.s32 s3;
	_ =	sdelay $0x1  }
0xa1: {  	s23 =	simm.s32 $0x1B8B  }
0xa2: {  	_ =	swait.ge [sflag:s23], $0x1  }
0xa3: {  	[sflag:s23] =	ssyncset.done $0x0  }
0xa4: {  	s25 =	simm.s32 $0x1B8E;
	s24 =	sld [smem:$0x3FFE];
	[sflag:s23] =	ssyncadd.s32 $0xFFFFFFFF  }
0xa5: {  	s26 =	simm.s32 $execute0_lowered;
	[smem:$0x3FD2] =	sst s25  }
0xa6: {  	s4 =	sshll.u32 s26, $0x1;
	_ =	strace $0x8000004C;
	[dreg:$0x1] =	wrdreg $0xFFFFFFFF  }
0xa7: {  	s28 =	simm.s32 $_size_execute0_lowered;
	s2 =	sadd.s32 s2, s4;
	[dreg:$0x0] =	wrdreg $0x0  }
0xa8: {  	s4 =	sshll.u32 s28, $0x1;
	[dreg:$0x2] =	wrdreg s2  }
0xa9: {  	[dreg:$0x3] =	wrdreg s4  }
0xaa: {  	[dreg:$0x4] =	wrdreg $0xC0  }
0xab: {  	_ =	task [dreg:s6], $0x5FFFF  }
0xac: {  	[dreg:$0x1] =	wrdreg $0xFFFFFFFF  }
0xad: {  	[dreg:$0x0] =	wrdreg $0x60  }
0xae: {  	[dreg:$0x2] =	wrdreg s24  }
0xaf: {  	[dreg:$0x3] =	wrdreg $0xB0000  }
0xb0: {  	[dreg:$0x4] =	wrdreg $0x9  }
0xb1: {  	_ =	task.clear_ibuf [dreg:s6], $0x5FFFF;
	_ =	strace $0x9000004C  }
0xb2: {  	s29 =	simm.s32 $0x9;
	_ =	strace $0x8000004E  }
0xb3: {  	_ =	swait.ge [sflag:s29], $0x1  }
0xb4: {  	[sflag:s29] =	ssyncadd.s32 $0xFFFFFFFF  }
0xb5: {  	_ =	strace $0x9000004E  }
0xb6: {  	_ =	sfence  }
0xb7: {  	s30 =	sld [smem:$0x0];
	_ =	sdelay $0x2  }
0xb8: {  	s31 =	sshll.u32 s1, $0xD;
	s1 =	sshrl.u32 s1, $0x2  }
0xb9: {  	s3 =	sand.u32 $0x4000, s31;
	s1 =	sadd.s32 s1, s30  }
0xba: {  	s0 =	sor.u32 s3, s0;
	s1 =	sshll.u32 s1, $0x11  }
0xbb: {  	s0 =	sor.u32 s1, s0  }
0xbc: {  	s0 =	sadd.s32 $0x8F2B, s0  }
0xbd: {  	[sflag:s0] =	ssyncadd.remote.s32 $0x1  }
0xbe: {  	_ =	sfence.sel $0xFFFF  }
0xbf: {  	[dreg:$0x0] =	wrdreg $0xFFFFFFFF;
	(pc) =	sbr.abs _section_cstart, $3  }
0xc0: {  	[dreg:$0x1] =	wrdreg $0xFFFFFFFF  }
0xc1: {  	_ =	task.clear_ibuf [dreg:s6], $0x2FFFF;
	_ =	strace $0x9FFFFFFF  }
0xc2: {  	(tm) =	ssettm $0x7FFFFFFF  }
0xc3: {  	_ =	shalt  }
tec
execute0_lowered:
.L_overlay_start_1:
0x0: {  	(tag) =	ssettag $0x1  }
0x1: {  	s0 =	rddreg [dreg:$0x0]  }
0x2: {  	s1 =	rddreg [dreg:$0x1];
	s2 =	srdreg.scid  }
0x3: {  	s3 =	simm.s32 $0x0;
	s11 =	stileid.u32;
	s18 =	simm.s32 $0x3  }
0x4: {  	s19 =	simm.s32 $0x1800;
	s20 =	simm.s32 $0x80;
	s21 =	simm.s32 $0x3000  }
0x5: {  	s22 =	simm.s32 $0x7000;
	s23 =	simm.s32 $0x1;
	s28 =	simm.s32 $0x2F80  }
0x6: {  	s30 =	simm.s32 $0x0;
	s2 =	sand.u32 $0x1, s2;
	s6 =	smul.u32 $0x13C00, s11  }
0x7: {  	[smem:$0x7FF] =	sst s3;
	s4 =	sadd.s32 $0x1A000, s0;
	s9 =	smul.u32 $0x4F000, s11  }
0x8: {  	s13 =	sadd.s32 $0x3800, s0;
	s14 =	sadd.s32 $0xD800, s0;
	s10 =	smul.u32 $0x900, s11  }
0x9: {  	s26 =	sshll.u32 s11, $0x8;
	s29 =	sshll.u32 s11, $0x6;
	s11 =	smul.u32 $0x4800, s11  }
0xa: {  	s5 =	smul.u32 $0x13C000, s2;
	_ =	strace $0x8000004D;
	s24 =	ssub.s32 $0x2, s2  }
0xb: {  	s31 =	sor.u32 $0x9000, s26;
	p0 =	sne.s32 s2, $0x0;
	s26 =	simm.s32 $0x2F00  }
0xc: {  	s8 =	sshrl.u32 s24, $0x1;
	s25 =	sshrl.u32 s9, $0x2;
	s9 =	sadd.s32 s13, s10  }
0xd: {  	s11 =	sshrl.u32 s11, $0x3;
	s10 =	sadd.s32 s14, s10;
	s5 =	sadd.s32 s6, s5  }
0xe: {  	s16 =	ssub.s32 s24, s8;
	s17 =	sadd.s32 s25, s1;
	s6 =	sor.u32 $0x1C03, s29  }
0xf: {  	s8 =	sadd.s32 s14, s31;
	s12 =	sadd.s32 $0x300, s11;
	s15 =	sadd.s32 $0x600, s11  }
.Ltmp0:
0x10: {  	s24 =	simm.s32 $0x2;
	s25 =	simm.s32 $0x1780;
	(pc) =	sbr.rel .LBB2_1-.Ltmp0, $4  }
0x11: {  	s7 =	sshrl.u32 s5, $0x3;
	s5 =	sadd.s32 $0x17800, s0;
	s11 =	sadd.s32 s13, s12  }
0x12: {  	s12 =	sadd.s32 s14, s12;
	s14 =	sadd.s32 s14, s15;
	s16 =	smax.u32 s16, $0x1  }
0x13: {  	s17 =	sshrl.u32 s17, $0x3;
	s0 =	sadd.s32 s7, s0;
	s7 =	sadd.s32 s13, s31  }
0x14: {  	s13 =	sadd.s32 s13, s15;
	[dreg:$0x3] =	wrdreg s7;
	s15 =	sadd.s32 $0x41800, s0  }
.LBB2_10:
0x15: {  	s0 =	rddreg [dreg:$0x3]  }
0x16: {  	[tilespmem:s3], [sflag:$0x3] =	stream.linear.gather [hbm4b:s0+s3], $0x800, $0x38;
	[tilespmem:$0x1EC00] =	vst v63  }
0x17: {  	_ =	swait.ge [sflag:s18], $0x800  }
0x18: {  	[sflag:s18] =	ssyncset.done $0x0  }
0x19: {  	[sflag:s18] =	ssyncadd.s32 $0xFFFFF800  }
0x1a: {  	[tilespmem:s19], [sflag:$0x3] =	stream.linear.gather [hbm4b:s8+s3], $0x800, $0x38;
	[tilespmem:$0x1EC00] =	vst v63  }
0x1b: {  	_ =	swait.ge [sflag:s18], $0x800  }
0x1c: {  	[sflag:s18] =	ssyncset.done $0x0  }
0x1d: {  	[sflag:s18] =	ssyncadd.s32 $0xFFFFF800  }
0x1e: {  	[bflag:$0x0] =	sbarrier.arrive $0xFFFF  }
0x1f: {  	[tilespmem:s21], [sflag:$0x1] =	stream.indirect.gather [hbm4b:s4+s20], $0x80, s3, s20, $0xb8;
	[tilespmem:$0x1EC00] =	vst v63  }
0x20: {  	_ = 	snop  }
0x21: {  	[tilespmem:s22], [sflag:$0x2] =	stream.indirect.gather [hbm4b:s4+s20], $0x80, s20, s20, $0xb8;
	[tilespmem:$0x1EC00] =	vst v63  }
0x22: {  	_ =	swait.ge [sflag:s23], $0x4000  }
0x23: {  	[sflag:s23] =	ssyncset.done $0x0  }
0x24: {  	[sflag:s23] =	ssyncadd.s32 $0xFFFFC000  }
0x25: {  	[spmem:s1] =	stream.indirect.scatter.add.f32 [tilespmem:s21], [sflag:$0x3], $0x80, s19, s20, $0xb8;
	[tilespmem:$0x1EC00] =	vst v63  }
0x26: {  	_ =	swait.ge [sflag:s18], $0x4000  }
0x27: {  	[sflag:s18] =	ssyncset.done $0x0  }
0x28: {  	s7 =	simm.s32 $0x100;
	[sflag:s18] =	ssyncadd.s32 $0xFFFFC000  }
0x29: {  	[tilespmem:s21], [sflag:$0x1] =	stream.indirect.gather [hbm4b:s4+s20], $0x80, s7, s20, $0xb8;
	[tilespmem:$0x1EC00] =	vst v63  }
0x2a: {  	_ =	swait.ge [sflag:s24], $0x4000  }
0x2b: {  	[sflag:s24] =	ssyncset.done $0x0  }
0x2c: {  	s29 =	simm.s32 $0x1880;
	[sflag:s24] =	ssyncadd.s32 $0xFFFFC000  }
0x2d: {  	[spmem:s1] =	stream.indirect.scatter.add.f32 [tilespmem:s22], [sflag:$0x3], $0x80, s29, s20, $0xb8;
	[tilespmem:$0x1EC00] =	vst v63  }
0x2e: {  	_ =	swait.ge [sflag:s18], $0x4000  }
0x2f: {  	[sflag:s18] =	ssyncset.done $0x0  }
0x30: {  	s2 =	simm.s32 $0x180;
	[sflag:s18] =	ssyncadd.s32 $0xFFFFC000  }
0x31: {  	[tilespmem:s22], [sflag:$0x2] =	stream.indirect.gather [hbm4b:s4+s20], $0x80, s2, s20, $0xb8;
	[tilespmem:$0x1EC00] =	vst v63  }
0x32: {  	_ =	swait.ge [sflag:s23], $0x4000  }
0x33: {  	[sflag:s23] =	ssyncset.done $0x0  }
0x34: {  	s7 =	simm.s32 $0x1900;
	[sflag:s23] =	ssyncadd.s32 $0xFFFFC000  }
0x35: {  	[spmem:s1] =	stream.indirect.scatter.add.f32 [tilespmem:s21], [sflag:$0x3], $0x80, s7, s20, $0xb8;
	[tilespmem:$0x1EC00] =	vst v63  }
0x36: {  	_ =	swait.ge [sflag:s18], $0x4000  }
0x37: {  	[sflag:s18] =	ssyncset.done $0x0  }
0x38: {  	s29 =	simm.s32 $0x200;
	[sflag:s18] =	ssyncadd.s32 $0xFFFFC000  }
0x39: {  	[tilespmem:s21], [sflag:$0x1] =	stream.indirect.gather [hbm4b:s4+s20], $0x80, s29, s20, $0xb8;
	[tilespmem:$0x1EC00] =	vst v63  }
0x3a: {  	_ =	swait.ge [sflag:s24], $0x4000  }
0x3b: {  	[sflag:s24] =	ssyncset.done $0x0  }
0x3c: {  	s2 =	simm.s32 $0x1980;
	[sflag:s24] =	ssyncadd.s32 $0xFFFFC000  }
0x3d: {  	[spmem:s1] =	stream.indirect.scatter.add.f32 [tilespmem:s22], [sflag:$0x3], $0x80, s2, s20, $0xb8;
	[tilespmem:$0x1EC00] =	vst v63  }
0x3e: {  	_ =	swait.ge [sflag:s18], $0x4000  }
0x3f: {  	[sflag:s18] =	ssyncset.done $0x0  }
0x40: {  	s7 =	simm.s32 $0x280;
	[sflag:s18] =	ssyncadd.s32 $0xFFFFC000  }
0x41: {  	[tilespmem:s22], [sflag:$0x2] =	stream.indirect.gather [hbm4b:s4+s20], $0x80, s7, s20, $0xb8;
	[tilespmem:$0x1EC00] =	vst v63  }
0x42: {  	_ =	swait.ge [sflag:s23], $0x4000  }
0x43: {  	[sflag:s23] =	ssyncset.done $0x0  }
0x44: {  	s29 =	simm.s32 $0x1A00;
	[sflag:s23] =	ssyncadd.s32 $0xFFFFC000  }
0x45: {  	[spmem:s1] =	stream.indirect.scatter.add.f32 [tilespmem:s21], [sflag:$0x3], $0x80, s29, s20, $0xb8;
	[tilespmem:$0x1EC00] =	vst v63  }
0x46: {  	_ =	swait.ge [sflag:s18], $0x4000  }
0x47: {  	[sflag:s18] =	ssyncset.done $0x0  }
0x48: {  	s2 =	simm.s32 $0x300;
	[sflag:s18] =	ssyncadd.s32 $0xFFFFC000  }
0x49: {  	[tilespmem:s21], [sflag:$0x1] =	stream.indirect.gather [hbm4b:s4+s20], $0x80, s2, s20, $0xb8;
	[tilespmem:$0x1EC00] =	vst v63  }
0x4a: {  	_ =	swait.ge [sflag:s24], $0x4000  }
0x4b: {  	[sflag:s24] =	ssyncset.done $0x0  }
0x4c: {  	s7 =	simm.s32 $0x1A80;
	[sflag:s24] =	ssyncadd.s32 $0xFFFFC000  }
0x4d: {  	[spmem:s1] =	stream.indirect.scatter.add.f32 [tilespmem:s22], [sflag:$0x3], $0x80, s7, s20, $0xb8;
	[tilespmem:$0x1EC00] =	vst v63  }
0x4e: {  	_ =	swait.ge [sflag:s18], $0x4000  }
0x4f: {  	[sflag:s18] =	ssyncset.done $0x0  }
0x50: {  	s29 =	simm.s32 $0x380;
	[sflag:s18] =	ssyncadd.s32 $0xFFFFC000  }
0x51: {  	[tilespmem:s22], [sflag:$0x2] =	stream.indirect.gather [hbm4b:s4+s20], $0x80, s29, s20, $0xb8;
	[tilespmem:$0x1EC00] =	vst v63  }
0x52: {  	_ =	swait.ge [sflag:s23], $0x4000  }
0x53: {  	[sflag:s23] =	ssyncset.done $0x0  }
0x54: {  	s2 =	simm.s32 $0x1B00;
	[sflag:s23] =	ssyncadd.s32 $0xFFFFC000  }
0x55: {  	[spmem:s1] =	stream.indirect.scatter.add.f32 [tilespmem:s21], [sflag:$0x3], $0x80, s2, s20, $0xb8;
	[tilespmem:$0x1EC00] =	vst v63  }
0x56: {  	_ =	swait.ge [sflag:s18], $0x4000  }
0x57: {  	[sflag:s18] =	ssyncset.done $0x0  }
0x58: {  	s7 =	simm.s32 $0x400;
	[sflag:s18] =	ssyncadd.s32 $0xFFFFC000  }
0x59: {  	[tilespmem:s21], [sflag:$0x1] =	stream.indirect.gather [hbm4b:s4+s20], $0x80, s7, s20, $0xb8;
	[tilespmem:$0x1EC00] =	vst v63  }
0x5a: {  	_ =	swait.ge [sflag:s24], $0x4000  }
0x5b: {  	[sflag:s24] =	ssyncset.done $0x0  }
0x5c: {  	s29 =	simm.s32 $0x1B80;
	[sflag:s24] =	ssyncadd.s32 $0xFFFFC000  }
0x5d: {  	[spmem:s1] =	stream.indirect.scatter.add.f32 [tilespmem:s22], [sflag:$0x3], $0x80, s29, s20, $0xb8;
	[tilespmem:$0x1EC00] =	vst v63  }
0x5e: {  	_ =	swait.ge [sflag:s18], $0x4000  }
0x5f: {  	[sflag:s18] =	ssyncset.done $0x0  }
0x60: {  	s2 =	simm.s32 $0x480;
	[sflag:s18] =	ssyncadd.s32 $0xFFFFC000  }
0x61: {  	[tilespmem:s22], [sflag:$0x2] =	stream.indirect.gather [hbm4b:s4+s20], $0x80, s2, s20, $0xb8;
	[tilespmem:$0x1EC00] =	vst v63  }
0x62: {  	_ =	swait.ge [sflag:s23], $0x4000  }
0x63: {  	[sflag:s23] =	ssyncset.done $0x0  }
0x64: {  	s7 =	simm.s32 $0x1C00;
	[sflag:s23] =	ssyncadd.s32 $0xFFFFC000  }
0x65: {  	[spmem:s1] =	stream.indirect.scatter.add.f32 [tilespmem:s21], [sflag:$0x3], $0x80, s7, s20, $0xb8;
	[tilespmem:$0x1EC00] =	vst v63  }
0x66: {  	_ =	swait.ge [sflag:s18], $0x4000  }
0x67: {  	[sflag:s18] =	ssyncset.done $0x0  }
0x68: {  	s29 =	simm.s32 $0x500;
	[sflag:s18] =	ssyncadd.s32 $0xFFFFC000  }
0x69: {  	[tilespmem:s21], [sflag:$0x1] =	stream.indirect.gather [hbm4b:s4+s20], $0x80, s29, s20, $0xb8;
	[tilespmem:$0x1EC00] =	vst v63  }
0x6a: {  	_ =	swait.ge [sflag:s24], $0x4000  }
0x6b: {  	[sflag:s24] =	ssyncset.done $0x0  }
0x6c: {  	s2 =	simm.s32 $0x1C80;
	[sflag:s24] =	ssyncadd.s32 $0xFFFFC000  }
0x6d: {  	[spmem:s1] =	stream.indirect.scatter.add.f32 [tilespmem:s22], [sflag:$0x3], $0x80, s2, s20, $0xb8;
	[tilespmem:$0x1EC00] =	vst v63  }
0x6e: {  	_ =	swait.ge [sflag:s18], $0x4000  }
0x6f: {  	[sflag:s18] =	ssyncset.done $0x0  }
0x70: {  	s7 =	simm.s32 $0x580;
	[sflag:s18] =	ssyncadd.s32 $0xFFFFC000  }
0x71: {  	[tilespmem:s22], [sflag:$0x2] =	stream.indirect.gather [hbm4b:s4+s20], $0x80, s7, s20, $0xb8;
	[tilespmem:$0x1EC00] =	vst v63  }
0x72: {  	_ =	swait.ge [sflag:s23], $0x4000  }
0x73: {  	[sflag:s23] =	ssyncset.done $0x0  }
0x74: {  	s29 =	simm.s32 $0x1D00;
	[sflag:s23] =	ssyncadd.s32 $0xFFFFC000  }
0x75: {  	[spmem:s1] =	stream.indirect.scatter.add.f32 [tilespmem:s21], [sflag:$0x3], $0x80, s29, s20, $0xb8;
	[tilespmem:$0x1EC00] =	vst v63  }
0x76: {  	_ =	swait.ge [sflag:s18], $0x4000  }
0x77: {  	[sflag:s18] =	ssyncset.done $0x0  }
0x78: {  	s2 =	simm.s32 $0x600;
	[sflag:s18] =	ssyncadd.s32 $0xFFFFC000  }
0x79: {  	[tilespmem:s21], [sflag:$0x1] =	stream.indirect.gather [hbm4b:s4+s20], $0x80, s2, s20, $0xb8;
	[tilespmem:$0x1EC00] =	vst v63  }
0x7a: {  	_ =	swait.ge [sflag:s24], $0x4000  }
0x7b: {  	[sflag:s24] =	ssyncset.done $0x0  }
0x7c: {  	s7 =	simm.s32 $0x1D80;
	[sflag:s24] =	ssyncadd.s32 $0xFFFFC000  }
0x7d: {  	[spmem:s1] =	stream.indirect.scatter.add.f32 [tilespmem:s22], [sflag:$0x3], $0x80, s7, s20, $0xb8;
	[tilespmem:$0x1EC00] =	vst v63  }
0x7e: {  	_ =	swait.ge [sflag:s18], $0x4000  }
0x7f: {  	[sflag:s18] =	ssyncset.done $0x0  }
0x80: {  	s29 =	simm.s32 $0x680;
	[sflag:s18] =	ssyncadd.s32 $0xFFFFC000  }
0x81: {  	[tilespmem:s22], [sflag:$0x2] =	stream.indirect.gather [hbm4b:s4+s20], $0x80, s29, s20, $0xb8;
	[tilespmem:$0x1EC00] =	vst v63  }
0x82: {  	_ =	swait.ge [sflag:s23], $0x4000  }
0x83: {  	[sflag:s23] =	ssyncset.done $0x0  }
0x84: {  	s2 =	simm.s32 $0x1E00;
	[sflag:s23] =	ssyncadd.s32 $0xFFFFC000  }
0x85: {  	[spmem:s1] =	stream.indirect.scatter.add.f32 [tilespmem:s21], [sflag:$0x3], $0x80, s2, s20, $0xb8;
	[tilespmem:$0x1EC00] =	vst v63  }
0x86: {  	_ =	swait.ge [sflag:s18], $0x4000  }
0x87: {  	[sflag:s18] =	ssyncset.done $0x0  }
0x88: {  	s7 =	simm.s32 $0x700;
	[sflag:s18] =	ssyncadd.s32 $0xFFFFC000  }
0x89: {  	[tilespmem:s21], [sflag:$0x1] =	stream.indirect.gather [hbm4b:s4+s20], $0x80, s7, s20, $0xb8;
	[tilespmem:$0x1EC00] =	vst v63  }
0x8a: {  	_ =	swait.ge [sflag:s24], $0x4000  }
0x8b: {  	[sflag:s24] =	ssyncset.done $0x0  }
0x8c: {  	s29 =	simm.s32 $0x1E80;
	[sflag:s24] =	ssyncadd.s32 $0xFFFFC000  }
0x8d: {  	[spmem:s1] =	stream.indirect.scatter.add.f32 [tilespmem:s22], [sflag:$0x3], $0x80, s29, s20, $0xb8;
	[tilespmem:$0x1EC00] =	vst v63  }
0x8e: {  	_ =	swait.ge [sflag:s18], $0x4000  }
0x8f: {  	s31 =	simm.s32 $0x1F80;
	[sflag:s18] =	ssyncset.done $0x0  }
0x90: {  	s0 =	simm.s32 $0x1F00;
	s2 =	simm.s32 $0x780;
	[sflag:s18] =	ssyncadd.s32 $0xFFFFC000  }
.LBB2_11:
0x91: {  	[tilespmem:s22], [sflag:$0x2] =	stream.indirect.gather [hbm4b:s4+s20], $0x80, s2, s20, $0xb8;
	[tilespmem:$0x1EC00] =	vst v63  }
0x92: {  	_ =	swait.ge [sflag:s23], $0x4000  }
0x93: {  	[sflag:s23] =	ssyncset.done $0x0  }
0x94: {  	[sflag:s23] =	ssyncadd.s32 $0xFFFFC000  }
0x95: {  	[spmem:s1] =	stream.indirect.scatter.add.f32 [tilespmem:s21], [sflag:$0x3], $0x80, s0, s20, $0xb8;
	[tilespmem:$0x1EC00] =	vst v63  }
0x96: {  	_ =	swait.ge [sflag:s18], $0x4000  }
0x97: {  	[sflag:s18] =	ssyncset.done $0x0  }
0x98: {  	[sflag:s18] =	ssyncadd.s32 $0xFFFFC000  }
0x99: {  	_ =	swait.ge [sflag:s24], $0x4000  }
0x9a: {  	[sflag:s24] =	ssyncset.done $0x0  }
0x9b: {  	[sflag:s24] =	ssyncadd.s32 $0xFFFFC000  }
0x9c: {  	[spmem:s1] =	stream.indirect.scatter.add.f32 [tilespmem:s22], [sflag:$0x3], $0x80, s31, s20, $0xb8;
	[tilespmem:$0x1EC00] =	vst v63  }
0x9d: {  	_ =	swait.ge [sflag:s18], $0x4000  }
0x9e: {  	s30 =	sadd.s32 $0x1, s30;
	[sflag:s18] =	ssyncset.done $0x0  }
0x9f: {  	p1 =	sne.s32 s30, s16;
	[sflag:s18] =	ssyncadd.s32 $0xFFFFC000  }
.Ltmp1:
0xa0: {  	[bflag:$0x0] =	sbarrier.arrive $0xFFFF;
	(pc) =	sbr.rel @!p1 .LBB2_12-.Ltmp1, $4  }
0xa1: {  	[hbm:s15], [sflag:s6] =	dma.local [spmem:s17], $0x2780  }
0xa2: {  	_ =	swait.ge [sflag:s18], $0x2780  }
0xa3: {  	[sflag:s18] =	ssyncset.done $0x0  }
0xa4: {  	[sflag:s18] =	ssyncadd.s32 $0xFFFFD880  }
.LBB2_1:
.Ltmp2:
0xa5: {  	(pc) =	sbr.rel @p0 .LBB2_10-.Ltmp2, $4  }
0xa6: {  	[spmem:s17], [sflag:s6] =	dma.local [hbm:s5], $0x2780  }
0xa7: {  	_ =	swait.ge [sflag:s18], $0x2780  }
0xa8: {  	[sflag:s18] =	ssyncset.done $0x0  }
0xa9: {  	[sflag:s18] =	ssyncadd.s32 $0xFFFFD880  }
0xaa: {  	[bflag:$0x0] =	sbarrier.arrive $0xFFFF;
	s0 =	simm.s32 $0x0  }
0xab: {  	[tilespmem:s0], [sflag:$0x3] =	stream.linear.gather [hbm4b:s9+s0], $0x1800, $0x38;
	[tilespmem:$0x1EC00] =	vst v63  }
0xac: {  	_ =	swait.ge [sflag:s18], $0x1800  }
0xad: {  	[sflag:s18] =	ssyncset.done $0x0  }
0xae: {  	[sflag:s18] =	ssyncadd.s32 $0xFFFFE800  }
0xaf: {  	[tilespmem:s19], [sflag:$0x3] =	stream.linear.gather [hbm4b:s10+s0], $0x1800, $0x38;
	[tilespmem:$0x1EC00] =	vst v63  }
0xb0: {  	_ =	swait.ge [sflag:s18], $0x1800  }
0xb1: {  	[sflag:s18] =	ssyncset.done $0x0  }
0xb2: {  	[sflag:s18] =	ssyncadd.s32 $0xFFFFE800  }
0xb3: {  	[tilespmem:s21], [sflag:$0x1] =	stream.indirect.gather [hbm4b:s4+s20], $0x80, s0, s20, $0xb8;
	[tilespmem:$0x1EC00] =	vst v63  }
0xb4: {  	s29 =	simm.s32 $0x80  }
0xb5: {  	[tilespmem:s22], [sflag:$0x2] =	stream.indirect.gather [hbm4b:s4+s20], $0x80, s29, s20, $0xb8;
	[tilespmem:$0x1EC00] =	vst v63  }
0xb6: {  	_ =	swait.ge [sflag:s23], $0x4000  }
0xb7: {  	[sflag:s23] =	ssyncset.done $0x0  }
0xb8: {  	s2 =	simm.s32 $0x1800;
	[sflag:s23] =	ssyncadd.s32 $0xFFFFC000  }
0xb9: {  	[spmem:s1] =	stream.indirect.scatter.add.f32 [tilespmem:s21], [sflag:$0x3], $0x80, s2, s20, $0xb8;
	[tilespmem:$0x1EC00] =	vst v63  }
0xba: {  	_ =	swait.ge [sflag:s18], $0x4000  }
0xbb: {  	[sflag:s18] =	ssyncset.done $0x0  }
0xbc: {  	s7 =	simm.s32 $0x100;
	[sflag:s18] =	ssyncadd.s32 $0xFFFFC000  }
0xbd: {  	[tilespmem:s21], [sflag:$0x1] =	stream.indirect.gather [hbm4b:s4+s20], $0x80, s7, s20, $0xb8;
	[tilespmem:$0x1EC00] =	vst v63  }
0xbe: {  	_ =	swait.ge [sflag:s24], $0x4000  }
0xbf: {  	[sflag:s24] =	ssyncset.done $0x0  }
0xc0: {  	s29 =	simm.s32 $0x1880;
	[sflag:s24] =	ssyncadd.s32 $0xFFFFC000  }
0xc1: {  	[spmem:s1] =	stream.indirect.scatter.add.f32 [tilespmem:s22], [sflag:$0x3], $0x80, s29, s20, $0xb8;
	[tilespmem:$0x1EC00] =	vst v63  }
0xc2: {  	_ =	swait.ge [sflag:s18], $0x4000  }
0xc3: {  	s31 =	simm.s32 $0x100;
	s0 =	simm.s32 $0x800;
	[sflag:s18] =	ssyncset.done $0x0  }
.LBB2_3:
0xc4: {  	s2 =	sadd.s32 $0x80, s31  }
0xc5: {  	[sflag:s18] =	ssyncadd.s32 $0xFFFFC000;
	s29 =	smov.u32 s0;
	s7 =	sadd.s32 $0x400, s0  }
0xc6: {  	[tilespmem:s22], [sflag:$0x2] =	stream.indirect.gather [hbm4b:s4+s20], $0x80, s2, s20, $0xb8;
	[tilespmem:$0x1EC00] =	vst v63  }
0xc7: {  	p1 =	sne.s32 s0, $0x5800;
	_ =	swait.ge [sflag:s23], $0x4000  }
0xc8: {  	[sflag:s23] =	ssyncset.done $0x0  }
0xc9: {  	s0 =	sadd.s32 $0x1800, s31;
	[sflag:s23] =	ssyncadd.s32 $0xFFFFC000  }
0xca: {  	[spmem:s1] =	stream.indirect.scatter.add.f32 [tilespmem:s21], [sflag:$0x3], $0x80, s0, s20, $0xb8;
	[tilespmem:$0x1EC00] =	vst v63  }
0xcb: {  	_ =	swait.ge [sflag:s18], $0x4000  }
0xcc: {  	[sflag:s18] =	ssyncset.done $0x0  }
0xcd: {  	s0 =	sadd.s32 $0x100, s31;
	[sflag:s18] =	ssyncadd.s32 $0xFFFFC000  }
0xce: {  	[tilespmem:s21], [sflag:$0x1] =	stream.indirect.gather [hbm4b:s4+s20], $0x80, s0, s20, $0xb8;
	[tilespmem:$0x1EC00] =	vst v63  }
0xcf: {  	_ =	swait.ge [sflag:s24], $0x4000  }
.Ltmp3:
0xd0: {  	[sflag:s24] =	ssyncset.done $0x0;
	(pc) =	sbr.rel @p1 .LBB2_3-.Ltmp3, $4  }
0xd1: {  	s0 =	sadd.s32 $0x1880, s31;
	[sflag:s24] =	ssyncadd.s32 $0xFFFFC000  }
0xd2: {  	[spmem:s1] =	stream.indirect.scatter.add.f32 [tilespmem:s22], [sflag:$0x3], $0x80, s0, s20, $0xb8;
	[tilespmem:$0x1EC00] =	vst v63  }
0xd3: {  	_ =	swait.ge [sflag:s18], $0x4000  }
0xd4: {  	s31 =	sshra.s32 s29, $0x2;
	s0 =	smov.u32 s7;
	[sflag:s18] =	ssyncset.done $0x0  }
0xd5: {  	s0 =	sadd.s32 $0x80, s31;
	[sflag:s18] =	ssyncadd.s32 $0xFFFFC000  }
0xd6: {  	[tilespmem:s22], [sflag:$0x2] =	stream.indirect.gather [hbm4b:s4+s20], $0x80, s0, s20, $0xb8;
	[tilespmem:$0x1EC00] =	vst v63  }
0xd7: {  	_ =	swait.ge [sflag:s23], $0x4000  }
0xd8: {  	[sflag:s23] =	ssyncset.done $0x0  }
0xd9: {  	s7 =	sadd.s32 $0x1800, s31;
	[sflag:s23] =	ssyncadd.s32 $0xFFFFC000  }
0xda: {  	[spmem:s1] =	stream.indirect.scatter.add.f32 [tilespmem:s21], [sflag:$0x3], $0x80, s7, s20, $0xb8;
	[tilespmem:$0x1EC00] =	vst v63  }
0xdb: {  	_ =	swait.ge [sflag:s18], $0x4000  }
0xdc: {  	[sflag:s18] =	ssyncset.done $0x0  }
0xdd: {  	s29 =	sadd.s32 $0x100, s31;
	[sflag:s18] =	ssyncadd.s32 $0xFFFFC000  }
0xde: {  	[tilespmem:s21], [sflag:$0x1] =	stream.indirect.gather [hbm4b:s4+s20], $0x80, s29, s20, $0xb8;
	[tilespmem:$0x1EC00] =	vst v63  }
0xdf: {  	_ =	swait.ge [sflag:s24], $0x4000  }
0xe0: {  	[sflag:s24] =	ssyncset.done $0x0  }
0xe1: {  	s2 =	sadd.s32 $0x1880, s31;
	[sflag:s24] =	ssyncadd.s32 $0xFFFFC000  }
0xe2: {  	[spmem:s1] =	stream.indirect.scatter.add.f32 [tilespmem:s22], [sflag:$0x3], $0x80, s2, s20, $0xb8;
	[tilespmem:$0x1EC00] =	vst v63  }
0xe3: {  	_ =	swait.ge [sflag:s18], $0x4000  }
0xe4: {  	[sflag:s18] =	ssyncset.done $0x0  }
0xe5: {  	[sflag:s18] =	ssyncadd.s32 $0xFFFFC000  }
0xe6: {  	[tilespmem:s22], [sflag:$0x2] =	stream.indirect.gather [hbm4b:s4+s20], $0x80, s25, s20, $0xb8;
	[tilespmem:$0x1EC00] =	vst v63  }
0xe7: {  	_ =	swait.ge [sflag:s23], $0x4000  }
0xe8: {  	[sflag:s23] =	ssyncset.done $0x0  }
0xe9: {  	[sflag:s23] =	ssyncadd.s32 $0xFFFFC000  }
0xea: {  	[spmem:s1] =	stream.indirect.scatter.add.f32 [tilespmem:s21], [sflag:$0x3], $0x80, s26, s20, $0xb8;
	[tilespmem:$0x1EC00] =	vst v63  }
0xeb: {  	_ =	swait.ge [sflag:s18], $0x4000  }
0xec: {  	[sflag:s18] =	ssyncset.done $0x0  }
0xed: {  	[sflag:s18] =	ssyncadd.s32 $0xFFFFC000  }
0xee: {  	_ =	swait.ge [sflag:s24], $0x4000  }
0xef: {  	[sflag:s24] =	ssyncset.done $0x0  }
0xf0: {  	[sflag:s24] =	ssyncadd.s32 $0xFFFFC000  }
0xf1: {  	[spmem:s1] =	stream.indirect.scatter.add.f32 [tilespmem:s22], [sflag:$0x3], $0x80, s28, s20, $0xb8;
	[tilespmem:$0x1EC00] =	vst v63  }
0xf2: {  	_ =	swait.ge [sflag:s18], $0x4000  }
0xf3: {  	[sflag:s18] =	ssyncset.done $0x0  }
0xf4: {  	s7 =	simm.s32 $0x0;
	[sflag:s18] =	ssyncadd.s32 $0xFFFFC000  }
0xf5: {  	[tilespmem:s7], [sflag:$0x3] =	stream.linear.gather [hbm4b:s11+s7], $0x1800, $0x38;
	[tilespmem:$0x1EC00] =	vst v63  }
0xf6: {  	_ =	swait.ge [sflag:s18], $0x1800  }
0xf7: {  	[sflag:s18] =	ssyncset.done $0x0  }
0xf8: {  	[sflag:s18] =	ssyncadd.s32 $0xFFFFE800  }
0xf9: {  	[tilespmem:s19], [sflag:$0x3] =	stream.linear.gather [hbm4b:s12+s7], $0x1800, $0x38;
	[tilespmem:$0x1EC00] =	vst v63  }
0xfa: {  	_ =	swait.ge [sflag:s18], $0x1800  }
0xfb: {  	[sflag:s18] =	ssyncset.done $0x0  }
0xfc: {  	[sflag:s18] =	ssyncadd.s32 $0xFFFFE800  }
0xfd: {  	[tilespmem:s21], [sflag:$0x1] =	stream.indirect.gather [hbm4b:s4+s20], $0x80, s7, s20, $0xb8;
	[tilespmem:$0x1EC00] =	vst v63  }
0xfe: {  	s29 =	simm.s32 $0x80  }
0xff: {  	[tilespmem:s22], [sflag:$0x2] =	stream.indirect.gather [hbm4b:s4+s20], $0x80, s29, s20, $0xb8;
	[tilespmem:$0x1EC00] =	vst v63  }
0x100: {  	_ =	swait.ge [sflag:s23], $0x4000  }
0x101: {  	[sflag:s23] =	ssyncset.done $0x0  }
0x102: {  	s2 =	simm.s32 $0x1800;
	[sflag:s23] =	ssyncadd.s32 $0xFFFFC000  }
0x103: {  	[spmem:s1] =	stream.indirect.scatter.add.f32 [tilespmem:s21], [sflag:$0x3], $0x80, s2, s20, $0xb8;
	[tilespmem:$0x1EC00] =	vst v63  }
0x104: {  	_ =	swait.ge [sflag:s18], $0x4000  }
0x105: {  	[sflag:s18] =	ssyncset.done $0x0  }
0x106: {  	s7 =	simm.s32 $0x100;
	[sflag:s18] =	ssyncadd.s32 $0xFFFFC000  }
0x107: {  	[tilespmem:s21], [sflag:$0x1] =	stream.indirect.gather [hbm4b:s4+s20], $0x80, s7, s20, $0xb8;
	[tilespmem:$0x1EC00] =	vst v63  }
0x108: {  	_ =	swait.ge [sflag:s24], $0x4000  }
0x109: {  	[sflag:s24] =	ssyncset.done $0x0  }
0x10a: {  	s29 =	simm.s32 $0x1880;
	[sflag:s24] =	ssyncadd.s32 $0xFFFFC000  }
0x10b: {  	[spmem:s1] =	stream.indirect.scatter.add.f32 [tilespmem:s22], [sflag:$0x3], $0x80, s29, s20, $0xb8;
	[tilespmem:$0x1EC00] =	vst v63  }
0x10c: {  	_ =	swait.ge [sflag:s18], $0x4000  }
0x10d: {  	s31 =	simm.s32 $0x100;
	s0 =	simm.s32 $0x800;
	[sflag:s18] =	ssyncset.done $0x0  }
.LBB2_5:
0x10e: {  	s2 =	sadd.s32 $0x80, s31  }
0x10f: {  	[sflag:s18] =	ssyncadd.s32 $0xFFFFC000;
	s7 =	smov.u32 s0;
	s29 =	sadd.s32 $0x400, s0  }
0x110: {  	[tilespmem:s22], [sflag:$0x2] =	stream.indirect.gather [hbm4b:s4+s20], $0x80, s2, s20, $0xb8;
	[tilespmem:$0x1EC00] =	vst v63  }
0x111: {  	p1 =	sne.s32 s0, $0x5800;
	_ =	swait.ge [sflag:s23], $0x4000  }
0x112: {  	[sflag:s23] =	ssyncset.done $0x0  }
0x113: {  	s0 =	sadd.s32 $0x1800, s31;
	[sflag:s23] =	ssyncadd.s32 $0xFFFFC000  }
0x114: {  	[spmem:s1] =	stream.indirect.scatter.add.f32 [tilespmem:s21], [sflag:$0x3], $0x80, s0, s20, $0xb8;
	[tilespmem:$0x1EC00] =	vst v63  }
0x115: {  	_ =	swait.ge [sflag:s18], $0x4000  }
0x116: {  	[sflag:s18] =	ssyncset.done $0x0  }
0x117: {  	s0 =	sadd.s32 $0x100, s31;
	[sflag:s18] =	ssyncadd.s32 $0xFFFFC000  }
0x118: {  	[tilespmem:s21], [sflag:$0x1] =	stream.indirect.gather [hbm4b:s4+s20], $0x80, s0, s20, $0xb8;
	[tilespmem:$0x1EC00] =	vst v63  }
0x119: {  	_ =	swait.ge [sflag:s24], $0x4000  }
.Ltmp4:
0x11a: {  	[sflag:s24] =	ssyncset.done $0x0;
	(pc) =	sbr.rel @p1 .LBB2_5-.Ltmp4, $4  }
0x11b: {  	s0 =	sadd.s32 $0x1880, s31;
	[sflag:s24] =	ssyncadd.s32 $0xFFFFC000  }
0x11c: {  	[spmem:s1] =	stream.indirect.scatter.add.f32 [tilespmem:s22], [sflag:$0x3], $0x80, s0, s20, $0xb8;
	[tilespmem:$0x1EC00] =	vst v63  }
0x11d: {  	_ =	swait.ge [sflag:s18], $0x4000  }
0x11e: {  	s31 =	sshra.s32 s7, $0x2;
	s0 =	smov.u32 s29;
	[sflag:s18] =	ssyncset.done $0x0  }
0x11f: {  	s0 =	sadd.s32 $0x80, s31;
	[sflag:s18] =	ssyncadd.s32 $0xFFFFC000  }
0x120: {  	[tilespmem:s22], [sflag:$0x2] =	stream.indirect.gather [hbm4b:s4+s20], $0x80, s0, s20, $0xb8;
	[tilespmem:$0x1EC00] =	vst v63  }
0x121: {  	_ =	swait.ge [sflag:s23], $0x4000  }
0x122: {  	[sflag:s23] =	ssyncset.done $0x0  }
0x123: {  	s29 =	sadd.s32 $0x1800, s31;
	[sflag:s23] =	ssyncadd.s32 $0xFFFFC000  }
0x124: {  	[spmem:s1] =	stream.indirect.scatter.add.f32 [tilespmem:s21], [sflag:$0x3], $0x80, s29, s20, $0xb8;
	[tilespmem:$0x1EC00] =	vst v63  }
0x125: {  	_ =	swait.ge [sflag:s18], $0x4000  }
0x126: {  	[sflag:s18] =	ssyncset.done $0x0  }
0x127: {  	s2 =	sadd.s32 $0x100, s31;
	[sflag:s18] =	ssyncadd.s32 $0xFFFFC000  }
0x128: {  	[tilespmem:s21], [sflag:$0x1] =	stream.indirect.gather [hbm4b:s4+s20], $0x80, s2, s20, $0xb8;
	[tilespmem:$0x1EC00] =	vst v63  }
0x129: {  	_ =	swait.ge [sflag:s24], $0x4000  }
0x12a: {  	[sflag:s24] =	ssyncset.done $0x0  }
0x12b: {  	s7 =	sadd.s32 $0x1880, s31;
	[sflag:s24] =	ssyncadd.s32 $0xFFFFC000  }
0x12c: {  	[spmem:s1] =	stream.indirect.scatter.add.f32 [tilespmem:s22], [sflag:$0x3], $0x80, s7, s20, $0xb8;
	[tilespmem:$0x1EC00] =	vst v63  }
0x12d: {  	_ =	swait.ge [sflag:s18], $0x4000  }
0x12e: {  	[sflag:s18] =	ssyncset.done $0x0  }
0x12f: {  	[sflag:s18] =	ssyncadd.s32 $0xFFFFC000  }
0x130: {  	[tilespmem:s22], [sflag:$0x2] =	stream.indirect.gather [hbm4b:s4+s20], $0x80, s25, s20, $0xb8;
	[tilespmem:$0x1EC00] =	vst v63  }
0x131: {  	_ =	swait.ge [sflag:s23], $0x4000  }
0x132: {  	[sflag:s23] =	ssyncset.done $0x0  }
0x133: {  	[sflag:s23] =	ssyncadd.s32 $0xFFFFC000  }
0x134: {  	[spmem:s1] =	stream.indirect.scatter.add.f32 [tilespmem:s21], [sflag:$0x3], $0x80, s26, s20, $0xb8;
	[tilespmem:$0x1EC00] =	vst v63  }
0x135: {  	_ =	swait.ge [sflag:s18], $0x4000  }
0x136: {  	[sflag:s18] =	ssyncset.done $0x0  }
0x137: {  	[sflag:s18] =	ssyncadd.s32 $0xFFFFC000  }
0x138: {  	_ =	swait.ge [sflag:s24], $0x4000  }
0x139: {  	[sflag:s24] =	ssyncset.done $0x0  }
0x13a: {  	[sflag:s24] =	ssyncadd.s32 $0xFFFFC000  }
0x13b: {  	[spmem:s1] =	stream.indirect.scatter.add.f32 [tilespmem:s22], [sflag:$0x3], $0x80, s28, s20, $0xb8;
	[tilespmem:$0x1EC00] =	vst v63  }
0x13c: {  	_ =	swait.ge [sflag:s18], $0x4000  }
0x13d: {  	[sflag:s18] =	ssyncset.done $0x0  }
0x13e: {  	s29 =	simm.s32 $0x0;
	[sflag:s18] =	ssyncadd.s32 $0xFFFFC000  }
0x13f: {  	[tilespmem:s29], [sflag:$0x3] =	stream.linear.gather [hbm4b:s13+s29], $0x1800, $0x38;
	[tilespmem:$0x1EC00] =	vst v63  }
0x140: {  	_ =	swait.ge [sflag:s18], $0x1800  }
0x141: {  	[sflag:s18] =	ssyncset.done $0x0  }
0x142: {  	p2 =	por $0x0, $0x0;
	[sflag:s18] =	ssyncadd.s32 $0xFFFFE800  }
0x143: {  	[tilespmem:s19], [sflag:$0x3] =	stream.linear.gather [hbm4b:s14+s29], $0x1800, $0x38;
	[tilespmem:$0x1EC00] =	vst v63  }
.Ltmp5:
0x144: {  	_ = 	snop;
	(pc) =	sbr.rel @p2 .LBB2_9-.Ltmp5, $4  }
0x145: {  	_ =	swait.ge [sflag:s18], $0x1800  }
0x146: {  	[sflag:s18] =	ssyncset.done $0x0  }
0x147: {  	s31 =	simm.s32 $0x0;
	p1 =	por $0x0, $0x0;
	[sflag:s18] =	ssyncadd.s32 $0xFFFFE800  }
0x148: {  	[tilespmem:s21], [sflag:$0x1] =	stream.indirect.gather [hbm4b:s4+s20], $0x80, s29, s20, $0xb8;
	[tilespmem:$0x1EC00] =	vst v63  }
0x149: {  	s0 =	simm.s32 $0x80  }
0x14a: {  	[tilespmem:s22], [sflag:$0x2] =	stream.indirect.gather [hbm4b:s4+s20], $0x80, s0, s20, $0xb8;
	[tilespmem:$0x1EC00] =	vst v63  }
0x14b: {  	_ =	swait.ge [sflag:s23], $0x4000  }
0x14c: {  	[sflag:s23] =	ssyncset.done $0x0  }
0x14d: {  	s2 =	simm.s32 $0x1800;
	[sflag:s23] =	ssyncadd.s32 $0xFFFFC000  }
0x14e: {  	[spmem:s1] =	stream.indirect.scatter.add.f32 [tilespmem:s21], [sflag:$0x3], $0x80, s2, s20, $0xb8;
	[tilespmem:$0x1EC00] =	vst v63  }
0x14f: {  	_ =	swait.ge [sflag:s18], $0x4000  }
0x150: {  	[sflag:s18] =	ssyncset.done $0x0  }
0x151: {  	s7 =	simm.s32 $0x100;
	[sflag:s18] =	ssyncadd.s32 $0xFFFFC000  }
0x152: {  	[tilespmem:s21], [sflag:$0x1] =	stream.indirect.gather [hbm4b:s4+s20], $0x80, s7, s20, $0xb8;
	[tilespmem:$0x1EC00] =	vst v63  }
0x153: {  	p2 =	por $0x0, $0x0;
	_ =	swait.ge [sflag:s24], $0x4000  }
.Ltmp6:
0x154: {  	[sflag:s24] =	ssyncset.done $0x0;
	(pc) =	sbr.rel @p2 .LBB2_9-.Ltmp6, $4  }
0x155: {  	s29 =	simm.s32 $0x1880;
	[sflag:s24] =	ssyncadd.s32 $0xFFFFC000  }
0x156: {  	[spmem:s1] =	stream.indirect.scatter.add.f32 [tilespmem:s22], [sflag:$0x3], $0x80, s29, s20, $0xb8;
	[tilespmem:$0x1EC00] =	vst v63  }
0x157: {  	s31 =	simm.s32 $0x100;
	_ =	swait.ge [sflag:s18], $0x4000  }
0x158: {  	p1 =	por $0x1, $0x1;
	s0 =	simm.s32 $0x800;
	[sflag:s18] =	ssyncset.done $0x0  }
.LBB2_8:
0x159: {  	s2 =	sadd.s32 $0x80, s31  }
0x15a: {  	[sflag:s18] =	ssyncadd.s32 $0xFFFFC000;
	s7 =	smov.u32 s0;
	s29 =	sadd.s32 $0x400, s0  }
0x15b: {  	[tilespmem:s22], [sflag:$0x2] =	stream.indirect.gather [hbm4b:s4+s20], $0x80, s2, s20, $0xb8;
	[tilespmem:$0x1EC00] =	vst v63  }
0x15c: {  	p2 =	seq.s32 s0, $0x5800;
	_ =	swait.ge [sflag:s23], $0x4000  }
0x15d: {  	[sflag:s23] =	ssyncset.done $0x0  }
0x15e: {  	s0 =	sadd.s32 $0x1800, s31;
	[sflag:s23] =	ssyncadd.s32 $0xFFFFC000  }
0x15f: {  	[spmem:s1] =	stream.indirect.scatter.add.f32 [tilespmem:s21], [sflag:$0x3], $0x80, s0, s20, $0xb8;
	[tilespmem:$0x1EC00] =	vst v63  }
0x160: {  	_ =	swait.ge [sflag:s18], $0x4000  }
0x161: {  	[sflag:s18] =	ssyncset.done $0x0  }
0x162: {  	s0 =	sadd.s32 $0x100, s31;
	[sflag:s18] =	ssyncadd.s32 $0xFFFFC000  }
0x163: {  	[tilespmem:s21], [sflag:$0x1] =	stream.indirect.gather [hbm4b:s4+s20], $0x80, s0, s20, $0xb8;
	[tilespmem:$0x1EC00] =	vst v63  }
0x164: {  	_ =	swait.ge [sflag:s24], $0x4000  }
.Ltmp7:
0x165: {  	[sflag:s24] =	ssyncset.done $0x0;
	(pc) =	sbr.rel @!p2 .LBB2_8-.Ltmp7, $4  }
0x166: {  	s0 =	sadd.s32 $0x1880, s31;
	[sflag:s24] =	ssyncadd.s32 $0xFFFFC000  }
0x167: {  	[spmem:s1] =	stream.indirect.scatter.add.f32 [tilespmem:s22], [sflag:$0x3], $0x80, s0, s20, $0xb8;
	[tilespmem:$0x1EC00] =	vst v63  }
0x168: {  	_ =	swait.ge [sflag:s18], $0x4000  }
0x169: {  	s31 =	sshra.s32 s7, $0x2;
	s0 =	smov.u32 s29;
	[sflag:s18] =	ssyncset.done $0x0  }
.LBB2_9:
0x16a: {  	s0 =	sadd.s32 $0x80, s31;
	[sflag:s18] =	ssyncadd.s32 @p1 $0xFFFFC000  }
0x16b: {  	[tilespmem:s22], [sflag:$0x2] =	stream.indirect.gather [hbm4b:s4+s20], $0x80, s0, s20, $0xb8;
	[tilespmem:$0x1EC00] =	vst v63  }
0x16c: {  	_ =	swait.ge [sflag:s23], $0x4000  }
0x16d: {  	[sflag:s23] =	ssyncset.done $0x0  }
0x16e: {  	s2 =	sadd.s32 $0x1800, s31;
	[sflag:s23] =	ssyncadd.s32 $0xFFFFC000  }
0x16f: {  	[spmem:s1] =	stream.indirect.scatter.add.f32 [tilespmem:s21], [sflag:$0x3], $0x80, s2, s20, $0xb8;
	[tilespmem:$0x1EC00] =	vst v63  }
0x170: {  	_ =	swait.ge [sflag:s18], $0x4000  }
0x171: {  	[sflag:s18] =	ssyncset.done $0x0  }
0x172: {  	s7 =	sadd.s32 $0x100, s31;
	[sflag:s18] =	ssyncadd.s32 $0xFFFFC000  }
0x173: {  	[tilespmem:s21], [sflag:$0x1] =	stream.indirect.gather [hbm4b:s4+s20], $0x80, s7, s20, $0xb8;
	[tilespmem:$0x1EC00] =	vst v63  }
0x174: {  	_ =	swait.ge [sflag:s24], $0x4000  }
0x175: {  	[sflag:s24] =	ssyncset.done $0x0  }
.Ltmp8:
0x176: {  	s29 =	sadd.s32 $0x1880, s31;
	[sflag:s24] =	ssyncadd.s32 $0xFFFFC000;
	(pc) =	sbr.rel .LBB2_11-.Ltmp8, $4  }
0x177: {  	[spmem:s1] =	stream.indirect.scatter.add.f32 [tilespmem:s22], [sflag:$0x3], $0x80, s29, s20, $0xb8;
	[tilespmem:$0x1EC00] =	vst v63  }
0x178: {  	_ =	swait.ge [sflag:s18], $0x4000  }
0x179: {  	s31 =	simm.s32 $0x2F80;
	[sflag:s18] =	ssyncset.done $0x0  }
0x17a: {  	s0 =	simm.s32 $0x2F00;
	s2 =	simm.s32 $0x1780;
	[sflag:s18] =	ssyncadd.s32 $0xFFFFC000  }
.LBB2_12:
0x17b: {  	_ =	sfence.sel $0x180000  }
0x17c: {  	[bflag:$0x0] =	sbarrier.arrive $0xFFFF  }
0x17d: {  	_ =	strace $0x9000004D  }
0x17e: {  	s0 =	stileid.u32;
	[bflag:$0x2] =	sbarrier.arrive $0xFFFF  }
0x17f: {  	p0 =	sne.s32 s0, $0x0;
	s0 =	rddreg [dreg:$0x2]  }
0x180: {  	s0 =	sadd.s32 @!p0 $0x100000, s0  }
0x181: {  	[sflag:s0] =	ssyncadd.tile.s32 @!p0 $0x1;
	_ =	shalt  }
.Lfunc_end2:
_tile_overlayer_lowered:
.L_overlay_start_2:
0x182: {  	(tag) =	ssettag $0x2  }
0x183: {  	s0 =	rddreg [dreg:$0x0];
	s2 =	stileid.u32  }
0x184: {  	s1 =	rddreg [dreg:$0x1];
	p0 =	sne.s32 s2, $0x0  }
0x185: {  	s3 =	rddreg [dreg:$0x2];
	[bflag:$0x3] =	sbarrier.arrive $0xFFFF;
	s2 =	simm.s32 @!p0 $0x1C03  }
0x186: {  	[timem:s3], [sflag:s2] =	dma.local @!p0 [hbm:s0], s1  }
0x187: {  	s0 =	simm.s32 @!p0 $0x3  }
0x188: {  	_ =	swait.ge @!p0 [sflag:s0], s1  }
0x189: {  	s1 =	ssub.s32 @!p0 $0x0, s1;
	[sflag:s0] =	ssyncset.done @!p0 $0x0  }
0x18a: {  	[sflag:s0] =	ssyncadd.s32 @!p0 s1  }
0x18b: {  	[bflag:$0x3] =	sbarrier.arrive $0xFFFF  }
0x18c: {  	_ =	shalt  }

// kernel: kernel.19.cloned.1.call-start
scs
__scs_entry_jumppad:
0x0: {  	(pc) =	sbr.rel $0x88, $3  }
0x1: {  	(tag) =	ssettag $0x0;
	lr =	simm.s32 $0x1  }
0x2: {  	[smem:$0x3F94] =	sst lr;
	_ =	strace $0xD0000000  }
0x3: {  	_ = 	snop  }
0x4: {  	_ = 	snop  }
0x5: {  	_ = 	snop  }
0x6: {  	_ = 	snop  }
0x7: {  	_ = 	snop  }
__scs_overlays_trampoline_lowered:
0x8: {  	[smem:$0x3FA3] =	sst s0  }
0x9: {  	[smem:$0x3FA4] =	sst s1  }
0xa: {  	[smem:$0x3FA5] =	sst s2  }
0xb: {  	[smem:$0x3FA6] =	sst s3  }
0xc: {  	[smem:$0x3FA7] =	sst s4  }
0xd: {  	[smem:$0x3FA8] =	sst s5  }
0xe: {  	[smem:$0x3FA9] =	sst s6  }
0xf: {  	[smem:$0x3FAA] =	sst s7  }
0x10: {  	[smem:$0x3FAB] =	sst s8  }
0x11: {  	[smem:$0x3FAC] =	sst s9;
	s0 =	simm.s32 @!p0 $0x0  }
0x12: {  	s1 =	sld [smem:$0x3F92];
	s0 =	simm.s32 @p0 $0x1  }
0x13: {  	[smem:$0x3FAD] =	sst s0;
	s0 =	simm.s32 @!p1 $0x0  }
0x14: {  	s2 =	sld [smem:$0x3F91];
	s0 =	simm.s32 @p1 $0x1  }
0x15: {  	[smem:$0x3FAE] =	sst s0;
	s0 =	simm.s32 @!p2 $0x0  }
0x16: {  	s3 =	sld [smem:$0x3FDB];
	s0 =	simm.s32 @p2 $0x1  }
0x17: {  	s4 =	simm.s32 $0x1BF5;
	[smem:$0x3FB0] =	sst s0  }
0x18: {  	s0 =	sld [smem:$0x3F93];
	_ =	swait.ge [sflag:s4], $0x0  }
0x19: {  	s7 =	sld [smem:$0x3F94]  }
0x1a: {  	s8 =	sadd.s32 $0xFFFFE003, lr  }
0x1b: {  	s9 =	sadd.s32 $0xFFFFFEF7, lr;
	s5 =	simm.s32 $0xFFFFFFFF;
	p2 =	slt.u32 s8, $0xFFFFF086  }
0x1c: {  	p1 =	slt.u32 s9, $0xF7A;
	s5 =	simm.s32 @!p2 $0x0  }
0x1d: {  	s5 =	simm.s32 @p1 $0x1;
	p0 =	seq.s32 s7, s2  }
0x1e: {  	s7 =	smul.u32 @!p0 $0xF7A, s2;
	p2 =	seq.s32 @!p0 s5, $0x0  }
0x1f: {  	s9 =	smul.u32 $0xF7A, s1;
	s8 =	simm.s32 @!p0 $0x1BF5;
	p2 =	por !p2, p0  }
0x20: {  	[sflag:s8] =	ssyncset.s32 @!p0 $0xFFFFF086;
	s6 =	sadd.s32 @!p0 s3, s7;
	s7 =	simm.s32 @!p0 $0x108  }
0x21: {  	s3 =	sadd.s32 s3, s9;
	s6 =	sadd.s32 @!p0 $0x88, s6;
	s7 =	simm.s32 @p2 $0x1082  }
0x22: {  	[simem:s7], [sflag:s8] =	dma.local @!p0 [hbm:s6], $0xF7A  }
0x23: {  	s9 =	sor.u32 $0xD0000000, s2;
	s6 =	simm.s32 $0x108;
	_ =	swait.ge @!p0 [sflag:s8], $0x0  }
0x24: {  	s3 =	sadd.s32 $0x88, s3;
	s6 =	simm.s32 @!p1 $0x1082;
	[sflag:s4] =	ssyncset.s32 $0xFFFFF086  }
0x25: {  	[simem:s6], [sflag:s4] =	dma.local [hbm:s3], $0xF7A  }
0x26: {  	[smem:$0x3F94] =	sst s1;
	(tag) =	ssettag s2;
	_ =	strace s9  }
0x27: {  	s1 =	sld [smem:$0x3FA4]  }
0x28: {  	s2 =	sld [smem:$0x3FA5]  }
0x29: {  	s4 =	sld [smem:$0x3FA7]  }
0x2a: {  	p0 =	seq.s32 s5, $0x0;
	s5 =	sld [smem:$0x3FA8]  }
0x2b: {  	s6 =	sld [smem:$0x3FA9]  }
0x2c: {  	s7 =	sld [smem:$0x3FAA]  }
0x2d: {  	s3 =	simm.s32 $0x108;
	s8 =	sld [smem:$0x3FAB]  }
0x2e: {  	s3 =	simm.s32 @!p0 $0x1082;
	s9 =	sld [smem:$0x3FAC]  }
0x2f: {  	lr =	sadd.s32 s0, s3;
	s0 =	sld [smem:$0x3FA3]  }
0x30: {  	s3 =	sld [smem:$0x3FA6]  }
0x31: {  	[smem:$0x3FAF] =	sst s10  }
0x32: {  	s10 =	sld [smem:$0x3FAD];
	_ =	sdelay $0x3  }
0x33: {  	p0 =	seq.s32 s10, $0x1;
	s10 =	sld [smem:$0x3FAF];
	_ =	sdelay $0x3  }
0x34: {  	[smem:$0x3FAF] =	sst s10  }
0x35: {  	s10 =	sld [smem:$0x3FAE];
	_ =	sdelay $0x3  }
0x36: {  	p1 =	seq.s32 s10, $0x1;
	s10 =	sld [smem:$0x3FAF];
	_ =	sdelay $0x3  }
0x37: {  	[smem:$0x3FAF] =	sst s10  }
0x38: {  	s10 =	sld [smem:$0x3FB0]  }
0x39: {  	_ = 	snop;
	(pc) =	sbr.ind lr, $3  }
0x3a: {  	_ = 	snop  }
0x3b: {  	_ = 	snop  }
0x3c: {  	p2 =	seq.s32 s10, $0x1;
	s10 =	sld [smem:$0x3FAF]  }
0x3d: {  	_ =	shalt  }
0x3e: {  	_ =	shalt  }
0x3f: {  	_ =	shalt  }
0x40: {  	_ =	shalt  }
0x41: {  	_ =	shalt  }
0x42: {  	_ =	shalt  }
0x43: {  	_ =	shalt  }
0x44: {  	_ =	shalt  }
0x45: {  	_ =	shalt  }
0x46: {  	_ =	shalt  }
0x47: {  	_ =	shalt  }
0x48: {  	_ =	shalt  }
0x49: {  	_ =	shalt  }
0x4a: {  	_ =	shalt  }
0x4b: {  	_ =	shalt  }
0x4c: {  	_ =	shalt  }
0x4d: {  	_ =	shalt  }
0x4e: {  	_ =	shalt  }
0x4f: {  	_ =	shalt  }
0x50: {  	_ =	shalt  }
0x51: {  	_ =	shalt  }
0x52: {  	_ =	shalt  }
0x53: {  	_ =	shalt  }
0x54: {  	_ =	shalt  }
0x55: {  	_ =	shalt  }
0x56: {  	_ =	shalt  }
0x57: {  	_ =	shalt  }
0x58: {  	_ =	shalt  }
0x59: {  	_ =	shalt  }
0x5a: {  	_ =	shalt  }
0x5b: {  	_ =	shalt  }
0x5c: {  	_ =	shalt  }
0x5d: {  	_ =	shalt  }
0x5e: {  	_ =	shalt  }
0x5f: {  	_ =	shalt  }
0x60: {  	_ =	shalt  }
0x61: {  	_ =	shalt  }
0x62: {  	_ =	shalt  }
0x63: {  	_ =	shalt  }
0x64: {  	_ =	shalt  }
0x65: {  	_ =	shalt  }
0x66: {  	_ =	shalt  }
0x67: {  	_ =	shalt  }
0x68: {  	_ =	shalt  }
0x69: {  	_ =	shalt  }
0x6a: {  	_ =	shalt  }
0x6b: {  	_ =	shalt  }
0x6c: {  	_ =	shalt  }
0x6d: {  	_ =	shalt  }
0x6e: {  	_ =	shalt  }
0x6f: {  	_ =	shalt  }
0x70: {  	_ =	shalt  }
0x71: {  	_ =	shalt  }
0x72: {  	_ =	shalt  }
0x73: {  	_ =	shalt  }
0x74: {  	_ =	shalt  }
0x75: {  	_ =	shalt  }
0x76: {  	_ =	shalt  }
0x77: {  	_ =	shalt  }
0x78: {  	_ =	shalt  }
0x79: {  	_ =	shalt  }
0x7a: {  	_ =	shalt  }
0x7b: {  	_ =	shalt  }
0x7c: {  	_ =	shalt  }
0x7d: {  	_ =	shalt  }
0x7e: {  	_ =	shalt  }
0x7f: {  	_ =	shalt  }
0x80: {  	_ =	shalt  }
0x81: {  	_ =	shalt  }
0x82: {  	_ =	shalt  }
0x83: {  	_ =	shalt  }
0x84: {  	_ =	shalt  }
0x85: {  	_ =	shalt  }
0x86: {  	_ =	shalt  }
0x87: {  	_ =	shalt  }
.Lfunc_end0:
.L_simem_size_0:
called_computation.3_lowered:
.L_overlay_start_0:
0x88: {  	s2 =	sld [smem:$0x3FD9]  }
0x89: {  	s3 =	sld [smem:$0x3FFE];
	_ =	sdelay $0x1  }
0x8a: {  	s1 =	srdreg.scid  }
0x8b: {  	s0 =	sand.u32 $0x1, s1  }
0x8c: {  	s16 =	sshll.u32 s0, $0xA;
	s2 =	sadd.s32 s3, s2  }
0x8d: {  	s2 =	sadd.s32 s2, s16  }
0x8e: {  	[smem:$0x3FBB] =	sst s2  }
0x8f: {  	_ = 	snop  }
0x90: {  	(tm) =	ssettm $0x1  }
0x91: {  	s17 =	sld [smem:$0x3FFB];
	_ =	sdelay $0x3  }
0x92: {  	_ =	strace s17  }
0x93: {  	s2 =	sld [smem:$0x3FFC];
	_ =	sdelay $0x3  }
0x94: {  	_ =	strace s2  }
0x95: {  	s2 =	sld [smem:$0x3FFD];
	_ =	sdelay $0x3  }
0x96: {  	_ =	strace s2  }
0x97: {  	_ =	strace $0x8FFFFFFF  }
0x98: {  	s18 =	sld [smem:$0x3FDB];
	_ =	sdelay $0x1  }
0x99: {  	s19 =	simm.s32 $_scs_section_size  }
0x9a: {  	s4 =	simm.s32 $_size__tile_overlayer_lowered;
	s5 =	simm.s32 $_tile_overlayer_lowered  }
0x9b: {  	s22 =	simm.s32 $0x1BFF;
	s21 =	sshll.u32 s5, $0x1;
	s2 =	sadd.s32 s19, s18  }
0x9c: {  	s6 =	simm.s32 $0x0;
	s20 =	sshll.u32 s4, $0x1;
	s4 =	sadd.s32 s21, s2  }
0x9d: {  	[timem:s6], [sflag:s22] =	dma.local [hbm:s4], s20  }
0x9e: {  	_ =	swait.ge [sflag:s22], s20  }
0x9f: {  	s3 =	ssub.s32 $0x0, s20;
	[sflag:s22] =	ssyncset.done $0x0  }
0xa0: {  	[sflag:s22] =	ssyncadd.s32 s3;
	_ =	sdelay $0x1  }
0xa1: {  	s23 =	simm.s32 $0x1B8B  }
0xa2: {  	_ =	swait.ge [sflag:s23], $0x1  }
0xa3: {  	[sflag:s23] =	ssyncset.done $0x0  }
0xa4: {  	s25 =	simm.s32 $0x1B8E;
	s24 =	sld [smem:$0x3FFE];
	[sflag:s23] =	ssyncadd.s32 $0xFFFFFFFF  }
0xa5: {  	s26 =	simm.s32 $execute0_lowered;
	[smem:$0x3FD2] =	sst s25  }
0xa6: {  	s4 =	sshll.u32 s26, $0x1;
	_ =	strace $0x8000004F;
	[dreg:$0x1] =	wrdreg $0xFFFFFFFF  }
0xa7: {  	s28 =	simm.s32 $_size_execute0_lowered;
	s2 =	sadd.s32 s2, s4;
	[dreg:$0x0] =	wrdreg $0x0  }
0xa8: {  	s4 =	sshll.u32 s28, $0x1;
	[dreg:$0x2] =	wrdreg s2  }
0xa9: {  	[dreg:$0x3] =	wrdreg s4  }
0xaa: {  	[dreg:$0x4] =	wrdreg $0xC0  }
0xab: {  	_ =	task [dreg:s6], $0x5FFFF  }
0xac: {  	[dreg:$0x1] =	wrdreg $0xFFFFFFFF  }
0xad: {  	[dreg:$0x0] =	wrdreg $0x60  }
0xae: {  	[dreg:$0x2] =	wrdreg s24  }
0xaf: {  	[dreg:$0x3] =	wrdreg $0xB0000  }
0xb0: {  	[dreg:$0x4] =	wrdreg $0x9  }
0xb1: {  	_ =	task.clear_ibuf [dreg:s6], $0x5FFFF;
	_ =	strace $0x9000004F  }
0xb2: {  	s29 =	simm.s32 $0x9;
	_ =	strace $0x80000051  }
0xb3: {  	_ =	swait.ge [sflag:s29], $0x1  }
0xb4: {  	[sflag:s29] =	ssyncadd.s32 $0xFFFFFFFF  }
0xb5: {  	_ =	strace $0x90000051  }
0xb6: {  	_ =	sfence  }
0xb7: {  	s30 =	sld [smem:$0x0];
	_ =	sdelay $0x2  }
0xb8: {  	s31 =	sshll.u32 s1, $0xD;
	s1 =	sshrl.u32 s1, $0x2  }
0xb9: {  	s3 =	sand.u32 $0x4000, s31;
	s1 =	sadd.s32 s1, s30  }
0xba: {  	s0 =	sor.u32 s3, s0;
	s1 =	sshll.u32 s1, $0x11  }
0xbb: {  	s0 =	sor.u32 s1, s0  }
0xbc: {  	s0 =	sadd.s32 $0x8F2B, s0  }
0xbd: {  	[sflag:s0] =	ssyncadd.remote.s32 $0x1  }
0xbe: {  	_ =	sfence.sel $0xFFFF  }
0xbf: {  	[dreg:$0x0] =	wrdreg $0xFFFFFFFF;
	(pc) =	sbr.abs _section_cstart, $3  }
0xc0: {  	[dreg:$0x1] =	wrdreg $0xFFFFFFFF  }
0xc1: {  	_ =	task.clear_ibuf [dreg:s6], $0x2FFFF;
	_ =	strace $0x9FFFFFFF  }
0xc2: {  	(tm) =	ssettm $0x7FFFFFFF  }
0xc3: {  	_ =	shalt  }
tec
execute0_lowered:
.L_overlay_start_1:
0x0: {  	(tag) =	ssettag $0x1  }
0x1: {  	s0 =	rddreg [dreg:$0x0]  }
0x2: {  	s1 =	rddreg [dreg:$0x1];
	s2 =	srdreg.scid  }
0x3: {  	s3 =	simm.s32 $0x0;
	s11 =	stileid.u32;
	s18 =	simm.s32 $0x3  }
0x4: {  	s19 =	simm.s32 $0x1800;
	s20 =	simm.s32 $0x80;
	s21 =	simm.s32 $0x3000  }
0x5: {  	s22 =	simm.s32 $0x7000;
	s23 =	simm.s32 $0x1;
	s28 =	simm.s32 $0x2F80  }
0x6: {  	s30 =	simm.s32 $0x0;
	s2 =	sand.u32 $0x1, s2;
	s6 =	smul.u32 $0x13C00, s11  }
0x7: {  	[smem:$0x7FF] =	sst s3;
	s4 =	sadd.s32 $0x1A000, s0;
	s9 =	smul.u32 $0x4F000, s11  }
0x8: {  	s13 =	sadd.s32 $0x3800, s0;
	s14 =	sadd.s32 $0xD800, s0;
	s10 =	smul.u32 $0x900, s11  }
0x9: {  	s26 =	sshll.u32 s11, $0x8;
	s29 =	sshll.u32 s11, $0x6;
	s11 =	smul.u32 $0x4800, s11  }
0xa: {  	s5 =	smul.u32 $0x13C000, s2;
	_ =	strace $0x80000050;
	s24 =	ssub.s32 $0x2, s2  }
0xb: {  	s31 =	sor.u32 $0x9000, s26;
	p0 =	sne.s32 s2, $0x0;
	s26 =	simm.s32 $0x2F00  }
0xc: {  	s8 =	sshrl.u32 s24, $0x1;
	s25 =	sshrl.u32 s9, $0x2;
	s9 =	sadd.s32 s13, s10  }
0xd: {  	s11 =	sshrl.u32 s11, $0x3;
	s10 =	sadd.s32 s14, s10;
	s5 =	sadd.s32 s6, s5  }
0xe: {  	s16 =	ssub.s32 s24, s8;
	s17 =	sadd.s32 s25, s1;
	s6 =	sor.u32 $0x1C03, s29  }
0xf: {  	s8 =	sadd.s32 s14, s31;
	s12 =	sadd.s32 $0x300, s11;
	s15 =	sadd.s32 $0x600, s11  }
.Ltmp0:
0x10: {  	s24 =	simm.s32 $0x2;
	s25 =	simm.s32 $0x1780;
	(pc) =	sbr.rel .LBB2_1-.Ltmp0, $4  }
0x11: {  	s7 =	sshrl.u32 s5, $0x3;
	s5 =	sadd.s32 $0x17800, s0;
	s11 =	sadd.s32 s13, s12  }
0x12: {  	s12 =	sadd.s32 s14, s12;
	s14 =	sadd.s32 s14, s15;
	s16 =	smax.u32 s16, $0x1  }
0x13: {  	s17 =	sshrl.u32 s17, $0x3;
	s0 =	sadd.s32 s7, s0;
	s7 =	sadd.s32 s13, s31  }
0x14: {  	s13 =	sadd.s32 s13, s15;
	[dreg:$0x3] =	wrdreg s7;
	s15 =	sadd.s32 $0x41800, s0  }
.LBB2_10:
0x15: {  	s0 =	rddreg [dreg:$0x3]  }
0x16: {  	[tilespmem:s3], [sflag:$0x3] =	stream.linear.gather [hbm4b:s0+s3], $0x800, $0x38;
	[tilespmem:$0x1EC00] =	vst v63  }
0x17: {  	_ =	swait.ge [sflag:s18], $0x800  }
0x18: {  	[sflag:s18] =	ssyncset.done $0x0  }
0x19: {  	[sflag:s18] =	ssyncadd.s32 $0xFFFFF800  }
0x1a: {  	[tilespmem:s19], [sflag:$0x3] =	stream.linear.gather [hbm4b:s8+s3], $0x800, $0x38;
	[tilespmem:$0x1EC00] =	vst v63  }
0x1b: {  	_ =	swait.ge [sflag:s18], $0x800  }
0x1c: {  	[sflag:s18] =	ssyncset.done $0x0  }
0x1d: {  	[sflag:s18] =	ssyncadd.s32 $0xFFFFF800  }
0x1e: {  	[bflag:$0x0] =	sbarrier.arrive $0xFFFF  }
0x1f: {  	[tilespmem:s21], [sflag:$0x1] =	stream.indirect.gather [hbm4b:s4+s20], $0x80, s3, s20, $0xb8;
	[tilespmem:$0x1EC00] =	vst v63  }
0x20: {  	_ = 	snop  }
0x21: {  	[tilespmem:s22], [sflag:$0x2] =	stream.indirect.gather [hbm4b:s4+s20], $0x80, s20, s20, $0xb8;
	[tilespmem:$0x1EC00] =	vst v63  }
0x22: {  	_ =	swait.ge [sflag:s23], $0x4000  }
0x23: {  	[sflag:s23] =	ssyncset.done $0x0  }
0x24: {  	[sflag:s23] =	ssyncadd.s32 $0xFFFFC000  }
0x25: {  	[spmem:s1] =	stream.indirect.scatter.add.f32 [tilespmem:s21], [sflag:$0x3], $0x80, s19, s20, $0xb8;
	[tilespmem:$0x1EC00] =	vst v63  }
0x26: {  	_ =	swait.ge [sflag:s18], $0x4000  }
0x27: {  	[sflag:s18] =	ssyncset.done $0x0  }
0x28: {  	s7 =	simm.s32 $0x100;
	[sflag:s18] =	ssyncadd.s32 $0xFFFFC000  }
0x29: {  	[tilespmem:s21], [sflag:$0x1] =	stream.indirect.gather [hbm4b:s4+s20], $0x80, s7, s20, $0xb8;
	[tilespmem:$0x1EC00] =	vst v63  }
0x2a: {  	_ =	swait.ge [sflag:s24], $0x4000  }
0x2b: {  	[sflag:s24] =	ssyncset.done $0x0  }
0x2c: {  	s29 =	simm.s32 $0x1880;
	[sflag:s24] =	ssyncadd.s32 $0xFFFFC000  }
0x2d: {  	[spmem:s1] =	stream.indirect.scatter.add.f32 [tilespmem:s22], [sflag:$0x3], $0x80, s29, s20, $0xb8;
	[tilespmem:$0x1EC00] =	vst v63  }
0x2e: {  	_ =	swait.ge [sflag:s18], $0x4000  }
0x2f: {  	[sflag:s18] =	ssyncset.done $0x0  }
0x30: {  	s2 =	simm.s32 $0x180;
	[sflag:s18] =	ssyncadd.s32 $0xFFFFC000  }
0x31: {  	[tilespmem:s22], [sflag:$0x2] =	stream.indirect.gather [hbm4b:s4+s20], $0x80, s2, s20, $0xb8;
	[tilespmem:$0x1EC00] =	vst v63  }
0x32: {  	_ =	swait.ge [sflag:s23], $0x4000  }
0x33: {  	[sflag:s23] =	ssyncset.done $0x0  }
0x34: {  	s7 =	simm.s32 $0x1900;
	[sflag:s23] =	ssyncadd.s32 $0xFFFFC000  }
0x35: {  	[spmem:s1] =	stream.indirect.scatter.add.f32 [tilespmem:s21], [sflag:$0x3], $0x80, s7, s20, $0xb8;
	[tilespmem:$0x1EC00] =	vst v63  }
0x36: {  	_ =	swait.ge [sflag:s18], $0x4000  }
0x37: {  	[sflag:s18] =	ssyncset.done $0x0  }
0x38: {  	s29 =	simm.s32 $0x200;
	[sflag:s18] =	ssyncadd.s32 $0xFFFFC000  }
0x39: {  	[tilespmem:s21], [sflag:$0x1] =	stream.indirect.gather [hbm4b:s4+s20], $0x80, s29, s20, $0xb8;
	[tilespmem:$0x1EC00] =	vst v63  }
0x3a: {  	_ =	swait.ge [sflag:s24], $0x4000  }
0x3b: {  	[sflag:s24] =	ssyncset.done $0x0  }
0x3c: {  	s2 =	simm.s32 $0x1980;
	[sflag:s24] =	ssyncadd.s32 $0xFFFFC000  }
0x3d: {  	[spmem:s1] =	stream.indirect.scatter.add.f32 [tilespmem:s22], [sflag:$0x3], $0x80, s2, s20, $0xb8;
	[tilespmem:$0x1EC00] =	vst v63  }
0x3e: {  	_ =	swait.ge [sflag:s18], $0x4000  }
0x3f: {  	[sflag:s18] =	ssyncset.done $0x0  }
0x40: {  	s7 =	simm.s32 $0x280;
	[sflag:s18] =	ssyncadd.s32 $0xFFFFC000  }
0x41: {  	[tilespmem:s22], [sflag:$0x2] =	stream.indirect.gather [hbm4b:s4+s20], $0x80, s7, s20, $0xb8;
	[tilespmem:$0x1EC00] =	vst v63  }
0x42: {  	_ =	swait.ge [sflag:s23], $0x4000  }
0x43: {  	[sflag:s23] =	ssyncset.done $0x0  }
0x44: {  	s29 =	simm.s32 $0x1A00;
	[sflag:s23] =	ssyncadd.s32 $0xFFFFC000  }
0x45: {  	[spmem:s1] =	stream.indirect.scatter.add.f32 [tilespmem:s21], [sflag:$0x3], $0x80, s29, s20, $0xb8;
	[tilespmem:$0x1EC00] =	vst v63  }
0x46: {  	_ =	swait.ge [sflag:s18], $0x4000  }
0x47: {  	[sflag:s18] =	ssyncset.done $0x0  }
0x48: {  	s2 =	simm.s32 $0x300;
	[sflag:s18] =	ssyncadd.s32 $0xFFFFC000  }
0x49: {  	[tilespmem:s21], [sflag:$0x1] =	stream.indirect.gather [hbm4b:s4+s20], $0x80, s2, s20, $0xb8;
	[tilespmem:$0x1EC00] =	vst v63  }
0x4a: {  	_ =	swait.ge [sflag:s24], $0x4000  }
0x4b: {  	[sflag:s24] =	ssyncset.done $0x0  }
0x4c: {  	s7 =	simm.s32 $0x1A80;
	[sflag:s24] =	ssyncadd.s32 $0xFFFFC000  }
0x4d: {  	[spmem:s1] =	stream.indirect.scatter.add.f32 [tilespmem:s22], [sflag:$0x3], $0x80, s7, s20, $0xb8;
	[tilespmem:$0x1EC00] =	vst v63  }
0x4e: {  	_ =	swait.ge [sflag:s18], $0x4000  }
0x4f: {  	[sflag:s18] =	ssyncset.done $0x0  }
0x50: {  	s29 =	simm.s32 $0x380;
	[sflag:s18] =	ssyncadd.s32 $0xFFFFC000  }
0x51: {  	[tilespmem:s22], [sflag:$0x2] =	stream.indirect.gather [hbm4b:s4+s20], $0x80, s29, s20, $0xb8;
	[tilespmem:$0x1EC00] =	vst v63  }
0x52: {  	_ =	swait.ge [sflag:s23], $0x4000  }
0x53: {  	[sflag:s23] =	ssyncset.done $0x0  }
0x54: {  	s2 =	simm.s32 $0x1B00;
	[sflag:s23] =	ssyncadd.s32 $0xFFFFC000  }
0x55: {  	[spmem:s1] =	stream.indirect.scatter.add.f32 [tilespmem:s21], [sflag:$0x3], $0x80, s2, s20, $0xb8;
	[tilespmem:$0x1EC00] =	vst v63  }
0x56: {  	_ =	swait.ge [sflag:s18], $0x4000  }
0x57: {  	[sflag:s18] =	ssyncset.done $0x0  }
0x58: {  	s7 =	simm.s32 $0x400;
	[sflag:s18] =	ssyncadd.s32 $0xFFFFC000  }
0x59: {  	[tilespmem:s21], [sflag:$0x1] =	stream.indirect.gather [hbm4b:s4+s20], $0x80, s7, s20, $0xb8;
	[tilespmem:$0x1EC00] =	vst v63  }
0x5a: {  	_ =	swait.ge [sflag:s24], $0x4000  }
0x5b: {  	[sflag:s24] =	ssyncset.done $0x0  }
0x5c: {  	s29 =	simm.s32 $0x1B80;
	[sflag:s24] =	ssyncadd.s32 $0xFFFFC000  }
0x5d: {  	[spmem:s1] =	stream.indirect.scatter.add.f32 [tilespmem:s22], [sflag:$0x3], $0x80, s29, s20, $0xb8;
	[tilespmem:$0x1EC00] =	vst v63  }
0x5e: {  	_ =	swait.ge [sflag:s18], $0x4000  }
0x5f: {  	[sflag:s18] =	ssyncset.done $0x0  }
0x60: {  	s2 =	simm.s32 $0x480;
	[sflag:s18] =	ssyncadd.s32 $0xFFFFC000  }
0x61: {  	[tilespmem:s22], [sflag:$0x2] =	stream.indirect.gather [hbm4b:s4+s20], $0x80, s2, s20, $0xb8;
	[tilespmem:$0x1EC00] =	vst v63  }
0x62: {  	_ =	swait.ge [sflag:s23], $0x4000  }
0x63: {  	[sflag:s23] =	ssyncset.done $0x0  }
0x64: {  	s7 =	simm.s32 $0x1C00;
	[sflag:s23] =	ssyncadd.s32 $0xFFFFC000  }
0x65: {  	[spmem:s1] =	stream.indirect.scatter.add.f32 [tilespmem:s21], [sflag:$0x3], $0x80, s7, s20, $0xb8;
	[tilespmem:$0x1EC00] =	vst v63  }
0x66: {  	_ =	swait.ge [sflag:s18], $0x4000  }
0x67: {  	[sflag:s18] =	ssyncset.done $0x0  }
0x68: {  	s29 =	simm.s32 $0x500;
	[sflag:s18] =	ssyncadd.s32 $0xFFFFC000  }
0x69: {  	[tilespmem:s21], [sflag:$0x1] =	stream.indirect.gather [hbm4b:s4+s20], $0x80, s29, s20, $0xb8;
	[tilespmem:$0x1EC00] =	vst v63  }
0x6a: {  	_ =	swait.ge [sflag:s24], $0x4000  }
0x6b: {  	[sflag:s24] =	ssyncset.done $0x0  }
0x6c: {  	s2 =	simm.s32 $0x1C80;
	[sflag:s24] =	ssyncadd.s32 $0xFFFFC000  }
0x6d: {  	[spmem:s1] =	stream.indirect.scatter.add.f32 [tilespmem:s22], [sflag:$0x3], $0x80, s2, s20, $0xb8;
	[tilespmem:$0x1EC00] =	vst v63  }
0x6e: {  	_ =	swait.ge [sflag:s18], $0x4000  }
0x6f: {  	[sflag:s18] =	ssyncset.done $0x0  }
0x70: {  	s7 =	simm.s32 $0x580;
	[sflag:s18] =	ssyncadd.s32 $0xFFFFC000  }
0x71: {  	[tilespmem:s22], [sflag:$0x2] =	stream.indirect.gather [hbm4b:s4+s20], $0x80, s7, s20, $0xb8;
	[tilespmem:$0x1EC00] =	vst v63  }
0x72: {  	_ =	swait.ge [sflag:s23], $0x4000  }
0x73: {  	[sflag:s23] =	ssyncset.done $0x0  }
0x74: {  	s29 =	simm.s32 $0x1D00;
	[sflag:s23] =	ssyncadd.s32 $0xFFFFC000  }
0x75: {  	[spmem:s1] =	stream.indirect.scatter.add.f32 [tilespmem:s21], [sflag:$0x3], $0x80, s29, s20, $0xb8;
	[tilespmem:$0x1EC00] =	vst v63  }
0x76: {  	_ =	swait.ge [sflag:s18], $0x4000  }
0x77: {  	[sflag:s18] =	ssyncset.done $0x0  }
0x78: {  	s2 =	simm.s32 $0x600;
	[sflag:s18] =	ssyncadd.s32 $0xFFFFC000  }
0x79: {  	[tilespmem:s21], [sflag:$0x1] =	stream.indirect.gather [hbm4b:s4+s20], $0x80, s2, s20, $0xb8;
	[tilespmem:$0x1EC00] =	vst v63  }
0x7a: {  	_ =	swait.ge [sflag:s24], $0x4000  }
0x7b: {  	[sflag:s24] =	ssyncset.done $0x0  }
0x7c: {  	s7 =	simm.s32 $0x1D80;
	[sflag:s24] =	ssyncadd.s32 $0xFFFFC000  }
0x7d: {  	[spmem:s1] =	stream.indirect.scatter.add.f32 [tilespmem:s22], [sflag:$0x3], $0x80, s7, s20, $0xb8;
	[tilespmem:$0x1EC00] =	vst v63  }
0x7e: {  	_ =	swait.ge [sflag:s18], $0x4000  }
0x7f: {  	[sflag:s18] =	ssyncset.done $0x0  }
0x80: {  	s29 =	simm.s32 $0x680;
	[sflag:s18] =	ssyncadd.s32 $0xFFFFC000  }
0x81: {  	[tilespmem:s22], [sflag:$0x2] =	stream.indirect.gather [hbm4b:s4+s20], $0x80, s29, s20, $0xb8;
	[tilespmem:$0x1EC00] =	vst v63  }
0x82: {  	_ =	swait.ge [sflag:s23], $0x4000  }
0x83: {  	[sflag:s23] =	ssyncset.done $0x0  }
0x84: {  	s2 =	simm.s32 $0x1E00;
	[sflag:s23] =	ssyncadd.s32 $0xFFFFC000  }
0x85: {  	[spmem:s1] =	stream.indirect.scatter.add.f32 [tilespmem:s21], [sflag:$0x3], $0x80, s2, s20, $0xb8;
	[tilespmem:$0x1EC00] =	vst v63  }
0x86: {  	_ =	swait.ge [sflag:s18], $0x4000  }
0x87: {  	[sflag:s18] =	ssyncset.done $0x0  }
0x88: {  	s7 =	simm.s32 $0x700;
	[sflag:s18] =	ssyncadd.s32 $0xFFFFC000  }
0x89: {  	[tilespmem:s21], [sflag:$0x1] =	stream.indirect.gather [hbm4b:s4+s20], $0x80, s7, s20, $0xb8;
	[tilespmem:$0x1EC00] =	vst v63  }
0x8a: {  	_ =	swait.ge [sflag:s24], $0x4000  }
0x8b: {  	[sflag:s24] =	ssyncset.done $0x0  }
0x8c: {  	s29 =	simm.s32 $0x1E80;
	[sflag:s24] =	ssyncadd.s32 $0xFFFFC000  }
0x8d: {  	[spmem:s1] =	stream.indirect.scatter.add.f32 [tilespmem:s22], [sflag:$0x3], $0x80, s29, s20, $0xb8;
	[tilespmem:$0x1EC00] =	vst v63  }
0x8e: {  	_ =	swait.ge [sflag:s18], $0x4000  }
0x8f: {  	s31 =	simm.s32 $0x1F80;
	[sflag:s18] =	ssyncset.done $0x0  }
0x90: {  	s0 =	simm.s32 $0x1F00;
	s2 =	simm.s32 $0x780;
	[sflag:s18] =	ssyncadd.s32 $0xFFFFC000  }
.LBB2_11:
0x91: {  	[tilespmem:s22], [sflag:$0x2] =	stream.indirect.gather [hbm4b:s4+s20], $0x80, s2, s20, $0xb8;
	[tilespmem:$0x1EC00] =	vst v63  }
0x92: {  	_ =	swait.ge [sflag:s23], $0x4000  }
0x93: {  	[sflag:s23] =	ssyncset.done $0x0  }
0x94: {  	[sflag:s23] =	ssyncadd.s32 $0xFFFFC000  }
0x95: {  	[spmem:s1] =	stream.indirect.scatter.add.f32 [tilespmem:s21], [sflag:$0x3], $0x80, s0, s20, $0xb8;
	[tilespmem:$0x1EC00] =	vst v63  }
0x96: {  	_ =	swait.ge [sflag:s18], $0x4000  }
0x97: {  	[sflag:s18] =	ssyncset.done $0x0  }
0x98: {  	[sflag:s18] =	ssyncadd.s32 $0xFFFFC000  }
0x99: {  	_ =	swait.ge [sflag:s24], $0x4000  }
0x9a: {  	[sflag:s24] =	ssyncset.done $0x0  }
0x9b: {  	[sflag:s24] =	ssyncadd.s32 $0xFFFFC000  }
0x9c: {  	[spmem:s1] =	stream.indirect.scatter.add.f32 [tilespmem:s22], [sflag:$0x3], $0x80, s31, s20, $0xb8;
	[tilespmem:$0x1EC00] =	vst v63  }
0x9d: {  	_ =	swait.ge [sflag:s18], $0x4000  }
0x9e: {  	s30 =	sadd.s32 $0x1, s30;
	[sflag:s18] =	ssyncset.done $0x0  }
0x9f: {  	p1 =	sne.s32 s30, s16;
	[sflag:s18] =	ssyncadd.s32 $0xFFFFC000  }
.Ltmp1:
0xa0: {  	[bflag:$0x0] =	sbarrier.arrive $0xFFFF;
	(pc) =	sbr.rel @!p1 .LBB2_12-.Ltmp1, $4  }
0xa1: {  	[hbm:s15], [sflag:s6] =	dma.local [spmem:s17], $0x2780  }
0xa2: {  	_ =	swait.ge [sflag:s18], $0x2780  }
0xa3: {  	[sflag:s18] =	ssyncset.done $0x0  }
0xa4: {  	[sflag:s18] =	ssyncadd.s32 $0xFFFFD880  }
.LBB2_1:
.Ltmp2:
0xa5: {  	(pc) =	sbr.rel @p0 .LBB2_10-.Ltmp2, $4  }
0xa6: {  	[spmem:s17], [sflag:s6] =	dma.local [hbm:s5], $0x2780  }
0xa7: {  	_ =	swait.ge [sflag:s18], $0x2780  }
0xa8: {  	[sflag:s18] =	ssyncset.done $0x0  }
0xa9: {  	[sflag:s18] =	ssyncadd.s32 $0xFFFFD880  }
0xaa: {  	[bflag:$0x0] =	sbarrier.arrive $0xFFFF;
	s0 =	simm.s32 $0x0  }
0xab: {  	[tilespmem:s0], [sflag:$0x3] =	stream.linear.gather [hbm4b:s9+s0], $0x1800, $0x38;
	[tilespmem:$0x1EC00] =	vst v63  }
0xac: {  	_ =	swait.ge [sflag:s18], $0x1800  }
0xad: {  	[sflag:s18] =	ssyncset.done $0x0  }
0xae: {  	[sflag:s18] =	ssyncadd.s32 $0xFFFFE800  }
0xaf: {  	[tilespmem:s19], [sflag:$0x3] =	stream.linear.gather [hbm4b:s10+s0], $0x1800, $0x38;
	[tilespmem:$0x1EC00] =	vst v63  }
0xb0: {  	_ =	swait.ge [sflag:s18], $0x1800  }
0xb1: {  	[sflag:s18] =	ssyncset.done $0x0  }
0xb2: {  	[sflag:s18] =	ssyncadd.s32 $0xFFFFE800  }
0xb3: {  	[tilespmem:s21], [sflag:$0x1] =	stream.indirect.gather [hbm4b:s4+s20], $0x80, s0, s20, $0xb8;
	[tilespmem:$0x1EC00] =	vst v63  }
0xb4: {  	s29 =	simm.s32 $0x80  }
0xb5: {  	[tilespmem:s22], [sflag:$0x2] =	stream.indirect.gather [hbm4b:s4+s20], $0x80, s29, s20, $0xb8;
	[tilespmem:$0x1EC00] =	vst v63  }
0xb6: {  	_ =	swait.ge [sflag:s23], $0x4000  }
0xb7: {  	[sflag:s23] =	ssyncset.done $0x0  }
0xb8: {  	s2 =	simm.s32 $0x1800;
	[sflag:s23] =	ssyncadd.s32 $0xFFFFC000  }
0xb9: {  	[spmem:s1] =	stream.indirect.scatter.add.f32 [tilespmem:s21], [sflag:$0x3], $0x80, s2, s20, $0xb8;
	[tilespmem:$0x1EC00] =	vst v63  }
0xba: {  	_ =	swait.ge [sflag:s18], $0x4000  }
0xbb: {  	[sflag:s18] =	ssyncset.done $0x0  }
0xbc: {  	s7 =	simm.s32 $0x100;
	[sflag:s18] =	ssyncadd.s32 $0xFFFFC000  }
0xbd: {  	[tilespmem:s21], [sflag:$0x1] =	stream.indirect.gather [hbm4b:s4+s20], $0x80, s7, s20, $0xb8;
	[tilespmem:$0x1EC00] =	vst v63  }
0xbe: {  	_ =	swait.ge [sflag:s24], $0x4000  }
0xbf: {  	[sflag:s24] =	ssyncset.done $0x0  }
0xc0: {  	s29 =	simm.s32 $0x1880;
	[sflag:s24] =	ssyncadd.s32 $0xFFFFC000  }
0xc1: {  	[spmem:s1] =	stream.indirect.scatter.add.f32 [tilespmem:s22], [sflag:$0x3], $0x80, s29, s20, $0xb8;
	[tilespmem:$0x1EC00] =	vst v63  }
0xc2: {  	_ =	swait.ge [sflag:s18], $0x4000  }
0xc3: {  	s31 =	simm.s32 $0x100;
	s0 =	simm.s32 $0x800;
	[sflag:s18] =	ssyncset.done $0x0  }
.LBB2_3:
0xc4: {  	s2 =	sadd.s32 $0x80, s31  }
0xc5: {  	[sflag:s18] =	ssyncadd.s32 $0xFFFFC000;
	s29 =	smov.u32 s0;
	s7 =	sadd.s32 $0x400, s0  }
0xc6: {  	[tilespmem:s22], [sflag:$0x2] =	stream.indirect.gather [hbm4b:s4+s20], $0x80, s2, s20, $0xb8;
	[tilespmem:$0x1EC00] =	vst v63  }
0xc7: {  	p1 =	sne.s32 s0, $0x5800;
	_ =	swait.ge [sflag:s23], $0x4000  }
0xc8: {  	[sflag:s23] =	ssyncset.done $0x0  }
0xc9: {  	s0 =	sadd.s32 $0x1800, s31;
	[sflag:s23] =	ssyncadd.s32 $0xFFFFC000  }
0xca: {  	[spmem:s1] =	stream.indirect.scatter.add.f32 [tilespmem:s21], [sflag:$0x3], $0x80, s0, s20, $0xb8;
	[tilespmem:$0x1EC00] =	vst v63  }
0xcb: {  	_ =	swait.ge [sflag:s18], $0x4000  }
0xcc: {  	[sflag:s18] =	ssyncset.done $0x0  }
0xcd: {  	s0 =	sadd.s32 $0x100, s31;
	[sflag:s18] =	ssyncadd.s32 $0xFFFFC000  }
0xce: {  	[tilespmem:s21], [sflag:$0x1] =	stream.indirect.gather [hbm4b:s4+s20], $0x80, s0, s20, $0xb8;
	[tilespmem:$0x1EC00] =	vst v63  }
0xcf: {  	_ =	swait.ge [sflag:s24], $0x4000  }
.Ltmp3:
0xd0: {  	[sflag:s24] =	ssyncset.done $0x0;
	(pc) =	sbr.rel @p1 .LBB2_3-.Ltmp3, $4  }
0xd1: {  	s0 =	sadd.s32 $0x1880, s31;
	[sflag:s24] =	ssyncadd.s32 $0xFFFFC000  }
0xd2: {  	[spmem:s1] =	stream.indirect.scatter.add.f32 [tilespmem:s22], [sflag:$0x3], $0x80, s0, s20, $0xb8;
	[tilespmem:$0x1EC00] =	vst v63  }
0xd3: {  	_ =	swait.ge [sflag:s18], $0x4000  }
0xd4: {  	s31 =	sshra.s32 s29, $0x2;
	s0 =	smov.u32 s7;
	[sflag:s18] =	ssyncset.done $0x0  }
0xd5: {  	s0 =	sadd.s32 $0x80, s31;
	[sflag:s18] =	ssyncadd.s32 $0xFFFFC000  }
0xd6: {  	[tilespmem:s22], [sflag:$0x2] =	stream.indirect.gather [hbm4b:s4+s20], $0x80, s0, s20, $0xb8;
	[tilespmem:$0x1EC00] =	vst v63  }
0xd7: {  	_ =	swait.ge [sflag:s23], $0x4000  }
0xd8: {  	[sflag:s23] =	ssyncset.done $0x0  }
0xd9: {  	s7 =	sadd.s32 $0x1800, s31;
	[sflag:s23] =	ssyncadd.s32 $0xFFFFC000  }
0xda: {  	[spmem:s1] =	stream.indirect.scatter.add.f32 [tilespmem:s21], [sflag:$0x3], $0x80, s7, s20, $0xb8;
	[tilespmem:$0x1EC00] =	vst v63  }
0xdb: {  	_ =	swait.ge [sflag:s18], $0x4000  }
0xdc: {  	[sflag:s18] =	ssyncset.done $0x0  }
0xdd: {  	s29 =	sadd.s32 $0x100, s31;
	[sflag:s18] =	ssyncadd.s32 $0xFFFFC000  }
0xde: {  	[tilespmem:s21], [sflag:$0x1] =	stream.indirect.gather [hbm4b:s4+s20], $0x80, s29, s20, $0xb8;
	[tilespmem:$0x1EC00] =	vst v63  }
0xdf: {  	_ =	swait.ge [sflag:s24], $0x4000  }
0xe0: {  	[sflag:s24] =	ssyncset.done $0x0  }
0xe1: {  	s2 =	sadd.s32 $0x1880, s31;
	[sflag:s24] =	ssyncadd.s32 $0xFFFFC000  }
0xe2: {  	[spmem:s1] =	stream.indirect.scatter.add.f32 [tilespmem:s22], [sflag:$0x3], $0x80, s2, s20, $0xb8;
	[tilespmem:$0x1EC00] =	vst v63  }
0xe3: {  	_ =	swait.ge [sflag:s18], $0x4000  }
0xe4: {  	[sflag:s18] =	ssyncset.done $0x0  }
0xe5: {  	[sflag:s18] =	ssyncadd.s32 $0xFFFFC000  }
0xe6: {  	[tilespmem:s22], [sflag:$0x2] =	stream.indirect.gather [hbm4b:s4+s20], $0x80, s25, s20, $0xb8;
	[tilespmem:$0x1EC00] =	vst v63  }
0xe7: {  	_ =	swait.ge [sflag:s23], $0x4000  }
0xe8: {  	[sflag:s23] =	ssyncset.done $0x0  }
0xe9: {  	[sflag:s23] =	ssyncadd.s32 $0xFFFFC000  }
0xea: {  	[spmem:s1] =	stream.indirect.scatter.add.f32 [tilespmem:s21], [sflag:$0x3], $0x80, s26, s20, $0xb8;
	[tilespmem:$0x1EC00] =	vst v63  }
0xeb: {  	_ =	swait.ge [sflag:s18], $0x4000  }
0xec: {  	[sflag:s18] =	ssyncset.done $0x0  }
0xed: {  	[sflag:s18] =	ssyncadd.s32 $0xFFFFC000  }
0xee: {  	_ =	swait.ge [sflag:s24], $0x4000  }
0xef: {  	[sflag:s24] =	ssyncset.done $0x0  }
0xf0: {  	[sflag:s24] =	ssyncadd.s32 $0xFFFFC000  }
0xf1: {  	[spmem:s1] =	stream.indirect.scatter.add.f32 [tilespmem:s22], [sflag:$0x3], $0x80, s28, s20, $0xb8;
	[tilespmem:$0x1EC00] =	vst v63  }
0xf2: {  	_ =	swait.ge [sflag:s18], $0x4000  }
0xf3: {  	[sflag:s18] =	ssyncset.done $0x0  }
0xf4: {  	s7 =	simm.s32 $0x0;
	[sflag:s18] =	ssyncadd.s32 $0xFFFFC000  }
0xf5: {  	[tilespmem:s7], [sflag:$0x3] =	stream.linear.gather [hbm4b:s11+s7], $0x1800, $0x38;
	[tilespmem:$0x1EC00] =	vst v63  }
0xf6: {  	_ =	swait.ge [sflag:s18], $0x1800  }
0xf7: {  	[sflag:s18] =	ssyncset.done $0x0  }
0xf8: {  	[sflag:s18] =	ssyncadd.s32 $0xFFFFE800  }
0xf9: {  	[tilespmem:s19], [sflag:$0x3] =	stream.linear.gather [hbm4b:s12+s7], $0x1800, $0x38;
	[tilespmem:$0x1EC00] =	vst v63  }
0xfa: {  	_ =	swait.ge [sflag:s18], $0x1800  }
0xfb: {  	[sflag:s18] =	ssyncset.done $0x0  }
0xfc: {  	[sflag:s18] =	ssyncadd.s32 $0xFFFFE800  }
0xfd: {  	[tilespmem:s21], [sflag:$0x1] =	stream.indirect.gather [hbm4b:s4+s20], $0x80, s7, s20, $0xb8;
	[tilespmem:$0x1EC00] =	vst v63  }
0xfe: {  	s29 =	simm.s32 $0x80  }
0xff: {  	[tilespmem:s22], [sflag:$0x2] =	stream.indirect.gather [hbm4b:s4+s20], $0x80, s29, s20, $0xb8;
	[tilespmem:$0x1EC00] =	vst v63  }
0x100: {  	_ =	swait.ge [sflag:s23], $0x4000  }
0x101: {  	[sflag:s23] =	ssyncset.done $0x0  }
0x102: {  	s2 =	simm.s32 $0x1800;
	[sflag:s23] =	ssyncadd.s32 $0xFFFFC000  }
0x103: {  	[spmem:s1] =	stream.indirect.scatter.add.f32 [tilespmem:s21], [sflag:$0x3], $0x80, s2, s20, $0xb8;
	[tilespmem:$0x1EC00] =	vst v63  }
0x104: {  	_ =	swait.ge [sflag:s18], $0x4000  }
0x105: {  	[sflag:s18] =	ssyncset.done $0x0  }
0x106: {  	s7 =	simm.s32 $0x100;
	[sflag:s18] =	ssyncadd.s32 $0xFFFFC000  }
0x107: {  	[tilespmem:s21], [sflag:$0x1] =	stream.indirect.gather [hbm4b:s4+s20], $0x80, s7, s20, $0xb8;
	[tilespmem:$0x1EC00] =	vst v63  }
0x108: {  	_ =	swait.ge [sflag:s24], $0x4000  }
0x109: {  	[sflag:s24] =	ssyncset.done $0x0  }
0x10a: {  	s29 =	simm.s32 $0x1880;
	[sflag:s24] =	ssyncadd.s32 $0xFFFFC000  }
0x10b: {  	[spmem:s1] =	stream.indirect.scatter.add.f32 [tilespmem:s22], [sflag:$0x3], $0x80, s29, s20, $0xb8;
	[tilespmem:$0x1EC00] =	vst v63  }
0x10c: {  	_ =	swait.ge [sflag:s18], $0x4000  }
0x10d: {  	s31 =	simm.s32 $0x100;
	s0 =	simm.s32 $0x800;
	[sflag:s18] =	ssyncset.done $0x0  }
.LBB2_5:
0x10e: {  	s2 =	sadd.s32 $0x80, s31  }
0x10f: {  	[sflag:s18] =	ssyncadd.s32 $0xFFFFC000;
	s7 =	smov.u32 s0;
	s29 =	sadd.s32 $0x400, s0  }
0x110: {  	[tilespmem:s22], [sflag:$0x2] =	stream.indirect.gather [hbm4b:s4+s20], $0x80, s2, s20, $0xb8;
	[tilespmem:$0x1EC00] =	vst v63  }
0x111: {  	p1 =	sne.s32 s0, $0x5800;
	_ =	swait.ge [sflag:s23], $0x4000  }
0x112: {  	[sflag:s23] =	ssyncset.done $0x0  }
0x113: {  	s0 =	sadd.s32 $0x1800, s31;
	[sflag:s23] =	ssyncadd.s32 $0xFFFFC000  }
0x114: {  	[spmem:s1] =	stream.indirect.scatter.add.f32 [tilespmem:s21], [sflag:$0x3], $0x80, s0, s20, $0xb8;
	[tilespmem:$0x1EC00] =	vst v63  }
0x115: {  	_ =	swait.ge [sflag:s18], $0x4000  }
0x116: {  	[sflag:s18] =	ssyncset.done $0x0  }
0x117: {  	s0 =	sadd.s32 $0x100, s31;
	[sflag:s18] =	ssyncadd.s32 $0xFFFFC000  }
0x118: {  	[tilespmem:s21], [sflag:$0x1] =	stream.indirect.gather [hbm4b:s4+s20], $0x80, s0, s20, $0xb8;
	[tilespmem:$0x1EC00] =	vst v63  }
0x119: {  	_ =	swait.ge [sflag:s24], $0x4000  }
.Ltmp4:
0x11a: {  	[sflag:s24] =	ssyncset.done $0x0;
	(pc) =	sbr.rel @p1 .LBB2_5-.Ltmp4, $4  }
0x11b: {  	s0 =	sadd.s32 $0x1880, s31;
	[sflag:s24] =	ssyncadd.s32 $0xFFFFC000  }
0x11c: {  	[spmem:s1] =	stream.indirect.scatter.add.f32 [tilespmem:s22], [sflag:$0x3], $0x80, s0, s20, $0xb8;
	[tilespmem:$0x1EC00] =	vst v63  }
0x11d: {  	_ =	swait.ge [sflag:s18], $0x4000  }
0x11e: {  	s31 =	sshra.s32 s7, $0x2;
	s0 =	smov.u32 s29;
	[sflag:s18] =	ssyncset.done $0x0  }
0x11f: {  	s0 =	sadd.s32 $0x80, s31;
	[sflag:s18] =	ssyncadd.s32 $0xFFFFC000  }
0x120: {  	[tilespmem:s22], [sflag:$0x2] =	stream.indirect.gather [hbm4b:s4+s20], $0x80, s0, s20, $0xb8;
	[tilespmem:$0x1EC00] =	vst v63  }
0x121: {  	_ =	swait.ge [sflag:s23], $0x4000  }
0x122: {  	[sflag:s23] =	ssyncset.done $0x0  }
0x123: {  	s29 =	sadd.s32 $0x1800, s31;
	[sflag:s23] =	ssyncadd.s32 $0xFFFFC000  }
0x124: {  	[spmem:s1] =	stream.indirect.scatter.add.f32 [tilespmem:s21], [sflag:$0x3], $0x80, s29, s20, $0xb8;
	[tilespmem:$0x1EC00] =	vst v63  }
0x125: {  	_ =	swait.ge [sflag:s18], $0x4000  }
0x126: {  	[sflag:s18] =	ssyncset.done $0x0  }
0x127: {  	s2 =	sadd.s32 $0x100, s31;
	[sflag:s18] =	ssyncadd.s32 $0xFFFFC000  }
0x128: {  	[tilespmem:s21], [sflag:$0x1] =	stream.indirect.gather [hbm4b:s4+s20], $0x80, s2, s20, $0xb8;
	[tilespmem:$0x1EC00] =	vst v63  }
0x129: {  	_ =	swait.ge [sflag:s24], $0x4000  }
0x12a: {  	[sflag:s24] =	ssyncset.done $0x0  }
0x12b: {  	s7 =	sadd.s32 $0x1880, s31;
	[sflag:s24] =	ssyncadd.s32 $0xFFFFC000  }
0x12c: {  	[spmem:s1] =	stream.indirect.scatter.add.f32 [tilespmem:s22], [sflag:$0x3], $0x80, s7, s20, $0xb8;
	[tilespmem:$0x1EC00] =	vst v63  }
0x12d: {  	_ =	swait.ge [sflag:s18], $0x4000  }
0x12e: {  	[sflag:s18] =	ssyncset.done $0x0  }
0x12f: {  	[sflag:s18] =	ssyncadd.s32 $0xFFFFC000  }
0x130: {  	[tilespmem:s22], [sflag:$0x2] =	stream.indirect.gather [hbm4b:s4+s20], $0x80, s25, s20, $0xb8;
	[tilespmem:$0x1EC00] =	vst v63  }
0x131: {  	_ =	swait.ge [sflag:s23], $0x4000  }
0x132: {  	[sflag:s23] =	ssyncset.done $0x0  }
0x133: {  	[sflag:s23] =	ssyncadd.s32 $0xFFFFC000  }
0x134: {  	[spmem:s1] =	stream.indirect.scatter.add.f32 [tilespmem:s21], [sflag:$0x3], $0x80, s26, s20, $0xb8;
	[tilespmem:$0x1EC00] =	vst v63  }
0x135: {  	_ =	swait.ge [sflag:s18], $0x4000  }
0x136: {  	[sflag:s18] =	ssyncset.done $0x0  }
0x137: {  	[sflag:s18] =	ssyncadd.s32 $0xFFFFC000  }
0x138: {  	_ =	swait.ge [sflag:s24], $0x4000  }
0x139: {  	[sflag:s24] =	ssyncset.done $0x0  }
0x13a: {  	[sflag:s24] =	ssyncadd.s32 $0xFFFFC000  }
0x13b: {  	[spmem:s1] =	stream.indirect.scatter.add.f32 [tilespmem:s22], [sflag:$0x3], $0x80, s28, s20, $0xb8;
	[tilespmem:$0x1EC00] =	vst v63  }
0x13c: {  	_ =	swait.ge [sflag:s18], $0x4000  }
0x13d: {  	[sflag:s18] =	ssyncset.done $0x0  }
0x13e: {  	s29 =	simm.s32 $0x0;
	[sflag:s18] =	ssyncadd.s32 $0xFFFFC000  }
0x13f: {  	[tilespmem:s29], [sflag:$0x3] =	stream.linear.gather [hbm4b:s13+s29], $0x1800, $0x38;
	[tilespmem:$0x1EC00] =	vst v63  }
0x140: {  	_ =	swait.ge [sflag:s18], $0x1800  }
0x141: {  	[sflag:s18] =	ssyncset.done $0x0  }
0x142: {  	p2 =	por $0x0, $0x0;
	[sflag:s18] =	ssyncadd.s32 $0xFFFFE800  }
0x143: {  	[tilespmem:s19], [sflag:$0x3] =	stream.linear.gather [hbm4b:s14+s29], $0x1800, $0x38;
	[tilespmem:$0x1EC00] =	vst v63  }
.Ltmp5:
0x144: {  	_ = 	snop;
	(pc) =	sbr.rel @p2 .LBB2_9-.Ltmp5, $4  }
0x145: {  	_ =	swait.ge [sflag:s18], $0x1800  }
0x146: {  	[sflag:s18] =	ssyncset.done $0x0  }
0x147: {  	s31 =	simm.s32 $0x0;
	p1 =	por $0x0, $0x0;
	[sflag:s18] =	ssyncadd.s32 $0xFFFFE800  }
0x148: {  	[tilespmem:s21], [sflag:$0x1] =	stream.indirect.gather [hbm4b:s4+s20], $0x80, s29, s20, $0xb8;
	[tilespmem:$0x1EC00] =	vst v63  }
0x149: {  	s0 =	simm.s32 $0x80  }
0x14a: {  	[tilespmem:s22], [sflag:$0x2] =	stream.indirect.gather [hbm4b:s4+s20], $0x80, s0, s20, $0xb8;
	[tilespmem:$0x1EC00] =	vst v63  }
0x14b: {  	_ =	swait.ge [sflag:s23], $0x4000  }
0x14c: {  	[sflag:s23] =	ssyncset.done $0x0  }
0x14d: {  	s2 =	simm.s32 $0x1800;
	[sflag:s23] =	ssyncadd.s32 $0xFFFFC000  }
0x14e: {  	[spmem:s1] =	stream.indirect.scatter.add.f32 [tilespmem:s21], [sflag:$0x3], $0x80, s2, s20, $0xb8;
	[tilespmem:$0x1EC00] =	vst v63  }
0x14f: {  	_ =	swait.ge [sflag:s18], $0x4000  }
0x150: {  	[sflag:s18] =	ssyncset.done $0x0  }
0x151: {  	s7 =	simm.s32 $0x100;
	[sflag:s18] =	ssyncadd.s32 $0xFFFFC000  }
0x152: {  	[tilespmem:s21], [sflag:$0x1] =	stream.indirect.gather [hbm4b:s4+s20], $0x80, s7, s20, $0xb8;
	[tilespmem:$0x1EC00] =	vst v63  }
0x153: {  	p2 =	por $0x0, $0x0;
	_ =	swait.ge [sflag:s24], $0x4000  }
.Ltmp6:
0x154: {  	[sflag:s24] =	ssyncset.done $0x0;
	(pc) =	sbr.rel @p2 .LBB2_9-.Ltmp6, $4  }
0x155: {  	s29 =	simm.s32 $0x1880;
	[sflag:s24] =	ssyncadd.s32 $0xFFFFC000  }
0x156: {  	[spmem:s1] =	stream.indirect.scatter.add.f32 [tilespmem:s22], [sflag:$0x3], $0x80, s29, s20, $0xb8;
	[tilespmem:$0x1EC00] =	vst v63  }
0x157: {  	s31 =	simm.s32 $0x100;
	_ =	swait.ge [sflag:s18], $0x4000  }
0x158: {  	p1 =	por $0x1, $0x1;
	s0 =	simm.s32 $0x800;
	[sflag:s18] =	ssyncset.done $0x0  }
.LBB2_8:
0x159: {  	s2 =	sadd.s32 $0x80, s31  }
0x15a: {  	[sflag:s18] =	ssyncadd.s32 $0xFFFFC000;
	s7 =	smov.u32 s0;
	s29 =	sadd.s32 $0x400, s0  }
0x15b: {  	[tilespmem:s22], [sflag:$0x2] =	stream.indirect.gather [hbm4b:s4+s20], $0x80, s2, s20, $0xb8;
	[tilespmem:$0x1EC00] =	vst v63  }
0x15c: {  	p2 =	seq.s32 s0, $0x5800;
	_ =	swait.ge [sflag:s23], $0x4000  }
0x15d: {  	[sflag:s23] =	ssyncset.done $0x0  }
0x15e: {  	s0 =	sadd.s32 $0x1800, s31;
	[sflag:s23] =	ssyncadd.s32 $0xFFFFC000  }
0x15f: {  	[spmem:s1] =	stream.indirect.scatter.add.f32 [tilespmem:s21], [sflag:$0x3], $0x80, s0, s20, $0xb8;
	[tilespmem:$0x1EC00] =	vst v63  }
0x160: {  	_ =	swait.ge [sflag:s18], $0x4000  }
0x161: {  	[sflag:s18] =	ssyncset.done $0x0  }
0x162: {  	s0 =	sadd.s32 $0x100, s31;
	[sflag:s18] =	ssyncadd.s32 $0xFFFFC000  }
0x163: {  	[tilespmem:s21], [sflag:$0x1] =	stream.indirect.gather [hbm4b:s4+s20], $0x80, s0, s20, $0xb8;
	[tilespmem:$0x1EC00] =	vst v63  }
0x164: {  	_ =	swait.ge [sflag:s24], $0x4000  }
.Ltmp7:
0x165: {  	[sflag:s24] =	ssyncset.done $0x0;
	(pc) =	sbr.rel @!p2 .LBB2_8-.Ltmp7, $4  }
0x166: {  	s0 =	sadd.s32 $0x1880, s31;
	[sflag:s24] =	ssyncadd.s32 $0xFFFFC000  }
0x167: {  	[spmem:s1] =	stream.indirect.scatter.add.f32 [tilespmem:s22], [sflag:$0x3], $0x80, s0, s20, $0xb8;
	[tilespmem:$0x1EC00] =	vst v63  }
0x168: {  	_ =	swait.ge [sflag:s18], $0x4000  }
0x169: {  	s31 =	sshra.s32 s7, $0x2;
	s0 =	smov.u32 s29;
	[sflag:s18] =	ssyncset.done $0x0  }
.LBB2_9:
0x16a: {  	s0 =	sadd.s32 $0x80, s31;
	[sflag:s18] =	ssyncadd.s32 @p1 $0xFFFFC000  }
0x16b: {  	[tilespmem:s22], [sflag:$0x2] =	stream.indirect.gather [hbm4b:s4+s20], $0x80, s0, s20, $0xb8;
	[tilespmem:$0x1EC00] =	vst v63  }
0x16c: {  	_ =	swait.ge [sflag:s23], $0x4000  }
0x16d: {  	[sflag:s23] =	ssyncset.done $0x0  }
0x16e: {  	s2 =	sadd.s32 $0x1800, s31;
	[sflag:s23] =	ssyncadd.s32 $0xFFFFC000  }
0x16f: {  	[spmem:s1] =	stream.indirect.scatter.add.f32 [tilespmem:s21], [sflag:$0x3], $0x80, s2, s20, $0xb8;
	[tilespmem:$0x1EC00] =	vst v63  }
0x170: {  	_ =	swait.ge [sflag:s18], $0x4000  }
0x171: {  	[sflag:s18] =	ssyncset.done $0x0  }
0x172: {  	s7 =	sadd.s32 $0x100, s31;
	[sflag:s18] =	ssyncadd.s32 $0xFFFFC000  }
0x173: {  	[tilespmem:s21], [sflag:$0x1] =	stream.indirect.gather [hbm4b:s4+s20], $0x80, s7, s20, $0xb8;
	[tilespmem:$0x1EC00] =	vst v63  }
0x174: {  	_ =	swait.ge [sflag:s24], $0x4000  }
0x175: {  	[sflag:s24] =	ssyncset.done $0x0  }
.Ltmp8:
0x176: {  	s29 =	sadd.s32 $0x1880, s31;
	[sflag:s24] =	ssyncadd.s32 $0xFFFFC000;
	(pc) =	sbr.rel .LBB2_11-.Ltmp8, $4  }
0x177: {  	[spmem:s1] =	stream.indirect.scatter.add.f32 [tilespmem:s22], [sflag:$0x3], $0x80, s29, s20, $0xb8;
	[tilespmem:$0x1EC00] =	vst v63  }
0x178: {  	_ =	swait.ge [sflag:s18], $0x4000  }
0x179: {  	s31 =	simm.s32 $0x2F80;
	[sflag:s18] =	ssyncset.done $0x0  }
0x17a: {  	s0 =	simm.s32 $0x2F00;
	s2 =	simm.s32 $0x1780;
	[sflag:s18] =	ssyncadd.s32 $0xFFFFC000  }
.LBB2_12:
0x17b: {  	_ =	sfence.sel $0x180000  }
0x17c: {  	[bflag:$0x0] =	sbarrier.arrive $0xFFFF  }
0x17d: {  	_ =	strace $0x90000050  }
0x17e: {  	s0 =	stileid.u32;
	[bflag:$0x2] =	sbarrier.arrive $0xFFFF  }
0x17f: {  	p0 =	sne.s32 s0, $0x0;
	s0 =	rddreg [dreg:$0x2]  }
0x180: {  	s0 =	sadd.s32 @!p0 $0x100000, s0  }
0x181: {  	[sflag:s0] =	ssyncadd.tile.s32 @!p0 $0x1;
	_ =	shalt  }
.Lfunc_end2:
_tile_overlayer_lowered:
.L_overlay_start_2:
0x182: {  	(tag) =	ssettag $0x2  }
0x183: {  	s0 =	rddreg [dreg:$0x0];
	s2 =	stileid.u32  }
0x184: {  	s1 =	rddreg [dreg:$0x1];
	p0 =	sne.s32 s2, $0x0  }
0x185: {  	s3 =	rddreg [dreg:$0x2];
	[bflag:$0x3] =	sbarrier.arrive $0xFFFF;
	s2 =	simm.s32 @!p0 $0x1C03  }
0x186: {  	[timem:s3], [sflag:s2] =	dma.local @!p0 [hbm:s0], s1  }
0x187: {  	s0 =	simm.s32 @!p0 $0x3  }
0x188: {  	_ =	swait.ge @!p0 [sflag:s0], s1  }
0x189: {  	s1 =	ssub.s32 @!p0 $0x0, s1;
	[sflag:s0] =	ssyncset.done @!p0 $0x0  }
0x18a: {  	[sflag:s0] =	ssyncadd.s32 @!p0 s1  }
0x18b: {  	[bflag:$0x3] =	sbarrier.arrive $0xFFFF  }
0x18c: {  	_ =	shalt  }

</sc_bundles>
